<compile_context>
chip_gen: v7x
topology: tpu7x:2x2x1
jax: 0.10.2.dev20260603
libtpu: 0.0.44.dev20260713+nightly
codegen_flags: <defaults>
</compile_context>

<pallas_src>
import jax
import jax.numpy as jnp
import numpy as np
from jax import lax
from jax.experimental import pallas as pl
from jax.experimental.pallas import tpu as pltpu
from jax.experimental.pallas import tpu_sc as plsc

N_NODES = 10000
N_EDGES = 320000
EMB = 128
D_EDGE = 16

NC = 2
NS = 16
L = 16
NW = NC * NS

EDGES_PER_W = N_EDGES // NW
CHUNK = 40
NCHUNKS = EDGES_PER_W // CHUNK
N_PAD = 10112
ROWS_PER_TILE = N_PAD // NS
Z_FULL = ROWS_PER_TILE // CHUNK
Z_REM = ROWS_PER_TILE - Z_FULL * CHUNK
OUT_ROWS = 624
OUT_REM = N_NODES - NS * OUT_ROWS

Qe = [32 * (c // 16) + (c % 16) for c in range(EMB // 2)]
Qo = [32 * (c // 16) + 16 + (c % 16) for c in range(EMB // 2)]
QCAT = Qe + Qo


def _eproj_body(ea_ref, we_ref, be_ref, out_ref):
    h = (
        jnp.dot(ea_ref[...], we_ref[...], preferred_element_type=jnp.float32)
        + be_ref[...]
    )
    hb = h.astype(jnp.bfloat16).astype(jnp.float32)
    ue = lax.bitcast_convert_type(hb[:, :EMB // 2], jnp.uint32)
    uo = lax.bitcast_convert_type(hb[:, EMB // 2:], jnp.uint32)
    out_ref[...] = (ue >> 16) | uo


def _edge_proj(edge_attr, W_e, b_e):
    BE = 8000
    grid = N_EDGES // BE
    return pl.pallas_call(
        _eproj_body,
        grid=(grid,),
        in_specs=[
            pl.BlockSpec((BE, D_EDGE), lambda i: (i, 0)),
            pl.BlockSpec((D_EDGE, EMB), lambda i: (0, 0)),
            pl.BlockSpec((1, EMB), lambda i: (0, 0)),
        ],
        out_specs=pl.BlockSpec((BE, EMB // 2), lambda i: (i, 0)),
        out_shape=jax.ShapeDtypeStruct((N_EDGES, EMB // 2), jnp.uint32),
    )(edge_attr, W_e, b_e.reshape(1, EMB))


NBUF = 4
NGROUPS = NCHUNKS // NBUF
NPEEL = NCHUNKS - NGROUPS * NBUF


def _sc_body(x_hbm, ei_hbm, e_hbm, out_hbm,
             idx_s, idx_d, xg, ev, agg, semL, semG, semS):
    cid = lax.axis_index("c")
    sid = lax.axis_index("s")
    wid = cid * NS + sid
    wbase = wid * EDGES_PER_W

    zeros16 = jnp.zeros((L,), jnp.float32)

    def zero_row(r, carry):
        for f in range(EMB // L):
            xg[0, r, pl.ds(f * L, L)] = zeros16
        return carry

    lax.fori_loop(0, CHUNK, zero_row, 0)

    row0 = sid * ROWS_PER_TILE
    for j in range(Z_FULL):
        pltpu.sync_copy(xg.at[0], agg.at[pl.ds(row0 + j * CHUNK, CHUNK)])
    pltpu.sync_copy(xg.at[0, pl.ds(0, Z_REM)],
                    agg.at[pl.ds(row0 + Z_FULL * CHUNK, Z_REM)])
    plsc.subcore_barrier()

    def L_descs(k, b):
        base = wbase + k * CHUNK
        return (
            pltpu.make_async_copy(ei_hbm.at[pl.ds(base, CHUNK)], idx_s.at[b],
                                  semL.at[b]),
            pltpu.make_async_copy(ei_hbm.at[pl.ds(N_EDGES + base, CHUNK)],
                                  idx_d.at[b], semL.at[b]),
            pltpu.make_async_copy(e_hbm.at[pl.ds(base, CHUNK)], ev.at[b],
                                  semL.at[b]),
        )

    def G_desc(b):
        return pltpu.make_async_copy(x_hbm.at[idx_s.at[b]], xg.at[b],
                                     semG.at[b])

    def compute(b):
        bc = lax.bitcast_convert_type
        himask = np.uint32(0xFFFF0000)

        def row_body(r, c2):
            for g in range(EMB // 32):
                ew = ev[b, r, pl.ds(g * L, L)]
                sa = pl.ds(g * 32, L)
                sb = pl.ds(g * 32 + L, L)
                lo = xg[b, r, sa] + bc(ew << 16, jnp.float32)
                hi = xg[b, r, sb] + bc(ew & himask, jnp.float32)
                xg[b, r, sa] = jnp.maximum(lo, 0.0)
                xg[b, r, sb] = jnp.maximum(hi, 0.0)
            return c2

        lax.fori_loop(0, CHUNK, row_body, 0)

    for b in range(NBUF):
        for d in L_descs(b, b):
            d.start()

    def group_body(g, carry):
        k0 = g * NBUF
        for b in range(NBUF):
            for d in L_descs(k0 + b, b):
                d.wait()
            G_desc(b).start()
        for b in range(NBUF):
            G_desc(b).wait()
            compute(b)
            pltpu.async_copy(xg.at[b], agg.at[idx_d.at[b]], semS.at[b],
                             add=True)
        for b in range(NBUF):
            pltpu.make_async_copy(xg.at[b], agg.at[idx_d.at[b]],
                                  semS.at[b]).wait()

            @pl.when(g < NGROUPS - 1)
            def _():
                for d in L_descs(k0 + NBUF + b, b):
                    d.start()

        return carry

    lax.fori_loop(0, NGROUPS, group_body, 0)

    for p in range(NPEEL):
        k = NGROUPS * NBUF + p
        for d in L_descs(k, p):
            d.start()
        for d in L_descs(k, p):
            d.wait()
        G_desc(p).start()
        G_desc(p).wait()
        compute(p)
        pltpu.sync_copy(xg.at[p], agg.at[idx_d.at[p]], add=True)

    plsc.subcore_barrier()

    out_base = cid * N_NODES + sid * OUT_ROWS
    pltpu.sync_copy(agg.at[pl.ds(sid * OUT_ROWS, OUT_ROWS)],
                    out_hbm.at[pl.ds(out_base, OUT_ROWS)])

    @pl.when(sid == 0)
    def _():
        pltpu.sync_copy(agg.at[pl.ds(NS * OUT_ROWS, OUT_REM)],
                        out_hbm.at[pl.ds(cid * N_NODES + NS * OUT_ROWS,
                                         OUT_REM)])


def _sc_message_agg(x, ei_flat, e_u):
    mesh = plsc.VectorSubcoreMesh(core_axis_name="c", subcore_axis_name="s")
    k = pl.kernel(
        _sc_body,
        out_type=jax.ShapeDtypeStruct((NC * N_NODES, EMB), jnp.float32),
        mesh=mesh,
        scratch_types=[
            pltpu.VMEM((NBUF, CHUNK), jnp.int32),
            pltpu.VMEM((NBUF, CHUNK), jnp.int32),
            pltpu.VMEM((NBUF, CHUNK, EMB), jnp.float32),
            pltpu.VMEM((NBUF, CHUNK, EMB // 2), jnp.uint32),
            pltpu.VMEM_SHARED((N_PAD, EMB), jnp.float32),
            pltpu.SemaphoreType.DMA((NBUF,)),
            pltpu.SemaphoreType.DMA((NBUF,)),
            pltpu.SemaphoreType.DMA((NBUF,)),
        ],
    )
    return k(x, ei_flat, e_u)


def _mlp_body(x_ref, p_ref, eps_ref, w1_ref, b1_ref, w2_ref, b2_ref, out_ref):
    scale = 1.0 + eps_ref[0, 0]
    h = x_ref[...] * scale + p_ref[0] + p_ref[1]
    h1 = jnp.maximum(
        jnp.dot(h, w1_ref[...], preferred_element_type=jnp.float32) + b1_ref[...],
        0.0,
    )
    out_ref[...] = (
        jnp.dot(h1, w2_ref[...], preferred_element_type=jnp.float32) + b2_ref[...]
    )


def _mlp(x, parts, eps, W1, b1, W2, b2):
    BN = 2000
    grid = N_NODES // BN
    return pl.pallas_call(
        _mlp_body,
        grid=(grid,),
        in_specs=[
            pl.BlockSpec((BN, EMB), lambda i: (i, 0)),
            pl.BlockSpec((NC, BN, EMB), lambda i: (0, i, 0)),
            pl.BlockSpec(memory_space=pltpu.SMEM),
            pl.BlockSpec((EMB, 2 * EMB), lambda i: (0, 0)),
            pl.BlockSpec((1, 2 * EMB), lambda i: (0, 0)),
            pl.BlockSpec((2 * EMB, EMB), lambda i: (0, 0)),
            pl.BlockSpec((1, EMB), lambda i: (0, 0)),
        ],
        out_specs=pl.BlockSpec((BN, EMB), lambda i: (i, 0)),
        out_shape=jax.ShapeDtypeStruct((N_NODES, EMB), jnp.float32),
    )(x, parts, eps.reshape(1, 1), W1, b1.reshape(1, 2 * EMB), W2,
      b2.reshape(1, EMB))


def kernel(x, edge_index, edge_attr, W_e, b_e, eps, W1, b1, W2, b2):
    ei_flat = edge_index.astype(jnp.int32).reshape(2 * N_EDGES)
    q = jnp.array(QCAT, dtype=jnp.int32)
    e_u = _edge_proj(edge_attr, W_e[:, q], b_e[q])
    parts = _sc_message_agg(x, ei_flat, e_u)
    return _mlp(x, parts.reshape(NC, N_NODES, EMB), eps, W1, b1, W2, b2)

# --- scband reference (transcript-rebuilt; emitter-appended) ---
"""Pipeline reference for scband-block2-d-79559974191288 (READ-ONLY COPY).

The authoritative reference and input builder live on the scoring server;
editing this copy changes nothing except your own understanding.
"""

import jax, jax.numpy as jnp
import numpy as np

N_NODES = 10000
N_EDGES = 320000
EMB_DIM = 128
D_EDGE = 16


def _glorot(key, shape):
    fan_in, fan_out = shape[0], shape[1]
    limit = jnp.sqrt(6.0 / (fan_in + fan_out))
    return jax.random.uniform(key, shape, dtype=jnp.float32, minval=-limit, maxval=limit)


def setup_inputs(seed: int = 0) -> dict:
    key = jax.random.key(seed)
    ks = jax.random.split(key, 8)
    x = jax.random.normal(ks[0], (N_NODES, EMB_DIM), dtype=jnp.float32)
    edge_index = jax.random.randint(ks[1], (2, N_EDGES), 0, N_NODES, dtype=jnp.int64 if jax.config.jax_enable_x64 else jnp.int32)
    edge_attr = jax.random.normal(ks[2], (N_EDGES, D_EDGE), dtype=jnp.float32)
    # learned parameters of the GIN block
    W_e = _glorot(ks[3], (D_EDGE, EMB_DIM))
    b_e = jnp.zeros((EMB_DIM,), dtype=jnp.float32)
    eps = jnp.zeros((), dtype=jnp.float32)
    W1 = _glorot(ks[4], (EMB_DIM, 2 * EMB_DIM))
    b1 = jnp.zeros((2 * EMB_DIM,), dtype=jnp.float32)
    W2 = _glorot(ks[5], (2 * EMB_DIM, EMB_DIM))
    b2 = jnp.zeros((EMB_DIM,), dtype=jnp.float32)
    return {"x": x, "edge_index": edge_index, "edge_attr": edge_attr,
            "W_e": W_e, "b_e": b_e, "eps": eps,
            "W1": W1, "b1": b1, "W2": W2, "b2": b2}


def reference(x, edge_index, edge_attr, W_e, b_e, eps, W1, b1, W2, b2):
    # GIN message passing with edge features (Block2D with gnn_type='GIN')
    src = edge_index[0]
    dst = edge_index[1]
    # project edge features into embedding space
    e = edge_attr @ W_e + b_e                       # [E, emb_dim]
    # message: relu(x_j + e_ij), gathered over source nodes
    m = jax.nn.relu(jnp.take(x, src, axis=0) + e)   # [E, emb_dim]
    # sum aggregation (scatter-add) to destination nodes
    agg = jax.ops.segment_sum(m, dst, num_segments=x.shape[0])  # [N, emb_dim]
    # GIN update: MLP((1 + eps) * x + agg)
    h = (1.0 + eps) * x + agg
    h = jax.nn.relu(h @ W1 + b1)
    h = h @ W2 + b2
    return h

if __name__ == "__main__":
    import jax
    _d = setup_inputs()
    print(jax.jit(kernel)(*tuple(_d.values())))

</pallas_src>

<mosaic_0001>
#map = affine_map<(d0, d1) -> (0, 0)>
#map1 = affine_map<(d0, d1) -> (0)>
module attributes {stable_mosaic.version = 14 : i64} {
  func.func @_sc_body(%arg0: i32, %arg1: i32, %arg2: memref<10000x128xf32, #tpu.memory_space<hbm>>, %arg3: memref<640000xi32, #tpu.memory_space<hbm>>, %arg4: memref<320000x64xi32, #tpu.memory_space<hbm>>, %arg5: memref<20000x128xf32, #tpu.memory_space<hbm>>, %arg6: memref<4x40xi32, #tpu.memory_space<vmem>>, %arg7: memref<4x40xi32, #tpu.memory_space<vmem>>, %arg8: memref<4x40x128xf32, #tpu.memory_space<vmem>>, %arg9: memref<4x40x64xi32, #tpu.memory_space<vmem>>, %arg10: memref<10112x128xf32, #tpu.memory_space<vmem_shared>>, %arg11: memref<4x!tpu.dma_semaphore, #tpu.memory_space<semaphore_mem>>, %arg12: memref<4x!tpu.dma_semaphore, #tpu.memory_space<semaphore_mem>>, %arg13: memref<4x!tpu.dma_semaphore, #tpu.memory_space<semaphore_mem>>) attributes {dimension_semantics = [#tpu.dimension_semantics<core_parallel>, #tpu.dimension_semantics<subcore_parallel>], iteration_bounds = array<i64: 2, 16>, scalar_prefetch = 0 : i64, scratch_operands = 8 : i64, tpu.core_type = #tpu.core_type<sc_vector_subcore>, window_params = [{transform_indices = #map}, {transform_indices = #map1}, {transform_indices = #map}, {transform_indices = #map}]} {
    %mul3A = arith.constant 16 : i32
    %mul3A_0 = arith.muli %arg0, %mul3A : i32
    %add3A = arith.addi %mul3A_0, %arg1 : i32
    %mul3A_1 = arith.constant 10000 : i32
    %mul3A_2 = arith.muli %add3A, %mul3A_1 : i32
    %broadcast_in_dim3A = arith.constant 0.000000e+00 : f32
    %broadcast_in_dim3A_3 = vector.broadcast %broadcast_in_dim3A : f32 to vector<16xf32>
    %scan3A = arith.constant 0 : i32
    %scan3A_4 = arith.constant 0 : i32
    %scan3A_5 = arith.constant 40 : i32
    %scan3A_6 = arith.addi %scan3A_4, %scan3A_5 : i32
    %scan3A_7 = arith.constant 1 : i32
    scf.for %scan3A_500 = %scan3A_4 to %scan3A_6 step %scan3A_7  : i32 {
      %swap3A = arith.constant 0 : i32
      %swap3A_501 = arith.index_cast %swap3A : i32 to index
      %swap3A_502 = arith.index_cast %scan3A_500 : i32 to index
      %swap3A_503 = arith.constant 0 : index
      %swap3A_504 = tpu.vector_load %arg8[%swap3A_501, %swap3A_502, %swap3A_503] {strides = array<i32>} : memref<4x40x128xf32, #tpu.memory_space<vmem>>, vector<1x1x16xf32>,
      %swap3A_505 = vector.shape_cast %swap3A_504 : vector<1x1x16xf32> to vector<16xf32>
      %swap3A_506 = vector.shape_cast %broadcast_in_dim3A_3 : vector<16xf32> to vector<1x1x16xf32>
      tpu.vector_store %arg8[%swap3A_501, %swap3A_502, %swap3A_503], %swap3A_506 {strides = array<i32>} : memref<4x40x128xf32, #tpu.memory_space<vmem>>, vector<1x1x16xf32>,
      %swap3A_507 = arith.constant 0 : i32
      %swap3A_508 = arith.index_cast %swap3A_507 : i32 to index
      %swap3A_509 = arith.index_cast %scan3A_500 : i32 to index
      %swap3A_510 = arith.constant 16 : index
      %swap3A_511 = tpu.vector_load %arg8[%swap3A_508, %swap3A_509, %swap3A_510] {strides = array<i32>} : memref<4x40x128xf32, #tpu.memory_space<vmem>>, vector<1x1x16xf32>,
      %swap3A_512 = vector.shape_cast %swap3A_511 : vector<1x1x16xf32> to vector<16xf32>
      %swap3A_513 = vector.shape_cast %broadcast_in_dim3A_3 : vector<16xf32> to vector<1x1x16xf32>
      tpu.vector_store %arg8[%swap3A_508, %swap3A_509, %swap3A_510], %swap3A_513 {strides = array<i32>} : memref<4x40x128xf32, #tpu.memory_space<vmem>>, vector<1x1x16xf32>,
      %swap3A_514 = arith.constant 0 : i32
      %swap3A_515 = arith.index_cast %swap3A_514 : i32 to index
      %swap3A_516 = arith.index_cast %scan3A_500 : i32 to index
      %swap3A_517 = arith.constant 32 : index
      %swap3A_518 = tpu.vector_load %arg8[%swap3A_515, %swap3A_516, %swap3A_517] {strides = array<i32>} : memref<4x40x128xf32, #tpu.memory_space<vmem>>, vector<1x1x16xf32>,
      %swap3A_519 = vector.shape_cast %swap3A_518 : vector<1x1x16xf32> to vector<16xf32>
      %swap3A_520 = vector.shape_cast %broadcast_in_dim3A_3 : vector<16xf32> to vector<1x1x16xf32>
      tpu.vector_store %arg8[%swap3A_515, %swap3A_516, %swap3A_517], %swap3A_520 {strides = array<i32>} : memref<4x40x128xf32, #tpu.memory_space<vmem>>, vector<1x1x16xf32>,
      %swap3A_521 = arith.constant 0 : i32
      %swap3A_522 = arith.index_cast %swap3A_521 : i32 to index
      %swap3A_523 = arith.index_cast %scan3A_500 : i32 to index
      %swap3A_524 = arith.constant 48 : index
      %swap3A_525 = tpu.vector_load %arg8[%swap3A_522, %swap3A_523, %swap3A_524] {strides = array<i32>} : memref<4x40x128xf32, #tpu.memory_space<vmem>>, vector<1x1x16xf32>,
      %swap3A_526 = vector.shape_cast %swap3A_525 : vector<1x1x16xf32> to vector<16xf32>
      %swap3A_527 = vector.shape_cast %broadcast_in_dim3A_3 : vector<16xf32> to vector<1x1x16xf32>
      tpu.vector_store %arg8[%swap3A_522, %swap3A_523, %swap3A_524], %swap3A_527 {strides = array<i32>} : memref<4x40x128xf32, #tpu.memory_space<vmem>>, vector<1x1x16xf32>,
      %swap3A_528 = arith.constant 0 : i32
      %swap3A_529 = arith.index_cast %swap3A_528 : i32 to index
      %swap3A_530 = arith.index_cast %scan3A_500 : i32 to index
      %swap3A_531 = arith.constant 64 : index
      %swap3A_532 = tpu.vector_load %arg8[%swap3A_529, %swap3A_530, %swap3A_531] {strides = array<i32>} : memref<4x40x128xf32, #tpu.memory_space<vmem>>, vector<1x1x16xf32>,
      %swap3A_533 = vector.shape_cast %swap3A_532 : vector<1x1x16xf32> to vector<16xf32>
      %swap3A_534 = vector.shape_cast %broadcast_in_dim3A_3 : vector<16xf32> to vector<1x1x16xf32>
      tpu.vector_store %arg8[%swap3A_529, %swap3A_530, %swap3A_531], %swap3A_534 {strides = array<i32>} : memref<4x40x128xf32, #tpu.memory_space<vmem>>, vector<1x1x16xf32>,
      %swap3A_535 = arith.constant 0 : i32
      %swap3A_536 = arith.index_cast %swap3A_535 : i32 to index
      %swap3A_537 = arith.index_cast %scan3A_500 : i32 to index
      %swap3A_538 = arith.constant 80 : index
      %swap3A_539 = tpu.vector_load %arg8[%swap3A_536, %swap3A_537, %swap3A_538] {strides = array<i32>} : memref<4x40x128xf32, #tpu.memory_space<vmem>>, vector<1x1x16xf32>,
      %swap3A_540 = vector.shape_cast %swap3A_539 : vector<1x1x16xf32> to vector<16xf32>
      %swap3A_541 = vector.shape_cast %broadcast_in_dim3A_3 : vector<16xf32> to vector<1x1x16xf32>
      tpu.vector_store %arg8[%swap3A_536, %swap3A_537, %swap3A_538], %swap3A_541 {strides = array<i32>} : memref<4x40x128xf32, #tpu.memory_space<vmem>>, vector<1x1x16xf32>,
      %swap3A_542 = arith.constant 0 : i32
      %swap3A_543 = arith.index_cast %swap3A_542 : i32 to index
      %swap3A_544 = arith.index_cast %scan3A_500 : i32 to index
      %swap3A_545 = arith.constant 96 : index
      %swap3A_546 = tpu.vector_load %arg8[%swap3A_543, %swap3A_544, %swap3A_545] {strides = array<i32>} : memref<4x40x128xf32, #tpu.memory_space<vmem>>, vector<1x1x16xf32>,
      %swap3A_547 = vector.shape_cast %swap3A_546 : vector<1x1x16xf32> to vector<16xf32>
      %swap3A_548 = vector.shape_cast %broadcast_in_dim3A_3 : vector<16xf32> to vector<1x1x16xf32>
      tpu.vector_store %arg8[%swap3A_543, %swap3A_544, %swap3A_545], %swap3A_548 {strides = array<i32>} : memref<4x40x128xf32, #tpu.memory_space<vmem>>, vector<1x1x16xf32>,
      %swap3A_549 = arith.constant 0 : i32
      %swap3A_550 = arith.index_cast %swap3A_549 : i32 to index
      %swap3A_551 = arith.index_cast %scan3A_500 : i32 to index
      %swap3A_552 = arith.constant 112 : index
      %swap3A_553 = tpu.vector_load %arg8[%swap3A_550, %swap3A_551, %swap3A_552] {strides = array<i32>} : memref<4x40x128xf32, #tpu.memory_space<vmem>>, vector<1x1x16xf32>,
      %swap3A_554 = vector.shape_cast %swap3A_553 : vector<1x1x16xf32> to vector<16xf32>
      %swap3A_555 = vector.shape_cast %broadcast_in_dim3A_3 : vector<16xf32> to vector<1x1x16xf32>
      tpu.vector_store %arg8[%swap3A_550, %swap3A_551, %swap3A_552], %swap3A_555 {strides = array<i32>} : memref<4x40x128xf32, #tpu.memory_space<vmem>>, vector<1x1x16xf32>,
    }
    %scan3A_8 = arith.constant 40 : i32
    %mul3A_9 = arith.constant 632 : i32
    %mul3A_10 = arith.muli %arg1, %mul3A_9 : i32
    %add3A_11 = arith.constant 0 : i32
    %add3A_12 = arith.addi %mul3A_10, %add3A_11 : i32
    %run_scoped3A = arith.constant 0 : i32
    "tpu.region"() ({
      %run_scoped3A_500 = tpu.sem_alloc : memref<!tpu.dma_semaphore, #tpu.memory_space<semaphore_mem>>
      %dma_start3A_501 = arith.constant 0 : i32
      %dma_start3A_502 = arith.constant 0 : i32
      %dma_start3A_503 = tpu.memref_slice %arg8[%run_scoped3A, %dma_start3A_501, %dma_start3A_502] : memref<4x40x128xf32, #tpu.memory_space<vmem>> -> memref<1x40x128xf32, #tpu.memory_space<vmem>>
      %dma_start3A_504 = tpu.memref_squeeze %dma_start3A_503 : memref<1x40x128xf32, #tpu.memory_space<vmem>> -> memref<40x128xf32, #tpu.memory_space<vmem>>
      %dma_start3A_505 = arith.constant 0 : i32
      %dma_start3A_506 = tpu.memref_slice %arg10[%add3A_12, %dma_start3A_505] : memref<10112x128xf32, #tpu.memory_space<vmem_shared>> -> memref<40x128xf32, #tpu.memory_space<vmem_shared>>
      %dma_start3A_507 = arith.constant 0 : i32
      %dma_start3A_508 = tpu.memref_slice %arg10[%add3A_12, %dma_start3A_507] : memref<10112x128xf32, #tpu.memory_space<vmem_shared>> -> memref<40x128xf32, #tpu.memory_space<vmem_shared>>
      %dma_start3A_509 = arith.constant 0 : i32
      %dma_start3A_510 = arith.constant 0 : i32
      %dma_start3A_511 = tpu.memref_slice %arg8[%run_scoped3A, %dma_start3A_509, %dma_start3A_510] : memref<4x40x128xf32, #tpu.memory_space<vmem>> -> memref<1x40x128xf32, #tpu.memory_space<vmem>>
      %dma_start3A_512 = tpu.memref_squeeze %dma_start3A_511 : memref<1x40x128xf32, #tpu.memory_space<vmem>> -> memref<40x128xf32, #tpu.memory_space<vmem>>
      tpu.enqueue_dma source(%dma_start3A_512 : memref<40x128xf32, #tpu.memory_space<vmem>>) target(%dma_start3A_508 : memref<40x128xf32, #tpu.memory_space<vmem_shared>>) target_semaphore(%run_scoped3A_500 : memref<!tpu.dma_semaphore, #tpu.memory_space<semaphore_mem>>)
      %dma_wait3A_513 = arith.constant 0 : i32
      %dma_wait3A_514 = arith.constant 0 : i32
      %dma_wait3A_515 = tpu.memref_slice %arg8[%run_scoped3A, %dma_wait3A_513, %dma_wait3A_514] : memref<4x40x128xf32, #tpu.memory_space<vmem>> -> memref<1x40x128xf32, #tpu.memory_space<vmem>>
      %dma_wait3A_516 = tpu.memref_squeeze %dma_wait3A_515 : memref<1x40x128xf32, #tpu.memory_space<vmem>> -> memref<40x128xf32, #tpu.memory_space<vmem>>
      %dma_wait3A_517 = arith.constant 0 : i32
      %dma_wait3A_518 = tpu.memref_slice %arg10[%add3A_12, %dma_wait3A_517] : memref<10112x128xf32, #tpu.memory_space<vmem_shared>> -> memref<40x128xf32, #tpu.memory_space<vmem_shared>>
      %dma_wait3A_519 = arith.constant 0 : i32
      %dma_wait3A_520 = tpu.memref_slice %arg10[%add3A_12, %dma_wait3A_519] : memref<10112x128xf32, #tpu.memory_space<vmem_shared>> -> memref<40x128xf32, #tpu.memory_space<vmem_shared>>
      %dma_wait3A_521 = arith.constant 0 : i32
      %dma_wait3A_522 = arith.constant 0 : i32
      %dma_wait3A_523 = tpu.memref_slice %arg8[%run_scoped3A, %dma_wait3A_521, %dma_wait3A_522] : memref<4x40x128xf32, #tpu.memory_space<vmem>> -> memref<1x40x128xf32, #tpu.memory_space<vmem>>
      %dma_wait3A_524 = tpu.memref_squeeze %dma_wait3A_523 : memref<1x40x128xf32, #tpu.memory_space<vmem>> -> memref<40x128xf32, #tpu.memory_space<vmem>>
      tpu.wait_dma2 semaphore(%run_scoped3A_500 : memref<!tpu.dma_semaphore, #tpu.memory_space<semaphore_mem>>) src(%dma_wait3A_524 : memref<40x128xf32, #tpu.memory_space<vmem>>) dst(%dma_wait3A_520 : memref<40x128xf32, #tpu.memory_space<vmem_shared>>)
      tpu.yield
    }) : () -> ()
    %add3A_13 = arith.constant 40 : i32
    %add3A_14 = arith.addi %mul3A_10, %add3A_13 : i32
    %run_scoped3A_15 = arith.constant 0 : i32
    "tpu.region"() ({
      %run_scoped3A_500 = tpu.sem_alloc : memref<!tpu.dma_semaphore, #tpu.memory_space<semaphore_mem>>
      %dma_start3A_501 = arith.constant 0 : i32
      %dma_start3A_502 = arith.constant 0 : i32
      %dma_start3A_503 = tpu.memref_slice %arg8[%run_scoped3A_15, %dma_start3A_501, %dma_start3A_502] : memref<4x40x128xf32, #tpu.memory_space<vmem>> -> memref<1x40x128xf32, #tpu.memory_space<vmem>>
      %dma_start3A_504 = tpu.memref_squeeze %dma_start3A_503 : memref<1x40x128xf32, #tpu.memory_space<vmem>> -> memref<40x128xf32, #tpu.memory_space<vmem>>
      %dma_start3A_505 = arith.constant 0 : i32
      %dma_start3A_506 = tpu.memref_slice %arg10[%add3A_14, %dma_start3A_505] : memref<10112x128xf32, #tpu.memory_space<vmem_shared>> -> memref<40x128xf32, #tpu.memory_space<vmem_shared>>
      %dma_start3A_507 = arith.constant 0 : i32
      %dma_start3A_508 = tpu.memref_slice %arg10[%add3A_14, %dma_start3A_507] : memref<10112x128xf32, #tpu.memory_space<vmem_shared>> -> memref<40x128xf32, #tpu.memory_space<vmem_shared>>
      %dma_start3A_509 = arith.constant 0 : i32
      %dma_start3A_510 = arith.constant 0 : i32
      %dma_start3A_511 = tpu.memref_slice %arg8[%run_scoped3A_15, %dma_start3A_509, %dma_start3A_510] : memref<4x40x128xf32, #tpu.memory_space<vmem>> -> memref<1x40x128xf32, #tpu.memory_space<vmem>>
      %dma_start3A_512 = tpu.memref_squeeze %dma_start3A_511 : memref<1x40x128xf32, #tpu.memory_space<vmem>> -> memref<40x128xf32, #tpu.memory_space<vmem>>
      tpu.enqueue_dma source(%dma_start3A_512 : memref<40x128xf32, #tpu.memory_space<vmem>>) target(%dma_start3A_508 : memref<40x128xf32, #tpu.memory_space<vmem_shared>>) target_semaphore(%run_scoped3A_500 : memref<!tpu.dma_semaphore, #tpu.memory_space<semaphore_mem>>)
      %dma_wait3A_513 = arith.constant 0 : i32
      %dma_wait3A_514 = arith.constant 0 : i32
      %dma_wait3A_515 = tpu.memref_slice %arg8[%run_scoped3A_15, %dma_wait3A_513, %dma_wait3A_514] : memref<4x40x128xf32, #tpu.memory_space<vmem>> -> memref<1x40x128xf32, #tpu.memory_space<vmem>>
      %dma_wait3A_516 = tpu.memref_squeeze %dma_wait3A_515 : memref<1x40x128xf32, #tpu.memory_space<vmem>> -> memref<40x128xf32, #tpu.memory_space<vmem>>
      %dma_wait3A_517 = arith.constant 0 : i32
      %dma_wait3A_518 = tpu.memref_slice %arg10[%add3A_14, %dma_wait3A_517] : memref<10112x128xf32, #tpu.memory_space<vmem_shared>> -> memref<40x128xf32, #tpu.memory_space<vmem_shared>>
      %dma_wait3A_519 = arith.constant 0 : i32
      %dma_wait3A_520 = tpu.memref_slice %arg10[%add3A_14, %dma_wait3A_519] : memref<10112x128xf32, #tpu.memory_space<vmem_shared>> -> memref<40x128xf32, #tpu.memory_space<vmem_shared>>
      %dma_wait3A_521 = arith.constant 0 : i32
      %dma_wait3A_522 = arith.constant 0 : i32
      %dma_wait3A_523 = tpu.memref_slice %arg8[%run_scoped3A_15, %dma_wait3A_521, %dma_wait3A_522] : memref<4x40x128xf32, #tpu.memory_space<vmem>> -> memref<1x40x128xf32, #tpu.memory_space<vmem>>
      %dma_wait3A_524 = tpu.memref_squeeze %dma_wait3A_523 : memref<1x40x128xf32, #tpu.memory_space<vmem>> -> memref<40x128xf32, #tpu.memory_space<vmem>>
      tpu.wait_dma2 semaphore(%run_scoped3A_500 : memref<!tpu.dma_semaphore, #tpu.memory_space<semaphore_mem>>) src(%dma_wait3A_524 : memref<40x128xf32, #tpu.memory_space<vmem>>) dst(%dma_wait3A_520 : memref<40x128xf32, #tpu.memory_space<vmem_shared>>)
      tpu.yield
    }) : () -> ()
    %add3A_16 = arith.constant 80 : i32
    %add3A_17 = arith.addi %mul3A_10, %add3A_16 : i32
    %run_scoped3A_18 = arith.constant 0 : i32
    "tpu.region"() ({
      %run_scoped3A_500 = tpu.sem_alloc : memref<!tpu.dma_semaphore, #tpu.memory_space<semaphore_mem>>
      %dma_start3A_501 = arith.constant 0 : i32
      %dma_start3A_502 = arith.constant 0 : i32
      %dma_start3A_503 = tpu.memref_slice %arg8[%run_scoped3A_18, %dma_start3A_501, %dma_start3A_502] : memref<4x40x128xf32, #tpu.memory_space<vmem>> -> memref<1x40x128xf32, #tpu.memory_space<vmem>>
      %dma_start3A_504 = tpu.memref_squeeze %dma_start3A_503 : memref<1x40x128xf32, #tpu.memory_space<vmem>> -> memref<40x128xf32, #tpu.memory_space<vmem>>
      %dma_start3A_505 = arith.constant 0 : i32
      %dma_start3A_506 = tpu.memref_slice %arg10[%add3A_17, %dma_start3A_505] : memref<10112x128xf32, #tpu.memory_space<vmem_shared>> -> memref<40x128xf32, #tpu.memory_space<vmem_shared>>
      %dma_start3A_507 = arith.constant 0 : i32
      %dma_start3A_508 = tpu.memref_slice %arg10[%add3A_17, %dma_start3A_507] : memref<10112x128xf32, #tpu.memory_space<vmem_shared>> -> memref<40x128xf32, #tpu.memory_space<vmem_shared>>
      %dma_start3A_509 = arith.constant 0 : i32
      %dma_start3A_510 = arith.constant 0 : i32
      %dma_start3A_511 = tpu.memref_slice %arg8[%run_scoped3A_18, %dma_start3A_509, %dma_start3A_510] : memref<4x40x128xf32, #tpu.memory_space<vmem>> -> memref<1x40x128xf32, #tpu.memory_space<vmem>>
      %dma_start3A_512 = tpu.memref_squeeze %dma_start3A_511 : memref<1x40x128xf32, #tpu.memory_space<vmem>> -> memref<40x128xf32, #tpu.memory_space<vmem>>
      tpu.enqueue_dma source(%dma_start3A_512 : memref<40x128xf32, #tpu.memory_space<vmem>>) target(%dma_start3A_508 : memref<40x128xf32, #tpu.memory_space<vmem_shared>>) target_semaphore(%run_scoped3A_500 : memref<!tpu.dma_semaphore, #tpu.memory_space<semaphore_mem>>)
      %dma_wait3A_513 = arith.constant 0 : i32
      %dma_wait3A_514 = arith.constant 0 : i32
      %dma_wait3A_515 = tpu.memref_slice %arg8[%run_scoped3A_18, %dma_wait3A_513, %dma_wait3A_514] : memref<4x40x128xf32, #tpu.memory_space<vmem>> -> memref<1x40x128xf32, #tpu.memory_space<vmem>>
      %dma_wait3A_516 = tpu.memref_squeeze %dma_wait3A_515 : memref<1x40x128xf32, #tpu.memory_space<vmem>> -> memref<40x128xf32, #tpu.memory_space<vmem>>
      %dma_wait3A_517 = arith.constant 0 : i32
      %dma_wait3A_518 = tpu.memref_slice %arg10[%add3A_17, %dma_wait3A_517] : memref<10112x128xf32, #tpu.memory_space<vmem_shared>> -> memref<40x128xf32, #tpu.memory_space<vmem_shared>>
      %dma_wait3A_519 = arith.constant 0 : i32
      %dma_wait3A_520 = tpu.memref_slice %arg10[%add3A_17, %dma_wait3A_519] : memref<10112x128xf32, #tpu.memory_space<vmem_shared>> -> memref<40x128xf32, #tpu.memory_space<vmem_shared>>
      %dma_wait3A_521 = arith.constant 0 : i32
      %dma_wait3A_522 = arith.constant 0 : i32
      %dma_wait3A_523 = tpu.memref_slice %arg8[%run_scoped3A_18, %dma_wait3A_521, %dma_wait3A_522] : memref<4x40x128xf32, #tpu.memory_space<vmem>> -> memref<1x40x128xf32, #tpu.memory_space<vmem>>
      %dma_wait3A_524 = tpu.memref_squeeze %dma_wait3A_523 : memref<1x40x128xf32, #tpu.memory_space<vmem>> -> memref<40x128xf32, #tpu.memory_space<vmem>>
      tpu.wait_dma2 semaphore(%run_scoped3A_500 : memref<!tpu.dma_semaphore, #tpu.memory_space<semaphore_mem>>) src(%dma_wait3A_524 : memref<40x128xf32, #tpu.memory_space<vmem>>) dst(%dma_wait3A_520 : memref<40x128xf32, #tpu.memory_space<vmem_shared>>)
      tpu.yield
    }) : () -> ()
    %add3A_19 = arith.constant 120 : i32
    %add3A_20 = arith.addi %mul3A_10, %add3A_19 : i32
    %run_scoped3A_21 = arith.constant 0 : i32
    "tpu.region"() ({
      %run_scoped3A_500 = tpu.sem_alloc : memref<!tpu.dma_semaphore, #tpu.memory_space<semaphore_mem>>
      %dma_start3A_501 = arith.constant 0 : i32
      %dma_start3A_502 = arith.constant 0 : i32
      %dma_start3A_503 = tpu.memref_slice %arg8[%run_scoped3A_21, %dma_start3A_501, %dma_start3A_502] : memref<4x40x128xf32, #tpu.memory_space<vmem>> -> memref<1x40x128xf32, #tpu.memory_space<vmem>>
      %dma_start3A_504 = tpu.memref_squeeze %dma_start3A_503 : memref<1x40x128xf32, #tpu.memory_space<vmem>> -> memref<40x128xf32, #tpu.memory_space<vmem>>
      %dma_start3A_505 = arith.constant 0 : i32
      %dma_start3A_506 = tpu.memref_slice %arg10[%add3A_20, %dma_start3A_505] : memref<10112x128xf32, #tpu.memory_space<vmem_shared>> -> memref<40x128xf32, #tpu.memory_space<vmem_shared>>
      %dma_start3A_507 = arith.constant 0 : i32
      %dma_start3A_508 = tpu.memref_slice %arg10[%add3A_20, %dma_start3A_507] : memref<10112x128xf32, #tpu.memory_space<vmem_shared>> -> memref<40x128xf32, #tpu.memory_space<vmem_shared>>
      %dma_start3A_509 = arith.constant 0 : i32
      %dma_start3A_510 = arith.constant 0 : i32
      %dma_start3A_511 = tpu.memref_slice %arg8[%run_scoped3A_21, %dma_start3A_509, %dma_start3A_510] : memref<4x40x128xf32, #tpu.memory_space<vmem>> -> memref<1x40x128xf32, #tpu.memory_space<vmem>>
      %dma_start3A_512 = tpu.memref_squeeze %dma_start3A_511 : memref<1x40x128xf32, #tpu.memory_space<vmem>> -> memref<40x128xf32, #tpu.memory_space<vmem>>
      tpu.enqueue_dma source(%dma_start3A_512 : memref<40x128xf32, #tpu.memory_space<vmem>>) target(%dma_start3A_508 : memref<40x128xf32, #tpu.memory_space<vmem_shared>>) target_semaphore(%run_scoped3A_500 : memref<!tpu.dma_semaphore, #tpu.memory_space<semaphore_mem>>)
      %dma_wait3A_513 = arith.constant 0 : i32
      %dma_wait3A_514 = arith.constant 0 : i32
      %dma_wait3A_515 = tpu.memref_slice %arg8[%run_scoped3A_21, %dma_wait3A_513, %dma_wait3A_514] : memref<4x40x128xf32, #tpu.memory_space<vmem>> -> memref<1x40x128xf32, #tpu.memory_space<vmem>>
      %dma_wait3A_516 = tpu.memref_squeeze %dma_wait3A_515 : memref<1x40x128xf32, #tpu.memory_space<vmem>> -> memref<40x128xf32, #tpu.memory_space<vmem>>
      %dma_wait3A_517 = arith.constant 0 : i32
      %dma_wait3A_518 = tpu.memref_slice %arg10[%add3A_20, %dma_wait3A_517] : memref<10112x128xf32, #tpu.memory_space<vmem_shared>> -> memref<40x128xf32, #tpu.memory_space<vmem_shared>>
      %dma_wait3A_519 = arith.constant 0 : i32
      %dma_wait3A_520 = tpu.memref_slice %arg10[%add3A_20, %dma_wait3A_519] : memref<10112x128xf32, #tpu.memory_space<vmem_shared>> -> memref<40x128xf32, #tpu.memory_space<vmem_shared>>
      %dma_wait3A_521 = arith.constant 0 : i32
      %dma_wait3A_522 = arith.constant 0 : i32
      %dma_wait3A_523 = tpu.memref_slice %arg8[%run_scoped3A_21, %dma_wait3A_521, %dma_wait3A_522] : memref<4x40x128xf32, #tpu.memory_space<vmem>> -> memref<1x40x128xf32, #tpu.memory_space<vmem>>
      %dma_wait3A_524 = tpu.memref_squeeze %dma_wait3A_523 : memref<1x40x128xf32, #tpu.memory_space<vmem>> -> memref<40x128xf32, #tpu.memory_space<vmem>>
      tpu.wait_dma2 semaphore(%run_scoped3A_500 : memref<!tpu.dma_semaphore, #tpu.memory_space<semaphore_mem>>) src(%dma_wait3A_524 : memref<40x128xf32, #tpu.memory_space<vmem>>) dst(%dma_wait3A_520 : memref<40x128xf32, #tpu.memory_space<vmem_shared>>)
      tpu.yield
    }) : () -> ()
    %add3A_22 = arith.constant 160 : i32
    %add3A_23 = arith.addi %mul3A_10, %add3A_22 : i32
    %run_scoped3A_24 = arith.constant 0 : i32
    "tpu.region"() ({
      %run_scoped3A_500 = tpu.sem_alloc : memref<!tpu.dma_semaphore, #tpu.memory_space<semaphore_mem>>
      %dma_start3A_501 = arith.constant 0 : i32
      %dma_start3A_502 = arith.constant 0 : i32
      %dma_start3A_503 = tpu.memref_slice %arg8[%run_scoped3A_24, %dma_start3A_501, %dma_start3A_502] : memref<4x40x128xf32, #tpu.memory_space<vmem>> -> memref<1x40x128xf32, #tpu.memory_space<vmem>>
      %dma_start3A_504 = tpu.memref_squeeze %dma_start3A_503 : memref<1x40x128xf32, #tpu.memory_space<vmem>> -> memref<40x128xf32, #tpu.memory_space<vmem>>
      %dma_start3A_505 = arith.constant 0 : i32
      %dma_start3A_506 = tpu.memref_slice %arg10[%add3A_23, %dma_start3A_505] : memref<10112x128xf32, #tpu.memory_space<vmem_shared>> -> memref<40x128xf32, #tpu.memory_space<vmem_shared>>
      %dma_start3A_507 = arith.constant 0 : i32
      %dma_start3A_508 = tpu.memref_slice %arg10[%add3A_23, %dma_start3A_507] : memref<10112x128xf32, #tpu.memory_space<vmem_shared>> -> memref<40x128xf32, #tpu.memory_space<vmem_shared>>
      %dma_start3A_509 = arith.constant 0 : i32
      %dma_start3A_510 = arith.constant 0 : i32
      %dma_start3A_511 = tpu.memref_slice %arg8[%run_scoped3A_24, %dma_start3A_509, %dma_start3A_510] : memref<4x40x128xf32, #tpu.memory_space<vmem>> -> memref<1x40x128xf32, #tpu.memory_space<vmem>>
      %dma_start3A_512 = tpu.memref_squeeze %dma_start3A_511 : memref<1x40x128xf32, #tpu.memory_space<vmem>> -> memref<40x128xf32, #tpu.memory_space<vmem>>
      tpu.enqueue_dma source(%dma_start3A_512 : memref<40x128xf32, #tpu.memory_space<vmem>>) target(%dma_start3A_508 : memref<40x128xf32, #tpu.memory_space<vmem_shared>>) target_semaphore(%run_scoped3A_500 : memref<!tpu.dma_semaphore, #tpu.memory_space<semaphore_mem>>)
      %dma_wait3A_513 = arith.constant 0 : i32
      %dma_wait3A_514 = arith.constant 0 : i32
      %dma_wait3A_515 = tpu.memref_slice %arg8[%run_scoped3A_24, %dma_wait3A_513, %dma_wait3A_514] : memref<4x40x128xf32, #tpu.memory_space<vmem>> -> memref<1x40x128xf32, #tpu.memory_space<vmem>>
      %dma_wait3A_516 = tpu.memref_squeeze %dma_wait3A_515 : memref<1x40x128xf32, #tpu.memory_space<vmem>> -> memref<40x128xf32, #tpu.memory_space<vmem>>
      %dma_wait3A_517 = arith.constant 0 : i32
      %dma_wait3A_518 = tpu.memref_slice %arg10[%add3A_23, %dma_wait3A_517] : memref<10112x128xf32, #tpu.memory_space<vmem_shared>> -> memref<40x128xf32, #tpu.memory_space<vmem_shared>>
      %dma_wait3A_519 = arith.constant 0 : i32
      %dma_wait3A_520 = tpu.memref_slice %arg10[%add3A_23, %dma_wait3A_519] : memref<10112x128xf32, #tpu.memory_space<vmem_shared>> -> memref<40x128xf32, #tpu.memory_space<vmem_shared>>
      %dma_wait3A_521 = arith.constant 0 : i32
      %dma_wait3A_522 = arith.constant 0 : i32
      %dma_wait3A_523 = tpu.memref_slice %arg8[%run_scoped3A_24, %dma_wait3A_521, %dma_wait3A_522] : memref<4x40x128xf32, #tpu.memory_space<vmem>> -> memref<1x40x128xf32, #tpu.memory_space<vmem>>
      %dma_wait3A_524 = tpu.memref_squeeze %dma_wait3A_523 : memref<1x40x128xf32, #tpu.memory_space<vmem>> -> memref<40x128xf32, #tpu.memory_space<vmem>>
      tpu.wait_dma2 semaphore(%run_scoped3A_500 : memref<!tpu.dma_semaphore, #tpu.memory_space<semaphore_mem>>) src(%dma_wait3A_524 : memref<40x128xf32, #tpu.memory_space<vmem>>) dst(%dma_wait3A_520 : memref<40x128xf32, #tpu.memory_space<vmem_shared>>)
      tpu.yield
    }) : () -> ()
    %add3A_25 = arith.constant 200 : i32
    %add3A_26 = arith.addi %mul3A_10, %add3A_25 : i32
    %run_scoped3A_27 = arith.constant 0 : i32
    "tpu.region"() ({
      %run_scoped3A_500 = tpu.sem_alloc : memref<!tpu.dma_semaphore, #tpu.memory_space<semaphore_mem>>
      %dma_start3A_501 = arith.constant 0 : i32
      %dma_start3A_502 = arith.constant 0 : i32
      %dma_start3A_503 = tpu.memref_slice %arg8[%run_scoped3A_27, %dma_start3A_501, %dma_start3A_502] : memref<4x40x128xf32, #tpu.memory_space<vmem>> -> memref<1x40x128xf32, #tpu.memory_space<vmem>>
      %dma_start3A_504 = tpu.memref_squeeze %dma_start3A_503 : memref<1x40x128xf32, #tpu.memory_space<vmem>> -> memref<40x128xf32, #tpu.memory_space<vmem>>
      %dma_start3A_505 = arith.constant 0 : i32
      %dma_start3A_506 = tpu.memref_slice %arg10[%add3A_26, %dma_start3A_505] : memref<10112x128xf32, #tpu.memory_space<vmem_shared>> -> memref<40x128xf32, #tpu.memory_space<vmem_shared>>
      %dma_start3A_507 = arith.constant 0 : i32
      %dma_start3A_508 = tpu.memref_slice %arg10[%add3A_26, %dma_start3A_507] : memref<10112x128xf32, #tpu.memory_space<vmem_shared>> -> memref<40x128xf32, #tpu.memory_space<vmem_shared>>
      %dma_start3A_509 = arith.constant 0 : i32
      %dma_start3A_510 = arith.constant 0 : i32
      %dma_start3A_511 = tpu.memref_slice %arg8[%run_scoped3A_27, %dma_start3A_509, %dma_start3A_510] : memref<4x40x128xf32, #tpu.memory_space<vmem>> -> memref<1x40x128xf32, #tpu.memory_space<vmem>>
      %dma_start3A_512 = tpu.memref_squeeze %dma_start3A_511 : memref<1x40x128xf32, #tpu.memory_space<vmem>> -> memref<40x128xf32, #tpu.memory_space<vmem>>
      tpu.enqueue_dma source(%dma_start3A_512 : memref<40x128xf32, #tpu.memory_space<vmem>>) target(%dma_start3A_508 : memref<40x128xf32, #tpu.memory_space<vmem_shared>>) target_semaphore(%run_scoped3A_500 : memref<!tpu.dma_semaphore, #tpu.memory_space<semaphore_mem>>)
      %dma_wait3A_513 = arith.constant 0 : i32
      %dma_wait3A_514 = arith.constant 0 : i32
      %dma_wait3A_515 = tpu.memref_slice %arg8[%run_scoped3A_27, %dma_wait3A_513, %dma_wait3A_514] : memref<4x40x128xf32, #tpu.memory_space<vmem>> -> memref<1x40x128xf32, #tpu.memory_space<vmem>>
      %dma_wait3A_516 = tpu.memref_squeeze %dma_wait3A_515 : memref<1x40x128xf32, #tpu.memory_space<vmem>> -> memref<40x128xf32, #tpu.memory_space<vmem>>
      %dma_wait3A_517 = arith.constant 0 : i32
      %dma_wait3A_518 = tpu.memref_slice %arg10[%add3A_26, %dma_wait3A_517] : memref<10112x128xf32, #tpu.memory_space<vmem_shared>> -> memref<40x128xf32, #tpu.memory_space<vmem_shared>>
      %dma_wait3A_519 = arith.constant 0 : i32
      %dma_wait3A_520 = tpu.memref_slice %arg10[%add3A_26, %dma_wait3A_519] : memref<10112x128xf32, #tpu.memory_space<vmem_shared>> -> memref<40x128xf32, #tpu.memory_space<vmem_shared>>
      %dma_wait3A_521 = arith.constant 0 : i32
      %dma_wait3A_522 = arith.constant 0 : i32
      %dma_wait3A_523 = tpu.memref_slice %arg8[%run_scoped3A_27, %dma_wait3A_521, %dma_wait3A_522] : memref<4x40x128xf32, #tpu.memory_space<vmem>> -> memref<1x40x128xf32, #tpu.memory_space<vmem>>
      %dma_wait3A_524 = tpu.memref_squeeze %dma_wait3A_523 : memref<1x40x128xf32, #tpu.memory_space<vmem>> -> memref<40x128xf32, #tpu.memory_space<vmem>>
      tpu.wait_dma2 semaphore(%run_scoped3A_500 : memref<!tpu.dma_semaphore, #tpu.memory_space<semaphore_mem>>) src(%dma_wait3A_524 : memref<40x128xf32, #tpu.memory_space<vmem>>) dst(%dma_wait3A_520 : memref<40x128xf32, #tpu.memory_space<vmem_shared>>)
      tpu.yield
    }) : () -> ()
    %add3A_28 = arith.constant 240 : i32
    %add3A_29 = arith.addi %mul3A_10, %add3A_28 : i32
    %run_scoped3A_30 = arith.constant 0 : i32
    "tpu.region"() ({
      %run_scoped3A_500 = tpu.sem_alloc : memref<!tpu.dma_semaphore, #tpu.memory_space<semaphore_mem>>
      %dma_start3A_501 = arith.constant 0 : i32
      %dma_start3A_502 = arith.constant 0 : i32
      %dma_start3A_503 = tpu.memref_slice %arg8[%run_scoped3A_30, %dma_start3A_501, %dma_start3A_502] : memref<4x40x128xf32, #tpu.memory_space<vmem>> -> memref<1x40x128xf32, #tpu.memory_space<vmem>>
      %dma_start3A_504 = tpu.memref_squeeze %dma_start3A_503 : memref<1x40x128xf32, #tpu.memory_space<vmem>> -> memref<40x128xf32, #tpu.memory_space<vmem>>
      %dma_start3A_505 = arith.constant 0 : i32
      %dma_start3A_506 = tpu.memref_slice %arg10[%add3A_29, %dma_start3A_505] : memref<10112x128xf32, #tpu.memory_space<vmem_shared>> -> memref<40x128xf32, #tpu.memory_space<vmem_shared>>
      %dma_start3A_507 = arith.constant 0 : i32
      %dma_start3A_508 = tpu.memref_slice %arg10[%add3A_29, %dma_start3A_507] : memref<10112x128xf32, #tpu.memory_space<vmem_shared>> -> memref<40x128xf32, #tpu.memory_space<vmem_shared>>
      %dma_start3A_509 = arith.constant 0 : i32
      %dma_start3A_510 = arith.constant 0 : i32
      %dma_start3A_511 = tpu.memref_slice %arg8[%run_scoped3A_30, %dma_start3A_509, %dma_start3A_510] : memref<4x40x128xf32, #tpu.memory_space<vmem>> -> memref<1x40x128xf32, #tpu.memory_space<vmem>>
      %dma_start3A_512 = tpu.memref_squeeze %dma_start3A_511 : memref<1x40x128xf32, #tpu.memory_space<vmem>> -> memref<40x128xf32, #tpu.memory_space<vmem>>
      tpu.enqueue_dma source(%dma_start3A_512 : memref<40x128xf32, #tpu.memory_space<vmem>>) target(%dma_start3A_508 : memref<40x128xf32, #tpu.memory_space<vmem_shared>>) target_semaphore(%run_scoped3A_500 : memref<!tpu.dma_semaphore, #tpu.memory_space<semaphore_mem>>)
      %dma_wait3A_513 = arith.constant 0 : i32
      %dma_wait3A_514 = arith.constant 0 : i32
      %dma_wait3A_515 = tpu.memref_slice %arg8[%run_scoped3A_30, %dma_wait3A_513, %dma_wait3A_514] : memref<4x40x128xf32, #tpu.memory_space<vmem>> -> memref<1x40x128xf32, #tpu.memory_space<vmem>>
      %dma_wait3A_516 = tpu.memref_squeeze %dma_wait3A_515 : memref<1x40x128xf32, #tpu.memory_space<vmem>> -> memref<40x128xf32, #tpu.memory_space<vmem>>
      %dma_wait3A_517 = arith.constant 0 : i32
      %dma_wait3A_518 = tpu.memref_slice %arg10[%add3A_29, %dma_wait3A_517] : memref<10112x128xf32, #tpu.memory_space<vmem_shared>> -> memref<40x128xf32, #tpu.memory_space<vmem_shared>>
      %dma_wait3A_519 = arith.constant 0 : i32
      %dma_wait3A_520 = tpu.memref_slice %arg10[%add3A_29, %dma_wait3A_519] : memref<10112x128xf32, #tpu.memory_space<vmem_shared>> -> memref<40x128xf32, #tpu.memory_space<vmem_shared>>
      %dma_wait3A_521 = arith.constant 0 : i32
      %dma_wait3A_522 = arith.constant 0 : i32
      %dma_wait3A_523 = tpu.memref_slice %arg8[%run_scoped3A_30, %dma_wait3A_521, %dma_wait3A_522] : memref<4x40x128xf32, #tpu.memory_space<vmem>> -> memref<1x40x128xf32, #tpu.memory_space<vmem>>
      %dma_wait3A_524 = tpu.memref_squeeze %dma_wait3A_523 : memref<1x40x128xf32, #tpu.memory_space<vmem>> -> memref<40x128xf32, #tpu.memory_space<vmem>>
      tpu.wait_dma2 semaphore(%run_scoped3A_500 : memref<!tpu.dma_semaphore, #tpu.memory_space<semaphore_mem>>) src(%dma_wait3A_524 : memref<40x128xf32, #tpu.memory_space<vmem>>) dst(%dma_wait3A_520 : memref<40x128xf32, #tpu.memory_space<vmem_shared>>)
      tpu.yield
    }) : () -> ()
    %add3A_31 = arith.constant 280 : i32
    %add3A_32 = arith.addi %mul3A_10, %add3A_31 : i32
    %run_scoped3A_33 = arith.constant 0 : i32
    "tpu.region"() ({
      %run_scoped3A_500 = tpu.sem_alloc : memref<!tpu.dma_semaphore, #tpu.memory_space<semaphore_mem>>
      %dma_start3A_501 = arith.constant 0 : i32
      %dma_start3A_502 = arith.constant 0 : i32
      %dma_start3A_503 = tpu.memref_slice %arg8[%run_scoped3A_33, %dma_start3A_501, %dma_start3A_502] : memref<4x40x128xf32, #tpu.memory_space<vmem>> -> memref<1x40x128xf32, #tpu.memory_space<vmem>>
      %dma_start3A_504 = tpu.memref_squeeze %dma_start3A_503 : memref<1x40x128xf32, #tpu.memory_space<vmem>> -> memref<40x128xf32, #tpu.memory_space<vmem>>
      %dma_start3A_505 = arith.constant 0 : i32
      %dma_start3A_506 = tpu.memref_slice %arg10[%add3A_32, %dma_start3A_505] : memref<10112x128xf32, #tpu.memory_space<vmem_shared>> -> memref<40x128xf32, #tpu.memory_space<vmem_shared>>
      %dma_start3A_507 = arith.constant 0 : i32
      %dma_start3A_508 = tpu.memref_slice %arg10[%add3A_32, %dma_start3A_507] : memref<10112x128xf32, #tpu.memory_space<vmem_shared>> -> memref<40x128xf32, #tpu.memory_space<vmem_shared>>
      %dma_start3A_509 = arith.constant 0 : i32
      %dma_start3A_510 = arith.constant 0 : i32
      %dma_start3A_511 = tpu.memref_slice %arg8[%run_scoped3A_33, %dma_start3A_509, %dma_start3A_510] : memref<4x40x128xf32, #tpu.memory_space<vmem>> -> memref<1x40x128xf32, #tpu.memory_space<vmem>>
      %dma_start3A_512 = tpu.memref_squeeze %dma_start3A_511 : memref<1x40x128xf32, #tpu.memory_space<vmem>> -> memref<40x128xf32, #tpu.memory_space<vmem>>
      tpu.enqueue_dma source(%dma_start3A_512 : memref<40x128xf32, #tpu.memory_space<vmem>>) target(%dma_start3A_508 : memref<40x128xf32, #tpu.memory_space<vmem_shared>>) target_semaphore(%run_scoped3A_500 : memref<!tpu.dma_semaphore, #tpu.memory_space<semaphore_mem>>)
      %dma_wait3A_513 = arith.constant 0 : i32
      %dma_wait3A_514 = arith.constant 0 : i32
      %dma_wait3A_515 = tpu.memref_slice %arg8[%run_scoped3A_33, %dma_wait3A_513, %dma_wait3A_514] : memref<4x40x128xf32, #tpu.memory_space<vmem>> -> memref<1x40x128xf32, #tpu.memory_space<vmem>>
      %dma_wait3A_516 = tpu.memref_squeeze %dma_wait3A_515 : memref<1x40x128xf32, #tpu.memory_space<vmem>> -> memref<40x128xf32, #tpu.memory_space<vmem>>
      %dma_wait3A_517 = arith.constant 0 : i32
      %dma_wait3A_518 = tpu.memref_slice %arg10[%add3A_32, %dma_wait3A_517] : memref<10112x128xf32, #tpu.memory_space<vmem_shared>> -> memref<40x128xf32, #tpu.memory_space<vmem_shared>>
      %dma_wait3A_519 = arith.constant 0 : i32
      %dma_wait3A_520 = tpu.memref_slice %arg10[%add3A_32, %dma_wait3A_519] : memref<10112x128xf32, #tpu.memory_space<vmem_shared>> -> memref<40x128xf32, #tpu.memory_space<vmem_shared>>
      %dma_wait3A_521 = arith.constant 0 : i32
      %dma_wait3A_522 = arith.constant 0 : i32
      %dma_wait3A_523 = tpu.memref_slice %arg8[%run_scoped3A_33, %dma_wait3A_521, %dma_wait3A_522] : memref<4x40x128xf32, #tpu.memory_space<vmem>> -> memref<1x40x128xf32, #tpu.memory_space<vmem>>
      %dma_wait3A_524 = tpu.memref_squeeze %dma_wait3A_523 : memref<1x40x128xf32, #tpu.memory_space<vmem>> -> memref<40x128xf32, #tpu.memory_space<vmem>>
      tpu.wait_dma2 semaphore(%run_scoped3A_500 : memref<!tpu.dma_semaphore, #tpu.memory_space<semaphore_mem>>) src(%dma_wait3A_524 : memref<40x128xf32, #tpu.memory_space<vmem>>) dst(%dma_wait3A_520 : memref<40x128xf32, #tpu.memory_space<vmem_shared>>)
      tpu.yield
    }) : () -> ()
    %add3A_34 = arith.constant 320 : i32
    %add3A_35 = arith.addi %mul3A_10, %add3A_34 : i32
    %run_scoped3A_36 = arith.constant 0 : i32
    "tpu.region"() ({
      %run_scoped3A_500 = tpu.sem_alloc : memref<!tpu.dma_semaphore, #tpu.memory_space<semaphore_mem>>
      %dma_start3A_501 = arith.constant 0 : i32
      %dma_start3A_502 = arith.constant 0 : i32
      %dma_start3A_503 = tpu.memref_slice %arg8[%run_scoped3A_36, %dma_start3A_501, %dma_start3A_502] : memref<4x40x128xf32, #tpu.memory_space<vmem>> -> memref<1x40x128xf32, #tpu.memory_space<vmem>>
      %dma_start3A_504 = tpu.memref_squeeze %dma_start3A_503 : memref<1x40x128xf32, #tpu.memory_space<vmem>> -> memref<40x128xf32, #tpu.memory_space<vmem>>
      %dma_start3A_505 = arith.constant 0 : i32
      %dma_start3A_506 = tpu.memref_slice %arg10[%add3A_35, %dma_start3A_505] : memref<10112x128xf32, #tpu.memory_space<vmem_shared>> -> memref<40x128xf32, #tpu.memory_space<vmem_shared>>
      %dma_start3A_507 = arith.constant 0 : i32
      %dma_start3A_508 = tpu.memref_slice %arg10[%add3A_35, %dma_start3A_507] : memref<10112x128xf32, #tpu.memory_space<vmem_shared>> -> memref<40x128xf32, #tpu.memory_space<vmem_shared>>
      %dma_start3A_509 = arith.constant 0 : i32
      %dma_start3A_510 = arith.constant 0 : i32
      %dma_start3A_511 = tpu.memref_slice %arg8[%run_scoped3A_36, %dma_start3A_509, %dma_start3A_510] : memref<4x40x128xf32, #tpu.memory_space<vmem>> -> memref<1x40x128xf32, #tpu.memory_space<vmem>>
      %dma_start3A_512 = tpu.memref_squeeze %dma_start3A_511 : memref<1x40x128xf32, #tpu.memory_space<vmem>> -> memref<40x128xf32, #tpu.memory_space<vmem>>
      tpu.enqueue_dma source(%dma_start3A_512 : memref<40x128xf32, #tpu.memory_space<vmem>>) target(%dma_start3A_508 : memref<40x128xf32, #tpu.memory_space<vmem_shared>>) target_semaphore(%run_scoped3A_500 : memref<!tpu.dma_semaphore, #tpu.memory_space<semaphore_mem>>)
      %dma_wait3A_513 = arith.constant 0 : i32
      %dma_wait3A_514 = arith.constant 0 : i32
      %dma_wait3A_515 = tpu.memref_slice %arg8[%run_scoped3A_36, %dma_wait3A_513, %dma_wait3A_514] : memref<4x40x128xf32, #tpu.memory_space<vmem>> -> memref<1x40x128xf32, #tpu.memory_space<vmem>>
      %dma_wait3A_516 = tpu.memref_squeeze %dma_wait3A_515 : memref<1x40x128xf32, #tpu.memory_space<vmem>> -> memref<40x128xf32, #tpu.memory_space<vmem>>
      %dma_wait3A_517 = arith.constant 0 : i32
      %dma_wait3A_518 = tpu.memref_slice %arg10[%add3A_35, %dma_wait3A_517] : memref<10112x128xf32, #tpu.memory_space<vmem_shared>> -> memref<40x128xf32, #tpu.memory_space<vmem_shared>>
      %dma_wait3A_519 = arith.constant 0 : i32
      %dma_wait3A_520 = tpu.memref_slice %arg10[%add3A_35, %dma_wait3A_519] : memref<10112x128xf32, #tpu.memory_space<vmem_shared>> -> memref<40x128xf32, #tpu.memory_space<vmem_shared>>
      %dma_wait3A_521 = arith.constant 0 : i32
      %dma_wait3A_522 = arith.constant 0 : i32
      %dma_wait3A_523 = tpu.memref_slice %arg8[%run_scoped3A_36, %dma_wait3A_521, %dma_wait3A_522] : memref<4x40x128xf32, #tpu.memory_space<vmem>> -> memref<1x40x128xf32, #tpu.memory_space<vmem>>
      %dma_wait3A_524 = tpu.memref_squeeze %dma_wait3A_523 : memref<1x40x128xf32, #tpu.memory_space<vmem>> -> memref<40x128xf32, #tpu.memory_space<vmem>>
      tpu.wait_dma2 semaphore(%run_scoped3A_500 : memref<!tpu.dma_semaphore, #tpu.memory_space<semaphore_mem>>) src(%dma_wait3A_524 : memref<40x128xf32, #tpu.memory_space<vmem>>) dst(%dma_wait3A_520 : memref<40x128xf32, #tpu.memory_space<vmem_shared>>)
      tpu.yield
    }) : () -> ()
    %add3A_37 = arith.constant 360 : i32
    %add3A_38 = arith.addi %mul3A_10, %add3A_37 : i32
    %run_scoped3A_39 = arith.constant 0 : i32
    "tpu.region"() ({
      %run_scoped3A_500 = tpu.sem_alloc : memref<!tpu.dma_semaphore, #tpu.memory_space<semaphore_mem>>
      %dma_start3A_501 = arith.constant 0 : i32
      %dma_start3A_502 = arith.constant 0 : i32
      %dma_start3A_503 = tpu.memref_slice %arg8[%run_scoped3A_39, %dma_start3A_501, %dma_start3A_502] : memref<4x40x128xf32, #tpu.memory_space<vmem>> -> memref<1x40x128xf32, #tpu.memory_space<vmem>>
      %dma_start3A_504 = tpu.memref_squeeze %dma_start3A_503 : memref<1x40x128xf32, #tpu.memory_space<vmem>> -> memref<40x128xf32, #tpu.memory_space<vmem>>
      %dma_start3A_505 = arith.constant 0 : i32
      %dma_start3A_506 = tpu.memref_slice %arg10[%add3A_38, %dma_start3A_505] : memref<10112x128xf32, #tpu.memory_space<vmem_shared>> -> memref<40x128xf32, #tpu.memory_space<vmem_shared>>
      %dma_start3A_507 = arith.constant 0 : i32
      %dma_start3A_508 = tpu.memref_slice %arg10[%add3A_38, %dma_start3A_507] : memref<10112x128xf32, #tpu.memory_space<vmem_shared>> -> memref<40x128xf32, #tpu.memory_space<vmem_shared>>
      %dma_start3A_509 = arith.constant 0 : i32
      %dma_start3A_510 = arith.constant 0 : i32
      %dma_start3A_511 = tpu.memref_slice %arg8[%run_scoped3A_39, %dma_start3A_509, %dma_start3A_510] : memref<4x40x128xf32, #tpu.memory_space<vmem>> -> memref<1x40x128xf32, #tpu.memory_space<vmem>>
      %dma_start3A_512 = tpu.memref_squeeze %dma_start3A_511 : memref<1x40x128xf32, #tpu.memory_space<vmem>> -> memref<40x128xf32, #tpu.memory_space<vmem>>
      tpu.enqueue_dma source(%dma_start3A_512 : memref<40x128xf32, #tpu.memory_space<vmem>>) target(%dma_start3A_508 : memref<40x128xf32, #tpu.memory_space<vmem_shared>>) target_semaphore(%run_scoped3A_500 : memref<!tpu.dma_semaphore, #tpu.memory_space<semaphore_mem>>)
      %dma_wait3A_513 = arith.constant 0 : i32
      %dma_wait3A_514 = arith.constant 0 : i32
      %dma_wait3A_515 = tpu.memref_slice %arg8[%run_scoped3A_39, %dma_wait3A_513, %dma_wait3A_514] : memref<4x40x128xf32, #tpu.memory_space<vmem>> -> memref<1x40x128xf32, #tpu.memory_space<vmem>>
      %dma_wait3A_516 = tpu.memref_squeeze %dma_wait3A_515 : memref<1x40x128xf32, #tpu.memory_space<vmem>> -> memref<40x128xf32, #tpu.memory_space<vmem>>
      %dma_wait3A_517 = arith.constant 0 : i32
      %dma_wait3A_518 = tpu.memref_slice %arg10[%add3A_38, %dma_wait3A_517] : memref<10112x128xf32, #tpu.memory_space<vmem_shared>> -> memref<40x128xf32, #tpu.memory_space<vmem_shared>>
      %dma_wait3A_519 = arith.constant 0 : i32
      %dma_wait3A_520 = tpu.memref_slice %arg10[%add3A_38, %dma_wait3A_519] : memref<10112x128xf32, #tpu.memory_space<vmem_shared>> -> memref<40x128xf32, #tpu.memory_space<vmem_shared>>
      %dma_wait3A_521 = arith.constant 0 : i32
      %dma_wait3A_522 = arith.constant 0 : i32
      %dma_wait3A_523 = tpu.memref_slice %arg8[%run_scoped3A_39, %dma_wait3A_521, %dma_wait3A_522] : memref<4x40x128xf32, #tpu.memory_space<vmem>> -> memref<1x40x128xf32, #tpu.memory_space<vmem>>
      %dma_wait3A_524 = tpu.memref_squeeze %dma_wait3A_523 : memref<1x40x128xf32, #tpu.memory_space<vmem>> -> memref<40x128xf32, #tpu.memory_space<vmem>>
      tpu.wait_dma2 semaphore(%run_scoped3A_500 : memref<!tpu.dma_semaphore, #tpu.memory_space<semaphore_mem>>) src(%dma_wait3A_524 : memref<40x128xf32, #tpu.memory_space<vmem>>) dst(%dma_wait3A_520 : memref<40x128xf32, #tpu.memory_space<vmem_shared>>)
      tpu.yield
    }) : () -> ()
    %add3A_40 = arith.constant 400 : i32
    %add3A_41 = arith.addi %mul3A_10, %add3A_40 : i32
    %run_scoped3A_42 = arith.constant 0 : i32
    "tpu.region"() ({
      %run_scoped3A_500 = tpu.sem_alloc : memref<!tpu.dma_semaphore, #tpu.memory_space<semaphore_mem>>
      %dma_start3A_501 = arith.constant 0 : i32
      %dma_start3A_502 = arith.constant 0 : i32
      %dma_start3A_503 = tpu.memref_slice %arg8[%run_scoped3A_42, %dma_start3A_501, %dma_start3A_502] : memref<4x40x128xf32, #tpu.memory_space<vmem>> -> memref<1x40x128xf32, #tpu.memory_space<vmem>>
      %dma_start3A_504 = tpu.memref_squeeze %dma_start3A_503 : memref<1x40x128xf32, #tpu.memory_space<vmem>> -> memref<40x128xf32, #tpu.memory_space<vmem>>
      %dma_start3A_505 = arith.constant 0 : i32
      %dma_start3A_506 = tpu.memref_slice %arg10[%add3A_41, %dma_start3A_505] : memref<10112x128xf32, #tpu.memory_space<vmem_shared>> -> memref<40x128xf32, #tpu.memory_space<vmem_shared>>
      %dma_start3A_507 = arith.constant 0 : i32
      %dma_start3A_508 = tpu.memref_slice %arg10[%add3A_41, %dma_start3A_507] : memref<10112x128xf32, #tpu.memory_space<vmem_shared>> -> memref<40x128xf32, #tpu.memory_space<vmem_shared>>
      %dma_start3A_509 = arith.constant 0 : i32
      %dma_start3A_510 = arith.constant 0 : i32
      %dma_start3A_511 = tpu.memref_slice %arg8[%run_scoped3A_42, %dma_start3A_509, %dma_start3A_510] : memref<4x40x128xf32, #tpu.memory_space<vmem>> -> memref<1x40x128xf32, #tpu.memory_space<vmem>>
      %dma_start3A_512 = tpu.memref_squeeze %dma_start3A_511 : memref<1x40x128xf32, #tpu.memory_space<vmem>> -> memref<40x128xf32, #tpu.memory_space<vmem>>
      tpu.enqueue_dma source(%dma_start3A_512 : memref<40x128xf32, #tpu.memory_space<vmem>>) target(%dma_start3A_508 : memref<40x128xf32, #tpu.memory_space<vmem_shared>>) target_semaphore(%run_scoped3A_500 : memref<!tpu.dma_semaphore, #tpu.memory_space<semaphore_mem>>)
      %dma_wait3A_513 = arith.constant 0 : i32
      %dma_wait3A_514 = arith.constant 0 : i32
      %dma_wait3A_515 = tpu.memref_slice %arg8[%run_scoped3A_42, %dma_wait3A_513, %dma_wait3A_514] : memref<4x40x128xf32, #tpu.memory_space<vmem>> -> memref<1x40x128xf32, #tpu.memory_space<vmem>>
      %dma_wait3A_516 = tpu.memref_squeeze %dma_wait3A_515 : memref<1x40x128xf32, #tpu.memory_space<vmem>> -> memref<40x128xf32, #tpu.memory_space<vmem>>
      %dma_wait3A_517 = arith.constant 0 : i32
      %dma_wait3A_518 = tpu.memref_slice %arg10[%add3A_41, %dma_wait3A_517] : memref<10112x128xf32, #tpu.memory_space<vmem_shared>> -> memref<40x128xf32, #tpu.memory_space<vmem_shared>>
      %dma_wait3A_519 = arith.constant 0 : i32
      %dma_wait3A_520 = tpu.memref_slice %arg10[%add3A_41, %dma_wait3A_519] : memref<10112x128xf32, #tpu.memory_space<vmem_shared>> -> memref<40x128xf32, #tpu.memory_space<vmem_shared>>
      %dma_wait3A_521 = arith.constant 0 : i32
      %dma_wait3A_522 = arith.constant 0 : i32
      %dma_wait3A_523 = tpu.memref_slice %arg8[%run_scoped3A_42, %dma_wait3A_521, %dma_wait3A_522] : memref<4x40x128xf32, #tpu.memory_space<vmem>> -> memref<1x40x128xf32, #tpu.memory_space<vmem>>
      %dma_wait3A_524 = tpu.memref_squeeze %dma_wait3A_523 : memref<1x40x128xf32, #tpu.memory_space<vmem>> -> memref<40x128xf32, #tpu.memory_space<vmem>>
      tpu.wait_dma2 semaphore(%run_scoped3A_500 : memref<!tpu.dma_semaphore, #tpu.memory_space<semaphore_mem>>) src(%dma_wait3A_524 : memref<40x128xf32, #tpu.memory_space<vmem>>) dst(%dma_wait3A_520 : memref<40x128xf32, #tpu.memory_space<vmem_shared>>)
      tpu.yield
    }) : () -> ()
    %add3A_43 = arith.constant 440 : i32
    %add3A_44 = arith.addi %mul3A_10, %add3A_43 : i32
    %run_scoped3A_45 = arith.constant 0 : i32
    "tpu.region"() ({
      %run_scoped3A_500 = tpu.sem_alloc : memref<!tpu.dma_semaphore, #tpu.memory_space<semaphore_mem>>
      %dma_start3A_501 = arith.constant 0 : i32
      %dma_start3A_502 = arith.constant 0 : i32
      %dma_start3A_503 = tpu.memref_slice %arg8[%run_scoped3A_45, %dma_start3A_501, %dma_start3A_502] : memref<4x40x128xf32, #tpu.memory_space<vmem>> -> memref<1x40x128xf32, #tpu.memory_space<vmem>>
      %dma_start3A_504 = tpu.memref_squeeze %dma_start3A_503 : memref<1x40x128xf32, #tpu.memory_space<vmem>> -> memref<40x128xf32, #tpu.memory_space<vmem>>
      %dma_start3A_505 = arith.constant 0 : i32
      %dma_start3A_506 = tpu.memref_slice %arg10[%add3A_44, %dma_start3A_505] : memref<10112x128xf32, #tpu.memory_space<vmem_shared>> -> memref<40x128xf32, #tpu.memory_space<vmem_shared>>
      %dma_start3A_507 = arith.constant 0 : i32
      %dma_start3A_508 = tpu.memref_slice %arg10[%add3A_44, %dma_start3A_507] : memref<10112x128xf32, #tpu.memory_space<vmem_shared>> -> memref<40x128xf32, #tpu.memory_space<vmem_shared>>
      %dma_start3A_509 = arith.constant 0 : i32
      %dma_start3A_510 = arith.constant 0 : i32
      %dma_start3A_511 = tpu.memref_slice %arg8[%run_scoped3A_45, %dma_start3A_509, %dma_start3A_510] : memref<4x40x128xf32, #tpu.memory_space<vmem>> -> memref<1x40x128xf32, #tpu.memory_space<vmem>>
      %dma_start3A_512 = tpu.memref_squeeze %dma_start3A_511 : memref<1x40x128xf32, #tpu.memory_space<vmem>> -> memref<40x128xf32, #tpu.memory_space<vmem>>
      tpu.enqueue_dma source(%dma_start3A_512 : memref<40x128xf32, #tpu.memory_space<vmem>>) target(%dma_start3A_508 : memref<40x128xf32, #tpu.memory_space<vmem_shared>>) target_semaphore(%run_scoped3A_500 : memref<!tpu.dma_semaphore, #tpu.memory_space<semaphore_mem>>)
      %dma_wait3A_513 = arith.constant 0 : i32
      %dma_wait3A_514 = arith.constant 0 : i32
      %dma_wait3A_515 = tpu.memref_slice %arg8[%run_scoped3A_45, %dma_wait3A_513, %dma_wait3A_514] : memref<4x40x128xf32, #tpu.memory_space<vmem>> -> memref<1x40x128xf32, #tpu.memory_space<vmem>>
      %dma_wait3A_516 = tpu.memref_squeeze %dma_wait3A_515 : memref<1x40x128xf32, #tpu.memory_space<vmem>> -> memref<40x128xf32, #tpu.memory_space<vmem>>
      %dma_wait3A_517 = arith.constant 0 : i32
      %dma_wait3A_518 = tpu.memref_slice %arg10[%add3A_44, %dma_wait3A_517] : memref<10112x128xf32, #tpu.memory_space<vmem_shared>> -> memref<40x128xf32, #tpu.memory_space<vmem_shared>>
      %dma_wait3A_519 = arith.constant 0 : i32
      %dma_wait3A_520 = tpu.memref_slice %arg10[%add3A_44, %dma_wait3A_519] : memref<10112x128xf32, #tpu.memory_space<vmem_shared>> -> memref<40x128xf32, #tpu.memory_space<vmem_shared>>
      %dma_wait3A_521 = arith.constant 0 : i32
      %dma_wait3A_522 = arith.constant 0 : i32
      %dma_wait3A_523 = tpu.memref_slice %arg8[%run_scoped3A_45, %dma_wait3A_521, %dma_wait3A_522] : memref<4x40x128xf32, #tpu.memory_space<vmem>> -> memref<1x40x128xf32, #tpu.memory_space<vmem>>
      %dma_wait3A_524 = tpu.memref_squeeze %dma_wait3A_523 : memref<1x40x128xf32, #tpu.memory_space<vmem>> -> memref<40x128xf32, #tpu.memory_space<vmem>>
      tpu.wait_dma2 semaphore(%run_scoped3A_500 : memref<!tpu.dma_semaphore, #tpu.memory_space<semaphore_mem>>) src(%dma_wait3A_524 : memref<40x128xf32, #tpu.memory_space<vmem>>) dst(%dma_wait3A_520 : memref<40x128xf32, #tpu.memory_space<vmem_shared>>)
      tpu.yield
    }) : () -> ()
    %add3A_46 = arith.constant 480 : i32
    %add3A_47 = arith.addi %mul3A_10, %add3A_46 : i32
    %run_scoped3A_48 = arith.constant 0 : i32
    "tpu.region"() ({
      %run_scoped3A_500 = tpu.sem_alloc : memref<!tpu.dma_semaphore, #tpu.memory_space<semaphore_mem>>
      %dma_start3A_501 = arith.constant 0 : i32
      %dma_start3A_502 = arith.constant 0 : i32
      %dma_start3A_503 = tpu.memref_slice %arg8[%run_scoped3A_48, %dma_start3A_501, %dma_start3A_502] : memref<4x40x128xf32, #tpu.memory_space<vmem>> -> memref<1x40x128xf32, #tpu.memory_space<vmem>>
      %dma_start3A_504 = tpu.memref_squeeze %dma_start3A_503 : memref<1x40x128xf32, #tpu.memory_space<vmem>> -> memref<40x128xf32, #tpu.memory_space<vmem>>
      %dma_start3A_505 = arith.constant 0 : i32
      %dma_start3A_506 = tpu.memref_slice %arg10[%add3A_47, %dma_start3A_505] : memref<10112x128xf32, #tpu.memory_space<vmem_shared>> -> memref<40x128xf32, #tpu.memory_space<vmem_shared>>
      %dma_start3A_507 = arith.constant 0 : i32
      %dma_start3A_508 = tpu.memref_slice %arg10[%add3A_47, %dma_start3A_507] : memref<10112x128xf32, #tpu.memory_space<vmem_shared>> -> memref<40x128xf32, #tpu.memory_space<vmem_shared>>
      %dma_start3A_509 = arith.constant 0 : i32
      %dma_start3A_510 = arith.constant 0 : i32
      %dma_start3A_511 = tpu.memref_slice %arg8[%run_scoped3A_48, %dma_start3A_509, %dma_start3A_510] : memref<4x40x128xf32, #tpu.memory_space<vmem>> -> memref<1x40x128xf32, #tpu.memory_space<vmem>>
      %dma_start3A_512 = tpu.memref_squeeze %dma_start3A_511 : memref<1x40x128xf32, #tpu.memory_space<vmem>> -> memref<40x128xf32, #tpu.memory_space<vmem>>
      tpu.enqueue_dma source(%dma_start3A_512 : memref<40x128xf32, #tpu.memory_space<vmem>>) target(%dma_start3A_508 : memref<40x128xf32, #tpu.memory_space<vmem_shared>>) target_semaphore(%run_scoped3A_500 : memref<!tpu.dma_semaphore, #tpu.memory_space<semaphore_mem>>)
      %dma_wait3A_513 = arith.constant 0 : i32
      %dma_wait3A_514 = arith.constant 0 : i32
      %dma_wait3A_515 = tpu.memref_slice %arg8[%run_scoped3A_48, %dma_wait3A_513, %dma_wait3A_514] : memref<4x40x128xf32, #tpu.memory_space<vmem>> -> memref<1x40x128xf32, #tpu.memory_space<vmem>>
      %dma_wait3A_516 = tpu.memref_squeeze %dma_wait3A_515 : memref<1x40x128xf32, #tpu.memory_space<vmem>> -> memref<40x128xf32, #tpu.memory_space<vmem>>
      %dma_wait3A_517 = arith.constant 0 : i32
      %dma_wait3A_518 = tpu.memref_slice %arg10[%add3A_47, %dma_wait3A_517] : memref<10112x128xf32, #tpu.memory_space<vmem_shared>> -> memref<40x128xf32, #tpu.memory_space<vmem_shared>>
      %dma_wait3A_519 = arith.constant 0 : i32
      %dma_wait3A_520 = tpu.memref_slice %arg10[%add3A_47, %dma_wait3A_519] : memref<10112x128xf32, #tpu.memory_space<vmem_shared>> -> memref<40x128xf32, #tpu.memory_space<vmem_shared>>
      %dma_wait3A_521 = arith.constant 0 : i32
      %dma_wait3A_522 = arith.constant 0 : i32
      %dma_wait3A_523 = tpu.memref_slice %arg8[%run_scoped3A_48, %dma_wait3A_521, %dma_wait3A_522] : memref<4x40x128xf32, #tpu.memory_space<vmem>> -> memref<1x40x128xf32, #tpu.memory_space<vmem>>
      %dma_wait3A_524 = tpu.memref_squeeze %dma_wait3A_523 : memref<1x40x128xf32, #tpu.memory_space<vmem>> -> memref<40x128xf32, #tpu.memory_space<vmem>>
      tpu.wait_dma2 semaphore(%run_scoped3A_500 : memref<!tpu.dma_semaphore, #tpu.memory_space<semaphore_mem>>) src(%dma_wait3A_524 : memref<40x128xf32, #tpu.memory_space<vmem>>) dst(%dma_wait3A_520 : memref<40x128xf32, #tpu.memory_space<vmem_shared>>)
      tpu.yield
    }) : () -> ()
    %add3A_49 = arith.constant 520 : i32
    %add3A_50 = arith.addi %mul3A_10, %add3A_49 : i32
    %run_scoped3A_51 = arith.constant 0 : i32
    "tpu.region"() ({
      %run_scoped3A_500 = tpu.sem_alloc : memref<!tpu.dma_semaphore, #tpu.memory_space<semaphore_mem>>
      %dma_start3A_501 = arith.constant 0 : i32
      %dma_start3A_502 = arith.constant 0 : i32
      %dma_start3A_503 = tpu.memref_slice %arg8[%run_scoped3A_51, %dma_start3A_501, %dma_start3A_502] : memref<4x40x128xf32, #tpu.memory_space<vmem>> -> memref<1x40x128xf32, #tpu.memory_space<vmem>>
      %dma_start3A_504 = tpu.memref_squeeze %dma_start3A_503 : memref<1x40x128xf32, #tpu.memory_space<vmem>> -> memref<40x128xf32, #tpu.memory_space<vmem>>
      %dma_start3A_505 = arith.constant 0 : i32
      %dma_start3A_506 = tpu.memref_slice %arg10[%add3A_50, %dma_start3A_505] : memref<10112x128xf32, #tpu.memory_space<vmem_shared>> -> memref<40x128xf32, #tpu.memory_space<vmem_shared>>
      %dma_start3A_507 = arith.constant 0 : i32
      %dma_start3A_508 = tpu.memref_slice %arg10[%add3A_50, %dma_start3A_507] : memref<10112x128xf32, #tpu.memory_space<vmem_shared>> -> memref<40x128xf32, #tpu.memory_space<vmem_shared>>
      %dma_start3A_509 = arith.constant 0 : i32
      %dma_start3A_510 = arith.constant 0 : i32
      %dma_start3A_511 = tpu.memref_slice %arg8[%run_scoped3A_51, %dma_start3A_509, %dma_start3A_510] : memref<4x40x128xf32, #tpu.memory_space<vmem>> -> memref<1x40x128xf32, #tpu.memory_space<vmem>>
      %dma_start3A_512 = tpu.memref_squeeze %dma_start3A_511 : memref<1x40x128xf32, #tpu.memory_space<vmem>> -> memref<40x128xf32, #tpu.memory_space<vmem>>
      tpu.enqueue_dma source(%dma_start3A_512 : memref<40x128xf32, #tpu.memory_space<vmem>>) target(%dma_start3A_508 : memref<40x128xf32, #tpu.memory_space<vmem_shared>>) target_semaphore(%run_scoped3A_500 : memref<!tpu.dma_semaphore, #tpu.memory_space<semaphore_mem>>)
      %dma_wait3A_513 = arith.constant 0 : i32
      %dma_wait3A_514 = arith.constant 0 : i32
      %dma_wait3A_515 = tpu.memref_slice %arg8[%run_scoped3A_51, %dma_wait3A_513, %dma_wait3A_514] : memref<4x40x128xf32, #tpu.memory_space<vmem>> -> memref<1x40x128xf32, #tpu.memory_space<vmem>>
      %dma_wait3A_516 = tpu.memref_squeeze %dma_wait3A_515 : memref<1x40x128xf32, #tpu.memory_space<vmem>> -> memref<40x128xf32, #tpu.memory_space<vmem>>
      %dma_wait3A_517 = arith.constant 0 : i32
      %dma_wait3A_518 = tpu.memref_slice %arg10[%add3A_50, %dma_wait3A_517] : memref<10112x128xf32, #tpu.memory_space<vmem_shared>> -> memref<40x128xf32, #tpu.memory_space<vmem_shared>>
      %dma_wait3A_519 = arith.constant 0 : i32
      %dma_wait3A_520 = tpu.memref_slice %arg10[%add3A_50, %dma_wait3A_519] : memref<10112x128xf32, #tpu.memory_space<vmem_shared>> -> memref<40x128xf32, #tpu.memory_space<vmem_shared>>
      %dma_wait3A_521 = arith.constant 0 : i32
      %dma_wait3A_522 = arith.constant 0 : i32
      %dma_wait3A_523 = tpu.memref_slice %arg8[%run_scoped3A_51, %dma_wait3A_521, %dma_wait3A_522] : memref<4x40x128xf32, #tpu.memory_space<vmem>> -> memref<1x40x128xf32, #tpu.memory_space<vmem>>
      %dma_wait3A_524 = tpu.memref_squeeze %dma_wait3A_523 : memref<1x40x128xf32, #tpu.memory_space<vmem>> -> memref<40x128xf32, #tpu.memory_space<vmem>>
      tpu.wait_dma2 semaphore(%run_scoped3A_500 : memref<!tpu.dma_semaphore, #tpu.memory_space<semaphore_mem>>) src(%dma_wait3A_524 : memref<40x128xf32, #tpu.memory_space<vmem>>) dst(%dma_wait3A_520 : memref<40x128xf32, #tpu.memory_space<vmem_shared>>)
      tpu.yield
    }) : () -> ()
    %add3A_52 = arith.constant 560 : i32
    %add3A_53 = arith.addi %mul3A_10, %add3A_52 : i32
    %run_scoped3A_54 = arith.constant 0 : i32
    "tpu.region"() ({
      %run_scoped3A_500 = tpu.sem_alloc : memref<!tpu.dma_semaphore, #tpu.memory_space<semaphore_mem>>
      %dma_start3A_501 = arith.constant 0 : i32
      %dma_start3A_502 = arith.constant 0 : i32
      %dma_start3A_503 = tpu.memref_slice %arg8[%run_scoped3A_54, %dma_start3A_501, %dma_start3A_502] : memref<4x40x128xf32, #tpu.memory_space<vmem>> -> memref<1x40x128xf32, #tpu.memory_space<vmem>>
      %dma_start3A_504 = tpu.memref_squeeze %dma_start3A_503 : memref<1x40x128xf32, #tpu.memory_space<vmem>> -> memref<40x128xf32, #tpu.memory_space<vmem>>
      %dma_start3A_505 = arith.constant 0 : i32
      %dma_start3A_506 = tpu.memref_slice %arg10[%add3A_53, %dma_start3A_505] : memref<10112x128xf32, #tpu.memory_space<vmem_shared>> -> memref<40x128xf32, #tpu.memory_space<vmem_shared>>
      %dma_start3A_507 = arith.constant 0 : i32
      %dma_start3A_508 = tpu.memref_slice %arg10[%add3A_53, %dma_start3A_507] : memref<10112x128xf32, #tpu.memory_space<vmem_shared>> -> memref<40x128xf32, #tpu.memory_space<vmem_shared>>
      %dma_start3A_509 = arith.constant 0 : i32
      %dma_start3A_510 = arith.constant 0 : i32
      %dma_start3A_511 = tpu.memref_slice %arg8[%run_scoped3A_54, %dma_start3A_509, %dma_start3A_510] : memref<4x40x128xf32, #tpu.memory_space<vmem>> -> memref<1x40x128xf32, #tpu.memory_space<vmem>>
      %dma_start3A_512 = tpu.memref_squeeze %dma_start3A_511 : memref<1x40x128xf32, #tpu.memory_space<vmem>> -> memref<40x128xf32, #tpu.memory_space<vmem>>
      tpu.enqueue_dma source(%dma_start3A_512 : memref<40x128xf32, #tpu.memory_space<vmem>>) target(%dma_start3A_508 : memref<40x128xf32, #tpu.memory_space<vmem_shared>>) target_semaphore(%run_scoped3A_500 : memref<!tpu.dma_semaphore, #tpu.memory_space<semaphore_mem>>)
      %dma_wait3A_513 = arith.constant 0 : i32
      %dma_wait3A_514 = arith.constant 0 : i32
      %dma_wait3A_515 = tpu.memref_slice %arg8[%run_scoped3A_54, %dma_wait3A_513, %dma_wait3A_514] : memref<4x40x128xf32, #tpu.memory_space<vmem>> -> memref<1x40x128xf32, #tpu.memory_space<vmem>>
      %dma_wait3A_516 = tpu.memref_squeeze %dma_wait3A_515 : memref<1x40x128xf32, #tpu.memory_space<vmem>> -> memref<40x128xf32, #tpu.memory_space<vmem>>
      %dma_wait3A_517 = arith.constant 0 : i32
      %dma_wait3A_518 = tpu.memref_slice %arg10[%add3A_53, %dma_wait3A_517] : memref<10112x128xf32, #tpu.memory_space<vmem_shared>> -> memref<40x128xf32, #tpu.memory_space<vmem_shared>>
      %dma_wait3A_519 = arith.constant 0 : i32
      %dma_wait3A_520 = tpu.memref_slice %arg10[%add3A_53, %dma_wait3A_519] : memref<10112x128xf32, #tpu.memory_space<vmem_shared>> -> memref<40x128xf32, #tpu.memory_space<vmem_shared>>
      %dma_wait3A_521 = arith.constant 0 : i32
      %dma_wait3A_522 = arith.constant 0 : i32
      %dma_wait3A_523 = tpu.memref_slice %arg8[%run_scoped3A_54, %dma_wait3A_521, %dma_wait3A_522] : memref<4x40x128xf32, #tpu.memory_space<vmem>> -> memref<1x40x128xf32, #tpu.memory_space<vmem>>
      %dma_wait3A_524 = tpu.memref_squeeze %dma_wait3A_523 : memref<1x40x128xf32, #tpu.memory_space<vmem>> -> memref<40x128xf32, #tpu.memory_space<vmem>>
      tpu.wait_dma2 semaphore(%run_scoped3A_500 : memref<!tpu.dma_semaphore, #tpu.memory_space<semaphore_mem>>) src(%dma_wait3A_524 : memref<40x128xf32, #tpu.memory_space<vmem>>) dst(%dma_wait3A_520 : memref<40x128xf32, #tpu.memory_space<vmem_shared>>)
      tpu.yield
    }) : () -> ()
    %add3A_55 = arith.constant 600 : i32
    %add3A_56 = arith.addi %mul3A_10, %add3A_55 : i32
    %run_scoped3A_57 = arith.constant 0 : i32
    "tpu.region"() ({
      %run_scoped3A_500 = tpu.sem_alloc : memref<!tpu.dma_semaphore, #tpu.memory_space<semaphore_mem>>
      %dma_start3A_501 = arith.constant 0 : i32
      %dma_start3A_502 = arith.constant 0 : i32
      %dma_start3A_503 = tpu.memref_slice %arg8[%run_scoped3A_57, %dma_start3A_501, %dma_start3A_502] : memref<4x40x128xf32, #tpu.memory_space<vmem>> -> memref<1x32x128xf32, #tpu.memory_space<vmem>>
      %dma_start3A_504 = tpu.memref_squeeze %dma_start3A_503 : memref<1x32x128xf32, #tpu.memory_space<vmem>> -> memref<32x128xf32, #tpu.memory_space<vmem>>
      %dma_start3A_505 = arith.constant 0 : i32
      %dma_start3A_506 = tpu.memref_slice %arg10[%add3A_56, %dma_start3A_505] : memref<10112x128xf32, #tpu.memory_space<vmem_shared>> -> memref<32x128xf32, #tpu.memory_space<vmem_shared>>
      %dma_start3A_507 = arith.constant 0 : i32
      %dma_start3A_508 = tpu.memref_slice %arg10[%add3A_56, %dma_start3A_507] : memref<10112x128xf32, #tpu.memory_space<vmem_shared>> -> memref<32x128xf32, #tpu.memory_space<vmem_shared>>
      %dma_start3A_509 = arith.constant 0 : i32
      %dma_start3A_510 = arith.constant 0 : i32
      %dma_start3A_511 = tpu.memref_slice %arg8[%run_scoped3A_57, %dma_start3A_509, %dma_start3A_510] : memref<4x40x128xf32, #tpu.memory_space<vmem>> -> memref<1x32x128xf32, #tpu.memory_space<vmem>>
      %dma_start3A_512 = tpu.memref_squeeze %dma_start3A_511 : memref<1x32x128xf32, #tpu.memory_space<vmem>> -> memref<32x128xf32, #tpu.memory_space<vmem>>
      tpu.enqueue_dma source(%dma_start3A_512 : memref<32x128xf32, #tpu.memory_space<vmem>>) target(%dma_start3A_508 : memref<32x128xf32, #tpu.memory_space<vmem_shared>>) target_semaphore(%run_scoped3A_500 : memref<!tpu.dma_semaphore, #tpu.memory_space<semaphore_mem>>)
      %dma_wait3A_513 = arith.constant 0 : i32
      %dma_wait3A_514 = arith.constant 0 : i32
      %dma_wait3A_515 = tpu.memref_slice %arg8[%run_scoped3A_57, %dma_wait3A_513, %dma_wait3A_514] : memref<4x40x128xf32, #tpu.memory_space<vmem>> -> memref<1x32x128xf32, #tpu.memory_space<vmem>>
      %dma_wait3A_516 = tpu.memref_squeeze %dma_wait3A_515 : memref<1x32x128xf32, #tpu.memory_space<vmem>> -> memref<32x128xf32, #tpu.memory_space<vmem>>
      %dma_wait3A_517 = arith.constant 0 : i32
      %dma_wait3A_518 = tpu.memref_slice %arg10[%add3A_56, %dma_wait3A_517] : memref<10112x128xf32, #tpu.memory_space<vmem_shared>> -> memref<32x128xf32, #tpu.memory_space<vmem_shared>>
      %dma_wait3A_519 = arith.constant 0 : i32
      %dma_wait3A_520 = tpu.memref_slice %arg10[%add3A_56, %dma_wait3A_519] : memref<10112x128xf32, #tpu.memory_space<vmem_shared>> -> memref<32x128xf32, #tpu.memory_space<vmem_shared>>
      %dma_wait3A_521 = arith.constant 0 : i32
      %dma_wait3A_522 = arith.constant 0 : i32
      %dma_wait3A_523 = tpu.memref_slice %arg8[%run_scoped3A_57, %dma_wait3A_521, %dma_wait3A_522] : memref<4x40x128xf32, #tpu.memory_space<vmem>> -> memref<1x32x128xf32, #tpu.memory_space<vmem>>
      %dma_wait3A_524 = tpu.memref_squeeze %dma_wait3A_523 : memref<1x32x128xf32, #tpu.memory_space<vmem>> -> memref<32x128xf32, #tpu.memory_space<vmem>>
      tpu.wait_dma2 semaphore(%run_scoped3A_500 : memref<!tpu.dma_semaphore, #tpu.memory_space<semaphore_mem>>) src(%dma_wait3A_524 : memref<32x128xf32, #tpu.memory_space<vmem>>) dst(%dma_wait3A_520 : memref<32x128xf32, #tpu.memory_space<vmem_shared>>)
      tpu.yield
    }) : () -> ()
    %barrier3A = arith.constant 0 : index
    tpu.barrier barrier_id(%barrier3A)
    %add3A_58 = arith.constant 0 : i32
    %add3A_59 = arith.addi %mul3A_2, %add3A_58 : i32
    %add3A_60 = arith.constant 320000 : i32
    %add3A_61 = arith.addi %add3A_60, %add3A_59 : i32
    %dma_start3A = arith.constant 0 : i32
    %dma_start3A_62 = arith.constant 0 : i32
    %dma_start3A_63 = arith.constant 0 : i32
    %dma_start3A_64 = tpu.memref_slice %arg6[%dma_start3A, %dma_start3A_63] : memref<4x40xi32, #tpu.memory_space<vmem>> -> memref<1x40xi32, #tpu.memory_space<vmem>>
    %dma_start3A_65 = tpu.memref_squeeze %dma_start3A_64 : memref<1x40xi32, #tpu.memory_space<vmem>> -> memref<40xi32, #tpu.memory_space<vmem>>
    %dma_start3A_66 = tpu.memref_slice %arg3[%add3A_59] : memref<640000xi32, #tpu.memory_space<hbm>> -> memref<40xi32, #tpu.memory_space<hbm>>
    %dma_start3A_67 = tpu.memref_slice %arg11[%dma_start3A_62] : memref<4x!tpu.dma_semaphore, #tpu.memory_space<semaphore_mem>> -> memref<1x!tpu.dma_semaphore, #tpu.memory_space<semaphore_mem>>
    %dma_start3A_68 = tpu.memref_squeeze %dma_start3A_67 : memref<1x!tpu.dma_semaphore, #tpu.memory_space<semaphore_mem>> -> memref<!tpu.dma_semaphore, #tpu.memory_space<semaphore_mem>>
    %dma_start3A_69 = arith.constant 0 : i32
    %dma_start3A_70 = tpu.memref_slice %arg6[%dma_start3A, %dma_start3A_69] : memref<4x40xi32, #tpu.memory_space<vmem>> -> memref<1x40xi32, #tpu.memory_space<vmem>>
    %dma_start3A_71 = tpu.memref_squeeze %dma_start3A_70 : memref<1x40xi32, #tpu.memory_space<vmem>> -> memref<40xi32, #tpu.memory_space<vmem>>
    %dma_start3A_72 = tpu.memref_slice %arg3[%add3A_59] : memref<640000xi32, #tpu.memory_space<hbm>> -> memref<40xi32, #tpu.memory_space<hbm>>
    tpu.enqueue_dma source(%dma_start3A_72 : memref<40xi32, #tpu.memory_space<hbm>>) target(%dma_start3A_71 : memref<40xi32, #tpu.memory_space<vmem>>) target_semaphore(%dma_start3A_68 : memref<!tpu.dma_semaphore, #tpu.memory_space<semaphore_mem>>)
    %dma_start3A_73 = arith.constant 0 : i32
    %dma_start3A_74 = arith.constant 0 : i32
    %dma_start3A_75 = arith.constant 0 : i32
    %dma_start3A_76 = tpu.memref_slice %arg7[%dma_start3A_73, %dma_start3A_75] : memref<4x40xi32, #tpu.memory_space<vmem>> -> memref<1x40xi32, #tpu.memory_space<vmem>>
    %dma_start3A_77 = tpu.memref_squeeze %dma_start3A_76 : memref<1x40xi32, #tpu.memory_space<vmem>> -> memref<40xi32, #tpu.memory_space<vmem>>
    %dma_start3A_78 = tpu.memref_slice %arg3[%add3A_61] : memref<640000xi32, #tpu.memory_space<hbm>> -> memref<40xi32, #tpu.memory_space<hbm>>
    %dma_start3A_79 = tpu.memref_slice %arg11[%dma_start3A_74] : memref<4x!tpu.dma_semaphore, #tpu.memory_space<semaphore_mem>> -> memref<1x!tpu.dma_semaphore, #tpu.memory_space<semaphore_mem>>
    %dma_start3A_80 = tpu.memref_squeeze %dma_start3A_79 : memref<1x!tpu.dma_semaphore, #tpu.memory_space<semaphore_mem>> -> memref<!tpu.dma_semaphore, #tpu.memory_space<semaphore_mem>>
    %dma_start3A_81 = arith.constant 0 : i32
    %dma_start3A_82 = tpu.memref_slice %arg7[%dma_start3A_73, %dma_start3A_81] : memref<4x40xi32, #tpu.memory_space<vmem>> -> memref<1x40xi32, #tpu.memory_space<vmem>>
    %dma_start3A_83 = tpu.memref_squeeze %dma_start3A_82 : memref<1x40xi32, #tpu.memory_space<vmem>> -> memref<40xi32, #tpu.memory_space<vmem>>
    %dma_start3A_84 = tpu.memref_slice %arg3[%add3A_61] : memref<640000xi32, #tpu.memory_space<hbm>> -> memref<40xi32, #tpu.memory_space<hbm>>
    tpu.enqueue_dma source(%dma_start3A_84 : memref<40xi32, #tpu.memory_space<hbm>>) target(%dma_start3A_83 : memref<40xi32, #tpu.memory_space<vmem>>) target_semaphore(%dma_start3A_80 : memref<!tpu.dma_semaphore, #tpu.memory_space<semaphore_mem>>)
    %dma_start3A_85 = arith.constant 0 : i32
    %dma_start3A_86 = arith.constant 0 : i32
    %dma_start3A_87 = arith.constant 0 : i32
    %dma_start3A_88 = arith.constant 0 : i32
    %dma_start3A_89 = tpu.memref_slice %arg9[%dma_start3A_85, %dma_start3A_87, %dma_start3A_88] : memref<4x40x64xi32, #tpu.memory_space<vmem>> -> memref<1x40x64xi32, #tpu.memory_space<vmem>>
    %dma_start3A_90 = tpu.memref_squeeze %dma_start3A_89 : memref<1x40x64xi32, #tpu.memory_space<vmem>> -> memref<40x64xi32, #tpu.memory_space<vmem>>
    %dma_start3A_91 = arith.constant 0 : i32
    %dma_start3A_92 = tpu.memref_slice %arg4[%add3A_59, %dma_start3A_91] : memref<320000x64xi32, #tpu.memory_space<hbm>> -> memref<40x64xi32, #tpu.memory_space<hbm>>
    %dma_start3A_93 = tpu.memref_slice %arg11[%dma_start3A_86] : memref<4x!tpu.dma_semaphore, #tpu.memory_space<semaphore_mem>> -> memref<1x!tpu.dma_semaphore, #tpu.memory_space<semaphore_mem>>
    %dma_start3A_94 = tpu.memref_squeeze %dma_start3A_93 : memref<1x!tpu.dma_semaphore, #tpu.memory_space<semaphore_mem>> -> memref<!tpu.dma_semaphore, #tpu.memory_space<semaphore_mem>>
    %dma_start3A_95 = arith.constant 0 : i32
    %dma_start3A_96 = arith.constant 0 : i32
    %dma_start3A_97 = tpu.memref_slice %arg9[%dma_start3A_85, %dma_start3A_95, %dma_start3A_96] : memref<4x40x64xi32, #tpu.memory_space<vmem>> -> memref<1x40x64xi32, #tpu.memory_space<vmem>>
    %dma_start3A_98 = tpu.memref_squeeze %dma_start3A_97 : memref<1x40x64xi32, #tpu.memory_space<vmem>> -> memref<40x64xi32, #tpu.memory_space<vmem>>
    %dma_start3A_99 = arith.constant 0 : i32
    %dma_start3A_100 = tpu.memref_slice %arg4[%add3A_59, %dma_start3A_99] : memref<320000x64xi32, #tpu.memory_space<hbm>> -> memref<40x64xi32, #tpu.memory_space<hbm>>
    tpu.enqueue_dma source(%dma_start3A_100 : memref<40x64xi32, #tpu.memory_space<hbm>>) target(%dma_start3A_98 : memref<40x64xi32, #tpu.memory_space<vmem>>) target_semaphore(%dma_start3A_94 : memref<!tpu.dma_semaphore, #tpu.memory_space<semaphore_mem>>)
    %add3A_101 = arith.constant 40 : i32
    %add3A_102 = arith.addi %mul3A_2, %add3A_101 : i32
    %add3A_103 = arith.constant 320000 : i32
    %add3A_104 = arith.addi %add3A_103, %add3A_102 : i32
    %dma_start3A_105 = arith.constant 1 : i32
    %dma_start3A_106 = arith.constant 1 : i32
    %dma_start3A_107 = arith.constant 0 : i32
    %dma_start3A_108 = tpu.memref_slice %arg6[%dma_start3A_105, %dma_start3A_107] : memref<4x40xi32, #tpu.memory_space<vmem>> -> memref<1x40xi32, #tpu.memory_space<vmem>>
    %dma_start3A_109 = tpu.memref_squeeze %dma_start3A_108 : memref<1x40xi32, #tpu.memory_space<vmem>> -> memref<40xi32, #tpu.memory_space<vmem>>
    %dma_start3A_110 = tpu.memref_slice %arg3[%add3A_102] : memref<640000xi32, #tpu.memory_space<hbm>> -> memref<40xi32, #tpu.memory_space<hbm>>
    %dma_start3A_111 = tpu.memref_slice %arg11[%dma_start3A_106] : memref<4x!tpu.dma_semaphore, #tpu.memory_space<semaphore_mem>> -> memref<1x!tpu.dma_semaphore, #tpu.memory_space<semaphore_mem>>
    %dma_start3A_112 = tpu.memref_squeeze %dma_start3A_111 : memref<1x!tpu.dma_semaphore, #tpu.memory_space<semaphore_mem>> -> memref<!tpu.dma_semaphore, #tpu.memory_space<semaphore_mem>>
    %dma_start3A_113 = arith.constant 0 : i32
    %dma_start3A_114 = tpu.memref_slice %arg6[%dma_start3A_105, %dma_start3A_113] : memref<4x40xi32, #tpu.memory_space<vmem>> -> memref<1x40xi32, #tpu.memory_space<vmem>>
    %dma_start3A_115 = tpu.memref_squeeze %dma_start3A_114 : memref<1x40xi32, #tpu.memory_space<vmem>> -> memref<40xi32, #tpu.memory_space<vmem>>
    %dma_start3A_116 = tpu.memref_slice %arg3[%add3A_102] : memref<640000xi32, #tpu.memory_space<hbm>> -> memref<40xi32, #tpu.memory_space<hbm>>
    tpu.enqueue_dma source(%dma_start3A_116 : memref<40xi32, #tpu.memory_space<hbm>>) target(%dma_start3A_115 : memref<40xi32, #tpu.memory_space<vmem>>) target_semaphore(%dma_start3A_112 : memref<!tpu.dma_semaphore, #tpu.memory_space<semaphore_mem>>)
    %dma_start3A_117 = arith.constant 1 : i32
    %dma_start3A_118 = arith.constant 1 : i32
    %dma_start3A_119 = arith.constant 0 : i32
    %dma_start3A_120 = tpu.memref_slice %arg7[%dma_start3A_117, %dma_start3A_119] : memref<4x40xi32, #tpu.memory_space<vmem>> -> memref<1x40xi32, #tpu.memory_space<vmem>>
    %dma_start3A_121 = tpu.memref_squeeze %dma_start3A_120 : memref<1x40xi32, #tpu.memory_space<vmem>> -> memref<40xi32, #tpu.memory_space<vmem>>
    %dma_start3A_122 = tpu.memref_slice %arg3[%add3A_104] : memref<640000xi32, #tpu.memory_space<hbm>> -> memref<40xi32, #tpu.memory_space<hbm>>
    %dma_start3A_123 = tpu.memref_slice %arg11[%dma_start3A_118] : memref<4x!tpu.dma_semaphore, #tpu.memory_space<semaphore_mem>> -> memref<1x!tpu.dma_semaphore, #tpu.memory_space<semaphore_mem>>
    %dma_start3A_124 = tpu.memref_squeeze %dma_start3A_123 : memref<1x!tpu.dma_semaphore, #tpu.memory_space<semaphore_mem>> -> memref<!tpu.dma_semaphore, #tpu.memory_space<semaphore_mem>>
    %dma_start3A_125 = arith.constant 0 : i32
    %dma_start3A_126 = tpu.memref_slice %arg7[%dma_start3A_117, %dma_start3A_125] : memref<4x40xi32, #tpu.memory_space<vmem>> -> memref<1x40xi32, #tpu.memory_space<vmem>>
    %dma_start3A_127 = tpu.memref_squeeze %dma_start3A_126 : memref<1x40xi32, #tpu.memory_space<vmem>> -> memref<40xi32, #tpu.memory_space<vmem>>
    %dma_start3A_128 = tpu.memref_slice %arg3[%add3A_104] : memref<640000xi32, #tpu.memory_space<hbm>> -> memref<40xi32, #tpu.memory_space<hbm>>
    tpu.enqueue_dma source(%dma_start3A_128 : memref<40xi32, #tpu.memory_space<hbm>>) target(%dma_start3A_127 : memref<40xi32, #tpu.memory_space<vmem>>) target_semaphore(%dma_start3A_124 : memref<!tpu.dma_semaphore, #tpu.memory_space<semaphore_mem>>)
    %dma_start3A_129 = arith.constant 1 : i32
    %dma_start3A_130 = arith.constant 1 : i32
    %dma_start3A_131 = arith.constant 0 : i32
    %dma_start3A_132 = arith.constant 0 : i32
    %dma_start3A_133 = tpu.memref_slice %arg9[%dma_start3A_129, %dma_start3A_131, %dma_start3A_132] : memref<4x40x64xi32, #tpu.memory_space<vmem>> -> memref<1x40x64xi32, #tpu.memory_space<vmem>>
    %dma_start3A_134 = tpu.memref_squeeze %dma_start3A_133 : memref<1x40x64xi32, #tpu.memory_space<vmem>> -> memref<40x64xi32, #tpu.memory_space<vmem>>
    %dma_start3A_135 = arith.constant 0 : i32
    %dma_start3A_136 = tpu.memref_slice %arg4[%add3A_102, %dma_start3A_135] : memref<320000x64xi32, #tpu.memory_space<hbm>> -> memref<40x64xi32, #tpu.memory_space<hbm>>
    %dma_start3A_137 = tpu.memref_slice %arg11[%dma_start3A_130] : memref<4x!tpu.dma_semaphore, #tpu.memory_space<semaphore_mem>> -> memref<1x!tpu.dma_semaphore, #tpu.memory_space<semaphore_mem>>
    %dma_start3A_138 = tpu.memref_squeeze %dma_start3A_137 : memref<1x!tpu.dma_semaphore, #tpu.memory_space<semaphore_mem>> -> memref<!tpu.dma_semaphore, #tpu.memory_space<semaphore_mem>>
    %dma_start3A_139 = arith.constant 0 : i32
    %dma_start3A_140 = arith.constant 0 : i32
    %dma_start3A_141 = tpu.memref_slice %arg9[%dma_start3A_129, %dma_start3A_139, %dma_start3A_140] : memref<4x40x64xi32, #tpu.memory_space<vmem>> -> memref<1x40x64xi32, #tpu.memory_space<vmem>>
    %dma_start3A_142 = tpu.memref_squeeze %dma_start3A_141 : memref<1x40x64xi32, #tpu.memory_space<vmem>> -> memref<40x64xi32, #tpu.memory_space<vmem>>
    %dma_start3A_143 = arith.constant 0 : i32
    %dma_start3A_144 = tpu.memref_slice %arg4[%add3A_102, %dma_start3A_143] : memref<320000x64xi32, #tpu.memory_space<hbm>> -> memref<40x64xi32, #tpu.memory_space<hbm>>
    tpu.enqueue_dma source(%dma_start3A_144 : memref<40x64xi32, #tpu.memory_space<hbm>>) target(%dma_start3A_142 : memref<40x64xi32, #tpu.memory_space<vmem>>) target_semaphore(%dma_start3A_138 : memref<!tpu.dma_semaphore, #tpu.memory_space<semaphore_mem>>)
    %add3A_145 = arith.constant 80 : i32
    %add3A_146 = arith.addi %mul3A_2, %add3A_145 : i32
    %add3A_147 = arith.constant 320000 : i32
    %add3A_148 = arith.addi %add3A_147, %add3A_146 : i32
    %dma_start3A_149 = arith.constant 2 : i32
    %dma_start3A_150 = arith.constant 2 : i32
    %dma_start3A_151 = arith.constant 0 : i32
    %dma_start3A_152 = tpu.memref_slice %arg6[%dma_start3A_149, %dma_start3A_151] : memref<4x40xi32, #tpu.memory_space<vmem>> -> memref<1x40xi32, #tpu.memory_space<vmem>>
    %dma_start3A_153 = tpu.memref_squeeze %dma_start3A_152 : memref<1x40xi32, #tpu.memory_space<vmem>> -> memref<40xi32, #tpu.memory_space<vmem>>
    %dma_start3A_154 = tpu.memref_slice %arg3[%add3A_146] : memref<640000xi32, #tpu.memory_space<hbm>> -> memref<40xi32, #tpu.memory_space<hbm>>
    %dma_start3A_155 = tpu.memref_slice %arg11[%dma_start3A_150] : memref<4x!tpu.dma_semaphore, #tpu.memory_space<semaphore_mem>> -> memref<1x!tpu.dma_semaphore, #tpu.memory_space<semaphore_mem>>
    %dma_start3A_156 = tpu.memref_squeeze %dma_start3A_155 : memref<1x!tpu.dma_semaphore, #tpu.memory_space<semaphore_mem>> -> memref<!tpu.dma_semaphore, #tpu.memory_space<semaphore_mem>>
    %dma_start3A_157 = arith.constant 0 : i32
    %dma_start3A_158 = tpu.memref_slice %arg6[%dma_start3A_149, %dma_start3A_157] : memref<4x40xi32, #tpu.memory_space<vmem>> -> memref<1x40xi32, #tpu.memory_space<vmem>>
    %dma_start3A_159 = tpu.memref_squeeze %dma_start3A_158 : memref<1x40xi32, #tpu.memory_space<vmem>> -> memref<40xi32, #tpu.memory_space<vmem>>
    %dma_start3A_160 = tpu.memref_slice %arg3[%add3A_146] : memref<640000xi32, #tpu.memory_space<hbm>> -> memref<40xi32, #tpu.memory_space<hbm>>
    tpu.enqueue_dma source(%dma_start3A_160 : memref<40xi32, #tpu.memory_space<hbm>>) target(%dma_start3A_159 : memref<40xi32, #tpu.memory_space<vmem>>) target_semaphore(%dma_start3A_156 : memref<!tpu.dma_semaphore, #tpu.memory_space<semaphore_mem>>)
    %dma_start3A_161 = arith.constant 2 : i32
    %dma_start3A_162 = arith.constant 2 : i32
    %dma_start3A_163 = arith.constant 0 : i32
    %dma_start3A_164 = tpu.memref_slice %arg7[%dma_start3A_161, %dma_start3A_163] : memref<4x40xi32, #tpu.memory_space<vmem>> -> memref<1x40xi32, #tpu.memory_space<vmem>>
    %dma_start3A_165 = tpu.memref_squeeze %dma_start3A_164 : memref<1x40xi32, #tpu.memory_space<vmem>> -> memref<40xi32, #tpu.memory_space<vmem>>
    %dma_start3A_166 = tpu.memref_slice %arg3[%add3A_148] : memref<640000xi32, #tpu.memory_space<hbm>> -> memref<40xi32, #tpu.memory_space<hbm>>
    %dma_start3A_167 = tpu.memref_slice %arg11[%dma_start3A_162] : memref<4x!tpu.dma_semaphore, #tpu.memory_space<semaphore_mem>> -> memref<1x!tpu.dma_semaphore, #tpu.memory_space<semaphore_mem>>
    %dma_start3A_168 = tpu.memref_squeeze %dma_start3A_167 : memref<1x!tpu.dma_semaphore, #tpu.memory_space<semaphore_mem>> -> memref<!tpu.dma_semaphore, #tpu.memory_space<semaphore_mem>>
    %dma_start3A_169 = arith.constant 0 : i32
    %dma_start3A_170 = tpu.memref_slice %arg7[%dma_start3A_161, %dma_start3A_169] : memref<4x40xi32, #tpu.memory_space<vmem>> -> memref<1x40xi32, #tpu.memory_space<vmem>>
    %dma_start3A_171 = tpu.memref_squeeze %dma_start3A_170 : memref<1x40xi32, #tpu.memory_space<vmem>> -> memref<40xi32, #tpu.memory_space<vmem>>
    %dma_start3A_172 = tpu.memref_slice %arg3[%add3A_148] : memref<640000xi32, #tpu.memory_space<hbm>> -> memref<40xi32, #tpu.memory_space<hbm>>
    tpu.enqueue_dma source(%dma_start3A_172 : memref<40xi32, #tpu.memory_space<hbm>>) target(%dma_start3A_171 : memref<40xi32, #tpu.memory_space<vmem>>) target_semaphore(%dma_start3A_168 : memref<!tpu.dma_semaphore, #tpu.memory_space<semaphore_mem>>)
    %dma_start3A_173 = arith.constant 2 : i32
    %dma_start3A_174 = arith.constant 2 : i32
    %dma_start3A_175 = arith.constant 0 : i32
    %dma_start3A_176 = arith.constant 0 : i32
    %dma_start3A_177 = tpu.memref_slice %arg9[%dma_start3A_173, %dma_start3A_175, %dma_start3A_176] : memref<4x40x64xi32, #tpu.memory_space<vmem>> -> memref<1x40x64xi32, #tpu.memory_space<vmem>>
    %dma_start3A_178 = tpu.memref_squeeze %dma_start3A_177 : memref<1x40x64xi32, #tpu.memory_space<vmem>> -> memref<40x64xi32, #tpu.memory_space<vmem>>
    %dma_start3A_179 = arith.constant 0 : i32
    %dma_start3A_180 = tpu.memref_slice %arg4[%add3A_146, %dma_start3A_179] : memref<320000x64xi32, #tpu.memory_space<hbm>> -> memref<40x64xi32, #tpu.memory_space<hbm>>
    %dma_start3A_181 = tpu.memref_slice %arg11[%dma_start3A_174] : memref<4x!tpu.dma_semaphore, #tpu.memory_space<semaphore_mem>> -> memref<1x!tpu.dma_semaphore, #tpu.memory_space<semaphore_mem>>
    %dma_start3A_182 = tpu.memref_squeeze %dma_start3A_181 : memref<1x!tpu.dma_semaphore, #tpu.memory_space<semaphore_mem>> -> memref<!tpu.dma_semaphore, #tpu.memory_space<semaphore_mem>>
    %dma_start3A_183 = arith.constant 0 : i32
    %dma_start3A_184 = arith.constant 0 : i32
    %dma_start3A_185 = tpu.memref_slice %arg9[%dma_start3A_173, %dma_start3A_183, %dma_start3A_184] : memref<4x40x64xi32, #tpu.memory_space<vmem>> -> memref<1x40x64xi32, #tpu.memory_space<vmem>>
    %dma_start3A_186 = tpu.memref_squeeze %dma_start3A_185 : memref<1x40x64xi32, #tpu.memory_space<vmem>> -> memref<40x64xi32, #tpu.memory_space<vmem>>
    %dma_start3A_187 = arith.constant 0 : i32
    %dma_start3A_188 = tpu.memref_slice %arg4[%add3A_146, %dma_start3A_187] : memref<320000x64xi32, #tpu.memory_space<hbm>> -> memref<40x64xi32, #tpu.memory_space<hbm>>
    tpu.enqueue_dma source(%dma_start3A_188 : memref<40x64xi32, #tpu.memory_space<hbm>>) target(%dma_start3A_186 : memref<40x64xi32, #tpu.memory_space<vmem>>) target_semaphore(%dma_start3A_182 : memref<!tpu.dma_semaphore, #tpu.memory_space<semaphore_mem>>)
    %add3A_189 = arith.constant 120 : i32
    %add3A_190 = arith.addi %mul3A_2, %add3A_189 : i32
    %add3A_191 = arith.constant 320000 : i32
    %add3A_192 = arith.addi %add3A_191, %add3A_190 : i32
    %dma_start3A_193 = arith.constant 3 : i32
    %dma_start3A_194 = arith.constant 3 : i32
    %dma_start3A_195 = arith.constant 0 : i32
    %dma_start3A_196 = tpu.memref_slice %arg6[%dma_start3A_193, %dma_start3A_195] : memref<4x40xi32, #tpu.memory_space<vmem>> -> memref<1x40xi32, #tpu.memory_space<vmem>>
    %dma_start3A_197 = tpu.memref_squeeze %dma_start3A_196 : memref<1x40xi32, #tpu.memory_space<vmem>> -> memref<40xi32, #tpu.memory_space<vmem>>
    %dma_start3A_198 = tpu.memref_slice %arg3[%add3A_190] : memref<640000xi32, #tpu.memory_space<hbm>> -> memref<40xi32, #tpu.memory_space<hbm>>
    %dma_start3A_199 = tpu.memref_slice %arg11[%dma_start3A_194] : memref<4x!tpu.dma_semaphore, #tpu.memory_space<semaphore_mem>> -> memref<1x!tpu.dma_semaphore, #tpu.memory_space<semaphore_mem>>
    %dma_start3A_200 = tpu.memref_squeeze %dma_start3A_199 : memref<1x!tpu.dma_semaphore, #tpu.memory_space<semaphore_mem>> -> memref<!tpu.dma_semaphore, #tpu.memory_space<semaphore_mem>>
    %dma_start3A_201 = arith.constant 0 : i32
    %dma_start3A_202 = tpu.memref_slice %arg6[%dma_start3A_193, %dma_start3A_201] : memref<4x40xi32, #tpu.memory_space<vmem>> -> memref<1x40xi32, #tpu.memory_space<vmem>>
    %dma_start3A_203 = tpu.memref_squeeze %dma_start3A_202 : memref<1x40xi32, #tpu.memory_space<vmem>> -> memref<40xi32, #tpu.memory_space<vmem>>
    %dma_start3A_204 = tpu.memref_slice %arg3[%add3A_190] : memref<640000xi32, #tpu.memory_space<hbm>> -> memref<40xi32, #tpu.memory_space<hbm>>
    tpu.enqueue_dma source(%dma_start3A_204 : memref<40xi32, #tpu.memory_space<hbm>>) target(%dma_start3A_203 : memref<40xi32, #tpu.memory_space<vmem>>) target_semaphore(%dma_start3A_200 : memref<!tpu.dma_semaphore, #tpu.memory_space<semaphore_mem>>)
    %dma_start3A_205 = arith.constant 3 : i32
    %dma_start3A_206 = arith.constant 3 : i32
    %dma_start3A_207 = arith.constant 0 : i32
    %dma_start3A_208 = tpu.memref_slice %arg7[%dma_start3A_205, %dma_start3A_207] : memref<4x40xi32, #tpu.memory_space<vmem>> -> memref<1x40xi32, #tpu.memory_space<vmem>>
    %dma_start3A_209 = tpu.memref_squeeze %dma_start3A_208 : memref<1x40xi32, #tpu.memory_space<vmem>> -> memref<40xi32, #tpu.memory_space<vmem>>
    %dma_start3A_210 = tpu.memref_slice %arg3[%add3A_192] : memref<640000xi32, #tpu.memory_space<hbm>> -> memref<40xi32, #tpu.memory_space<hbm>>
    %dma_start3A_211 = tpu.memref_slice %arg11[%dma_start3A_206] : memref<4x!tpu.dma_semaphore, #tpu.memory_space<semaphore_mem>> -> memref<1x!tpu.dma_semaphore, #tpu.memory_space<semaphore_mem>>
    %dma_start3A_212 = tpu.memref_squeeze %dma_start3A_211 : memref<1x!tpu.dma_semaphore, #tpu.memory_space<semaphore_mem>> -> memref<!tpu.dma_semaphore, #tpu.memory_space<semaphore_mem>>
    %dma_start3A_213 = arith.constant 0 : i32
    %dma_start3A_214 = tpu.memref_slice %arg7[%dma_start3A_205, %dma_start3A_213] : memref<4x40xi32, #tpu.memory_space<vmem>> -> memref<1x40xi32, #tpu.memory_space<vmem>>
    %dma_start3A_215 = tpu.memref_squeeze %dma_start3A_214 : memref<1x40xi32, #tpu.memory_space<vmem>> -> memref<40xi32, #tpu.memory_space<vmem>>
    %dma_start3A_216 = tpu.memref_slice %arg3[%add3A_192] : memref<640000xi32, #tpu.memory_space<hbm>> -> memref<40xi32, #tpu.memory_space<hbm>>
    tpu.enqueue_dma source(%dma_start3A_216 : memref<40xi32, #tpu.memory_space<hbm>>) target(%dma_start3A_215 : memref<40xi32, #tpu.memory_space<vmem>>) target_semaphore(%dma_start3A_212 : memref<!tpu.dma_semaphore, #tpu.memory_space<semaphore_mem>>)
    %dma_start3A_217 = arith.constant 3 : i32
    %dma_start3A_218 = arith.constant 3 : i32
    %dma_start3A_219 = arith.constant 0 : i32
    %dma_start3A_220 = arith.constant 0 : i32
    %dma_start3A_221 = tpu.memref_slice %arg9[%dma_start3A_217, %dma_start3A_219, %dma_start3A_220] : memref<4x40x64xi32, #tpu.memory_space<vmem>> -> memref<1x40x64xi32, #tpu.memory_space<vmem>>
    %dma_start3A_222 = tpu.memref_squeeze %dma_start3A_221 : memref<1x40x64xi32, #tpu.memory_space<vmem>> -> memref<40x64xi32, #tpu.memory_space<vmem>>
    %dma_start3A_223 = arith.constant 0 : i32
    %dma_start3A_224 = tpu.memref_slice %arg4[%add3A_190, %dma_start3A_223] : memref<320000x64xi32, #tpu.memory_space<hbm>> -> memref<40x64xi32, #tpu.memory_space<hbm>>
    %dma_start3A_225 = tpu.memref_slice %arg11[%dma_start3A_218] : memref<4x!tpu.dma_semaphore, #tpu.memory_space<semaphore_mem>> -> memref<1x!tpu.dma_semaphore, #tpu.memory_space<semaphore_mem>>
    %dma_start3A_226 = tpu.memref_squeeze %dma_start3A_225 : memref<1x!tpu.dma_semaphore, #tpu.memory_space<semaphore_mem>> -> memref<!tpu.dma_semaphore, #tpu.memory_space<semaphore_mem>>
    %dma_start3A_227 = arith.constant 0 : i32
    %dma_start3A_228 = arith.constant 0 : i32
    %dma_start3A_229 = tpu.memref_slice %arg9[%dma_start3A_217, %dma_start3A_227, %dma_start3A_228] : memref<4x40x64xi32, #tpu.memory_space<vmem>> -> memref<1x40x64xi32, #tpu.memory_space<vmem>>
    %dma_start3A_230 = tpu.memref_squeeze %dma_start3A_229 : memref<1x40x64xi32, #tpu.memory_space<vmem>> -> memref<40x64xi32, #tpu.memory_space<vmem>>
    %dma_start3A_231 = arith.constant 0 : i32
    %dma_start3A_232 = tpu.memref_slice %arg4[%add3A_190, %dma_start3A_231] : memref<320000x64xi32, #tpu.memory_space<hbm>> -> memref<40x64xi32, #tpu.memory_space<hbm>>
    tpu.enqueue_dma source(%dma_start3A_232 : memref<40x64xi32, #tpu.memory_space<hbm>>) target(%dma_start3A_230 : memref<40x64xi32, #tpu.memory_space<vmem>>) target_semaphore(%dma_start3A_226 : memref<!tpu.dma_semaphore, #tpu.memory_space<semaphore_mem>>)
    %scan3A_233 = arith.constant 0 : i32
    %scan3A_234 = arith.constant 0 : i32
    %scan3A_235 = arith.constant 62 : i32
    %scan3A_236 = arith.addi %scan3A_234, %scan3A_235 : i32
    %scan3A_237 = arith.constant 1 : i32
    scf.for %scan3A_500 = %scan3A_234 to %scan3A_236 step %scan3A_237  : i32 {
      %mul3A_501 = arith.constant 4 : i32
      %mul3A_502 = arith.muli %scan3A_500, %mul3A_501 : i32
      %add3A_503 = arith.constant 0 : i32
      %add3A_504 = arith.addi %mul3A_502, %add3A_503 : i32
      %mul3A_505 = arith.constant 40 : i32
      %mul3A_506 = arith.muli %add3A_504, %mul3A_505 : i32
      %add3A_507 = arith.addi %mul3A_2, %mul3A_506 : i32
      %add3A_508 = arith.constant 320000 : i32
      %add3A_509 = arith.addi %add3A_508, %add3A_507 : i32
      %dma_wait3A_510 = arith.constant 0 : i32
      %dma_wait3A_511 = arith.constant 0 : i32
      %dma_wait3A_512 = arith.constant 0 : i32
      %dma_wait3A_513 = tpu.memref_slice %arg6[%dma_wait3A_510, %dma_wait3A_512] : memref<4x40xi32, #tpu.memory_space<vmem>> -> memref<1x40xi32, #tpu.memory_space<vmem>>
      %dma_wait3A_514 = tpu.memref_squeeze %dma_wait3A_513 : memref<1x40xi32, #tpu.memory_space<vmem>> -> memref<40xi32, #tpu.memory_space<vmem>>
      %dma_wait3A_515 = tpu.memref_slice %arg3[%add3A_507] : memref<640000xi32, #tpu.memory_space<hbm>> -> memref<40xi32, #tpu.memory_space<hbm>>
      %dma_wait3A_516 = tpu.memref_slice %arg11[%dma_wait3A_511] : memref<4x!tpu.dma_semaphore, #tpu.memory_space<semaphore_mem>> -> memref<1x!tpu.dma_semaphore, #tpu.memory_space<semaphore_mem>>
      %dma_wait3A_517 = tpu.memref_squeeze %dma_wait3A_516 : memref<1x!tpu.dma_semaphore, #tpu.memory_space<semaphore_mem>> -> memref<!tpu.dma_semaphore, #tpu.memory_space<semaphore_mem>>
      %dma_wait3A_518 = arith.constant 0 : i32
      %dma_wait3A_519 = tpu.memref_slice %arg6[%dma_wait3A_510, %dma_wait3A_518] : memref<4x40xi32, #tpu.memory_space<vmem>> -> memref<1x40xi32, #tpu.memory_space<vmem>>
      %dma_wait3A_520 = tpu.memref_squeeze %dma_wait3A_519 : memref<1x40xi32, #tpu.memory_space<vmem>> -> memref<40xi32, #tpu.memory_space<vmem>>
      %dma_wait3A_521 = tpu.memref_slice %arg3[%add3A_507] : memref<640000xi32, #tpu.memory_space<hbm>> -> memref<40xi32, #tpu.memory_space<hbm>>
      tpu.wait_dma2 semaphore(%dma_wait3A_517 : memref<!tpu.dma_semaphore, #tpu.memory_space<semaphore_mem>>) src(%dma_wait3A_521 : memref<40xi32, #tpu.memory_space<hbm>>) dst(%dma_wait3A_520 : memref<40xi32, #tpu.memory_space<vmem>>)
      %dma_wait3A_522 = arith.constant 0 : i32
      %dma_wait3A_523 = arith.constant 0 : i32
      %dma_wait3A_524 = arith.constant 0 : i32
      %dma_wait3A_525 = tpu.memref_slice %arg7[%dma_wait3A_522, %dma_wait3A_524] : memref<4x40xi32, #tpu.memory_space<vmem>> -> memref<1x40xi32, #tpu.memory_space<vmem>>
      %dma_wait3A_526 = tpu.memref_squeeze %dma_wait3A_525 : memref<1x40xi32, #tpu.memory_space<vmem>> -> memref<40xi32, #tpu.memory_space<vmem>>
      %dma_wait3A_527 = tpu.memref_slice %arg3[%add3A_509] : memref<640000xi32, #tpu.memory_space<hbm>> -> memref<40xi32, #tpu.memory_space<hbm>>
      %dma_wait3A_528 = tpu.memref_slice %arg11[%dma_wait3A_523] : memref<4x!tpu.dma_semaphore, #tpu.memory_space<semaphore_mem>> -> memref<1x!tpu.dma_semaphore, #tpu.memory_space<semaphore_mem>>
      %dma_wait3A_529 = tpu.memref_squeeze %dma_wait3A_528 : memref<1x!tpu.dma_semaphore, #tpu.memory_space<semaphore_mem>> -> memref<!tpu.dma_semaphore, #tpu.memory_space<semaphore_mem>>
      %dma_wait3A_530 = arith.constant 0 : i32
      %dma_wait3A_531 = tpu.memref_slice %arg7[%dma_wait3A_522, %dma_wait3A_530] : memref<4x40xi32, #tpu.memory_space<vmem>> -> memref<1x40xi32, #tpu.memory_space<vmem>>
      %dma_wait3A_532 = tpu.memref_squeeze %dma_wait3A_531 : memref<1x40xi32, #tpu.memory_space<vmem>> -> memref<40xi32, #tpu.memory_space<vmem>>
      %dma_wait3A_533 = tpu.memref_slice %arg3[%add3A_509] : memref<640000xi32, #tpu.memory_space<hbm>> -> memref<40xi32, #tpu.memory_space<hbm>>
      tpu.wait_dma2 semaphore(%dma_wait3A_529 : memref<!tpu.dma_semaphore, #tpu.memory_space<semaphore_mem>>) src(%dma_wait3A_533 : memref<40xi32, #tpu.memory_space<hbm>>) dst(%dma_wait3A_532 : memref<40xi32, #tpu.memory_space<vmem>>)
      %dma_wait3A_534 = arith.constant 0 : i32
      %dma_wait3A_535 = arith.constant 0 : i32
      %dma_wait3A_536 = arith.constant 0 : i32
      %dma_wait3A_537 = arith.constant 0 : i32
      %dma_wait3A_538 = tpu.memref_slice %arg9[%dma_wait3A_534, %dma_wait3A_536, %dma_wait3A_537] : memref<4x40x64xi32, #tpu.memory_space<vmem>> -> memref<1x40x64xi32, #tpu.memory_space<vmem>>
      %dma_wait3A_539 = tpu.memref_squeeze %dma_wait3A_538 : memref<1x40x64xi32, #tpu.memory_space<vmem>> -> memref<40x64xi32, #tpu.memory_space<vmem>>
      %dma_wait3A_540 = arith.constant 0 : i32
      %dma_wait3A_541 = tpu.memref_slice %arg4[%add3A_507, %dma_wait3A_540] : memref<320000x64xi32, #tpu.memory_space<hbm>> -> memref<40x64xi32, #tpu.memory_space<hbm>>
      %dma_wait3A_542 = tpu.memref_slice %arg11[%dma_wait3A_535] : memref<4x!tpu.dma_semaphore, #tpu.memory_space<semaphore_mem>> -> memref<1x!tpu.dma_semaphore, #tpu.memory_space<semaphore_mem>>
      %dma_wait3A_543 = tpu.memref_squeeze %dma_wait3A_542 : memref<1x!tpu.dma_semaphore, #tpu.memory_space<semaphore_mem>> -> memref<!tpu.dma_semaphore, #tpu.memory_space<semaphore_mem>>
      %dma_wait3A_544 = arith.constant 0 : i32
      %dma_wait3A_545 = arith.constant 0 : i32
      %dma_wait3A_546 = tpu.memref_slice %arg9[%dma_wait3A_534, %dma_wait3A_544, %dma_wait3A_545] : memref<4x40x64xi32, #tpu.memory_space<vmem>> -> memref<1x40x64xi32, #tpu.memory_space<vmem>>
      %dma_wait3A_547 = tpu.memref_squeeze %dma_wait3A_546 : memref<1x40x64xi32, #tpu.memory_space<vmem>> -> memref<40x64xi32, #tpu.memory_space<vmem>>
      %dma_wait3A_548 = arith.constant 0 : i32
      %dma_wait3A_549 = tpu.memref_slice %arg4[%add3A_507, %dma_wait3A_548] : memref<320000x64xi32, #tpu.memory_space<hbm>> -> memref<40x64xi32, #tpu.memory_space<hbm>>
      tpu.wait_dma2 semaphore(%dma_wait3A_543 : memref<!tpu.dma_semaphore, #tpu.memory_space<semaphore_mem>>) src(%dma_wait3A_549 : memref<40x64xi32, #tpu.memory_space<hbm>>) dst(%dma_wait3A_547 : memref<40x64xi32, #tpu.memory_space<vmem>>)
      %dma_start3A_550 = arith.constant 0 : i32
      %dma_start3A_551 = arith.constant 0 : i32
      %dma_start3A_552 = arith.constant 0 : i32
      %dma_start3A_553 = arith.constant 0 : i32
      %dma_start3A_554 = arith.constant 0 : i32
      %dma_start3A_555 = tpu.memref_slice %arg8[%dma_start3A_551, %dma_start3A_553, %dma_start3A_554] : memref<4x40x128xf32, #tpu.memory_space<vmem>> -> memref<1x40x128xf32, #tpu.memory_space<vmem>>
      %dma_start3A_556 = tpu.memref_squeeze %dma_start3A_555 : memref<1x40x128xf32, #tpu.memory_space<vmem>> -> memref<40x128xf32, #tpu.memory_space<vmem>>
      %dma_start3A_557 = arith.constant 0 : i32
      %dma_start3A_558 = tpu.memref_slice %arg6[%dma_start3A_550, %dma_start3A_557] : memref<4x40xi32, #tpu.memory_space<vmem>> -> memref<1x40xi32, #tpu.memory_space<vmem>>
      %dma_start3A_559 = tpu.memref_squeeze %dma_start3A_558 : memref<1x40xi32, #tpu.memory_space<vmem>> -> memref<40xi32, #tpu.memory_space<vmem>>
      %dma_start3A_560 = arith.constant 0 : i32
      %dma_start3A_561 = arith.constant 0 : i32
      %dma_start3A_562 = tpu.memref_slice %arg2[%dma_start3A_560, %dma_start3A_561] : memref<10000x128xf32, #tpu.memory_space<hbm>> -> memref<10000x128xf32, #tpu.memory_space<hbm>>
      %dma_start3A_563 = tpu.memref_slice %arg12[%dma_start3A_552] : memref<4x!tpu.dma_semaphore, #tpu.memory_space<semaphore_mem>> -> memref<1x!tpu.dma_semaphore, #tpu.memory_space<semaphore_mem>>
      %dma_start3A_564 = tpu.memref_squeeze %dma_start3A_563 : memref<1x!tpu.dma_semaphore, #tpu.memory_space<semaphore_mem>> -> memref<!tpu.dma_semaphore, #tpu.memory_space<semaphore_mem>>
      tpu.enqueue_indirect_dma source(%dma_start3A_562 : memref<10000x128xf32, #tpu.memory_space<hbm>>) target(%dma_start3A_556 : memref<40x128xf32, #tpu.memory_space<vmem>>) offsets(%dma_start3A_559 : memref<40xi32, #tpu.memory_space<vmem>>) semaphore(%dma_start3A_564 : memref<!tpu.dma_semaphore, #tpu.memory_space<semaphore_mem>>)
      %add3A_565 = arith.constant 1 : i32
      %add3A_566 = arith.addi %mul3A_502, %add3A_565 : i32
      %mul3A_567 = arith.constant 40 : i32
      %mul3A_568 = arith.muli %add3A_566, %mul3A_567 : i32
      %add3A_569 = arith.addi %mul3A_2, %mul3A_568 : i32
      %add3A_570 = arith.constant 320000 : i32
      %add3A_571 = arith.addi %add3A_570, %add3A_569 : i32
      %dma_wait3A_572 = arith.constant 1 : i32
      %dma_wait3A_573 = arith.constant 1 : i32
      %dma_wait3A_574 = arith.constant 0 : i32
      %dma_wait3A_575 = tpu.memref_slice %arg6[%dma_wait3A_572, %dma_wait3A_574] : memref<4x40xi32, #tpu.memory_space<vmem>> -> memref<1x40xi32, #tpu.memory_space<vmem>>
      %dma_wait3A_576 = tpu.memref_squeeze %dma_wait3A_575 : memref<1x40xi32, #tpu.memory_space<vmem>> -> memref<40xi32, #tpu.memory_space<vmem>>
      %dma_wait3A_577 = tpu.memref_slice %arg3[%add3A_569] : memref<640000xi32, #tpu.memory_space<hbm>> -> memref<40xi32, #tpu.memory_space<hbm>>
      %dma_wait3A_578 = tpu.memref_slice %arg11[%dma_wait3A_573] : memref<4x!tpu.dma_semaphore, #tpu.memory_space<semaphore_mem>> -> memref<1x!tpu.dma_semaphore, #tpu.memory_space<semaphore_mem>>
      %dma_wait3A_579 = tpu.memref_squeeze %dma_wait3A_578 : memref<1x!tpu.dma_semaphore, #tpu.memory_space<semaphore_mem>> -> memref<!tpu.dma_semaphore, #tpu.memory_space<semaphore_mem>>
      %dma_wait3A_580 = arith.constant 0 : i32
      %dma_wait3A_581 = tpu.memref_slice %arg6[%dma_wait3A_572, %dma_wait3A_580] : memref<4x40xi32, #tpu.memory_space<vmem>> -> memref<1x40xi32, #tpu.memory_space<vmem>>
      %dma_wait3A_582 = tpu.memref_squeeze %dma_wait3A_581 : memref<1x40xi32, #tpu.memory_space<vmem>> -> memref<40xi32, #tpu.memory_space<vmem>>
      %dma_wait3A_583 = tpu.memref_slice %arg3[%add3A_569] : memref<640000xi32, #tpu.memory_space<hbm>> -> memref<40xi32, #tpu.memory_space<hbm>>
      tpu.wait_dma2 semaphore(%dma_wait3A_579 : memref<!tpu.dma_semaphore, #tpu.memory_space<semaphore_mem>>) src(%dma_wait3A_583 : memref<40xi32, #tpu.memory_space<hbm>>) dst(%dma_wait3A_582 : memref<40xi32, #tpu.memory_space<vmem>>)
      %dma_wait3A_584 = arith.constant 1 : i32
      %dma_wait3A_585 = arith.constant 1 : i32
      %dma_wait3A_586 = arith.constant 0 : i32
      %dma_wait3A_587 = tpu.memref_slice %arg7[%dma_wait3A_584, %dma_wait3A_586] : memref<4x40xi32, #tpu.memory_space<vmem>> -> memref<1x40xi32, #tpu.memory_space<vmem>>
      %dma_wait3A_588 = tpu.memref_squeeze %dma_wait3A_587 : memref<1x40xi32, #tpu.memory_space<vmem>> -> memref<40xi32, #tpu.memory_space<vmem>>
      %dma_wait3A_589 = tpu.memref_slice %arg3[%add3A_571] : memref<640000xi32, #tpu.memory_space<hbm>> -> memref<40xi32, #tpu.memory_space<hbm>>
      %dma_wait3A_590 = tpu.memref_slice %arg11[%dma_wait3A_585] : memref<4x!tpu.dma_semaphore, #tpu.memory_space<semaphore_mem>> -> memref<1x!tpu.dma_semaphore, #tpu.memory_space<semaphore_mem>>
      %dma_wait3A_591 = tpu.memref_squeeze %dma_wait3A_590 : memref<1x!tpu.dma_semaphore, #tpu.memory_space<semaphore_mem>> -> memref<!tpu.dma_semaphore, #tpu.memory_space<semaphore_mem>>
      %dma_wait3A_592 = arith.constant 0 : i32
      %dma_wait3A_593 = tpu.memref_slice %arg7[%dma_wait3A_584, %dma_wait3A_592] : memref<4x40xi32, #tpu.memory_space<vmem>> -> memref<1x40xi32, #tpu.memory_space<vmem>>
      %dma_wait3A_594 = tpu.memref_squeeze %dma_wait3A_593 : memref<1x40xi32, #tpu.memory_space<vmem>> -> memref<40xi32, #tpu.memory_space<vmem>>
      %dma_wait3A_595 = tpu.memref_slice %arg3[%add3A_571] : memref<640000xi32, #tpu.memory_space<hbm>> -> memref<40xi32, #tpu.memory_space<hbm>>
      tpu.wait_dma2 semaphore(%dma_wait3A_591 : memref<!tpu.dma_semaphore, #tpu.memory_space<semaphore_mem>>) src(%dma_wait3A_595 : memref<40xi32, #tpu.memory_space<hbm>>) dst(%dma_wait3A_594 : memref<40xi32, #tpu.memory_space<vmem>>)
      %dma_wait3A_596 = arith.constant 1 : i32
      %dma_wait3A_597 = arith.constant 1 : i32
      %dma_wait3A_598 = arith.constant 0 : i32
      %dma_wait3A_599 = arith.constant 0 : i32
      %dma_wait3A_600 = tpu.memref_slice %arg9[%dma_wait3A_596, %dma_wait3A_598, %dma_wait3A_599] : memref<4x40x64xi32, #tpu.memory_space<vmem>> -> memref<1x40x64xi32, #tpu.memory_space<vmem>>
      %dma_wait3A_601 = tpu.memref_squeeze %dma_wait3A_600 : memref<1x40x64xi32, #tpu.memory_space<vmem>> -> memref<40x64xi32, #tpu.memory_space<vmem>>
      %dma_wait3A_602 = arith.constant 0 : i32
      %dma_wait3A_603 = tpu.memref_slice %arg4[%add3A_569, %dma_wait3A_602] : memref<320000x64xi32, #tpu.memory_space<hbm>> -> memref<40x64xi32, #tpu.memory_space<hbm>>
      %dma_wait3A_604 = tpu.memref_slice %arg11[%dma_wait3A_597] : memref<4x!tpu.dma_semaphore, #tpu.memory_space<semaphore_mem>> -> memref<1x!tpu.dma_semaphore, #tpu.memory_space<semaphore_mem>>
      %dma_wait3A_605 = tpu.memref_squeeze %dma_wait3A_604 : memref<1x!tpu.dma_semaphore, #tpu.memory_space<semaphore_mem>> -> memref<!tpu.dma_semaphore, #tpu.memory_space<semaphore_mem>>
      %dma_wait3A_606 = arith.constant 0 : i32
      %dma_wait3A_607 = arith.constant 0 : i32
      %dma_wait3A_608 = tpu.memref_slice %arg9[%dma_wait3A_596, %dma_wait3A_606, %dma_wait3A_607] : memref<4x40x64xi32, #tpu.memory_space<vmem>> -> memref<1x40x64xi32, #tpu.memory_space<vmem>>
      %dma_wait3A_609 = tpu.memref_squeeze %dma_wait3A_608 : memref<1x40x64xi32, #tpu.memory_space<vmem>> -> memref<40x64xi32, #tpu.memory_space<vmem>>
      %dma_wait3A_610 = arith.constant 0 : i32
      %dma_wait3A_611 = tpu.memref_slice %arg4[%add3A_569, %dma_wait3A_610] : memref<320000x64xi32, #tpu.memory_space<hbm>> -> memref<40x64xi32, #tpu.memory_space<hbm>>
      tpu.wait_dma2 semaphore(%dma_wait3A_605 : memref<!tpu.dma_semaphore, #tpu.memory_space<semaphore_mem>>) src(%dma_wait3A_611 : memref<40x64xi32, #tpu.memory_space<hbm>>) dst(%dma_wait3A_609 : memref<40x64xi32, #tpu.memory_space<vmem>>)
      %dma_start3A_612 = arith.constant 1 : i32
      %dma_start3A_613 = arith.constant 1 : i32
      %dma_start3A_614 = arith.constant 1 : i32
      %dma_start3A_615 = arith.constant 0 : i32
      %dma_start3A_616 = arith.constant 0 : i32
      %dma_start3A_617 = tpu.memref_slice %arg8[%dma_start3A_613, %dma_start3A_615, %dma_start3A_616] : memref<4x40x128xf32, #tpu.memory_space<vmem>> -> memref<1x40x128xf32, #tpu.memory_space<vmem>>
      %dma_start3A_618 = tpu.memref_squeeze %dma_start3A_617 : memref<1x40x128xf32, #tpu.memory_space<vmem>> -> memref<40x128xf32, #tpu.memory_space<vmem>>
      %dma_start3A_619 = arith.constant 0 : i32
      %dma_start3A_620 = tpu.memref_slice %arg6[%dma_start3A_612, %dma_start3A_619] : memref<4x40xi32, #tpu.memory_space<vmem>> -> memref<1x40xi32, #tpu.memory_space<vmem>>
      %dma_start3A_621 = tpu.memref_squeeze %dma_start3A_620 : memref<1x40xi32, #tpu.memory_space<vmem>> -> memref<40xi32, #tpu.memory_space<vmem>>
      %dma_start3A_622 = arith.constant 0 : i32
      %dma_start3A_623 = arith.constant 0 : i32
      %dma_start3A_624 = tpu.memref_slice %arg2[%dma_start3A_622, %dma_start3A_623] : memref<10000x128xf32, #tpu.memory_space<hbm>> -> memref<10000x128xf32, #tpu.memory_space<hbm>>
      %dma_start3A_625 = tpu.memref_slice %arg12[%dma_start3A_614] : memref<4x!tpu.dma_semaphore, #tpu.memory_space<semaphore_mem>> -> memref<1x!tpu.dma_semaphore, #tpu.memory_space<semaphore_mem>>
      %dma_start3A_626 = tpu.memref_squeeze %dma_start3A_625 : memref<1x!tpu.dma_semaphore, #tpu.memory_space<semaphore_mem>> -> memref<!tpu.dma_semaphore, #tpu.memory_space<semaphore_mem>>
      tpu.enqueue_indirect_dma source(%dma_start3A_624 : memref<10000x128xf32, #tpu.memory_space<hbm>>) target(%dma_start3A_618 : memref<40x128xf32, #tpu.memory_space<vmem>>) offsets(%dma_start3A_621 : memref<40xi32, #tpu.memory_space<vmem>>) semaphore(%dma_start3A_626 : memref<!tpu.dma_semaphore, #tpu.memory_space<semaphore_mem>>)
      %add3A_627 = arith.constant 2 : i32
      %add3A_628 = arith.addi %mul3A_502, %add3A_627 : i32
      %mul3A_629 = arith.constant 40 : i32
      %mul3A_630 = arith.muli %add3A_628, %mul3A_629 : i32
      %add3A_631 = arith.addi %mul3A_2, %mul3A_630 : i32
      %add3A_632 = arith.constant 320000 : i32
      %add3A_633 = arith.addi %add3A_632, %add3A_631 : i32
      %dma_wait3A_634 = arith.constant 2 : i32
      %dma_wait3A_635 = arith.constant 2 : i32
      %dma_wait3A_636 = arith.constant 0 : i32
      %dma_wait3A_637 = tpu.memref_slice %arg6[%dma_wait3A_634, %dma_wait3A_636] : memref<4x40xi32, #tpu.memory_space<vmem>> -> memref<1x40xi32, #tpu.memory_space<vmem>>
      %dma_wait3A_638 = tpu.memref_squeeze %dma_wait3A_637 : memref<1x40xi32, #tpu.memory_space<vmem>> -> memref<40xi32, #tpu.memory_space<vmem>>
      %dma_wait3A_639 = tpu.memref_slice %arg3[%add3A_631] : memref<640000xi32, #tpu.memory_space<hbm>> -> memref<40xi32, #tpu.memory_space<hbm>>
      %dma_wait3A_640 = tpu.memref_slice %arg11[%dma_wait3A_635] : memref<4x!tpu.dma_semaphore, #tpu.memory_space<semaphore_mem>> -> memref<1x!tpu.dma_semaphore, #tpu.memory_space<semaphore_mem>>
      %dma_wait3A_641 = tpu.memref_squeeze %dma_wait3A_640 : memref<1x!tpu.dma_semaphore, #tpu.memory_space<semaphore_mem>> -> memref<!tpu.dma_semaphore, #tpu.memory_space<semaphore_mem>>
      %dma_wait3A_642 = arith.constant 0 : i32
      %dma_wait3A_643 = tpu.memref_slice %arg6[%dma_wait3A_634, %dma_wait3A_642] : memref<4x40xi32, #tpu.memory_space<vmem>> -> memref<1x40xi32, #tpu.memory_space<vmem>>
      %dma_wait3A_644 = tpu.memref_squeeze %dma_wait3A_643 : memref<1x40xi32, #tpu.memory_space<vmem>> -> memref<40xi32, #tpu.memory_space<vmem>>
      %dma_wait3A_645 = tpu.memref_slice %arg3[%add3A_631] : memref<640000xi32, #tpu.memory_space<hbm>> -> memref<40xi32, #tpu.memory_space<hbm>>
      tpu.wait_dma2 semaphore(%dma_wait3A_641 : memref<!tpu.dma_semaphore, #tpu.memory_space<semaphore_mem>>) src(%dma_wait3A_645 : memref<40xi32, #tpu.memory_space<hbm>>) dst(%dma_wait3A_644 : memref<40xi32, #tpu.memory_space<vmem>>)
      %dma_wait3A_646 = arith.constant 2 : i32
      %dma_wait3A_647 = arith.constant 2 : i32
      %dma_wait3A_648 = arith.constant 0 : i32
      %dma_wait3A_649 = tpu.memref_slice %arg7[%dma_wait3A_646, %dma_wait3A_648] : memref<4x40xi32, #tpu.memory_space<vmem>> -> memref<1x40xi32, #tpu.memory_space<vmem>>
      %dma_wait3A_650 = tpu.memref_squeeze %dma_wait3A_649 : memref<1x40xi32, #tpu.memory_space<vmem>> -> memref<40xi32, #tpu.memory_space<vmem>>
      %dma_wait3A_651 = tpu.memref_slice %arg3[%add3A_633] : memref<640000xi32, #tpu.memory_space<hbm>> -> memref<40xi32, #tpu.memory_space<hbm>>
      %dma_wait3A_652 = tpu.memref_slice %arg11[%dma_wait3A_647] : memref<4x!tpu.dma_semaphore, #tpu.memory_space<semaphore_mem>> -> memref<1x!tpu.dma_semaphore, #tpu.memory_space<semaphore_mem>>
      %dma_wait3A_653 = tpu.memref_squeeze %dma_wait3A_652 : memref<1x!tpu.dma_semaphore, #tpu.memory_space<semaphore_mem>> -> memref<!tpu.dma_semaphore, #tpu.memory_space<semaphore_mem>>
      %dma_wait3A_654 = arith.constant 0 : i32
      %dma_wait3A_655 = tpu.memref_slice %arg7[%dma_wait3A_646, %dma_wait3A_654] : memref<4x40xi32, #tpu.memory_space<vmem>> -> memref<1x40xi32, #tpu.memory_space<vmem>>
      %dma_wait3A_656 = tpu.memref_squeeze %dma_wait3A_655 : memref<1x40xi32, #tpu.memory_space<vmem>> -> memref<40xi32, #tpu.memory_space<vmem>>
      %dma_wait3A_657 = tpu.memref_slice %arg3[%add3A_633] : memref<640000xi32, #tpu.memory_space<hbm>> -> memref<40xi32, #tpu.memory_space<hbm>>
      tpu.wait_dma2 semaphore(%dma_wait3A_653 : memref<!tpu.dma_semaphore, #tpu.memory_space<semaphore_mem>>) src(%dma_wait3A_657 : memref<40xi32, #tpu.memory_space<hbm>>) dst(%dma_wait3A_656 : memref<40xi32, #tpu.memory_space<vmem>>)
      %dma_wait3A_658 = arith.constant 2 : i32
      %dma_wait3A_659 = arith.constant 2 : i32
      %dma_wait3A_660 = arith.constant 0 : i32
      %dma_wait3A_661 = arith.constant 0 : i32
      %dma_wait3A_662 = tpu.memref_slice %arg9[%dma_wait3A_658, %dma_wait3A_660, %dma_wait3A_661] : memref<4x40x64xi32, #tpu.memory_space<vmem>> -> memref<1x40x64xi32, #tpu.memory_space<vmem>>
      %dma_wait3A_663 = tpu.memref_squeeze %dma_wait3A_662 : memref<1x40x64xi32, #tpu.memory_space<vmem>> -> memref<40x64xi32, #tpu.memory_space<vmem>>
      %dma_wait3A_664 = arith.constant 0 : i32
      %dma_wait3A_665 = tpu.memref_slice %arg4[%add3A_631, %dma_wait3A_664] : memref<320000x64xi32, #tpu.memory_space<hbm>> -> memref<40x64xi32, #tpu.memory_space<hbm>>
      %dma_wait3A_666 = tpu.memref_slice %arg11[%dma_wait3A_659] : memref<4x!tpu.dma_semaphore, #tpu.memory_space<semaphore_mem>> -> memref<1x!tpu.dma_semaphore, #tpu.memory_space<semaphore_mem>>
      %dma_wait3A_667 = tpu.memref_squeeze %dma_wait3A_666 : memref<1x!tpu.dma_semaphore, #tpu.memory_space<semaphore_mem>> -> memref<!tpu.dma_semaphore, #tpu.memory_space<semaphore_mem>>
      %dma_wait3A_668 = arith.constant 0 : i32
      %dma_wait3A_669 = arith.constant 0 : i32
      %dma_wait3A_670 = tpu.memref_slice %arg9[%dma_wait3A_658, %dma_wait3A_668, %dma_wait3A_669] : memref<4x40x64xi32, #tpu.memory_space<vmem>> -> memref<1x40x64xi32, #tpu.memory_space<vmem>>
      %dma_wait3A_671 = tpu.memref_squeeze %dma_wait3A_670 : memref<1x40x64xi32, #tpu.memory_space<vmem>> -> memref<40x64xi32, #tpu.memory_space<vmem>>
      %dma_wait3A_672 = arith.constant 0 : i32
      %dma_wait3A_673 = tpu.memref_slice %arg4[%add3A_631, %dma_wait3A_672] : memref<320000x64xi32, #tpu.memory_space<hbm>> -> memref<40x64xi32, #tpu.memory_space<hbm>>
      tpu.wait_dma2 semaphore(%dma_wait3A_667 : memref<!tpu.dma_semaphore, #tpu.memory_space<semaphore_mem>>) src(%dma_wait3A_673 : memref<40x64xi32, #tpu.memory_space<hbm>>) dst(%dma_wait3A_671 : memref<40x64xi32, #tpu.memory_space<vmem>>)
      %dma_start3A_674 = arith.constant 2 : i32
      %dma_start3A_675 = arith.constant 2 : i32
      %dma_start3A_676 = arith.constant 2 : i32
      %dma_start3A_677 = arith.constant 0 : i32
      %dma_start3A_678 = arith.constant 0 : i32
      %dma_start3A_679 = tpu.memref_slice %arg8[%dma_start3A_675, %dma_start3A_677, %dma_start3A_678] : memref<4x40x128xf32, #tpu.memory_space<vmem>> -> memref<1x40x128xf32, #tpu.memory_space<vmem>>
      %dma_start3A_680 = tpu.memref_squeeze %dma_start3A_679 : memref<1x40x128xf32, #tpu.memory_space<vmem>> -> memref<40x128xf32, #tpu.memory_space<vmem>>
      %dma_start3A_681 = arith.constant 0 : i32
      %dma_start3A_682 = tpu.memref_slice %arg6[%dma_start3A_674, %dma_start3A_681] : memref<4x40xi32, #tpu.memory_space<vmem>> -> memref<1x40xi32, #tpu.memory_space<vmem>>
      %dma_start3A_683 = tpu.memref_squeeze %dma_start3A_682 : memref<1x40xi32, #tpu.memory_space<vmem>> -> memref<40xi32, #tpu.memory_space<vmem>>
      %dma_start3A_684 = arith.constant 0 : i32
      %dma_start3A_685 = arith.constant 0 : i32
      %dma_start3A_686 = tpu.memref_slice %arg2[%dma_start3A_684, %dma_start3A_685] : memref<10000x128xf32, #tpu.memory_space<hbm>> -> memref<10000x128xf32, #tpu.memory_space<hbm>>
      %dma_start3A_687 = tpu.memref_slice %arg12[%dma_start3A_676] : memref<4x!tpu.dma_semaphore, #tpu.memory_space<semaphore_mem>> -> memref<1x!tpu.dma_semaphore, #tpu.memory_space<semaphore_mem>>
      %dma_start3A_688 = tpu.memref_squeeze %dma_start3A_687 : memref<1x!tpu.dma_semaphore, #tpu.memory_space<semaphore_mem>> -> memref<!tpu.dma_semaphore, #tpu.memory_space<semaphore_mem>>
      tpu.enqueue_indirect_dma source(%dma_start3A_686 : memref<10000x128xf32, #tpu.memory_space<hbm>>) target(%dma_start3A_680 : memref<40x128xf32, #tpu.memory_space<vmem>>) offsets(%dma_start3A_683 : memref<40xi32, #tpu.memory_space<vmem>>) semaphore(%dma_start3A_688 : memref<!tpu.dma_semaphore, #tpu.memory_space<semaphore_mem>>)
      %add3A_689 = arith.constant 3 : i32
      %add3A_690 = arith.addi %mul3A_502, %add3A_689 : i32
      %mul3A_691 = arith.constant 40 : i32
      %mul3A_692 = arith.muli %add3A_690, %mul3A_691 : i32
      %add3A_693 = arith.addi %mul3A_2, %mul3A_692 : i32
      %add3A_694 = arith.constant 320000 : i32
      %add3A_695 = arith.addi %add3A_694, %add3A_693 : i32
      %dma_wait3A_696 = arith.constant 3 : i32
      %dma_wait3A_697 = arith.constant 3 : i32
      %dma_wait3A_698 = arith.constant 0 : i32
      %dma_wait3A_699 = tpu.memref_slice %arg6[%dma_wait3A_696, %dma_wait3A_698] : memref<4x40xi32, #tpu.memory_space<vmem>> -> memref<1x40xi32, #tpu.memory_space<vmem>>
      %dma_wait3A_700 = tpu.memref_squeeze %dma_wait3A_699 : memref<1x40xi32, #tpu.memory_space<vmem>> -> memref<40xi32, #tpu.memory_space<vmem>>
      %dma_wait3A_701 = tpu.memref_slice %arg3[%add3A_693] : memref<640000xi32, #tpu.memory_space<hbm>> -> memref<40xi32, #tpu.memory_space<hbm>>
      %dma_wait3A_702 = tpu.memref_slice %arg11[%dma_wait3A_697] : memref<4x!tpu.dma_semaphore, #tpu.memory_space<semaphore_mem>> -> memref<1x!tpu.dma_semaphore, #tpu.memory_space<semaphore_mem>>
      %dma_wait3A_703 = tpu.memref_squeeze %dma_wait3A_702 : memref<1x!tpu.dma_semaphore, #tpu.memory_space<semaphore_mem>> -> memref<!tpu.dma_semaphore, #tpu.memory_space<semaphore_mem>>
      %dma_wait3A_704 = arith.constant 0 : i32
      %dma_wait3A_705 = tpu.memref_slice %arg6[%dma_wait3A_696, %dma_wait3A_704] : memref<4x40xi32, #tpu.memory_space<vmem>> -> memref<1x40xi32, #tpu.memory_space<vmem>>
      %dma_wait3A_706 = tpu.memref_squeeze %dma_wait3A_705 : memref<1x40xi32, #tpu.memory_space<vmem>> -> memref<40xi32, #tpu.memory_space<vmem>>
      %dma_wait3A_707 = tpu.memref_slice %arg3[%add3A_693] : memref<640000xi32, #tpu.memory_space<hbm>> -> memref<40xi32, #tpu.memory_space<hbm>>
      tpu.wait_dma2 semaphore(%dma_wait3A_703 : memref<!tpu.dma_semaphore, #tpu.memory_space<semaphore_mem>>) src(%dma_wait3A_707 : memref<40xi32, #tpu.memory_space<hbm>>) dst(%dma_wait3A_706 : memref<40xi32, #tpu.memory_space<vmem>>)
      %dma_wait3A_708 = arith.constant 3 : i32
      %dma_wait3A_709 = arith.constant 3 : i32
      %dma_wait3A_710 = arith.constant 0 : i32
      %dma_wait3A_711 = tpu.memref_slice %arg7[%dma_wait3A_708, %dma_wait3A_710] : memref<4x40xi32, #tpu.memory_space<vmem>> -> memref<1x40xi32, #tpu.memory_space<vmem>>
      %dma_wait3A_712 = tpu.memref_squeeze %dma_wait3A_711 : memref<1x40xi32, #tpu.memory_space<vmem>> -> memref<40xi32, #tpu.memory_space<vmem>>
      %dma_wait3A_713 = tpu.memref_slice %arg3[%add3A_695] : memref<640000xi32, #tpu.memory_space<hbm>> -> memref<40xi32, #tpu.memory_space<hbm>>
      %dma_wait3A_714 = tpu.memref_slice %arg11[%dma_wait3A_709] : memref<4x!tpu.dma_semaphore, #tpu.memory_space<semaphore_mem>> -> memref<1x!tpu.dma_semaphore, #tpu.memory_space<semaphore_mem>>
      %dma_wait3A_715 = tpu.memref_squeeze %dma_wait3A_714 : memref<1x!tpu.dma_semaphore, #tpu.memory_space<semaphore_mem>> -> memref<!tpu.dma_semaphore, #tpu.memory_space<semaphore_mem>>
      %dma_wait3A_716 = arith.constant 0 : i32
      %dma_wait3A_717 = tpu.memref_slice %arg7[%dma_wait3A_708, %dma_wait3A_716] : memref<4x40xi32, #tpu.memory_space<vmem>> -> memref<1x40xi32, #tpu.memory_space<vmem>>
      %dma_wait3A_718 = tpu.memref_squeeze %dma_wait3A_717 : memref<1x40xi32, #tpu.memory_space<vmem>> -> memref<40xi32, #tpu.memory_space<vmem>>
      %dma_wait3A_719 = tpu.memref_slice %arg3[%add3A_695] : memref<640000xi32, #tpu.memory_space<hbm>> -> memref<40xi32, #tpu.memory_space<hbm>>
      tpu.wait_dma2 semaphore(%dma_wait3A_715 : memref<!tpu.dma_semaphore, #tpu.memory_space<semaphore_mem>>) src(%dma_wait3A_719 : memref<40xi32, #tpu.memory_space<hbm>>) dst(%dma_wait3A_718 : memref<40xi32, #tpu.memory_space<vmem>>)
      %dma_wait3A_720 = arith.constant 3 : i32
      %dma_wait3A_721 = arith.constant 3 : i32
      %dma_wait3A_722 = arith.constant 0 : i32
      %dma_wait3A_723 = arith.constant 0 : i32
      %dma_wait3A_724 = tpu.memref_slice %arg9[%dma_wait3A_720, %dma_wait3A_722, %dma_wait3A_723] : memref<4x40x64xi32, #tpu.memory_space<vmem>> -> memref<1x40x64xi32, #tpu.memory_space<vmem>>
      %dma_wait3A_725 = tpu.memref_squeeze %dma_wait3A_724 : memref<1x40x64xi32, #tpu.memory_space<vmem>> -> memref<40x64xi32, #tpu.memory_space<vmem>>
      %dma_wait3A_726 = arith.constant 0 : i32
      %dma_wait3A_727 = tpu.memref_slice %arg4[%add3A_693, %dma_wait3A_726] : memref<320000x64xi32, #tpu.memory_space<hbm>> -> memref<40x64xi32, #tpu.memory_space<hbm>>
      %dma_wait3A_728 = tpu.memref_slice %arg11[%dma_wait3A_721] : memref<4x!tpu.dma_semaphore, #tpu.memory_space<semaphore_mem>> -> memref<1x!tpu.dma_semaphore, #tpu.memory_space<semaphore_mem>>
      %dma_wait3A_729 = tpu.memref_squeeze %dma_wait3A_728 : memref<1x!tpu.dma_semaphore, #tpu.memory_space<semaphore_mem>> -> memref<!tpu.dma_semaphore, #tpu.memory_space<semaphore_mem>>
      %dma_wait3A_730 = arith.constant 0 : i32
      %dma_wait3A_731 = arith.constant 0 : i32
      %dma_wait3A_732 = tpu.memref_slice %arg9[%dma_wait3A_720, %dma_wait3A_730, %dma_wait3A_731] : memref<4x40x64xi32, #tpu.memory_space<vmem>> -> memref<1x40x64xi32, #tpu.memory_space<vmem>>
      %dma_wait3A_733 = tpu.memref_squeeze %dma_wait3A_732 : memref<1x40x64xi32, #tpu.memory_space<vmem>> -> memref<40x64xi32, #tpu.memory_space<vmem>>
      %dma_wait3A_734 = arith.constant 0 : i32
      %dma_wait3A_735 = tpu.memref_slice %arg4[%add3A_693, %dma_wait3A_734] : memref<320000x64xi32, #tpu.memory_space<hbm>> -> memref<40x64xi32, #tpu.memory_space<hbm>>
      tpu.wait_dma2 semaphore(%dma_wait3A_729 : memref<!tpu.dma_semaphore, #tpu.memory_space<semaphore_mem>>) src(%dma_wait3A_735 : memref<40x64xi32, #tpu.memory_space<hbm>>) dst(%dma_wait3A_733 : memref<40x64xi32, #tpu.memory_space<vmem>>)
      %dma_start3A_736 = arith.constant 3 : i32
      %dma_start3A_737 = arith.constant 3 : i32
      %dma_start3A_738 = arith.constant 3 : i32
      %dma_start3A_739 = arith.constant 0 : i32
      %dma_start3A_740 = arith.constant 0 : i32
      %dma_start3A_741 = tpu.memref_slice %arg8[%dma_start3A_737, %dma_start3A_739, %dma_start3A_740] : memref<4x40x128xf32, #tpu.memory_space<vmem>> -> memref<1x40x128xf32, #tpu.memory_space<vmem>>
      %dma_start3A_742 = tpu.memref_squeeze %dma_start3A_741 : memref<1x40x128xf32, #tpu.memory_space<vmem>> -> memref<40x128xf32, #tpu.memory_space<vmem>>
      %dma_start3A_743 = arith.constant 0 : i32
      %dma_start3A_744 = tpu.memref_slice %arg6[%dma_start3A_736, %dma_start3A_743] : memref<4x40xi32, #tpu.memory_space<vmem>> -> memref<1x40xi32, #tpu.memory_space<vmem>>
      %dma_start3A_745 = tpu.memref_squeeze %dma_start3A_744 : memref<1x40xi32, #tpu.memory_space<vmem>> -> memref<40xi32, #tpu.memory_space<vmem>>
      %dma_start3A_746 = arith.constant 0 : i32
      %dma_start3A_747 = arith.constant 0 : i32
      %dma_start3A_748 = tpu.memref_slice %arg2[%dma_start3A_746, %dma_start3A_747] : memref<10000x128xf32, #tpu.memory_space<hbm>> -> memref<10000x128xf32, #tpu.memory_space<hbm>>
      %dma_start3A_749 = tpu.memref_slice %arg12[%dma_start3A_738] : memref<4x!tpu.dma_semaphore, #tpu.memory_space<semaphore_mem>> -> memref<1x!tpu.dma_semaphore, #tpu.memory_space<semaphore_mem>>
      %dma_start3A_750 = tpu.memref_squeeze %dma_start3A_749 : memref<1x!tpu.dma_semaphore, #tpu.memory_space<semaphore_mem>> -> memref<!tpu.dma_semaphore, #tpu.memory_space<semaphore_mem>>
      tpu.enqueue_indirect_dma source(%dma_start3A_748 : memref<10000x128xf32, #tpu.memory_space<hbm>>) target(%dma_start3A_742 : memref<40x128xf32, #tpu.memory_space<vmem>>) offsets(%dma_start3A_745 : memref<40xi32, #tpu.memory_space<vmem>>) semaphore(%dma_start3A_750 : memref<!tpu.dma_semaphore, #tpu.memory_space<semaphore_mem>>)
      %dma_wait3A_751 = arith.constant 0 : i32
      %dma_wait3A_752 = arith.constant 0 : i32
      %dma_wait3A_753 = arith.constant 0 : i32
      %dma_wait3A_754 = arith.constant 0 : i32
      %dma_wait3A_755 = arith.constant 0 : i32
      %dma_wait3A_756 = tpu.memref_slice %arg8[%dma_wait3A_752, %dma_wait3A_754, %dma_wait3A_755] : memref<4x40x128xf32, #tpu.memory_space<vmem>> -> memref<1x40x128xf32, #tpu.memory_space<vmem>>
      %dma_wait3A_757 = tpu.memref_squeeze %dma_wait3A_756 : memref<1x40x128xf32, #tpu.memory_space<vmem>> -> memref<40x128xf32, #tpu.memory_space<vmem>>
      %dma_wait3A_758 = arith.constant 0 : i32
      %dma_wait3A_759 = tpu.memref_slice %arg6[%dma_wait3A_751, %dma_wait3A_758] : memref<4x40xi32, #tpu.memory_space<vmem>> -> memref<1x40xi32, #tpu.memory_space<vmem>>
      %dma_wait3A_760 = tpu.memref_squeeze %dma_wait3A_759 : memref<1x40xi32, #tpu.memory_space<vmem>> -> memref<40xi32, #tpu.memory_space<vmem>>
      %dma_wait3A_761 = arith.constant 0 : i32
      %dma_wait3A_762 = arith.constant 0 : i32
      %dma_wait3A_763 = tpu.memref_slice %arg2[%dma_wait3A_761, %dma_wait3A_762] : memref<10000x128xf32, #tpu.memory_space<hbm>> -> memref<10000x128xf32, #tpu.memory_space<hbm>>
      %dma_wait3A_764 = tpu.memref_slice %arg12[%dma_wait3A_753] : memref<4x!tpu.dma_semaphore, #tpu.memory_space<semaphore_mem>> -> memref<1x!tpu.dma_semaphore, #tpu.memory_space<semaphore_mem>>
      %dma_wait3A_765 = tpu.memref_squeeze %dma_wait3A_764 : memref<1x!tpu.dma_semaphore, #tpu.memory_space<semaphore_mem>> -> memref<!tpu.dma_semaphore, #tpu.memory_space<semaphore_mem>>
      tpu.wait_indirect_dma semaphore(%dma_wait3A_765 : memref<!tpu.dma_semaphore, #tpu.memory_space<semaphore_mem>>) src(%dma_wait3A_763 : memref<10000x128xf32, #tpu.memory_space<hbm>>) dst(%dma_wait3A_757 : memref<40x128xf32, #tpu.memory_space<vmem>>)
      %scan3A_766 = arith.constant 0 : i32
      %scan3A_767 = arith.constant 0 : i32
      %scan3A_768 = arith.constant 40 : i32
      %scan3A_769 = arith.addi %scan3A_767, %scan3A_768 : i32
      %scan3A_770 = arith.constant 1 : i32
      scf.for %scan3A_974 = %scan3A_767 to %scan3A_769 step %scan3A_770  : i32 {
        %get3A = arith.constant 0 : i32
        %get3A_975 = arith.index_cast %get3A : i32 to index
        %get3A_976 = arith.index_cast %scan3A_974 : i32 to index
        %get3A_977 = arith.constant 0 : index
        %get3A_978 = tpu.vector_load %arg9[%get3A_975, %get3A_976, %get3A_977] {strides = array<i32>} : memref<4x40x64xi32, #tpu.memory_space<vmem>>, vector<1x1x16xi32>,
        %get3A_979 = vector.shape_cast %get3A_978 : vector<1x1x16xi32> to vector<16xi32>
        %get3A_980 = arith.constant 0 : i32
        %get3A_981 = arith.index_cast %get3A_980 : i32 to index
        %get3A_982 = arith.index_cast %scan3A_974 : i32 to index
        %get3A_983 = arith.constant 0 : index
        %get3A_984 = tpu.vector_load %arg8[%get3A_981, %get3A_982, %get3A_983] {strides = array<i32>} : memref<4x40x128xf32, #tpu.memory_space<vmem>>, vector<1x1x16xf32>,
        %get3A_985 = vector.shape_cast %get3A_984 : vector<1x1x16xf32> to vector<16xf32>
        %shift_left3A = arith.constant 16 : i32
        %shift_left3A_986 = vector.broadcast %shift_left3A : i32 to vector<16xi32>
        %shift_left3A_987 = arith.shli %get3A_979, %shift_left3A_986 : vector<16xi32>
        %bitcast_convert_type3A = tpu.bitcast %shift_left3A_987 : vector<16xi32> -> vector<16xf32>
        %add3A_988 = arith.addf %get3A_985, %bitcast_convert_type3A : vector<16xf32>
        %get3A_989 = arith.constant 0 : i32
        %get3A_990 = arith.index_cast %get3A_989 : i32 to index
        %get3A_991 = arith.index_cast %scan3A_974 : i32 to index
        %get3A_992 = arith.constant 16 : index
        %get3A_993 = tpu.vector_load %arg8[%get3A_990, %get3A_991, %get3A_992] {strides = array<i32>} : memref<4x40x128xf32, #tpu.memory_space<vmem>>, vector<1x1x16xf32>,
        %get3A_994 = vector.shape_cast %get3A_993 : vector<1x1x16xf32> to vector<16xf32>
        %and3A = arith.constant -65536 : i32
        %and3A_995 = vector.broadcast %and3A : i32 to vector<16xi32>
        %and3A_996 = arith.andi %get3A_979, %and3A_995 : vector<16xi32>
        %bitcast_convert_type3A_997 = tpu.bitcast %and3A_996 : vector<16xi32> -> vector<16xf32>
        %add3A_998 = arith.addf %get3A_994, %bitcast_convert_type3A_997 : vector<16xf32>
        %max3A = arith.constant 0.000000e+00 : f32
        %max3A_999 = vector.broadcast %max3A : f32 to vector<16xf32>
        %max3A_1000 = arith.maximumf %add3A_988, %max3A_999 : vector<16xf32>
        %swap3A = arith.constant 0 : i32
        %swap3A_1001 = arith.index_cast %swap3A : i32 to index
        %swap3A_1002 = arith.index_cast %scan3A_974 : i32 to index
        %swap3A_1003 = arith.constant 0 : index
        %swap3A_1004 = tpu.vector_load %arg8[%swap3A_1001, %swap3A_1002, %swap3A_1003] {strides = array<i32>} : memref<4x40x128xf32, #tpu.memory_space<vmem>>, vector<1x1x16xf32>,
        %swap3A_1005 = vector.shape_cast %swap3A_1004 : vector<1x1x16xf32> to vector<16xf32>
        %swap3A_1006 = vector.shape_cast %max3A_1000 : vector<16xf32> to vector<1x1x16xf32>
        tpu.vector_store %arg8[%swap3A_1001, %swap3A_1002, %swap3A_1003], %swap3A_1006 {strides = array<i32>} : memref<4x40x128xf32, #tpu.memory_space<vmem>>, vector<1x1x16xf32>,
        %max3A_1007 = arith.constant 0.000000e+00 : f32
        %max3A_1008 = vector.broadcast %max3A_1007 : f32 to vector<16xf32>
        %max3A_1009 = arith.maximumf %add3A_998, %max3A_1008 : vector<16xf32>
        %swap3A_1010 = arith.constant 0 : i32
        %swap3A_1011 = arith.index_cast %swap3A_1010 : i32 to index
        %swap3A_1012 = arith.index_cast %scan3A_974 : i32 to index
        %swap3A_1013 = arith.constant 16 : index
        %swap3A_1014 = tpu.vector_load %arg8[%swap3A_1011, %swap3A_1012, %swap3A_1013] {strides = array<i32>} : memref<4x40x128xf32, #tpu.memory_space<vmem>>, vector<1x1x16xf32>,
        %swap3A_1015 = vector.shape_cast %swap3A_1014 : vector<1x1x16xf32> to vector<16xf32>
        %swap3A_1016 = vector.shape_cast %max3A_1009 : vector<16xf32> to vector<1x1x16xf32>
        tpu.vector_store %arg8[%swap3A_1011, %swap3A_1012, %swap3A_1013], %swap3A_1016 {strides = array<i32>} : memref<4x40x128xf32, #tpu.memory_space<vmem>>, vector<1x1x16xf32>,
        %get3A_1017 = arith.constant 0 : i32
        %get3A_1018 = arith.index_cast %get3A_1017 : i32 to index
        %get3A_1019 = arith.index_cast %scan3A_974 : i32 to index
        %get3A_1020 = arith.constant 16 : index
        %get3A_1021 = tpu.vector_load %arg9[%get3A_1018, %get3A_1019, %get3A_1020] {strides = array<i32>} : memref<4x40x64xi32, #tpu.memory_space<vmem>>, vector<1x1x16xi32>,
        %get3A_1022 = vector.shape_cast %get3A_1021 : vector<1x1x16xi32> to vector<16xi32>
        %get3A_1023 = arith.constant 0 : i32
        %get3A_1024 = arith.index_cast %get3A_1023 : i32 to index
        %get3A_1025 = arith.index_cast %scan3A_974 : i32 to index
        %get3A_1026 = arith.constant 32 : index
        %get3A_1027 = tpu.vector_load %arg8[%get3A_1024, %get3A_1025, %get3A_1026] {strides = array<i32>} : memref<4x40x128xf32, #tpu.memory_space<vmem>>, vector<1x1x16xf32>,
        %get3A_1028 = vector.shape_cast %get3A_1027 : vector<1x1x16xf32> to vector<16xf32>
        %shift_left3A_1029 = arith.constant 16 : i32
        %shift_left3A_1030 = vector.broadcast %shift_left3A_1029 : i32 to vector<16xi32>
        %shift_left3A_1031 = arith.shli %get3A_1022, %shift_left3A_1030 : vector<16xi32>
        %bitcast_convert_type3A_1032 = tpu.bitcast %shift_left3A_1031 : vector<16xi32> -> vector<16xf32>
        %add3A_1033 = arith.addf %get3A_1028, %bitcast_convert_type3A_1032 : vector<16xf32>
        %get3A_1034 = arith.constant 0 : i32
        %get3A_1035 = arith.index_cast %get3A_1034 : i32 to index
        %get3A_1036 = arith.index_cast %scan3A_974 : i32 to index
        %get3A_1037 = arith.constant 48 : index
        %get3A_1038 = tpu.vector_load %arg8[%get3A_1035, %get3A_1036, %get3A_1037] {strides = array<i32>} : memref<4x40x128xf32, #tpu.memory_space<vmem>>, vector<1x1x16xf32>,
        %get3A_1039 = vector.shape_cast %get3A_1038 : vector<1x1x16xf32> to vector<16xf32>
        %and3A_1040 = arith.constant -65536 : i32
        %and3A_1041 = vector.broadcast %and3A_1040 : i32 to vector<16xi32>
        %and3A_1042 = arith.andi %get3A_1022, %and3A_1041 : vector<16xi32>
        %bitcast_convert_type3A_1043 = tpu.bitcast %and3A_1042 : vector<16xi32> -> vector<16xf32>
        %add3A_1044 = arith.addf %get3A_1039, %bitcast_convert_type3A_1043 : vector<16xf32>
        %max3A_1045 = arith.constant 0.000000e+00 : f32
        %max3A_1046 = vector.broadcast %max3A_1045 : f32 to vector<16xf32>
        %max3A_1047 = arith.maximumf %add3A_1033, %max3A_1046 : vector<16xf32>
        %swap3A_1048 = arith.constant 0 : i32
        %swap3A_1049 = arith.index_cast %swap3A_1048 : i32 to index
        %swap3A_1050 = arith.index_cast %scan3A_974 : i32 to index
        %swap3A_1051 = arith.constant 32 : index
        %swap3A_1052 = tpu.vector_load %arg8[%swap3A_1049, %swap3A_1050, %swap3A_1051] {strides = array<i32>} : memref<4x40x128xf32, #tpu.memory_space<vmem>>, vector<1x1x16xf32>,
        %swap3A_1053 = vector.shape_cast %swap3A_1052 : vector<1x1x16xf32> to vector<16xf32>
        %swap3A_1054 = vector.shape_cast %max3A_1047 : vector<16xf32> to vector<1x1x16xf32>
        tpu.vector_store %arg8[%swap3A_1049, %swap3A_1050, %swap3A_1051], %swap3A_1054 {strides = array<i32>} : memref<4x40x128xf32, #tpu.memory_space<vmem>>, vector<1x1x16xf32>,
        %max3A_1055 = arith.constant 0.000000e+00 : f32
        %max3A_1056 = vector.broadcast %max3A_1055 : f32 to vector<16xf32>
        %max3A_1057 = arith.maximumf %add3A_1044, %max3A_1056 : vector<16xf32>
        %swap3A_1058 = arith.constant 0 : i32
        %swap3A_1059 = arith.index_cast %swap3A_1058 : i32 to index
        %swap3A_1060 = arith.index_cast %scan3A_974 : i32 to index
        %swap3A_1061 = arith.constant 48 : index
        %swap3A_1062 = tpu.vector_load %arg8[%swap3A_1059, %swap3A_1060, %swap3A_1061] {strides = array<i32>} : memref<4x40x128xf32, #tpu.memory_space<vmem>>, vector<1x1x16xf32>,
        %swap3A_1063 = vector.shape_cast %swap3A_1062 : vector<1x1x16xf32> to vector<16xf32>
        %swap3A_1064 = vector.shape_cast %max3A_1057 : vector<16xf32> to vector<1x1x16xf32>
        tpu.vector_store %arg8[%swap3A_1059, %swap3A_1060, %swap3A_1061], %swap3A_1064 {strides = array<i32>} : memref<4x40x128xf32, #tpu.memory_space<vmem>>, vector<1x1x16xf32>,
        %get3A_1065 = arith.constant 0 : i32
        %get3A_1066 = arith.index_cast %get3A_1065 : i32 to index
        %get3A_1067 = arith.index_cast %scan3A_974 : i32 to index
        %get3A_1068 = arith.constant 32 : index
        %get3A_1069 = tpu.vector_load %arg9[%get3A_1066, %get3A_1067, %get3A_1068] {strides = array<i32>} : memref<4x40x64xi32, #tpu.memory_space<vmem>>, vector<1x1x16xi32>,
        %get3A_1070 = vector.shape_cast %get3A_1069 : vector<1x1x16xi32> to vector<16xi32>
        %get3A_1071 = arith.constant 0 : i32
        %get3A_1072 = arith.index_cast %get3A_1071 : i32 to index
        %get3A_1073 = arith.index_cast %scan3A_974 : i32 to index
        %get3A_1074 = arith.constant 64 : index
        %get3A_1075 = tpu.vector_load %arg8[%get3A_1072, %get3A_1073, %get3A_1074] {strides = array<i32>} : memref<4x40x128xf32, #tpu.memory_space<vmem>>, vector<1x1x16xf32>,
        %get3A_1076 = vector.shape_cast %get3A_1075 : vector<1x1x16xf32> to vector<16xf32>
        %shift_left3A_1077 = arith.constant 16 : i32
        %shift_left3A_1078 = vector.broadcast %shift_left3A_1077 : i32 to vector<16xi32>
        %shift_left3A_1079 = arith.shli %get3A_1070, %shift_left3A_1078 : vector<16xi32>
        %bitcast_convert_type3A_1080 = tpu.bitcast %shift_left3A_1079 : vector<16xi32> -> vector<16xf32>
        %add3A_1081 = arith.addf %get3A_1076, %bitcast_convert_type3A_1080 : vector<16xf32>
        %get3A_1082 = arith.constant 0 : i32
        %get3A_1083 = arith.index_cast %get3A_1082 : i32 to index
        %get3A_1084 = arith.index_cast %scan3A_974 : i32 to index
        %get3A_1085 = arith.constant 80 : index
        %get3A_1086 = tpu.vector_load %arg8[%get3A_1083, %get3A_1084, %get3A_1085] {strides = array<i32>} : memref<4x40x128xf32, #tpu.memory_space<vmem>>, vector<1x1x16xf32>,
        %get3A_1087 = vector.shape_cast %get3A_1086 : vector<1x1x16xf32> to vector<16xf32>
        %and3A_1088 = arith.constant -65536 : i32
        %and3A_1089 = vector.broadcast %and3A_1088 : i32 to vector<16xi32>
        %and3A_1090 = arith.andi %get3A_1070, %and3A_1089 : vector<16xi32>
        %bitcast_convert_type3A_1091 = tpu.bitcast %and3A_1090 : vector<16xi32> -> vector<16xf32>
        %add3A_1092 = arith.addf %get3A_1087, %bitcast_convert_type3A_1091 : vector<16xf32>
        %max3A_1093 = arith.constant 0.000000e+00 : f32
        %max3A_1094 = vector.broadcast %max3A_1093 : f32 to vector<16xf32>
        %max3A_1095 = arith.maximumf %add3A_1081, %max3A_1094 : vector<16xf32>
        %swap3A_1096 = arith.constant 0 : i32
        %swap3A_1097 = arith.index_cast %swap3A_1096 : i32 to index
        %swap3A_1098 = arith.index_cast %scan3A_974 : i32 to index
        %swap3A_1099 = arith.constant 64 : index
        %swap3A_1100 = tpu.vector_load %arg8[%swap3A_1097, %swap3A_1098, %swap3A_1099] {strides = array<i32>} : memref<4x40x128xf32, #tpu.memory_space<vmem>>, vector<1x1x16xf32>,
        %swap3A_1101 = vector.shape_cast %swap3A_1100 : vector<1x1x16xf32> to vector<16xf32>
        %swap3A_1102 = vector.shape_cast %max3A_1095 : vector<16xf32> to vector<1x1x16xf32>
        tpu.vector_store %arg8[%swap3A_1097, %swap3A_1098, %swap3A_1099], %swap3A_1102 {strides = array<i32>} : memref<4x40x128xf32, #tpu.memory_space<vmem>>, vector<1x1x16xf32>,
        %max3A_1103 = arith.constant 0.000000e+00 : f32
        %max3A_1104 = vector.broadcast %max3A_1103 : f32 to vector<16xf32>
        %max3A_1105 = arith.maximumf %add3A_1092, %max3A_1104 : vector<16xf32>
        %swap3A_1106 = arith.constant 0 : i32
        %swap3A_1107 = arith.index_cast %swap3A_1106 : i32 to index
        %swap3A_1108 = arith.index_cast %scan3A_974 : i32 to index
        %swap3A_1109 = arith.constant 80 : index
        %swap3A_1110 = tpu.vector_load %arg8[%swap3A_1107, %swap3A_1108, %swap3A_1109] {strides = array<i32>} : memref<4x40x128xf32, #tpu.memory_space<vmem>>, vector<1x1x16xf32>,
        %swap3A_1111 = vector.shape_cast %swap3A_1110 : vector<1x1x16xf32> to vector<16xf32>
        %swap3A_1112 = vector.shape_cast %max3A_1105 : vector<16xf32> to vector<1x1x16xf32>
        tpu.vector_store %arg8[%swap3A_1107, %swap3A_1108, %swap3A_1109], %swap3A_1112 {strides = array<i32>} : memref<4x40x128xf32, #tpu.memory_space<vmem>>, vector<1x1x16xf32>,
        %get3A_1113 = arith.constant 0 : i32
        %get3A_1114 = arith.index_cast %get3A_1113 : i32 to index
        %get3A_1115 = arith.index_cast %scan3A_974 : i32 to index
        %get3A_1116 = arith.constant 48 : index
        %get3A_1117 = tpu.vector_load %arg9[%get3A_1114, %get3A_1115, %get3A_1116] {strides = array<i32>} : memref<4x40x64xi32, #tpu.memory_space<vmem>>, vector<1x1x16xi32>,
        %get3A_1118 = vector.shape_cast %get3A_1117 : vector<1x1x16xi32> to vector<16xi32>
        %get3A_1119 = arith.constant 0 : i32
        %get3A_1120 = arith.index_cast %get3A_1119 : i32 to index
        %get3A_1121 = arith.index_cast %scan3A_974 : i32 to index
        %get3A_1122 = arith.constant 96 : index
        %get3A_1123 = tpu.vector_load %arg8[%get3A_1120, %get3A_1121, %get3A_1122] {strides = array<i32>} : memref<4x40x128xf32, #tpu.memory_space<vmem>>, vector<1x1x16xf32>,
        %get3A_1124 = vector.shape_cast %get3A_1123 : vector<1x1x16xf32> to vector<16xf32>
        %shift_left3A_1125 = arith.constant 16 : i32
        %shift_left3A_1126 = vector.broadcast %shift_left3A_1125 : i32 to vector<16xi32>
        %shift_left3A_1127 = arith.shli %get3A_1118, %shift_left3A_1126 : vector<16xi32>
        %bitcast_convert_type3A_1128 = tpu.bitcast %shift_left3A_1127 : vector<16xi32> -> vector<16xf32>
        %add3A_1129 = arith.addf %get3A_1124, %bitcast_convert_type3A_1128 : vector<16xf32>
        %get3A_1130 = arith.constant 0 : i32
        %get3A_1131 = arith.index_cast %get3A_1130 : i32 to index
        %get3A_1132 = arith.index_cast %scan3A_974 : i32 to index
        %get3A_1133 = arith.constant 112 : index
        %get3A_1134 = tpu.vector_load %arg8[%get3A_1131, %get3A_1132, %get3A_1133] {strides = array<i32>} : memref<4x40x128xf32, #tpu.memory_space<vmem>>, vector<1x1x16xf32>,
        %get3A_1135 = vector.shape_cast %get3A_1134 : vector<1x1x16xf32> to vector<16xf32>
        %and3A_1136 = arith.constant -65536 : i32
        %and3A_1137 = vector.broadcast %and3A_1136 : i32 to vector<16xi32>
        %and3A_1138 = arith.andi %get3A_1118, %and3A_1137 : vector<16xi32>
        %bitcast_convert_type3A_1139 = tpu.bitcast %and3A_1138 : vector<16xi32> -> vector<16xf32>
        %add3A_1140 = arith.addf %get3A_1135, %bitcast_convert_type3A_1139 : vector<16xf32>
        %max3A_1141 = arith.constant 0.000000e+00 : f32
        %max3A_1142 = vector.broadcast %max3A_1141 : f32 to vector<16xf32>
        %max3A_1143 = arith.maximumf %add3A_1129, %max3A_1142 : vector<16xf32>
        %swap3A_1144 = arith.constant 0 : i32
        %swap3A_1145 = arith.index_cast %swap3A_1144 : i32 to index
        %swap3A_1146 = arith.index_cast %scan3A_974 : i32 to index
        %swap3A_1147 = arith.constant 96 : index
        %swap3A_1148 = tpu.vector_load %arg8[%swap3A_1145, %swap3A_1146, %swap3A_1147] {strides = array<i32>} : memref<4x40x128xf32, #tpu.memory_space<vmem>>, vector<1x1x16xf32>,
        %swap3A_1149 = vector.shape_cast %swap3A_1148 : vector<1x1x16xf32> to vector<16xf32>
        %swap3A_1150 = vector.shape_cast %max3A_1143 : vector<16xf32> to vector<1x1x16xf32>
        tpu.vector_store %arg8[%swap3A_1145, %swap3A_1146, %swap3A_1147], %swap3A_1150 {strides = array<i32>} : memref<4x40x128xf32, #tpu.memory_space<vmem>>, vector<1x1x16xf32>,
        %max3A_1151 = arith.constant 0.000000e+00 : f32
        %max3A_1152 = vector.broadcast %max3A_1151 : f32 to vector<16xf32>
        %max3A_1153 = arith.maximumf %add3A_1140, %max3A_1152 : vector<16xf32>
        %swap3A_1154 = arith.constant 0 : i32
        %swap3A_1155 = arith.index_cast %swap3A_1154 : i32 to index
        %swap3A_1156 = arith.index_cast %scan3A_974 : i32 to index
        %swap3A_1157 = arith.constant 112 : index
        %swap3A_1158 = tpu.vector_load %arg8[%swap3A_1155, %swap3A_1156, %swap3A_1157] {strides = array<i32>} : memref<4x40x128xf32, #tpu.memory_space<vmem>>, vector<1x1x16xf32>,
        %swap3A_1159 = vector.shape_cast %swap3A_1158 : vector<1x1x16xf32> to vector<16xf32>
        %swap3A_1160 = vector.shape_cast %max3A_1153 : vector<16xf32> to vector<1x1x16xf32>
        tpu.vector_store %arg8[%swap3A_1155, %swap3A_1156, %swap3A_1157], %swap3A_1160 {strides = array<i32>} : memref<4x40x128xf32, #tpu.memory_space<vmem>>, vector<1x1x16xf32>,
      }
      %scan3A_771 = arith.constant 40 : i32
      %dma_start3A_772 = arith.constant 0 : i32
      %dma_start3A_773 = arith.constant 0 : i32
      %dma_start3A_774 = arith.constant 0 : i32
      %dma_start3A_775 = arith.constant 0 : i32
      %dma_start3A_776 = arith.constant 0 : i32
      %dma_start3A_777 = tpu.memref_slice %arg8[%dma_start3A_772, %dma_start3A_775, %dma_start3A_776] : memref<4x40x128xf32, #tpu.memory_space<vmem>> -> memref<1x40x128xf32, #tpu.memory_space<vmem>>
      %dma_start3A_778 = tpu.memref_squeeze %dma_start3A_777 : memref<1x40x128xf32, #tpu.memory_space<vmem>> -> memref<40x128xf32, #tpu.memory_space<vmem>>
      %dma_start3A_779 = arith.constant 0 : i32
      %dma_start3A_780 = tpu.memref_slice %arg7[%dma_start3A_773, %dma_start3A_779] : memref<4x40xi32, #tpu.memory_space<vmem>> -> memref<1x40xi32, #tpu.memory_space<vmem>>
      %dma_start3A_781 = tpu.memref_squeeze %dma_start3A_780 : memref<1x40xi32, #tpu.memory_space<vmem>> -> memref<40xi32, #tpu.memory_space<vmem>>
      %dma_start3A_782 = arith.constant 0 : i32
      %dma_start3A_783 = arith.constant 0 : i32
      %dma_start3A_784 = tpu.memref_slice %arg10[%dma_start3A_782, %dma_start3A_783] : memref<10112x128xf32, #tpu.memory_space<vmem_shared>> -> memref<10112x128xf32, #tpu.memory_space<vmem_shared>>
      %dma_start3A_785 = tpu.memref_slice %arg13[%dma_start3A_774] : memref<4x!tpu.dma_semaphore, #tpu.memory_space<semaphore_mem>> -> memref<1x!tpu.dma_semaphore, #tpu.memory_space<semaphore_mem>>
      %dma_start3A_786 = tpu.memref_squeeze %dma_start3A_785 : memref<1x!tpu.dma_semaphore, #tpu.memory_space<semaphore_mem>> -> memref<!tpu.dma_semaphore, #tpu.memory_space<semaphore_mem>>
      tpu.enqueue_indirect_dma source(%dma_start3A_778 : memref<40x128xf32, #tpu.memory_space<vmem>>) target(%dma_start3A_784 : memref<10112x128xf32, #tpu.memory_space<vmem_shared>>) offsets(%dma_start3A_781 : memref<40xi32, #tpu.memory_space<vmem>>) semaphore(%dma_start3A_786 : memref<!tpu.dma_semaphore, #tpu.memory_space<semaphore_mem>>) {add = true}
      %dma_wait3A_787 = arith.constant 1 : i32
      %dma_wait3A_788 = arith.constant 1 : i32
      %dma_wait3A_789 = arith.constant 1 : i32
      %dma_wait3A_790 = arith.constant 0 : i32
      %dma_wait3A_791 = arith.constant 0 : i32
      %dma_wait3A_792 = tpu.memref_slice %arg8[%dma_wait3A_788, %dma_wait3A_790, %dma_wait3A_791] : memref<4x40x128xf32, #tpu.memory_space<vmem>> -> memref<1x40x128xf32, #tpu.memory_space<vmem>>
      %dma_wait3A_793 = tpu.memref_squeeze %dma_wait3A_792 : memref<1x40x128xf32, #tpu.memory_space<vmem>> -> memref<40x128xf32, #tpu.memory_space<vmem>>
      %dma_wait3A_794 = arith.constant 0 : i32
      %dma_wait3A_795 = tpu.memref_slice %arg6[%dma_wait3A_787, %dma_wait3A_794] : memref<4x40xi32, #tpu.memory_space<vmem>> -> memref<1x40xi32, #tpu.memory_space<vmem>>
      %dma_wait3A_796 = tpu.memref_squeeze %dma_wait3A_795 : memref<1x40xi32, #tpu.memory_space<vmem>> -> memref<40xi32, #tpu.memory_space<vmem>>
      %dma_wait3A_797 = arith.constant 0 : i32
      %dma_wait3A_798 = arith.constant 0 : i32
      %dma_wait3A_799 = tpu.memref_slice %arg2[%dma_wait3A_797, %dma_wait3A_798] : memref<10000x128xf32, #tpu.memory_space<hbm>> -> memref<10000x128xf32, #tpu.memory_space<hbm>>
      %dma_wait3A_800 = tpu.memref_slice %arg12[%dma_wait3A_789] : memref<4x!tpu.dma_semaphore, #tpu.memory_space<semaphore_mem>> -> memref<1x!tpu.dma_semaphore, #tpu.memory_space<semaphore_mem>>
      %dma_wait3A_801 = tpu.memref_squeeze %dma_wait3A_800 : memref<1x!tpu.dma_semaphore, #tpu.memory_space<semaphore_mem>> -> memref<!tpu.dma_semaphore, #tpu.memory_space<semaphore_mem>>
      tpu.wait_indirect_dma semaphore(%dma_wait3A_801 : memref<!tpu.dma_semaphore, #tpu.memory_space<semaphore_mem>>) src(%dma_wait3A_799 : memref<10000x128xf32, #tpu.memory_space<hbm>>) dst(%dma_wait3A_793 : memref<40x128xf32, #tpu.memory_space<vmem>>)
      %scan3A_802 = arith.constant 0 : i32
      %scan3A_803 = arith.constant 0 : i32
      %scan3A_804 = arith.constant 40 : i32
      %scan3A_805 = arith.addi %scan3A_803, %scan3A_804 : i32
      %scan3A_806 = arith.constant 1 : i32
      scf.for %scan3A_974 = %scan3A_803 to %scan3A_805 step %scan3A_806  : i32 {
        %get3A = arith.constant 1 : i32
        %get3A_975 = arith.index_cast %get3A : i32 to index
        %get3A_976 = arith.index_cast %scan3A_974 : i32 to index
        %get3A_977 = arith.constant 0 : index
        %get3A_978 = tpu.vector_load %arg9[%get3A_975, %get3A_976, %get3A_977] {strides = array<i32>} : memref<4x40x64xi32, #tpu.memory_space<vmem>>, vector<1x1x16xi32>,
        %get3A_979 = vector.shape_cast %get3A_978 : vector<1x1x16xi32> to vector<16xi32>
        %get3A_980 = arith.constant 1 : i32
        %get3A_981 = arith.index_cast %get3A_980 : i32 to index
        %get3A_982 = arith.index_cast %scan3A_974 : i32 to index
        %get3A_983 = arith.constant 0 : index
        %get3A_984 = tpu.vector_load %arg8[%get3A_981, %get3A_982, %get3A_983] {strides = array<i32>} : memref<4x40x128xf32, #tpu.memory_space<vmem>>, vector<1x1x16xf32>,
        %get3A_985 = vector.shape_cast %get3A_984 : vector<1x1x16xf32> to vector<16xf32>
        %shift_left3A = arith.constant 16 : i32
        %shift_left3A_986 = vector.broadcast %shift_left3A : i32 to vector<16xi32>
        %shift_left3A_987 = arith.shli %get3A_979, %shift_left3A_986 : vector<16xi32>
        %bitcast_convert_type3A = tpu.bitcast %shift_left3A_987 : vector<16xi32> -> vector<16xf32>
        %add3A_988 = arith.addf %get3A_985, %bitcast_convert_type3A : vector<16xf32>
        %get3A_989 = arith.constant 1 : i32
        %get3A_990 = arith.index_cast %get3A_989 : i32 to index
        %get3A_991 = arith.index_cast %scan3A_974 : i32 to index
        %get3A_992 = arith.constant 16 : index
        %get3A_993 = tpu.vector_load %arg8[%get3A_990, %get3A_991, %get3A_992] {strides = array<i32>} : memref<4x40x128xf32, #tpu.memory_space<vmem>>, vector<1x1x16xf32>,
        %get3A_994 = vector.shape_cast %get3A_993 : vector<1x1x16xf32> to vector<16xf32>
        %and3A = arith.constant -65536 : i32
        %and3A_995 = vector.broadcast %and3A : i32 to vector<16xi32>
        %and3A_996 = arith.andi %get3A_979, %and3A_995 : vector<16xi32>
        %bitcast_convert_type3A_997 = tpu.bitcast %and3A_996 : vector<16xi32> -> vector<16xf32>
        %add3A_998 = arith.addf %get3A_994, %bitcast_convert_type3A_997 : vector<16xf32>
        %max3A = arith.constant 0.000000e+00 : f32
        %max3A_999 = vector.broadcast %max3A : f32 to vector<16xf32>
        %max3A_1000 = arith.maximumf %add3A_988, %max3A_999 : vector<16xf32>
        %swap3A = arith.constant 1 : i32
        %swap3A_1001 = arith.index_cast %swap3A : i32 to index
        %swap3A_1002 = arith.index_cast %scan3A_974 : i32 to index
        %swap3A_1003 = arith.constant 0 : index
        %swap3A_1004 = tpu.vector_load %arg8[%swap3A_1001, %swap3A_1002, %swap3A_1003] {strides = array<i32>} : memref<4x40x128xf32, #tpu.memory_space<vmem>>, vector<1x1x16xf32>,
        %swap3A_1005 = vector.shape_cast %swap3A_1004 : vector<1x1x16xf32> to vector<16xf32>
        %swap3A_1006 = vector.shape_cast %max3A_1000 : vector<16xf32> to vector<1x1x16xf32>
        tpu.vector_store %arg8[%swap3A_1001, %swap3A_1002, %swap3A_1003], %swap3A_1006 {strides = array<i32>} : memref<4x40x128xf32, #tpu.memory_space<vmem>>, vector<1x1x16xf32>,
        %max3A_1007 = arith.constant 0.000000e+00 : f32
        %max3A_1008 = vector.broadcast %max3A_1007 : f32 to vector<16xf32>
        %max3A_1009 = arith.maximumf %add3A_998, %max3A_1008 : vector<16xf32>
        %swap3A_1010 = arith.constant 1 : i32
        %swap3A_1011 = arith.index_cast %swap3A_1010 : i32 to index
        %swap3A_1012 = arith.index_cast %scan3A_974 : i32 to index
        %swap3A_1013 = arith.constant 16 : index
        %swap3A_1014 = tpu.vector_load %arg8[%swap3A_1011, %swap3A_1012, %swap3A_1013] {strides = array<i32>} : memref<4x40x128xf32, #tpu.memory_space<vmem>>, vector<1x1x16xf32>,
        %swap3A_1015 = vector.shape_cast %swap3A_1014 : vector<1x1x16xf32> to vector<16xf32>
        %swap3A_1016 = vector.shape_cast %max3A_1009 : vector<16xf32> to vector<1x1x16xf32>
        tpu.vector_store %arg8[%swap3A_1011, %swap3A_1012, %swap3A_1013], %swap3A_1016 {strides = array<i32>} : memref<4x40x128xf32, #tpu.memory_space<vmem>>, vector<1x1x16xf32>,
        %get3A_1017 = arith.constant 1 : i32
        %get3A_1018 = arith.index_cast %get3A_1017 : i32 to index
        %get3A_1019 = arith.index_cast %scan3A_974 : i32 to index
        %get3A_1020 = arith.constant 16 : index
        %get3A_1021 = tpu.vector_load %arg9[%get3A_1018, %get3A_1019, %get3A_1020] {strides = array<i32>} : memref<4x40x64xi32, #tpu.memory_space<vmem>>, vector<1x1x16xi32>,
        %get3A_1022 = vector.shape_cast %get3A_1021 : vector<1x1x16xi32> to vector<16xi32>
        %get3A_1023 = arith.constant 1 : i32
        %get3A_1024 = arith.index_cast %get3A_1023 : i32 to index
        %get3A_1025 = arith.index_cast %scan3A_974 : i32 to index
        %get3A_1026 = arith.constant 32 : index
        %get3A_1027 = tpu.vector_load %arg8[%get3A_1024, %get3A_1025, %get3A_1026] {strides = array<i32>} : memref<4x40x128xf32, #tpu.memory_space<vmem>>, vector<1x1x16xf32>,
        %get3A_1028 = vector.shape_cast %get3A_1027 : vector<1x1x16xf32> to vector<16xf32>
        %shift_left3A_1029 = arith.constant 16 : i32
        %shift_left3A_1030 = vector.broadcast %shift_left3A_1029 : i32 to vector<16xi32>
        %shift_left3A_1031 = arith.shli %get3A_1022, %shift_left3A_1030 : vector<16xi32>
        %bitcast_convert_type3A_1032 = tpu.bitcast %shift_left3A_1031 : vector<16xi32> -> vector<16xf32>
        %add3A_1033 = arith.addf %get3A_1028, %bitcast_convert_type3A_1032 : vector<16xf32>
        %get3A_1034 = arith.constant 1 : i32
        %get3A_1035 = arith.index_cast %get3A_1034 : i32 to index
        %get3A_1036 = arith.index_cast %scan3A_974 : i32 to index
        %get3A_1037 = arith.constant 48 : index
        %get3A_1038 = tpu.vector_load %arg8[%get3A_1035, %get3A_1036, %get3A_1037] {strides = array<i32>} : memref<4x40x128xf32, #tpu.memory_space<vmem>>, vector<1x1x16xf32>,
        %get3A_1039 = vector.shape_cast %get3A_1038 : vector<1x1x16xf32> to vector<16xf32>
        %and3A_1040 = arith.constant -65536 : i32
        %and3A_1041 = vector.broadcast %and3A_1040 : i32 to vector<16xi32>
        %and3A_1042 = arith.andi %get3A_1022, %and3A_1041 : vector<16xi32>
        %bitcast_convert_type3A_1043 = tpu.bitcast %and3A_1042 : vector<16xi32> -> vector<16xf32>
        %add3A_1044 = arith.addf %get3A_1039, %bitcast_convert_type3A_1043 : vector<16xf32>
        %max3A_1045 = arith.constant 0.000000e+00 : f32
        %max3A_1046 = vector.broadcast %max3A_1045 : f32 to vector<16xf32>
        %max3A_1047 = arith.maximumf %add3A_1033, %max3A_1046 : vector<16xf32>
        %swap3A_1048 = arith.constant 1 : i32
        %swap3A_1049 = arith.index_cast %swap3A_1048 : i32 to index
        %swap3A_1050 = arith.index_cast %scan3A_974 : i32 to index
        %swap3A_1051 = arith.constant 32 : index
        %swap3A_1052 = tpu.vector_load %arg8[%swap3A_1049, %swap3A_1050, %swap3A_1051] {strides = array<i32>} : memref<4x40x128xf32, #tpu.memory_space<vmem>>, vector<1x1x16xf32>,
        %swap3A_1053 = vector.shape_cast %swap3A_1052 : vector<1x1x16xf32> to vector<16xf32>
        %swap3A_1054 = vector.shape_cast %max3A_1047 : vector<16xf32> to vector<1x1x16xf32>
        tpu.vector_store %arg8[%swap3A_1049, %swap3A_1050, %swap3A_1051], %swap3A_1054 {strides = array<i32>} : memref<4x40x128xf32, #tpu.memory_space<vmem>>, vector<1x1x16xf32>,
        %max3A_1055 = arith.constant 0.000000e+00 : f32
        %max3A_1056 = vector.broadcast %max3A_1055 : f32 to vector<16xf32>
        %max3A_1057 = arith.maximumf %add3A_1044, %max3A_1056 : vector<16xf32>
        %swap3A_1058 = arith.constant 1 : i32
        %swap3A_1059 = arith.index_cast %swap3A_1058 : i32 to index
        %swap3A_1060 = arith.index_cast %scan3A_974 : i32 to index
        %swap3A_1061 = arith.constant 48 : index
        %swap3A_1062 = tpu.vector_load %arg8[%swap3A_1059, %swap3A_1060, %swap3A_1061] {strides = array<i32>} : memref<4x40x128xf32, #tpu.memory_space<vmem>>, vector<1x1x16xf32>,
        %swap3A_1063 = vector.shape_cast %swap3A_1062 : vector<1x1x16xf32> to vector<16xf32>
        %swap3A_1064 = vector.shape_cast %max3A_1057 : vector<16xf32> to vector<1x1x16xf32>
        tpu.vector_store %arg8[%swap3A_1059, %swap3A_1060, %swap3A_1061], %swap3A_1064 {strides = array<i32>} : memref<4x40x128xf32, #tpu.memory_space<vmem>>, vector<1x1x16xf32>,
        %get3A_1065 = arith.constant 1 : i32
        %get3A_1066 = arith.index_cast %get3A_1065 : i32 to index
        %get3A_1067 = arith.index_cast %scan3A_974 : i32 to index
        %get3A_1068 = arith.constant 32 : index
        %get3A_1069 = tpu.vector_load %arg9[%get3A_1066, %get3A_1067, %get3A_1068] {strides = array<i32>} : memref<4x40x64xi32, #tpu.memory_space<vmem>>, vector<1x1x16xi32>,
        %get3A_1070 = vector.shape_cast %get3A_1069 : vector<1x1x16xi32> to vector<16xi32>
        %get3A_1071 = arith.constant 1 : i32
        %get3A_1072 = arith.index_cast %get3A_1071 : i32 to index
        %get3A_1073 = arith.index_cast %scan3A_974 : i32 to index
        %get3A_1074 = arith.constant 64 : index
        %get3A_1075 = tpu.vector_load %arg8[%get3A_1072, %get3A_1073, %get3A_1074] {strides = array<i32>} : memref<4x40x128xf32, #tpu.memory_space<vmem>>, vector<1x1x16xf32>,
        %get3A_1076 = vector.shape_cast %get3A_1075 : vector<1x1x16xf32> to vector<16xf32>
        %shift_left3A_1077 = arith.constant 16 : i32
        %shift_left3A_1078 = vector.broadcast %shift_left3A_1077 : i32 to vector<16xi32>
        %shift_left3A_1079 = arith.shli %get3A_1070, %shift_left3A_1078 : vector<16xi32>
        %bitcast_convert_type3A_1080 = tpu.bitcast %shift_left3A_1079 : vector<16xi32> -> vector<16xf32>
        %add3A_1081 = arith.addf %get3A_1076, %bitcast_convert_type3A_1080 : vector<16xf32>
        %get3A_1082 = arith.constant 1 : i32
        %get3A_1083 = arith.index_cast %get3A_1082 : i32 to index
        %get3A_1084 = arith.index_cast %scan3A_974 : i32 to index
        %get3A_1085 = arith.constant 80 : index
        %get3A_1086 = tpu.vector_load %arg8[%get3A_1083, %get3A_1084, %get3A_1085] {strides = array<i32>} : memref<4x40x128xf32, #tpu.memory_space<vmem>>, vector<1x1x16xf32>,
        %get3A_1087 = vector.shape_cast %get3A_1086 : vector<1x1x16xf32> to vector<16xf32>
        %and3A_1088 = arith.constant -65536 : i32
        %and3A_1089 = vector.broadcast %and3A_1088 : i32 to vector<16xi32>
        %and3A_1090 = arith.andi %get3A_1070, %and3A_1089 : vector<16xi32>
        %bitcast_convert_type3A_1091 = tpu.bitcast %and3A_1090 : vector<16xi32> -> vector<16xf32>
        %add3A_1092 = arith.addf %get3A_1087, %bitcast_convert_type3A_1091 : vector<16xf32>
        %max3A_1093 = arith.constant 0.000000e+00 : f32
        %max3A_1094 = vector.broadcast %max3A_1093 : f32 to vector<16xf32>
        %max3A_1095 = arith.maximumf %add3A_1081, %max3A_1094 : vector<16xf32>
        %swap3A_1096 = arith.constant 1 : i32
        %swap3A_1097 = arith.index_cast %swap3A_1096 : i32 to index
        %swap3A_1098 = arith.index_cast %scan3A_974 : i32 to index
        %swap3A_1099 = arith.constant 64 : index
        %swap3A_1100 = tpu.vector_load %arg8[%swap3A_1097, %swap3A_1098, %swap3A_1099] {strides = array<i32>} : memref<4x40x128xf32, #tpu.memory_space<vmem>>, vector<1x1x16xf32>,
        %swap3A_1101 = vector.shape_cast %swap3A_1100 : vector<1x1x16xf32> to vector<16xf32>
        %swap3A_1102 = vector.shape_cast %max3A_1095 : vector<16xf32> to vector<1x1x16xf32>
        tpu.vector_store %arg8[%swap3A_1097, %swap3A_1098, %swap3A_1099], %swap3A_1102 {strides = array<i32>} : memref<4x40x128xf32, #tpu.memory_space<vmem>>, vector<1x1x16xf32>,
        %max3A_1103 = arith.constant 0.000000e+00 : f32
        %max3A_1104 = vector.broadcast %max3A_1103 : f32 to vector<16xf32>
        %max3A_1105 = arith.maximumf %add3A_1092, %max3A_1104 : vector<16xf32>
        %swap3A_1106 = arith.constant 1 : i32
        %swap3A_1107 = arith.index_cast %swap3A_1106 : i32 to index
        %swap3A_1108 = arith.index_cast %scan3A_974 : i32 to index
        %swap3A_1109 = arith.constant 80 : index
        %swap3A_1110 = tpu.vector_load %arg8[%swap3A_1107, %swap3A_1108, %swap3A_1109] {strides = array<i32>} : memref<4x40x128xf32, #tpu.memory_space<vmem>>, vector<1x1x16xf32>,
        %swap3A_1111 = vector.shape_cast %swap3A_1110 : vector<1x1x16xf32> to vector<16xf32>
        %swap3A_1112 = vector.shape_cast %max3A_1105 : vector<16xf32> to vector<1x1x16xf32>
        tpu.vector_store %arg8[%swap3A_1107, %swap3A_1108, %swap3A_1109], %swap3A_1112 {strides = array<i32>} : memref<4x40x128xf32, #tpu.memory_space<vmem>>, vector<1x1x16xf32>,
        %get3A_1113 = arith.constant 1 : i32
        %get3A_1114 = arith.index_cast %get3A_1113 : i32 to index
        %get3A_1115 = arith.index_cast %scan3A_974 : i32 to index
        %get3A_1116 = arith.constant 48 : index
        %get3A_1117 = tpu.vector_load %arg9[%get3A_1114, %get3A_1115, %get3A_1116] {strides = array<i32>} : memref<4x40x64xi32, #tpu.memory_space<vmem>>, vector<1x1x16xi32>,
        %get3A_1118 = vector.shape_cast %get3A_1117 : vector<1x1x16xi32> to vector<16xi32>
        %get3A_1119 = arith.constant 1 : i32
        %get3A_1120 = arith.index_cast %get3A_1119 : i32 to index
        %get3A_1121 = arith.index_cast %scan3A_974 : i32 to index
        %get3A_1122 = arith.constant 96 : index
        %get3A_1123 = tpu.vector_load %arg8[%get3A_1120, %get3A_1121, %get3A_1122] {strides = array<i32>} : memref<4x40x128xf32, #tpu.memory_space<vmem>>, vector<1x1x16xf32>,
        %get3A_1124 = vector.shape_cast %get3A_1123 : vector<1x1x16xf32> to vector<16xf32>
        %shift_left3A_1125 = arith.constant 16 : i32
        %shift_left3A_1126 = vector.broadcast %shift_left3A_1125 : i32 to vector<16xi32>
        %shift_left3A_1127 = arith.shli %get3A_1118, %shift_left3A_1126 : vector<16xi32>
        %bitcast_convert_type3A_1128 = tpu.bitcast %shift_left3A_1127 : vector<16xi32> -> vector<16xf32>
        %add3A_1129 = arith.addf %get3A_1124, %bitcast_convert_type3A_1128 : vector<16xf32>
        %get3A_1130 = arith.constant 1 : i32
        %get3A_1131 = arith.index_cast %get3A_1130 : i32 to index
        %get3A_1132 = arith.index_cast %scan3A_974 : i32 to index
        %get3A_1133 = arith.constant 112 : index
        %get3A_1134 = tpu.vector_load %arg8[%get3A_1131, %get3A_1132, %get3A_1133] {strides = array<i32>} : memref<4x40x128xf32, #tpu.memory_space<vmem>>, vector<1x1x16xf32>,
        %get3A_1135 = vector.shape_cast %get3A_1134 : vector<1x1x16xf32> to vector<16xf32>
        %and3A_1136 = arith.constant -65536 : i32
        %and3A_1137 = vector.broadcast %and3A_1136 : i32 to vector<16xi32>
        %and3A_1138 = arith.andi %get3A_1118, %and3A_1137 : vector<16xi32>
        %bitcast_convert_type3A_1139 = tpu.bitcast %and3A_1138 : vector<16xi32> -> vector<16xf32>
        %add3A_1140 = arith.addf %get3A_1135, %bitcast_convert_type3A_1139 : vector<16xf32>
        %max3A_1141 = arith.constant 0.000000e+00 : f32
        %max3A_1142 = vector.broadcast %max3A_1141 : f32 to vector<16xf32>
        %max3A_1143 = arith.maximumf %add3A_1129, %max3A_1142 : vector<16xf32>
        %swap3A_1144 = arith.constant 1 : i32
        %swap3A_1145 = arith.index_cast %swap3A_1144 : i32 to index
        %swap3A_1146 = arith.index_cast %scan3A_974 : i32 to index
        %swap3A_1147 = arith.constant 96 : index
        %swap3A_1148 = tpu.vector_load %arg8[%swap3A_1145, %swap3A_1146, %swap3A_1147] {strides = array<i32>} : memref<4x40x128xf32, #tpu.memory_space<vmem>>, vector<1x1x16xf32>,
        %swap3A_1149 = vector.shape_cast %swap3A_1148 : vector<1x1x16xf32> to vector<16xf32>
        %swap3A_1150 = vector.shape_cast %max3A_1143 : vector<16xf32> to vector<1x1x16xf32>
        tpu.vector_store %arg8[%swap3A_1145, %swap3A_1146, %swap3A_1147], %swap3A_1150 {strides = array<i32>} : memref<4x40x128xf32, #tpu.memory_space<vmem>>, vector<1x1x16xf32>,
        %max3A_1151 = arith.constant 0.000000e+00 : f32
        %max3A_1152 = vector.broadcast %max3A_1151 : f32 to vector<16xf32>
        %max3A_1153 = arith.maximumf %add3A_1140, %max3A_1152 : vector<16xf32>
        %swap3A_1154 = arith.constant 1 : i32
        %swap3A_1155 = arith.index_cast %swap3A_1154 : i32 to index
        %swap3A_1156 = arith.index_cast %scan3A_974 : i32 to index
        %swap3A_1157 = arith.constant 112 : index
        %swap3A_1158 = tpu.vector_load %arg8[%swap3A_1155, %swap3A_1156, %swap3A_1157] {strides = array<i32>} : memref<4x40x128xf32, #tpu.memory_space<vmem>>, vector<1x1x16xf32>,
        %swap3A_1159 = vector.shape_cast %swap3A_1158 : vector<1x1x16xf32> to vector<16xf32>
        %swap3A_1160 = vector.shape_cast %max3A_1153 : vector<16xf32> to vector<1x1x16xf32>
        tpu.vector_store %arg8[%swap3A_1155, %swap3A_1156, %swap3A_1157], %swap3A_1160 {strides = array<i32>} : memref<4x40x128xf32, #tpu.memory_space<vmem>>, vector<1x1x16xf32>,
      }
      %scan3A_807 = arith.constant 40 : i32
      %dma_start3A_808 = arith.constant 1 : i32
      %dma_start3A_809 = arith.constant 1 : i32
      %dma_start3A_810 = arith.constant 1 : i32
      %dma_start3A_811 = arith.constant 0 : i32
      %dma_start3A_812 = arith.constant 0 : i32
      %dma_start3A_813 = tpu.memref_slice %arg8[%dma_start3A_808, %dma_start3A_811, %dma_start3A_812] : memref<4x40x128xf32, #tpu.memory_space<vmem>> -> memref<1x40x128xf32, #tpu.memory_space<vmem>>
      %dma_start3A_814 = tpu.memref_squeeze %dma_start3A_813 : memref<1x40x128xf32, #tpu.memory_space<vmem>> -> memref<40x128xf32, #tpu.memory_space<vmem>>
      %dma_start3A_815 = arith.constant 0 : i32
      %dma_start3A_816 = tpu.memref_slice %arg7[%dma_start3A_809, %dma_start3A_815] : memref<4x40xi32, #tpu.memory_space<vmem>> -> memref<1x40xi32, #tpu.memory_space<vmem>>
      %dma_start3A_817 = tpu.memref_squeeze %dma_start3A_816 : memref<1x40xi32, #tpu.memory_space<vmem>> -> memref<40xi32, #tpu.memory_space<vmem>>
      %dma_start3A_818 = arith.constant 0 : i32
      %dma_start3A_819 = arith.constant 0 : i32
      %dma_start3A_820 = tpu.memref_slice %arg10[%dma_start3A_818, %dma_start3A_819] : memref<10112x128xf32, #tpu.memory_space<vmem_shared>> -> memref<10112x128xf32, #tpu.memory_space<vmem_shared>>
      %dma_start3A_821 = tpu.memref_slice %arg13[%dma_start3A_810] : memref<4x!tpu.dma_semaphore, #tpu.memory_space<semaphore_mem>> -> memref<1x!tpu.dma_semaphore, #tpu.memory_space<semaphore_mem>>
      %dma_start3A_822 = tpu.memref_squeeze %dma_start3A_821 : memref<1x!tpu.dma_semaphore, #tpu.memory_space<semaphore_mem>> -> memref<!tpu.dma_semaphore, #tpu.memory_space<semaphore_mem>>
      tpu.enqueue_indirect_dma source(%dma_start3A_814 : memref<40x128xf32, #tpu.memory_space<vmem>>) target(%dma_start3A_820 : memref<10112x128xf32, #tpu.memory_space<vmem_shared>>) offsets(%dma_start3A_817 : memref<40xi32, #tpu.memory_space<vmem>>) semaphore(%dma_start3A_822 : memref<!tpu.dma_semaphore, #tpu.memory_space<semaphore_mem>>) {add = true}
      %dma_wait3A_823 = arith.constant 2 : i32
      %dma_wait3A_824 = arith.constant 2 : i32
      %dma_wait3A_825 = arith.constant 2 : i32
      %dma_wait3A_826 = arith.constant 0 : i32
      %dma_wait3A_827 = arith.constant 0 : i32
      %dma_wait3A_828 = tpu.memref_slice %arg8[%dma_wait3A_824, %dma_wait3A_826, %dma_wait3A_827] : memref<4x40x128xf32, #tpu.memory_space<vmem>> -> memref<1x40x128xf32, #tpu.memory_space<vmem>>
      %dma_wait3A_829 = tpu.memref_squeeze %dma_wait3A_828 : memref<1x40x128xf32, #tpu.memory_space<vmem>> -> memref<40x128xf32, #tpu.memory_space<vmem>>
      %dma_wait3A_830 = arith.constant 0 : i32
      %dma_wait3A_831 = tpu.memref_slice %arg6[%dma_wait3A_823, %dma_wait3A_830] : memref<4x40xi32, #tpu.memory_space<vmem>> -> memref<1x40xi32, #tpu.memory_space<vmem>>
      %dma_wait3A_832 = tpu.memref_squeeze %dma_wait3A_831 : memref<1x40xi32, #tpu.memory_space<vmem>> -> memref<40xi32, #tpu.memory_space<vmem>>
      %dma_wait3A_833 = arith.constant 0 : i32
      %dma_wait3A_834 = arith.constant 0 : i32
      %dma_wait3A_835 = tpu.memref_slice %arg2[%dma_wait3A_833, %dma_wait3A_834] : memref<10000x128xf32, #tpu.memory_space<hbm>> -> memref<10000x128xf32, #tpu.memory_space<hbm>>
      %dma_wait3A_836 = tpu.memref_slice %arg12[%dma_wait3A_825] : memref<4x!tpu.dma_semaphore, #tpu.memory_space<semaphore_mem>> -> memref<1x!tpu.dma_semaphore, #tpu.memory_space<semaphore_mem>>
      %dma_wait3A_837 = tpu.memref_squeeze %dma_wait3A_836 : memref<1x!tpu.dma_semaphore, #tpu.memory_space<semaphore_mem>> -> memref<!tpu.dma_semaphore, #tpu.memory_space<semaphore_mem>>
      tpu.wait_indirect_dma semaphore(%dma_wait3A_837 : memref<!tpu.dma_semaphore, #tpu.memory_space<semaphore_mem>>) src(%dma_wait3A_835 : memref<10000x128xf32, #tpu.memory_space<hbm>>) dst(%dma_wait3A_829 : memref<40x128xf32, #tpu.memory_space<vmem>>)
      %scan3A_838 = arith.constant 0 : i32
      %scan3A_839 = arith.constant 0 : i32
      %scan3A_840 = arith.constant 40 : i32
      %scan3A_841 = arith.addi %scan3A_839, %scan3A_840 : i32
      %scan3A_842 = arith.constant 1 : i32
      scf.for %scan3A_974 = %scan3A_839 to %scan3A_841 step %scan3A_842  : i32 {
        %get3A = arith.constant 2 : i32
        %get3A_975 = arith.index_cast %get3A : i32 to index
        %get3A_976 = arith.index_cast %scan3A_974 : i32 to index
        %get3A_977 = arith.constant 0 : index
        %get3A_978 = tpu.vector_load %arg9[%get3A_975, %get3A_976, %get3A_977] {strides = array<i32>} : memref<4x40x64xi32, #tpu.memory_space<vmem>>, vector<1x1x16xi32>,
        %get3A_979 = vector.shape_cast %get3A_978 : vector<1x1x16xi32> to vector<16xi32>
        %get3A_980 = arith.constant 2 : i32
        %get3A_981 = arith.index_cast %get3A_980 : i32 to index
        %get3A_982 = arith.index_cast %scan3A_974 : i32 to index
        %get3A_983 = arith.constant 0 : index
        %get3A_984 = tpu.vector_load %arg8[%get3A_981, %get3A_982, %get3A_983] {strides = array<i32>} : memref<4x40x128xf32, #tpu.memory_space<vmem>>, vector<1x1x16xf32>,
        %get3A_985 = vector.shape_cast %get3A_984 : vector<1x1x16xf32> to vector<16xf32>
        %shift_left3A = arith.constant 16 : i32
        %shift_left3A_986 = vector.broadcast %shift_left3A : i32 to vector<16xi32>
        %shift_left3A_987 = arith.shli %get3A_979, %shift_left3A_986 : vector<16xi32>
        %bitcast_convert_type3A = tpu.bitcast %shift_left3A_987 : vector<16xi32> -> vector<16xf32>
        %add3A_988 = arith.addf %get3A_985, %bitcast_convert_type3A : vector<16xf32>
        %get3A_989 = arith.constant 2 : i32
        %get3A_990 = arith.index_cast %get3A_989 : i32 to index
        %get3A_991 = arith.index_cast %scan3A_974 : i32 to index
        %get3A_992 = arith.constant 16 : index
        %get3A_993 = tpu.vector_load %arg8[%get3A_990, %get3A_991, %get3A_992] {strides = array<i32>} : memref<4x40x128xf32, #tpu.memory_space<vmem>>, vector<1x1x16xf32>,
        %get3A_994 = vector.shape_cast %get3A_993 : vector<1x1x16xf32> to vector<16xf32>
        %and3A = arith.constant -65536 : i32
        %and3A_995 = vector.broadcast %and3A : i32 to vector<16xi32>
        %and3A_996 = arith.andi %get3A_979, %and3A_995 : vector<16xi32>
        %bitcast_convert_type3A_997 = tpu.bitcast %and3A_996 : vector<16xi32> -> vector<16xf32>
        %add3A_998 = arith.addf %get3A_994, %bitcast_convert_type3A_997 : vector<16xf32>
        %max3A = arith.constant 0.000000e+00 : f32
        %max3A_999 = vector.broadcast %max3A : f32 to vector<16xf32>
        %max3A_1000 = arith.maximumf %add3A_988, %max3A_999 : vector<16xf32>
        %swap3A = arith.constant 2 : i32
        %swap3A_1001 = arith.index_cast %swap3A : i32 to index
        %swap3A_1002 = arith.index_cast %scan3A_974 : i32 to index
        %swap3A_1003 = arith.constant 0 : index
        %swap3A_1004 = tpu.vector_load %arg8[%swap3A_1001, %swap3A_1002, %swap3A_1003] {strides = array<i32>} : memref<4x40x128xf32, #tpu.memory_space<vmem>>, vector<1x1x16xf32>,
        %swap3A_1005 = vector.shape_cast %swap3A_1004 : vector<1x1x16xf32> to vector<16xf32>
        %swap3A_1006 = vector.shape_cast %max3A_1000 : vector<16xf32> to vector<1x1x16xf32>
        tpu.vector_store %arg8[%swap3A_1001, %swap3A_1002, %swap3A_1003], %swap3A_1006 {strides = array<i32>} : memref<4x40x128xf32, #tpu.memory_space<vmem>>, vector<1x1x16xf32>,
        %max3A_1007 = arith.constant 0.000000e+00 : f32
        %max3A_1008 = vector.broadcast %max3A_1007 : f32 to vector<16xf32>
        %max3A_1009 = arith.maximumf %add3A_998, %max3A_1008 : vector<16xf32>
        %swap3A_1010 = arith.constant 2 : i32
        %swap3A_1011 = arith.index_cast %swap3A_1010 : i32 to index
        %swap3A_1012 = arith.index_cast %scan3A_974 : i32 to index
        %swap3A_1013 = arith.constant 16 : index
        %swap3A_1014 = tpu.vector_load %arg8[%swap3A_1011, %swap3A_1012, %swap3A_1013] {strides = array<i32>} : memref<4x40x128xf32, #tpu.memory_space<vmem>>, vector<1x1x16xf32>,
        %swap3A_1015 = vector.shape_cast %swap3A_1014 : vector<1x1x16xf32> to vector<16xf32>
        %swap3A_1016 = vector.shape_cast %max3A_1009 : vector<16xf32> to vector<1x1x16xf32>
        tpu.vector_store %arg8[%swap3A_1011, %swap3A_1012, %swap3A_1013], %swap3A_1016 {strides = array<i32>} : memref<4x40x128xf32, #tpu.memory_space<vmem>>, vector<1x1x16xf32>,
        %get3A_1017 = arith.constant 2 : i32
        %get3A_1018 = arith.index_cast %get3A_1017 : i32 to index
        %get3A_1019 = arith.index_cast %scan3A_974 : i32 to index
        %get3A_1020 = arith.constant 16 : index
        %get3A_1021 = tpu.vector_load %arg9[%get3A_1018, %get3A_1019, %get3A_1020] {strides = array<i32>} : memref<4x40x64xi32, #tpu.memory_space<vmem>>, vector<1x1x16xi32>,
        %get3A_1022 = vector.shape_cast %get3A_1021 : vector<1x1x16xi32> to vector<16xi32>
        %get3A_1023 = arith.constant 2 : i32
        %get3A_1024 = arith.index_cast %get3A_1023 : i32 to index
        %get3A_1025 = arith.index_cast %scan3A_974 : i32 to index
        %get3A_1026 = arith.constant 32 : index
        %get3A_1027 = tpu.vector_load %arg8[%get3A_1024, %get3A_1025, %get3A_1026] {strides = array<i32>} : memref<4x40x128xf32, #tpu.memory_space<vmem>>, vector<1x1x16xf32>,
        %get3A_1028 = vector.shape_cast %get3A_1027 : vector<1x1x16xf32> to vector<16xf32>
        %shift_left3A_1029 = arith.constant 16 : i32
        %shift_left3A_1030 = vector.broadcast %shift_left3A_1029 : i32 to vector<16xi32>
        %shift_left3A_1031 = arith.shli %get3A_1022, %shift_left3A_1030 : vector<16xi32>
        %bitcast_convert_type3A_1032 = tpu.bitcast %shift_left3A_1031 : vector<16xi32> -> vector<16xf32>
        %add3A_1033 = arith.addf %get3A_1028, %bitcast_convert_type3A_1032 : vector<16xf32>
        %get3A_1034 = arith.constant 2 : i32
        %get3A_1035 = arith.index_cast %get3A_1034 : i32 to index
        %get3A_1036 = arith.index_cast %scan3A_974 : i32 to index
        %get3A_1037 = arith.constant 48 : index
        %get3A_1038 = tpu.vector_load %arg8[%get3A_1035, %get3A_1036, %get3A_1037] {strides = array<i32>} : memref<4x40x128xf32, #tpu.memory_space<vmem>>, vector<1x1x16xf32>,
        %get3A_1039 = vector.shape_cast %get3A_1038 : vector<1x1x16xf32> to vector<16xf32>
        %and3A_1040 = arith.constant -65536 : i32
        %and3A_1041 = vector.broadcast %and3A_1040 : i32 to vector<16xi32>
        %and3A_1042 = arith.andi %get3A_1022, %and3A_1041 : vector<16xi32>
        %bitcast_convert_type3A_1043 = tpu.bitcast %and3A_1042 : vector<16xi32> -> vector<16xf32>
        %add3A_1044 = arith.addf %get3A_1039, %bitcast_convert_type3A_1043 : vector<16xf32>
        %max3A_1045 = arith.constant 0.000000e+00 : f32
        %max3A_1046 = vector.broadcast %max3A_1045 : f32 to vector<16xf32>
        %max3A_1047 = arith.maximumf %add3A_1033, %max3A_1046 : vector<16xf32>
        %swap3A_1048 = arith.constant 2 : i32
        %swap3A_1049 = arith.index_cast %swap3A_1048 : i32 to index
        %swap3A_1050 = arith.index_cast %scan3A_974 : i32 to index
        %swap3A_1051 = arith.constant 32 : index
        %swap3A_1052 = tpu.vector_load %arg8[%swap3A_1049, %swap3A_1050, %swap3A_1051] {strides = array<i32>} : memref<4x40x128xf32, #tpu.memory_space<vmem>>, vector<1x1x16xf32>,
        %swap3A_1053 = vector.shape_cast %swap3A_1052 : vector<1x1x16xf32> to vector<16xf32>
        %swap3A_1054 = vector.shape_cast %max3A_1047 : vector<16xf32> to vector<1x1x16xf32>
        tpu.vector_store %arg8[%swap3A_1049, %swap3A_1050, %swap3A_1051], %swap3A_1054 {strides = array<i32>} : memref<4x40x128xf32, #tpu.memory_space<vmem>>, vector<1x1x16xf32>,
        %max3A_1055 = arith.constant 0.000000e+00 : f32
        %max3A_1056 = vector.broadcast %max3A_1055 : f32 to vector<16xf32>
        %max3A_1057 = arith.maximumf %add3A_1044, %max3A_1056 : vector<16xf32>
        %swap3A_1058 = arith.constant 2 : i32
        %swap3A_1059 = arith.index_cast %swap3A_1058 : i32 to index
        %swap3A_1060 = arith.index_cast %scan3A_974 : i32 to index
        %swap3A_1061 = arith.constant 48 : index
        %swap3A_1062 = tpu.vector_load %arg8[%swap3A_1059, %swap3A_1060, %swap3A_1061] {strides = array<i32>} : memref<4x40x128xf32, #tpu.memory_space<vmem>>, vector<1x1x16xf32>,
        %swap3A_1063 = vector.shape_cast %swap3A_1062 : vector<1x1x16xf32> to vector<16xf32>
        %swap3A_1064 = vector.shape_cast %max3A_1057 : vector<16xf32> to vector<1x1x16xf32>
        tpu.vector_store %arg8[%swap3A_1059, %swap3A_1060, %swap3A_1061], %swap3A_1064 {strides = array<i32>} : memref<4x40x128xf32, #tpu.memory_space<vmem>>, vector<1x1x16xf32>,
        %get3A_1065 = arith.constant 2 : i32
        %get3A_1066 = arith.index_cast %get3A_1065 : i32 to index
        %get3A_1067 = arith.index_cast %scan3A_974 : i32 to index
        %get3A_1068 = arith.constant 32 : index
        %get3A_1069 = tpu.vector_load %arg9[%get3A_1066, %get3A_1067, %get3A_1068] {strides = array<i32>} : memref<4x40x64xi32, #tpu.memory_space<vmem>>, vector<1x1x16xi32>,
        %get3A_1070 = vector.shape_cast %get3A_1069 : vector<1x1x16xi32> to vector<16xi32>
        %get3A_1071 = arith.constant 2 : i32
        %get3A_1072 = arith.index_cast %get3A_1071 : i32 to index
        %get3A_1073 = arith.index_cast %scan3A_974 : i32 to index
        %get3A_1074 = arith.constant 64 : index
        %get3A_1075 = tpu.vector_load %arg8[%get3A_1072, %get3A_1073, %get3A_1074] {strides = array<i32>} : memref<4x40x128xf32, #tpu.memory_space<vmem>>, vector<1x1x16xf32>,
        %get3A_1076 = vector.shape_cast %get3A_1075 : vector<1x1x16xf32> to vector<16xf32>
        %shift_left3A_1077 = arith.constant 16 : i32
        %shift_left3A_1078 = vector.broadcast %shift_left3A_1077 : i32 to vector<16xi32>
        %shift_left3A_1079 = arith.shli %get3A_1070, %shift_left3A_1078 : vector<16xi32>
        %bitcast_convert_type3A_1080 = tpu.bitcast %shift_left3A_1079 : vector<16xi32> -> vector<16xf32>
        %add3A_1081 = arith.addf %get3A_1076, %bitcast_convert_type3A_1080 : vector<16xf32>
        %get3A_1082 = arith.constant 2 : i32
        %get3A_1083 = arith.index_cast %get3A_1082 : i32 to index
        %get3A_1084 = arith.index_cast %scan3A_974 : i32 to index
        %get3A_1085 = arith.constant 80 : index
        %get3A_1086 = tpu.vector_load %arg8[%get3A_1083, %get3A_1084, %get3A_1085] {strides = array<i32>} : memref<4x40x128xf32, #tpu.memory_space<vmem>>, vector<1x1x16xf32>,
        %get3A_1087 = vector.shape_cast %get3A_1086 : vector<1x1x16xf32> to vector<16xf32>
        %and3A_1088 = arith.constant -65536 : i32
        %and3A_1089 = vector.broadcast %and3A_1088 : i32 to vector<16xi32>
        %and3A_1090 = arith.andi %get3A_1070, %and3A_1089 : vector<16xi32>
        %bitcast_convert_type3A_1091 = tpu.bitcast %and3A_1090 : vector<16xi32> -> vector<16xf32>
        %add3A_1092 = arith.addf %get3A_1087, %bitcast_convert_type3A_1091 : vector<16xf32>
        %max3A_1093 = arith.constant 0.000000e+00 : f32
        %max3A_1094 = vector.broadcast %max3A_1093 : f32 to vector<16xf32>
        %max3A_1095 = arith.maximumf %add3A_1081, %max3A_1094 : vector<16xf32>
        %swap3A_1096 = arith.constant 2 : i32
        %swap3A_1097 = arith.index_cast %swap3A_1096 : i32 to index
        %swap3A_1098 = arith.index_cast %scan3A_974 : i32 to index
        %swap3A_1099 = arith.constant 64 : index
        %swap3A_1100 = tpu.vector_load %arg8[%swap3A_1097, %swap3A_1098, %swap3A_1099] {strides = array<i32>} : memref<4x40x128xf32, #tpu.memory_space<vmem>>, vector<1x1x16xf32>,
        %swap3A_1101 = vector.shape_cast %swap3A_1100 : vector<1x1x16xf32> to vector<16xf32>
        %swap3A_1102 = vector.shape_cast %max3A_1095 : vector<16xf32> to vector<1x1x16xf32>
        tpu.vector_store %arg8[%swap3A_1097, %swap3A_1098, %swap3A_1099], %swap3A_1102 {strides = array<i32>} : memref<4x40x128xf32, #tpu.memory_space<vmem>>, vector<1x1x16xf32>,
        %max3A_1103 = arith.constant 0.000000e+00 : f32
        %max3A_1104 = vector.broadcast %max3A_1103 : f32 to vector<16xf32>
        %max3A_1105 = arith.maximumf %add3A_1092, %max3A_1104 : vector<16xf32>
        %swap3A_1106 = arith.constant 2 : i32
        %swap3A_1107 = arith.index_cast %swap3A_1106 : i32 to index
        %swap3A_1108 = arith.index_cast %scan3A_974 : i32 to index
        %swap3A_1109 = arith.constant 80 : index
        %swap3A_1110 = tpu.vector_load %arg8[%swap3A_1107, %swap3A_1108, %swap3A_1109] {strides = array<i32>} : memref<4x40x128xf32, #tpu.memory_space<vmem>>, vector<1x1x16xf32>,
        %swap3A_1111 = vector.shape_cast %swap3A_1110 : vector<1x1x16xf32> to vector<16xf32>
        %swap3A_1112 = vector.shape_cast %max3A_1105 : vector<16xf32> to vector<1x1x16xf32>
        tpu.vector_store %arg8[%swap3A_1107, %swap3A_1108, %swap3A_1109], %swap3A_1112 {strides = array<i32>} : memref<4x40x128xf32, #tpu.memory_space<vmem>>, vector<1x1x16xf32>,
        %get3A_1113 = arith.constant 2 : i32
        %get3A_1114 = arith.index_cast %get3A_1113 : i32 to index
        %get3A_1115 = arith.index_cast %scan3A_974 : i32 to index
        %get3A_1116 = arith.constant 48 : index
        %get3A_1117 = tpu.vector_load %arg9[%get3A_1114, %get3A_1115, %get3A_1116] {strides = array<i32>} : memref<4x40x64xi32, #tpu.memory_space<vmem>>, vector<1x1x16xi32>,
        %get3A_1118 = vector.shape_cast %get3A_1117 : vector<1x1x16xi32> to vector<16xi32>
        %get3A_1119 = arith.constant 2 : i32
        %get3A_1120 = arith.index_cast %get3A_1119 : i32 to index
        %get3A_1121 = arith.index_cast %scan3A_974 : i32 to index
        %get3A_1122 = arith.constant 96 : index
        %get3A_1123 = tpu.vector_load %arg8[%get3A_1120, %get3A_1121, %get3A_1122] {strides = array<i32>} : memref<4x40x128xf32, #tpu.memory_space<vmem>>, vector<1x1x16xf32>,
        %get3A_1124 = vector.shape_cast %get3A_1123 : vector<1x1x16xf32> to vector<16xf32>
        %shift_left3A_1125 = arith.constant 16 : i32
        %shift_left3A_1126 = vector.broadcast %shift_left3A_1125 : i32 to vector<16xi32>
        %shift_left3A_1127 = arith.shli %get3A_1118, %shift_left3A_1126 : vector<16xi32>
        %bitcast_convert_type3A_1128 = tpu.bitcast %shift_left3A_1127 : vector<16xi32> -> vector<16xf32>
        %add3A_1129 = arith.addf %get3A_1124, %bitcast_convert_type3A_1128 : vector<16xf32>
        %get3A_1130 = arith.constant 2 : i32
        %get3A_1131 = arith.index_cast %get3A_1130 : i32 to index
        %get3A_1132 = arith.index_cast %scan3A_974 : i32 to index
        %get3A_1133 = arith.constant 112 : index
        %get3A_1134 = tpu.vector_load %arg8[%get3A_1131, %get3A_1132, %get3A_1133] {strides = array<i32>} : memref<4x40x128xf32, #tpu.memory_space<vmem>>, vector<1x1x16xf32>,
        %get3A_1135 = vector.shape_cast %get3A_1134 : vector<1x1x16xf32> to vector<16xf32>
        %and3A_1136 = arith.constant -65536 : i32
        %and3A_1137 = vector.broadcast %and3A_1136 : i32 to vector<16xi32>
        %and3A_1138 = arith.andi %get3A_1118, %and3A_1137 : vector<16xi32>
        %bitcast_convert_type3A_1139 = tpu.bitcast %and3A_1138 : vector<16xi32> -> vector<16xf32>
        %add3A_1140 = arith.addf %get3A_1135, %bitcast_convert_type3A_1139 : vector<16xf32>
        %max3A_1141 = arith.constant 0.000000e+00 : f32
        %max3A_1142 = vector.broadcast %max3A_1141 : f32 to vector<16xf32>
        %max3A_1143 = arith.maximumf %add3A_1129, %max3A_1142 : vector<16xf32>
        %swap3A_1144 = arith.constant 2 : i32
        %swap3A_1145 = arith.index_cast %swap3A_1144 : i32 to index
        %swap3A_1146 = arith.index_cast %scan3A_974 : i32 to index
        %swap3A_1147 = arith.constant 96 : index
        %swap3A_1148 = tpu.vector_load %arg8[%swap3A_1145, %swap3A_1146, %swap3A_1147] {strides = array<i32>} : memref<4x40x128xf32, #tpu.memory_space<vmem>>, vector<1x1x16xf32>,
        %swap3A_1149 = vector.shape_cast %swap3A_1148 : vector<1x1x16xf32> to vector<16xf32>
        %swap3A_1150 = vector.shape_cast %max3A_1143 : vector<16xf32> to vector<1x1x16xf32>
        tpu.vector_store %arg8[%swap3A_1145, %swap3A_1146, %swap3A_1147], %swap3A_1150 {strides = array<i32>} : memref<4x40x128xf32, #tpu.memory_space<vmem>>, vector<1x1x16xf32>,
        %max3A_1151 = arith.constant 0.000000e+00 : f32
        %max3A_1152 = vector.broadcast %max3A_1151 : f32 to vector<16xf32>
        %max3A_1153 = arith.maximumf %add3A_1140, %max3A_1152 : vector<16xf32>
        %swap3A_1154 = arith.constant 2 : i32
        %swap3A_1155 = arith.index_cast %swap3A_1154 : i32 to index
        %swap3A_1156 = arith.index_cast %scan3A_974 : i32 to index
        %swap3A_1157 = arith.constant 112 : index
        %swap3A_1158 = tpu.vector_load %arg8[%swap3A_1155, %swap3A_1156, %swap3A_1157] {strides = array<i32>} : memref<4x40x128xf32, #tpu.memory_space<vmem>>, vector<1x1x16xf32>,
        %swap3A_1159 = vector.shape_cast %swap3A_1158 : vector<1x1x16xf32> to vector<16xf32>
        %swap3A_1160 = vector.shape_cast %max3A_1153 : vector<16xf32> to vector<1x1x16xf32>
        tpu.vector_store %arg8[%swap3A_1155, %swap3A_1156, %swap3A_1157], %swap3A_1160 {strides = array<i32>} : memref<4x40x128xf32, #tpu.memory_space<vmem>>, vector<1x1x16xf32>,
      }
      %scan3A_843 = arith.constant 40 : i32
      %dma_start3A_844 = arith.constant 2 : i32
      %dma_start3A_845 = arith.constant 2 : i32
      %dma_start3A_846 = arith.constant 2 : i32
      %dma_start3A_847 = arith.constant 0 : i32
      %dma_start3A_848 = arith.constant 0 : i32
      %dma_start3A_849 = tpu.memref_slice %arg8[%dma_start3A_844, %dma_start3A_847, %dma_start3A_848] : memref<4x40x128xf32, #tpu.memory_space<vmem>> -> memref<1x40x128xf32, #tpu.memory_space<vmem>>
      %dma_start3A_850 = tpu.memref_squeeze %dma_start3A_849 : memref<1x40x128xf32, #tpu.memory_space<vmem>> -> memref<40x128xf32, #tpu.memory_space<vmem>>
      %dma_start3A_851 = arith.constant 0 : i32
      %dma_start3A_852 = tpu.memref_slice %arg7[%dma_start3A_845, %dma_start3A_851] : memref<4x40xi32, #tpu.memory_space<vmem>> -> memref<1x40xi32, #tpu.memory_space<vmem>>
      %dma_start3A_853 = tpu.memref_squeeze %dma_start3A_852 : memref<1x40xi32, #tpu.memory_space<vmem>> -> memref<40xi32, #tpu.memory_space<vmem>>
      %dma_start3A_854 = arith.constant 0 : i32
      %dma_start3A_855 = arith.constant 0 : i32
      %dma_start3A_856 = tpu.memref_slice %arg10[%dma_start3A_854, %dma_start3A_855] : memref<10112x128xf32, #tpu.memory_space<vmem_shared>> -> memref<10112x128xf32, #tpu.memory_space<vmem_shared>>
      %dma_start3A_857 = tpu.memref_slice %arg13[%dma_start3A_846] : memref<4x!tpu.dma_semaphore, #tpu.memory_space<semaphore_mem>> -> memref<1x!tpu.dma_semaphore, #tpu.memory_space<semaphore_mem>>
      %dma_start3A_858 = tpu.memref_squeeze %dma_start3A_857 : memref<1x!tpu.dma_semaphore, #tpu.memory_space<semaphore_mem>> -> memref<!tpu.dma_semaphore, #tpu.memory_space<semaphore_mem>>
      tpu.enqueue_indirect_dma source(%dma_start3A_850 : memref<40x128xf32, #tpu.memory_space<vmem>>) target(%dma_start3A_856 : memref<10112x128xf32, #tpu.memory_space<vmem_shared>>) offsets(%dma_start3A_853 : memref<40xi32, #tpu.memory_space<vmem>>) semaphore(%dma_start3A_858 : memref<!tpu.dma_semaphore, #tpu.memory_space<semaphore_mem>>) {add = true}
      %dma_wait3A_859 = arith.constant 3 : i32
      %dma_wait3A_860 = arith.constant 3 : i32
      %dma_wait3A_861 = arith.constant 3 : i32
      %dma_wait3A_862 = arith.constant 0 : i32
      %dma_wait3A_863 = arith.constant 0 : i32
      %dma_wait3A_864 = tpu.memref_slice %arg8[%dma_wait3A_860, %dma_wait3A_862, %dma_wait3A_863] : memref<4x40x128xf32, #tpu.memory_space<vmem>> -> memref<1x40x128xf32, #tpu.memory_space<vmem>>
      %dma_wait3A_865 = tpu.memref_squeeze %dma_wait3A_864 : memref<1x40x128xf32, #tpu.memory_space<vmem>> -> memref<40x128xf32, #tpu.memory_space<vmem>>
      %dma_wait3A_866 = arith.constant 0 : i32
      %dma_wait3A_867 = tpu.memref_slice %arg6[%dma_wait3A_859, %dma_wait3A_866] : memref<4x40xi32, #tpu.memory_space<vmem>> -> memref<1x40xi32, #tpu.memory_space<vmem>>
      %dma_wait3A_868 = tpu.memref_squeeze %dma_wait3A_867 : memref<1x40xi32, #tpu.memory_space<vmem>> -> memref<40xi32, #tpu.memory_space<vmem>>
      %dma_wait3A_869 = arith.constant 0 : i32
      %dma_wait3A_870 = arith.constant 0 : i32
      %dma_wait3A_871 = tpu.memref_slice %arg2[%dma_wait3A_869, %dma_wait3A_870] : memref<10000x128xf32, #tpu.memory_space<hbm>> -> memref<10000x128xf32, #tpu.memory_space<hbm>>
      %dma_wait3A_872 = tpu.memref_slice %arg12[%dma_wait3A_861] : memref<4x!tpu.dma_semaphore, #tpu.memory_space<semaphore_mem>> -> memref<1x!tpu.dma_semaphore, #tpu.memory_space<semaphore_mem>>
      %dma_wait3A_873 = tpu.memref_squeeze %dma_wait3A_872 : memref<1x!tpu.dma_semaphore, #tpu.memory_space<semaphore_mem>> -> memref<!tpu.dma_semaphore, #tpu.memory_space<semaphore_mem>>
      tpu.wait_indirect_dma semaphore(%dma_wait3A_873 : memref<!tpu.dma_semaphore, #tpu.memory_space<semaphore_mem>>) src(%dma_wait3A_871 : memref<10000x128xf32, #tpu.memory_space<hbm>>) dst(%dma_wait3A_865 : memref<40x128xf32, #tpu.memory_space<vmem>>)
      %scan3A_874 = arith.constant 0 : i32
      %scan3A_875 = arith.constant 0 : i32
      %scan3A_876 = arith.constant 40 : i32
      %scan3A_877 = arith.addi %scan3A_875, %scan3A_876 : i32
      %scan3A_878 = arith.constant 1 : i32
      scf.for %scan3A_974 = %scan3A_875 to %scan3A_877 step %scan3A_878  : i32 {
        %get3A = arith.constant 3 : i32
        %get3A_975 = arith.index_cast %get3A : i32 to index
        %get3A_976 = arith.index_cast %scan3A_974 : i32 to index
        %get3A_977 = arith.constant 0 : index
        %get3A_978 = tpu.vector_load %arg9[%get3A_975, %get3A_976, %get3A_977] {strides = array<i32>} : memref<4x40x64xi32, #tpu.memory_space<vmem>>, vector<1x1x16xi32>,
        %get3A_979 = vector.shape_cast %get3A_978 : vector<1x1x16xi32> to vector<16xi32>
        %get3A_980 = arith.constant 3 : i32
        %get3A_981 = arith.index_cast %get3A_980 : i32 to index
        %get3A_982 = arith.index_cast %scan3A_974 : i32 to index
        %get3A_983 = arith.constant 0 : index
        %get3A_984 = tpu.vector_load %arg8[%get3A_981, %get3A_982, %get3A_983] {strides = array<i32>} : memref<4x40x128xf32, #tpu.memory_space<vmem>>, vector<1x1x16xf32>,
        %get3A_985 = vector.shape_cast %get3A_984 : vector<1x1x16xf32> to vector<16xf32>
        %shift_left3A = arith.constant 16 : i32
        %shift_left3A_986 = vector.broadcast %shift_left3A : i32 to vector<16xi32>
        %shift_left3A_987 = arith.shli %get3A_979, %shift_left3A_986 : vector<16xi32>
        %bitcast_convert_type3A = tpu.bitcast %shift_left3A_987 : vector<16xi32> -> vector<16xf32>
        %add3A_988 = arith.addf %get3A_985, %bitcast_convert_type3A : vector<16xf32>
        %get3A_989 = arith.constant 3 : i32
        %get3A_990 = arith.index_cast %get3A_989 : i32 to index
        %get3A_991 = arith.index_cast %scan3A_974 : i32 to index
        %get3A_992 = arith.constant 16 : index
        %get3A_993 = tpu.vector_load %arg8[%get3A_990, %get3A_991, %get3A_992] {strides = array<i32>} : memref<4x40x128xf32, #tpu.memory_space<vmem>>, vector<1x1x16xf32>,
        %get3A_994 = vector.shape_cast %get3A_993 : vector<1x1x16xf32> to vector<16xf32>
        %and3A = arith.constant -65536 : i32
        %and3A_995 = vector.broadcast %and3A : i32 to vector<16xi32>
        %and3A_996 = arith.andi %get3A_979, %and3A_995 : vector<16xi32>
        %bitcast_convert_type3A_997 = tpu.bitcast %and3A_996 : vector<16xi32> -> vector<16xf32>
        %add3A_998 = arith.addf %get3A_994, %bitcast_convert_type3A_997 : vector<16xf32>
        %max3A = arith.constant 0.000000e+00 : f32
        %max3A_999 = vector.broadcast %max3A : f32 to vector<16xf32>
        %max3A_1000 = arith.maximumf %add3A_988, %max3A_999 : vector<16xf32>
        %swap3A = arith.constant 3 : i32
        %swap3A_1001 = arith.index_cast %swap3A : i32 to index
        %swap3A_1002 = arith.index_cast %scan3A_974 : i32 to index
        %swap3A_1003 = arith.constant 0 : index
        %swap3A_1004 = tpu.vector_load %arg8[%swap3A_1001, %swap3A_1002, %swap3A_1003] {strides = array<i32>} : memref<4x40x128xf32, #tpu.memory_space<vmem>>, vector<1x1x16xf32>,
        %swap3A_1005 = vector.shape_cast %swap3A_1004 : vector<1x1x16xf32> to vector<16xf32>
        %swap3A_1006 = vector.shape_cast %max3A_1000 : vector<16xf32> to vector<1x1x16xf32>
        tpu.vector_store %arg8[%swap3A_1001, %swap3A_1002, %swap3A_1003], %swap3A_1006 {strides = array<i32>} : memref<4x40x128xf32, #tpu.memory_space<vmem>>, vector<1x1x16xf32>,
        %max3A_1007 = arith.constant 0.000000e+00 : f32
        %max3A_1008 = vector.broadcast %max3A_1007 : f32 to vector<16xf32>
        %max3A_1009 = arith.maximumf %add3A_998, %max3A_1008 : vector<16xf32>
        %swap3A_1010 = arith.constant 3 : i32
        %swap3A_1011 = arith.index_cast %swap3A_1010 : i32 to index
        %swap3A_1012 = arith.index_cast %scan3A_974 : i32 to index
        %swap3A_1013 = arith.constant 16 : index
        %swap3A_1014 = tpu.vector_load %arg8[%swap3A_1011, %swap3A_1012, %swap3A_1013] {strides = array<i32>} : memref<4x40x128xf32, #tpu.memory_space<vmem>>, vector<1x1x16xf32>,
        %swap3A_1015 = vector.shape_cast %swap3A_1014 : vector<1x1x16xf32> to vector<16xf32>
        %swap3A_1016 = vector.shape_cast %max3A_1009 : vector<16xf32> to vector<1x1x16xf32>
        tpu.vector_store %arg8[%swap3A_1011, %swap3A_1012, %swap3A_1013], %swap3A_1016 {strides = array<i32>} : memref<4x40x128xf32, #tpu.memory_space<vmem>>, vector<1x1x16xf32>,
        %get3A_1017 = arith.constant 3 : i32
        %get3A_1018 = arith.index_cast %get3A_1017 : i32 to index
        %get3A_1019 = arith.index_cast %scan3A_974 : i32 to index
        %get3A_1020 = arith.constant 16 : index
        %get3A_1021 = tpu.vector_load %arg9[%get3A_1018, %get3A_1019, %get3A_1020] {strides = array<i32>} : memref<4x40x64xi32, #tpu.memory_space<vmem>>, vector<1x1x16xi32>,
        %get3A_1022 = vector.shape_cast %get3A_1021 : vector<1x1x16xi32> to vector<16xi32>
        %get3A_1023 = arith.constant 3 : i32
        %get3A_1024 = arith.index_cast %get3A_1023 : i32 to index
        %get3A_1025 = arith.index_cast %scan3A_974 : i32 to index
        %get3A_1026 = arith.constant 32 : index
        %get3A_1027 = tpu.vector_load %arg8[%get3A_1024, %get3A_1025, %get3A_1026] {strides = array<i32>} : memref<4x40x128xf32, #tpu.memory_space<vmem>>, vector<1x1x16xf32>,
        %get3A_1028 = vector.shape_cast %get3A_1027 : vector<1x1x16xf32> to vector<16xf32>
        %shift_left3A_1029 = arith.constant 16 : i32
        %shift_left3A_1030 = vector.broadcast %shift_left3A_1029 : i32 to vector<16xi32>
        %shift_left3A_1031 = arith.shli %get3A_1022, %shift_left3A_1030 : vector<16xi32>
        %bitcast_convert_type3A_1032 = tpu.bitcast %shift_left3A_1031 : vector<16xi32> -> vector<16xf32>
        %add3A_1033 = arith.addf %get3A_1028, %bitcast_convert_type3A_1032 : vector<16xf32>
        %get3A_1034 = arith.constant 3 : i32
        %get3A_1035 = arith.index_cast %get3A_1034 : i32 to index
        %get3A_1036 = arith.index_cast %scan3A_974 : i32 to index
        %get3A_1037 = arith.constant 48 : index
        %get3A_1038 = tpu.vector_load %arg8[%get3A_1035, %get3A_1036, %get3A_1037] {strides = array<i32>} : memref<4x40x128xf32, #tpu.memory_space<vmem>>, vector<1x1x16xf32>,
        %get3A_1039 = vector.shape_cast %get3A_1038 : vector<1x1x16xf32> to vector<16xf32>
        %and3A_1040 = arith.constant -65536 : i32
        %and3A_1041 = vector.broadcast %and3A_1040 : i32 to vector<16xi32>
        %and3A_1042 = arith.andi %get3A_1022, %and3A_1041 : vector<16xi32>
        %bitcast_convert_type3A_1043 = tpu.bitcast %and3A_1042 : vector<16xi32> -> vector<16xf32>
        %add3A_1044 = arith.addf %get3A_1039, %bitcast_convert_type3A_1043 : vector<16xf32>
        %max3A_1045 = arith.constant 0.000000e+00 : f32
        %max3A_1046 = vector.broadcast %max3A_1045 : f32 to vector<16xf32>
        %max3A_1047 = arith.maximumf %add3A_1033, %max3A_1046 : vector<16xf32>
        %swap3A_1048 = arith.constant 3 : i32
        %swap3A_1049 = arith.index_cast %swap3A_1048 : i32 to index
        %swap3A_1050 = arith.index_cast %scan3A_974 : i32 to index
        %swap3A_1051 = arith.constant 32 : index
        %swap3A_1052 = tpu.vector_load %arg8[%swap3A_1049, %swap3A_1050, %swap3A_1051] {strides = array<i32>} : memref<4x40x128xf32, #tpu.memory_space<vmem>>, vector<1x1x16xf32>,
        %swap3A_1053 = vector.shape_cast %swap3A_1052 : vector<1x1x16xf32> to vector<16xf32>
        %swap3A_1054 = vector.shape_cast %max3A_1047 : vector<16xf32> to vector<1x1x16xf32>
        tpu.vector_store %arg8[%swap3A_1049, %swap3A_1050, %swap3A_1051], %swap3A_1054 {strides = array<i32>} : memref<4x40x128xf32, #tpu.memory_space<vmem>>, vector<1x1x16xf32>,
        %max3A_1055 = arith.constant 0.000000e+00 : f32
        %max3A_1056 = vector.broadcast %max3A_1055 : f32 to vector<16xf32>
        %max3A_1057 = arith.maximumf %add3A_1044, %max3A_1056 : vector<16xf32>
        %swap3A_1058 = arith.constant 3 : i32
        %swap3A_1059 = arith.index_cast %swap3A_1058 : i32 to index
        %swap3A_1060 = arith.index_cast %scan3A_974 : i32 to index
        %swap3A_1061 = arith.constant 48 : index
        %swap3A_1062 = tpu.vector_load %arg8[%swap3A_1059, %swap3A_1060, %swap3A_1061] {strides = array<i32>} : memref<4x40x128xf32, #tpu.memory_space<vmem>>, vector<1x1x16xf32>,
        %swap3A_1063 = vector.shape_cast %swap3A_1062 : vector<1x1x16xf32> to vector<16xf32>
        %swap3A_1064 = vector.shape_cast %max3A_1057 : vector<16xf32> to vector<1x1x16xf32>
        tpu.vector_store %arg8[%swap3A_1059, %swap3A_1060, %swap3A_1061], %swap3A_1064 {strides = array<i32>} : memref<4x40x128xf32, #tpu.memory_space<vmem>>, vector<1x1x16xf32>,
        %get3A_1065 = arith.constant 3 : i32
        %get3A_1066 = arith.index_cast %get3A_1065 : i32 to index
        %get3A_1067 = arith.index_cast %scan3A_974 : i32 to index
        %get3A_1068 = arith.constant 32 : index
        %get3A_1069 = tpu.vector_load %arg9[%get3A_1066, %get3A_1067, %get3A_1068] {strides = array<i32>} : memref<4x40x64xi32, #tpu.memory_space<vmem>>, vector<1x1x16xi32>,
        %get3A_1070 = vector.shape_cast %get3A_1069 : vector<1x1x16xi32> to vector<16xi32>
        %get3A_1071 = arith.constant 3 : i32
        %get3A_1072 = arith.index_cast %get3A_1071 : i32 to index
        %get3A_1073 = arith.index_cast %scan3A_974 : i32 to index
        %get3A_1074 = arith.constant 64 : index
        %get3A_1075 = tpu.vector_load %arg8[%get3A_1072, %get3A_1073, %get3A_1074] {strides = array<i32>} : memref<4x40x128xf32, #tpu.memory_space<vmem>>, vector<1x1x16xf32>,
        %get3A_1076 = vector.shape_cast %get3A_1075 : vector<1x1x16xf32> to vector<16xf32>
        %shift_left3A_1077 = arith.constant 16 : i32
        %shift_left3A_1078 = vector.broadcast %shift_left3A_1077 : i32 to vector<16xi32>
        %shift_left3A_1079 = arith.shli %get3A_1070, %shift_left3A_1078 : vector<16xi32>
        %bitcast_convert_type3A_1080 = tpu.bitcast %shift_left3A_1079 : vector<16xi32> -> vector<16xf32>
        %add3A_1081 = arith.addf %get3A_1076, %bitcast_convert_type3A_1080 : vector<16xf32>
        %get3A_1082 = arith.constant 3 : i32
        %get3A_1083 = arith.index_cast %get3A_1082 : i32 to index
        %get3A_1084 = arith.index_cast %scan3A_974 : i32 to index
        %get3A_1085 = arith.constant 80 : index
        %get3A_1086 = tpu.vector_load %arg8[%get3A_1083, %get3A_1084, %get3A_1085] {strides = array<i32>} : memref<4x40x128xf32, #tpu.memory_space<vmem>>, vector<1x1x16xf32>,
        %get3A_1087 = vector.shape_cast %get3A_1086 : vector<1x1x16xf32> to vector<16xf32>
        %and3A_1088 = arith.constant -65536 : i32
        %and3A_1089 = vector.broadcast %and3A_1088 : i32 to vector<16xi32>
        %and3A_1090 = arith.andi %get3A_1070, %and3A_1089 : vector<16xi32>
        %bitcast_convert_type3A_1091 = tpu.bitcast %and3A_1090 : vector<16xi32> -> vector<16xf32>
        %add3A_1092 = arith.addf %get3A_1087, %bitcast_convert_type3A_1091 : vector<16xf32>
        %max3A_1093 = arith.constant 0.000000e+00 : f32
        %max3A_1094 = vector.broadcast %max3A_1093 : f32 to vector<16xf32>
        %max3A_1095 = arith.maximumf %add3A_1081, %max3A_1094 : vector<16xf32>
        %swap3A_1096 = arith.constant 3 : i32
        %swap3A_1097 = arith.index_cast %swap3A_1096 : i32 to index
        %swap3A_1098 = arith.index_cast %scan3A_974 : i32 to index
        %swap3A_1099 = arith.constant 64 : index
        %swap3A_1100 = tpu.vector_load %arg8[%swap3A_1097, %swap3A_1098, %swap3A_1099] {strides = array<i32>} : memref<4x40x128xf32, #tpu.memory_space<vmem>>, vector<1x1x16xf32>,
        %swap3A_1101 = vector.shape_cast %swap3A_1100 : vector<1x1x16xf32> to vector<16xf32>
        %swap3A_1102 = vector.shape_cast %max3A_1095 : vector<16xf32> to vector<1x1x16xf32>
        tpu.vector_store %arg8[%swap3A_1097, %swap3A_1098, %swap3A_1099], %swap3A_1102 {strides = array<i32>} : memref<4x40x128xf32, #tpu.memory_space<vmem>>, vector<1x1x16xf32>,
        %max3A_1103 = arith.constant 0.000000e+00 : f32
        %max3A_1104 = vector.broadcast %max3A_1103 : f32 to vector<16xf32>
        %max3A_1105 = arith.maximumf %add3A_1092, %max3A_1104 : vector<16xf32>
        %swap3A_1106 = arith.constant 3 : i32
        %swap3A_1107 = arith.index_cast %swap3A_1106 : i32 to index
        %swap3A_1108 = arith.index_cast %scan3A_974 : i32 to index
        %swap3A_1109 = arith.constant 80 : index
        %swap3A_1110 = tpu.vector_load %arg8[%swap3A_1107, %swap3A_1108, %swap3A_1109] {strides = array<i32>} : memref<4x40x128xf32, #tpu.memory_space<vmem>>, vector<1x1x16xf32>,
        %swap3A_1111 = vector.shape_cast %swap3A_1110 : vector<1x1x16xf32> to vector<16xf32>
        %swap3A_1112 = vector.shape_cast %max3A_1105 : vector<16xf32> to vector<1x1x16xf32>
        tpu.vector_store %arg8[%swap3A_1107, %swap3A_1108, %swap3A_1109], %swap3A_1112 {strides = array<i32>} : memref<4x40x128xf32, #tpu.memory_space<vmem>>, vector<1x1x16xf32>,
        %get3A_1113 = arith.constant 3 : i32
        %get3A_1114 = arith.index_cast %get3A_1113 : i32 to index
        %get3A_1115 = arith.index_cast %scan3A_974 : i32 to index
        %get3A_1116 = arith.constant 48 : index
        %get3A_1117 = tpu.vector_load %arg9[%get3A_1114, %get3A_1115, %get3A_1116] {strides = array<i32>} : memref<4x40x64xi32, #tpu.memory_space<vmem>>, vector<1x1x16xi32>,
        %get3A_1118 = vector.shape_cast %get3A_1117 : vector<1x1x16xi32> to vector<16xi32>
        %get3A_1119 = arith.constant 3 : i32
        %get3A_1120 = arith.index_cast %get3A_1119 : i32 to index
        %get3A_1121 = arith.index_cast %scan3A_974 : i32 to index
        %get3A_1122 = arith.constant 96 : index
        %get3A_1123 = tpu.vector_load %arg8[%get3A_1120, %get3A_1121, %get3A_1122] {strides = array<i32>} : memref<4x40x128xf32, #tpu.memory_space<vmem>>, vector<1x1x16xf32>,
        %get3A_1124 = vector.shape_cast %get3A_1123 : vector<1x1x16xf32> to vector<16xf32>
        %shift_left3A_1125 = arith.constant 16 : i32
        %shift_left3A_1126 = vector.broadcast %shift_left3A_1125 : i32 to vector<16xi32>
        %shift_left3A_1127 = arith.shli %get3A_1118, %shift_left3A_1126 : vector<16xi32>
        %bitcast_convert_type3A_1128 = tpu.bitcast %shift_left3A_1127 : vector<16xi32> -> vector<16xf32>
        %add3A_1129 = arith.addf %get3A_1124, %bitcast_convert_type3A_1128 : vector<16xf32>
        %get3A_1130 = arith.constant 3 : i32
        %get3A_1131 = arith.index_cast %get3A_1130 : i32 to index
        %get3A_1132 = arith.index_cast %scan3A_974 : i32 to index
        %get3A_1133 = arith.constant 112 : index
        %get3A_1134 = tpu.vector_load %arg8[%get3A_1131, %get3A_1132, %get3A_1133] {strides = array<i32>} : memref<4x40x128xf32, #tpu.memory_space<vmem>>, vector<1x1x16xf32>,
        %get3A_1135 = vector.shape_cast %get3A_1134 : vector<1x1x16xf32> to vector<16xf32>
        %and3A_1136 = arith.constant -65536 : i32
        %and3A_1137 = vector.broadcast %and3A_1136 : i32 to vector<16xi32>
        %and3A_1138 = arith.andi %get3A_1118, %and3A_1137 : vector<16xi32>
        %bitcast_convert_type3A_1139 = tpu.bitcast %and3A_1138 : vector<16xi32> -> vector<16xf32>
        %add3A_1140 = arith.addf %get3A_1135, %bitcast_convert_type3A_1139 : vector<16xf32>
        %max3A_1141 = arith.constant 0.000000e+00 : f32
        %max3A_1142 = vector.broadcast %max3A_1141 : f32 to vector<16xf32>
        %max3A_1143 = arith.maximumf %add3A_1129, %max3A_1142 : vector<16xf32>
        %swap3A_1144 = arith.constant 3 : i32
        %swap3A_1145 = arith.index_cast %swap3A_1144 : i32 to index
        %swap3A_1146 = arith.index_cast %scan3A_974 : i32 to index
        %swap3A_1147 = arith.constant 96 : index
        %swap3A_1148 = tpu.vector_load %arg8[%swap3A_1145, %swap3A_1146, %swap3A_1147] {strides = array<i32>} : memref<4x40x128xf32, #tpu.memory_space<vmem>>, vector<1x1x16xf32>,
        %swap3A_1149 = vector.shape_cast %swap3A_1148 : vector<1x1x16xf32> to vector<16xf32>
        %swap3A_1150 = vector.shape_cast %max3A_1143 : vector<16xf32> to vector<1x1x16xf32>
        tpu.vector_store %arg8[%swap3A_1145, %swap3A_1146, %swap3A_1147], %swap3A_1150 {strides = array<i32>} : memref<4x40x128xf32, #tpu.memory_space<vmem>>, vector<1x1x16xf32>,
        %max3A_1151 = arith.constant 0.000000e+00 : f32
        %max3A_1152 = vector.broadcast %max3A_1151 : f32 to vector<16xf32>
        %max3A_1153 = arith.maximumf %add3A_1140, %max3A_1152 : vector<16xf32>
        %swap3A_1154 = arith.constant 3 : i32
        %swap3A_1155 = arith.index_cast %swap3A_1154 : i32 to index
        %swap3A_1156 = arith.index_cast %scan3A_974 : i32 to index
        %swap3A_1157 = arith.constant 112 : index
        %swap3A_1158 = tpu.vector_load %arg8[%swap3A_1155, %swap3A_1156, %swap3A_1157] {strides = array<i32>} : memref<4x40x128xf32, #tpu.memory_space<vmem>>, vector<1x1x16xf32>,
        %swap3A_1159 = vector.shape_cast %swap3A_1158 : vector<1x1x16xf32> to vector<16xf32>
        %swap3A_1160 = vector.shape_cast %max3A_1153 : vector<16xf32> to vector<1x1x16xf32>
        tpu.vector_store %arg8[%swap3A_1155, %swap3A_1156, %swap3A_1157], %swap3A_1160 {strides = array<i32>} : memref<4x40x128xf32, #tpu.memory_space<vmem>>, vector<1x1x16xf32>,
      }
      %scan3A_879 = arith.constant 40 : i32
      %dma_start3A_880 = arith.constant 3 : i32
      %dma_start3A_881 = arith.constant 3 : i32
      %dma_start3A_882 = arith.constant 3 : i32
      %dma_start3A_883 = arith.constant 0 : i32
      %dma_start3A_884 = arith.constant 0 : i32
      %dma_start3A_885 = tpu.memref_slice %arg8[%dma_start3A_880, %dma_start3A_883, %dma_start3A_884] : memref<4x40x128xf32, #tpu.memory_space<vmem>> -> memref<1x40x128xf32, #tpu.memory_space<vmem>>
      %dma_start3A_886 = tpu.memref_squeeze %dma_start3A_885 : memref<1x40x128xf32, #tpu.memory_space<vmem>> -> memref<40x128xf32, #tpu.memory_space<vmem>>
      %dma_start3A_887 = arith.constant 0 : i32
      %dma_start3A_888 = tpu.memref_slice %arg7[%dma_start3A_881, %dma_start3A_887] : memref<4x40xi32, #tpu.memory_space<vmem>> -> memref<1x40xi32, #tpu.memory_space<vmem>>
      %dma_start3A_889 = tpu.memref_squeeze %dma_start3A_888 : memref<1x40xi32, #tpu.memory_space<vmem>> -> memref<40xi32, #tpu.memory_space<vmem>>
      %dma_start3A_890 = arith.constant 0 : i32
      %dma_start3A_891 = arith.constant 0 : i32
      %dma_start3A_892 = tpu.memref_slice %arg10[%dma_start3A_890, %dma_start3A_891] : memref<10112x128xf32, #tpu.memory_space<vmem_shared>> -> memref<10112x128xf32, #tpu.memory_space<vmem_shared>>
      %dma_start3A_893 = tpu.memref_slice %arg13[%dma_start3A_882] : memref<4x!tpu.dma_semaphore, #tpu.memory_space<semaphore_mem>> -> memref<1x!tpu.dma_semaphore, #tpu.memory_space<semaphore_mem>>
      %dma_start3A_894 = tpu.memref_squeeze %dma_start3A_893 : memref<1x!tpu.dma_semaphore, #tpu.memory_space<semaphore_mem>> -> memref<!tpu.dma_semaphore, #tpu.memory_space<semaphore_mem>>
      tpu.enqueue_indirect_dma source(%dma_start3A_886 : memref<40x128xf32, #tpu.memory_space<vmem>>) target(%dma_start3A_892 : memref<10112x128xf32, #tpu.memory_space<vmem_shared>>) offsets(%dma_start3A_889 : memref<40xi32, #tpu.memory_space<vmem>>) semaphore(%dma_start3A_894 : memref<!tpu.dma_semaphore, #tpu.memory_space<semaphore_mem>>) {add = true}
      %dma_wait3A_895 = arith.constant 0 : i32
      %dma_wait3A_896 = arith.constant 0 : i32
      %dma_wait3A_897 = arith.constant 0 : i32
      %dma_wait3A_898 = arith.constant 0 : i32
      %dma_wait3A_899 = arith.constant 0 : i32
      %dma_wait3A_900 = tpu.memref_slice %arg8[%dma_wait3A_895, %dma_wait3A_898, %dma_wait3A_899] : memref<4x40x128xf32, #tpu.memory_space<vmem>> -> memref<1x40x128xf32, #tpu.memory_space<vmem>>
      %dma_wait3A_901 = tpu.memref_squeeze %dma_wait3A_900 : memref<1x40x128xf32, #tpu.memory_space<vmem>> -> memref<40x128xf32, #tpu.memory_space<vmem>>
      %dma_wait3A_902 = arith.constant 0 : i32
      %dma_wait3A_903 = tpu.memref_slice %arg7[%dma_wait3A_896, %dma_wait3A_902] : memref<4x40xi32, #tpu.memory_space<vmem>> -> memref<1x40xi32, #tpu.memory_space<vmem>>
      %dma_wait3A_904 = tpu.memref_squeeze %dma_wait3A_903 : memref<1x40xi32, #tpu.memory_space<vmem>> -> memref<40xi32, #tpu.memory_space<vmem>>
      %dma_wait3A_905 = arith.constant 0 : i32
      %dma_wait3A_906 = arith.constant 0 : i32
      %dma_wait3A_907 = tpu.memref_slice %arg10[%dma_wait3A_905, %dma_wait3A_906] : memref<10112x128xf32, #tpu.memory_space<vmem_shared>> -> memref<10112x128xf32, #tpu.memory_space<vmem_shared>>
      %dma_wait3A_908 = tpu.memref_slice %arg13[%dma_wait3A_897] : memref<4x!tpu.dma_semaphore, #tpu.memory_space<semaphore_mem>> -> memref<1x!tpu.dma_semaphore, #tpu.memory_space<semaphore_mem>>
      %dma_wait3A_909 = tpu.memref_squeeze %dma_wait3A_908 : memref<1x!tpu.dma_semaphore, #tpu.memory_space<semaphore_mem>> -> memref<!tpu.dma_semaphore, #tpu.memory_space<semaphore_mem>>
      tpu.wait_indirect_dma semaphore(%dma_wait3A_909 : memref<!tpu.dma_semaphore, #tpu.memory_space<semaphore_mem>>) src(%dma_wait3A_901 : memref<40x128xf32, #tpu.memory_space<vmem>>) dst(%dma_wait3A_907 : memref<10112x128xf32, #tpu.memory_space<vmem_shared>>)
      %lt3A = arith.constant 61 : i32
      %lt3A_910 = arith.cmpi slt, %scan3A_500, %lt3A : i32
      %convert_element_type3A_911 = arith.extui %lt3A_910 : i1 to i32
      %cond3A_912 = arith.constant 0 : i32
      %cond3A_913 = arith.cmpi ne, %convert_element_type3A_911, %cond3A_912 : i32
      scf.if %cond3A_913 {
        %add3A_974 = arith.constant 4 : i32
        %add3A_975 = arith.addi %mul3A_502, %add3A_974 : i32
        %add3A_976 = arith.constant 0 : i32
        %add3A_977 = arith.addi %add3A_975, %add3A_976 : i32
        %mul3A_978 = arith.constant 40 : i32
        %mul3A_979 = arith.muli %add3A_977, %mul3A_978 : i32
        %add3A_980 = arith.addi %mul3A_2, %mul3A_979 : i32
        %add3A_981 = arith.constant 320000 : i32
        %add3A_982 = arith.addi %add3A_981, %add3A_980 : i32
        %dma_start3A_983 = arith.constant 0 : i32
        %dma_start3A_984 = arith.constant 0 : i32
        %dma_start3A_985 = arith.constant 0 : i32
        %dma_start3A_986 = tpu.memref_slice %arg6[%dma_start3A_983, %dma_start3A_985] : memref<4x40xi32, #tpu.memory_space<vmem>> -> memref<1x40xi32, #tpu.memory_space<vmem>>
        %dma_start3A_987 = tpu.memref_squeeze %dma_start3A_986 : memref<1x40xi32, #tpu.memory_space<vmem>> -> memref<40xi32, #tpu.memory_space<vmem>>
        %dma_start3A_988 = tpu.memref_slice %arg3[%add3A_980] : memref<640000xi32, #tpu.memory_space<hbm>> -> memref<40xi32, #tpu.memory_space<hbm>>
        %dma_start3A_989 = tpu.memref_slice %arg11[%dma_start3A_984] : memref<4x!tpu.dma_semaphore, #tpu.memory_space<semaphore_mem>> -> memref<1x!tpu.dma_semaphore, #tpu.memory_space<semaphore_mem>>
        %dma_start3A_990 = tpu.memref_squeeze %dma_start3A_989 : memref<1x!tpu.dma_semaphore, #tpu.memory_space<semaphore_mem>> -> memref<!tpu.dma_semaphore, #tpu.memory_space<semaphore_mem>>
        %dma_start3A_991 = arith.constant 0 : i32
        %dma_start3A_992 = tpu.memref_slice %arg6[%dma_start3A_983, %dma_start3A_991] : memref<4x40xi32, #tpu.memory_space<vmem>> -> memref<1x40xi32, #tpu.memory_space<vmem>>
        %dma_start3A_993 = tpu.memref_squeeze %dma_start3A_992 : memref<1x40xi32, #tpu.memory_space<vmem>> -> memref<40xi32, #tpu.memory_space<vmem>>
        %dma_start3A_994 = tpu.memref_slice %arg3[%add3A_980] : memref<640000xi32, #tpu.memory_space<hbm>> -> memref<40xi32, #tpu.memory_space<hbm>>
        tpu.enqueue_dma source(%dma_start3A_994 : memref<40xi32, #tpu.memory_space<hbm>>) target(%dma_start3A_993 : memref<40xi32, #tpu.memory_space<vmem>>) target_semaphore(%dma_start3A_990 : memref<!tpu.dma_semaphore, #tpu.memory_space<semaphore_mem>>)
        %dma_start3A_995 = arith.constant 0 : i32
        %dma_start3A_996 = arith.constant 0 : i32
        %dma_start3A_997 = arith.constant 0 : i32
        %dma_start3A_998 = tpu.memref_slice %arg7[%dma_start3A_995, %dma_start3A_997] : memref<4x40xi32, #tpu.memory_space<vmem>> -> memref<1x40xi32, #tpu.memory_space<vmem>>
        %dma_start3A_999 = tpu.memref_squeeze %dma_start3A_998 : memref<1x40xi32, #tpu.memory_space<vmem>> -> memref<40xi32, #tpu.memory_space<vmem>>
        %dma_start3A_1000 = tpu.memref_slice %arg3[%add3A_982] : memref<640000xi32, #tpu.memory_space<hbm>> -> memref<40xi32, #tpu.memory_space<hbm>>
        %dma_start3A_1001 = tpu.memref_slice %arg11[%dma_start3A_996] : memref<4x!tpu.dma_semaphore, #tpu.memory_space<semaphore_mem>> -> memref<1x!tpu.dma_semaphore, #tpu.memory_space<semaphore_mem>>
        %dma_start3A_1002 = tpu.memref_squeeze %dma_start3A_1001 : memref<1x!tpu.dma_semaphore, #tpu.memory_space<semaphore_mem>> -> memref<!tpu.dma_semaphore, #tpu.memory_space<semaphore_mem>>
        %dma_start3A_1003 = arith.constant 0 : i32
        %dma_start3A_1004 = tpu.memref_slice %arg7[%dma_start3A_995, %dma_start3A_1003] : memref<4x40xi32, #tpu.memory_space<vmem>> -> memref<1x40xi32, #tpu.memory_space<vmem>>
        %dma_start3A_1005 = tpu.memref_squeeze %dma_start3A_1004 : memref<1x40xi32, #tpu.memory_space<vmem>> -> memref<40xi32, #tpu.memory_space<vmem>>
        %dma_start3A_1006 = tpu.memref_slice %arg3[%add3A_982] : memref<640000xi32, #tpu.memory_space<hbm>> -> memref<40xi32, #tpu.memory_space<hbm>>
        tpu.enqueue_dma source(%dma_start3A_1006 : memref<40xi32, #tpu.memory_space<hbm>>) target(%dma_start3A_1005 : memref<40xi32, #tpu.memory_space<vmem>>) target_semaphore(%dma_start3A_1002 : memref<!tpu.dma_semaphore, #tpu.memory_space<semaphore_mem>>)
        %dma_start3A_1007 = arith.constant 0 : i32
        %dma_start3A_1008 = arith.constant 0 : i32
        %dma_start3A_1009 = arith.constant 0 : i32
        %dma_start3A_1010 = arith.constant 0 : i32
        %dma_start3A_1011 = tpu.memref_slice %arg9[%dma_start3A_1007, %dma_start3A_1009, %dma_start3A_1010] : memref<4x40x64xi32, #tpu.memory_space<vmem>> -> memref<1x40x64xi32, #tpu.memory_space<vmem>>
        %dma_start3A_1012 = tpu.memref_squeeze %dma_start3A_1011 : memref<1x40x64xi32, #tpu.memory_space<vmem>> -> memref<40x64xi32, #tpu.memory_space<vmem>>
        %dma_start3A_1013 = arith.constant 0 : i32
        %dma_start3A_1014 = tpu.memref_slice %arg4[%add3A_980, %dma_start3A_1013] : memref<320000x64xi32, #tpu.memory_space<hbm>> -> memref<40x64xi32, #tpu.memory_space<hbm>>
        %dma_start3A_1015 = tpu.memref_slice %arg11[%dma_start3A_1008] : memref<4x!tpu.dma_semaphore, #tpu.memory_space<semaphore_mem>> -> memref<1x!tpu.dma_semaphore, #tpu.memory_space<semaphore_mem>>
        %dma_start3A_1016 = tpu.memref_squeeze %dma_start3A_1015 : memref<1x!tpu.dma_semaphore, #tpu.memory_space<semaphore_mem>> -> memref<!tpu.dma_semaphore, #tpu.memory_space<semaphore_mem>>
        %dma_start3A_1017 = arith.constant 0 : i32
        %dma_start3A_1018 = arith.constant 0 : i32
        %dma_start3A_1019 = tpu.memref_slice %arg9[%dma_start3A_1007, %dma_start3A_1017, %dma_start3A_1018] : memref<4x40x64xi32, #tpu.memory_space<vmem>> -> memref<1x40x64xi32, #tpu.memory_space<vmem>>
        %dma_start3A_1020 = tpu.memref_squeeze %dma_start3A_1019 : memref<1x40x64xi32, #tpu.memory_space<vmem>> -> memref<40x64xi32, #tpu.memory_space<vmem>>
        %dma_start3A_1021 = arith.constant 0 : i32
        %dma_start3A_1022 = tpu.memref_slice %arg4[%add3A_980, %dma_start3A_1021] : memref<320000x64xi32, #tpu.memory_space<hbm>> -> memref<40x64xi32, #tpu.memory_space<hbm>>
        tpu.enqueue_dma source(%dma_start3A_1022 : memref<40x64xi32, #tpu.memory_space<hbm>>) target(%dma_start3A_1020 : memref<40x64xi32, #tpu.memory_space<vmem>>) target_semaphore(%dma_start3A_1016 : memref<!tpu.dma_semaphore, #tpu.memory_space<semaphore_mem>>)
      } else {
      }
      %dma_wait3A_914 = arith.constant 1 : i32
      %dma_wait3A_915 = arith.constant 1 : i32
      %dma_wait3A_916 = arith.constant 1 : i32
      %dma_wait3A_917 = arith.constant 0 : i32
      %dma_wait3A_918 = arith.constant 0 : i32
      %dma_wait3A_919 = tpu.memref_slice %arg8[%dma_wait3A_914, %dma_wait3A_917, %dma_wait3A_918] : memref<4x40x128xf32, #tpu.memory_space<vmem>> -> memref<1x40x128xf32, #tpu.memory_space<vmem>>
      %dma_wait3A_920 = tpu.memref_squeeze %dma_wait3A_919 : memref<1x40x128xf32, #tpu.memory_space<vmem>> -> memref<40x128xf32, #tpu.memory_space<vmem>>
      %dma_wait3A_921 = arith.constant 0 : i32
      %dma_wait3A_922 = tpu.memref_slice %arg7[%dma_wait3A_915, %dma_wait3A_921] : memref<4x40xi32, #tpu.memory_space<vmem>> -> memref<1x40xi32, #tpu.memory_space<vmem>>
      %dma_wait3A_923 = tpu.memref_squeeze %dma_wait3A_922 : memref<1x40xi32, #tpu.memory_space<vmem>> -> memref<40xi32, #tpu.memory_space<vmem>>
      %dma_wait3A_924 = arith.constant 0 : i32
      %dma_wait3A_925 = arith.constant 0 : i32
      %dma_wait3A_926 = tpu.memref_slice %arg10[%dma_wait3A_924, %dma_wait3A_925] : memref<10112x128xf32, #tpu.memory_space<vmem_shared>> -> memref<10112x128xf32, #tpu.memory_space<vmem_shared>>
      %dma_wait3A_927 = tpu.memref_slice %arg13[%dma_wait3A_916] : memref<4x!tpu.dma_semaphore, #tpu.memory_space<semaphore_mem>> -> memref<1x!tpu.dma_semaphore, #tpu.memory_space<semaphore_mem>>
      %dma_wait3A_928 = tpu.memref_squeeze %dma_wait3A_927 : memref<1x!tpu.dma_semaphore, #tpu.memory_space<semaphore_mem>> -> memref<!tpu.dma_semaphore, #tpu.memory_space<semaphore_mem>>
      tpu.wait_indirect_dma semaphore(%dma_wait3A_928 : memref<!tpu.dma_semaphore, #tpu.memory_space<semaphore_mem>>) src(%dma_wait3A_920 : memref<40x128xf32, #tpu.memory_space<vmem>>) dst(%dma_wait3A_926 : memref<10112x128xf32, #tpu.memory_space<vmem_shared>>)
      %lt3A_929 = arith.constant 61 : i32
      %lt3A_930 = arith.cmpi slt, %scan3A_500, %lt3A_929 : i32
      %convert_element_type3A_931 = arith.extui %lt3A_930 : i1 to i32
      %cond3A_932 = arith.constant 0 : i32
      %cond3A_933 = arith.cmpi ne, %convert_element_type3A_931, %cond3A_932 : i32
      scf.if %cond3A_933 {
        %add3A_974 = arith.constant 4 : i32
        %add3A_975 = arith.addi %mul3A_502, %add3A_974 : i32
        %add3A_976 = arith.constant 1 : i32
        %add3A_977 = arith.addi %add3A_975, %add3A_976 : i32
        %mul3A_978 = arith.constant 40 : i32
        %mul3A_979 = arith.muli %add3A_977, %mul3A_978 : i32
        %add3A_980 = arith.addi %mul3A_2, %mul3A_979 : i32
        %add3A_981 = arith.constant 320000 : i32
        %add3A_982 = arith.addi %add3A_981, %add3A_980 : i32
        %dma_start3A_983 = arith.constant 1 : i32
        %dma_start3A_984 = arith.constant 1 : i32
        %dma_start3A_985 = arith.constant 0 : i32
        %dma_start3A_986 = tpu.memref_slice %arg6[%dma_start3A_983, %dma_start3A_985] : memref<4x40xi32, #tpu.memory_space<vmem>> -> memref<1x40xi32, #tpu.memory_space<vmem>>
        %dma_start3A_987 = tpu.memref_squeeze %dma_start3A_986 : memref<1x40xi32, #tpu.memory_space<vmem>> -> memref<40xi32, #tpu.memory_space<vmem>>
        %dma_start3A_988 = tpu.memref_slice %arg3[%add3A_980] : memref<640000xi32, #tpu.memory_space<hbm>> -> memref<40xi32, #tpu.memory_space<hbm>>
        %dma_start3A_989 = tpu.memref_slice %arg11[%dma_start3A_984] : memref<4x!tpu.dma_semaphore, #tpu.memory_space<semaphore_mem>> -> memref<1x!tpu.dma_semaphore, #tpu.memory_space<semaphore_mem>>
        %dma_start3A_990 = tpu.memref_squeeze %dma_start3A_989 : memref<1x!tpu.dma_semaphore, #tpu.memory_space<semaphore_mem>> -> memref<!tpu.dma_semaphore, #tpu.memory_space<semaphore_mem>>
        %dma_start3A_991 = arith.constant 0 : i32
        %dma_start3A_992 = tpu.memref_slice %arg6[%dma_start3A_983, %dma_start3A_991] : memref<4x40xi32, #tpu.memory_space<vmem>> -> memref<1x40xi32, #tpu.memory_space<vmem>>
        %dma_start3A_993 = tpu.memref_squeeze %dma_start3A_992 : memref<1x40xi32, #tpu.memory_space<vmem>> -> memref<40xi32, #tpu.memory_space<vmem>>
        %dma_start3A_994 = tpu.memref_slice %arg3[%add3A_980] : memref<640000xi32, #tpu.memory_space<hbm>> -> memref<40xi32, #tpu.memory_space<hbm>>
        tpu.enqueue_dma source(%dma_start3A_994 : memref<40xi32, #tpu.memory_space<hbm>>) target(%dma_start3A_993 : memref<40xi32, #tpu.memory_space<vmem>>) target_semaphore(%dma_start3A_990 : memref<!tpu.dma_semaphore, #tpu.memory_space<semaphore_mem>>)
        %dma_start3A_995 = arith.constant 1 : i32
        %dma_start3A_996 = arith.constant 1 : i32
        %dma_start3A_997 = arith.constant 0 : i32
        %dma_start3A_998 = tpu.memref_slice %arg7[%dma_start3A_995, %dma_start3A_997] : memref<4x40xi32, #tpu.memory_space<vmem>> -> memref<1x40xi32, #tpu.memory_space<vmem>>
        %dma_start3A_999 = tpu.memref_squeeze %dma_start3A_998 : memref<1x40xi32, #tpu.memory_space<vmem>> -> memref<40xi32, #tpu.memory_space<vmem>>
        %dma_start3A_1000 = tpu.memref_slice %arg3[%add3A_982] : memref<640000xi32, #tpu.memory_space<hbm>> -> memref<40xi32, #tpu.memory_space<hbm>>
        %dma_start3A_1001 = tpu.memref_slice %arg11[%dma_start3A_996] : memref<4x!tpu.dma_semaphore, #tpu.memory_space<semaphore_mem>> -> memref<1x!tpu.dma_semaphore, #tpu.memory_space<semaphore_mem>>
        %dma_start3A_1002 = tpu.memref_squeeze %dma_start3A_1001 : memref<1x!tpu.dma_semaphore, #tpu.memory_space<semaphore_mem>> -> memref<!tpu.dma_semaphore, #tpu.memory_space<semaphore_mem>>
        %dma_start3A_1003 = arith.constant 0 : i32
        %dma_start3A_1004 = tpu.memref_slice %arg7[%dma_start3A_995, %dma_start3A_1003] : memref<4x40xi32, #tpu.memory_space<vmem>> -> memref<1x40xi32, #tpu.memory_space<vmem>>
        %dma_start3A_1005 = tpu.memref_squeeze %dma_start3A_1004 : memref<1x40xi32, #tpu.memory_space<vmem>> -> memref<40xi32, #tpu.memory_space<vmem>>
        %dma_start3A_1006 = tpu.memref_slice %arg3[%add3A_982] : memref<640000xi32, #tpu.memory_space<hbm>> -> memref<40xi32, #tpu.memory_space<hbm>>
        tpu.enqueue_dma source(%dma_start3A_1006 : memref<40xi32, #tpu.memory_space<hbm>>) target(%dma_start3A_1005 : memref<40xi32, #tpu.memory_space<vmem>>) target_semaphore(%dma_start3A_1002 : memref<!tpu.dma_semaphore, #tpu.memory_space<semaphore_mem>>)
        %dma_start3A_1007 = arith.constant 1 : i32
        %dma_start3A_1008 = arith.constant 1 : i32
        %dma_start3A_1009 = arith.constant 0 : i32
        %dma_start3A_1010 = arith.constant 0 : i32
        %dma_start3A_1011 = tpu.memref_slice %arg9[%dma_start3A_1007, %dma_start3A_1009, %dma_start3A_1010] : memref<4x40x64xi32, #tpu.memory_space<vmem>> -> memref<1x40x64xi32, #tpu.memory_space<vmem>>
        %dma_start3A_1012 = tpu.memref_squeeze %dma_start3A_1011 : memref<1x40x64xi32, #tpu.memory_space<vmem>> -> memref<40x64xi32, #tpu.memory_space<vmem>>
        %dma_start3A_1013 = arith.constant 0 : i32
        %dma_start3A_1014 = tpu.memref_slice %arg4[%add3A_980, %dma_start3A_1013] : memref<320000x64xi32, #tpu.memory_space<hbm>> -> memref<40x64xi32, #tpu.memory_space<hbm>>
        %dma_start3A_1015 = tpu.memref_slice %arg11[%dma_start3A_1008] : memref<4x!tpu.dma_semaphore, #tpu.memory_space<semaphore_mem>> -> memref<1x!tpu.dma_semaphore, #tpu.memory_space<semaphore_mem>>
        %dma_start3A_1016 = tpu.memref_squeeze %dma_start3A_1015 : memref<1x!tpu.dma_semaphore, #tpu.memory_space<semaphore_mem>> -> memref<!tpu.dma_semaphore, #tpu.memory_space<semaphore_mem>>
        %dma_start3A_1017 = arith.constant 0 : i32
        %dma_start3A_1018 = arith.constant 0 : i32
        %dma_start3A_1019 = tpu.memref_slice %arg9[%dma_start3A_1007, %dma_start3A_1017, %dma_start3A_1018] : memref<4x40x64xi32, #tpu.memory_space<vmem>> -> memref<1x40x64xi32, #tpu.memory_space<vmem>>
        %dma_start3A_1020 = tpu.memref_squeeze %dma_start3A_1019 : memref<1x40x64xi32, #tpu.memory_space<vmem>> -> memref<40x64xi32, #tpu.memory_space<vmem>>
        %dma_start3A_1021 = arith.constant 0 : i32
        %dma_start3A_1022 = tpu.memref_slice %arg4[%add3A_980, %dma_start3A_1021] : memref<320000x64xi32, #tpu.memory_space<hbm>> -> memref<40x64xi32, #tpu.memory_space<hbm>>
        tpu.enqueue_dma source(%dma_start3A_1022 : memref<40x64xi32, #tpu.memory_space<hbm>>) target(%dma_start3A_1020 : memref<40x64xi32, #tpu.memory_space<vmem>>) target_semaphore(%dma_start3A_1016 : memref<!tpu.dma_semaphore, #tpu.memory_space<semaphore_mem>>)
      } else {
      }
      %dma_wait3A_934 = arith.constant 2 : i32
      %dma_wait3A_935 = arith.constant 2 : i32
      %dma_wait3A_936 = arith.constant 2 : i32
      %dma_wait3A_937 = arith.constant 0 : i32
      %dma_wait3A_938 = arith.constant 0 : i32
      %dma_wait3A_939 = tpu.memref_slice %arg8[%dma_wait3A_934, %dma_wait3A_937, %dma_wait3A_938] : memref<4x40x128xf32, #tpu.memory_space<vmem>> -> memref<1x40x128xf32, #tpu.memory_space<vmem>>
      %dma_wait3A_940 = tpu.memref_squeeze %dma_wait3A_939 : memref<1x40x128xf32, #tpu.memory_space<vmem>> -> memref<40x128xf32, #tpu.memory_space<vmem>>
      %dma_wait3A_941 = arith.constant 0 : i32
      %dma_wait3A_942 = tpu.memref_slice %arg7[%dma_wait3A_935, %dma_wait3A_941] : memref<4x40xi32, #tpu.memory_space<vmem>> -> memref<1x40xi32, #tpu.memory_space<vmem>>
      %dma_wait3A_943 = tpu.memref_squeeze %dma_wait3A_942 : memref<1x40xi32, #tpu.memory_space<vmem>> -> memref<40xi32, #tpu.memory_space<vmem>>
      %dma_wait3A_944 = arith.constant 0 : i32
      %dma_wait3A_945 = arith.constant 0 : i32
      %dma_wait3A_946 = tpu.memref_slice %arg10[%dma_wait3A_944, %dma_wait3A_945] : memref<10112x128xf32, #tpu.memory_space<vmem_shared>> -> memref<10112x128xf32, #tpu.memory_space<vmem_shared>>
      %dma_wait3A_947 = tpu.memref_slice %arg13[%dma_wait3A_936] : memref<4x!tpu.dma_semaphore, #tpu.memory_space<semaphore_mem>> -> memref<1x!tpu.dma_semaphore, #tpu.memory_space<semaphore_mem>>
      %dma_wait3A_948 = tpu.memref_squeeze %dma_wait3A_947 : memref<1x!tpu.dma_semaphore, #tpu.memory_space<semaphore_mem>> -> memref<!tpu.dma_semaphore, #tpu.memory_space<semaphore_mem>>
      tpu.wait_indirect_dma semaphore(%dma_wait3A_948 : memref<!tpu.dma_semaphore, #tpu.memory_space<semaphore_mem>>) src(%dma_wait3A_940 : memref<40x128xf32, #tpu.memory_space<vmem>>) dst(%dma_wait3A_946 : memref<10112x128xf32, #tpu.memory_space<vmem_shared>>)
      %lt3A_949 = arith.constant 61 : i32
      %lt3A_950 = arith.cmpi slt, %scan3A_500, %lt3A_949 : i32
      %convert_element_type3A_951 = arith.extui %lt3A_950 : i1 to i32
      %cond3A_952 = arith.constant 0 : i32
      %cond3A_953 = arith.cmpi ne, %convert_element_type3A_951, %cond3A_952 : i32
      scf.if %cond3A_953 {
        %add3A_974 = arith.constant 4 : i32
        %add3A_975 = arith.addi %mul3A_502, %add3A_974 : i32
        %add3A_976 = arith.constant 2 : i32
        %add3A_977 = arith.addi %add3A_975, %add3A_976 : i32
        %mul3A_978 = arith.constant 40 : i32
        %mul3A_979 = arith.muli %add3A_977, %mul3A_978 : i32
        %add3A_980 = arith.addi %mul3A_2, %mul3A_979 : i32
        %add3A_981 = arith.constant 320000 : i32
        %add3A_982 = arith.addi %add3A_981, %add3A_980 : i32
        %dma_start3A_983 = arith.constant 2 : i32
        %dma_start3A_984 = arith.constant 2 : i32
        %dma_start3A_985 = arith.constant 0 : i32
        %dma_start3A_986 = tpu.memref_slice %arg6[%dma_start3A_983, %dma_start3A_985] : memref<4x40xi32, #tpu.memory_space<vmem>> -> memref<1x40xi32, #tpu.memory_space<vmem>>
        %dma_start3A_987 = tpu.memref_squeeze %dma_start3A_986 : memref<1x40xi32, #tpu.memory_space<vmem>> -> memref<40xi32, #tpu.memory_space<vmem>>
        %dma_start3A_988 = tpu.memref_slice %arg3[%add3A_980] : memref<640000xi32, #tpu.memory_space<hbm>> -> memref<40xi32, #tpu.memory_space<hbm>>
        %dma_start3A_989 = tpu.memref_slice %arg11[%dma_start3A_984] : memref<4x!tpu.dma_semaphore, #tpu.memory_space<semaphore_mem>> -> memref<1x!tpu.dma_semaphore, #tpu.memory_space<semaphore_mem>>
        %dma_start3A_990 = tpu.memref_squeeze %dma_start3A_989 : memref<1x!tpu.dma_semaphore, #tpu.memory_space<semaphore_mem>> -> memref<!tpu.dma_semaphore, #tpu.memory_space<semaphore_mem>>
        %dma_start3A_991 = arith.constant 0 : i32
        %dma_start3A_992 = tpu.memref_slice %arg6[%dma_start3A_983, %dma_start3A_991] : memref<4x40xi32, #tpu.memory_space<vmem>> -> memref<1x40xi32, #tpu.memory_space<vmem>>
        %dma_start3A_993 = tpu.memref_squeeze %dma_start3A_992 : memref<1x40xi32, #tpu.memory_space<vmem>> -> memref<40xi32, #tpu.memory_space<vmem>>
        %dma_start3A_994 = tpu.memref_slice %arg3[%add3A_980] : memref<640000xi32, #tpu.memory_space<hbm>> -> memref<40xi32, #tpu.memory_space<hbm>>
        tpu.enqueue_dma source(%dma_start3A_994 : memref<40xi32, #tpu.memory_space<hbm>>) target(%dma_start3A_993 : memref<40xi32, #tpu.memory_space<vmem>>) target_semaphore(%dma_start3A_990 : memref<!tpu.dma_semaphore, #tpu.memory_space<semaphore_mem>>)
        %dma_start3A_995 = arith.constant 2 : i32
        %dma_start3A_996 = arith.constant 2 : i32
        %dma_start3A_997 = arith.constant 0 : i32
        %dma_start3A_998 = tpu.memref_slice %arg7[%dma_start3A_995, %dma_start3A_997] : memref<4x40xi32, #tpu.memory_space<vmem>> -> memref<1x40xi32, #tpu.memory_space<vmem>>
        %dma_start3A_999 = tpu.memref_squeeze %dma_start3A_998 : memref<1x40xi32, #tpu.memory_space<vmem>> -> memref<40xi32, #tpu.memory_space<vmem>>
        %dma_start3A_1000 = tpu.memref_slice %arg3[%add3A_982] : memref<640000xi32, #tpu.memory_space<hbm>> -> memref<40xi32, #tpu.memory_space<hbm>>
        %dma_start3A_1001 = tpu.memref_slice %arg11[%dma_start3A_996] : memref<4x!tpu.dma_semaphore, #tpu.memory_space<semaphore_mem>> -> memref<1x!tpu.dma_semaphore, #tpu.memory_space<semaphore_mem>>
        %dma_start3A_1002 = tpu.memref_squeeze %dma_start3A_1001 : memref<1x!tpu.dma_semaphore, #tpu.memory_space<semaphore_mem>> -> memref<!tpu.dma_semaphore, #tpu.memory_space<semaphore_mem>>
        %dma_start3A_1003 = arith.constant 0 : i32
        %dma_start3A_1004 = tpu.memref_slice %arg7[%dma_start3A_995, %dma_start3A_1003] : memref<4x40xi32, #tpu.memory_space<vmem>> -> memref<1x40xi32, #tpu.memory_space<vmem>>
        %dma_start3A_1005 = tpu.memref_squeeze %dma_start3A_1004 : memref<1x40xi32, #tpu.memory_space<vmem>> -> memref<40xi32, #tpu.memory_space<vmem>>
        %dma_start3A_1006 = tpu.memref_slice %arg3[%add3A_982] : memref<640000xi32, #tpu.memory_space<hbm>> -> memref<40xi32, #tpu.memory_space<hbm>>
        tpu.enqueue_dma source(%dma_start3A_1006 : memref<40xi32, #tpu.memory_space<hbm>>) target(%dma_start3A_1005 : memref<40xi32, #tpu.memory_space<vmem>>) target_semaphore(%dma_start3A_1002 : memref<!tpu.dma_semaphore, #tpu.memory_space<semaphore_mem>>)
        %dma_start3A_1007 = arith.constant 2 : i32
        %dma_start3A_1008 = arith.constant 2 : i32
        %dma_start3A_1009 = arith.constant 0 : i32
        %dma_start3A_1010 = arith.constant 0 : i32
        %dma_start3A_1011 = tpu.memref_slice %arg9[%dma_start3A_1007, %dma_start3A_1009, %dma_start3A_1010] : memref<4x40x64xi32, #tpu.memory_space<vmem>> -> memref<1x40x64xi32, #tpu.memory_space<vmem>>
        %dma_start3A_1012 = tpu.memref_squeeze %dma_start3A_1011 : memref<1x40x64xi32, #tpu.memory_space<vmem>> -> memref<40x64xi32, #tpu.memory_space<vmem>>
        %dma_start3A_1013 = arith.constant 0 : i32
        %dma_start3A_1014 = tpu.memref_slice %arg4[%add3A_980, %dma_start3A_1013] : memref<320000x64xi32, #tpu.memory_space<hbm>> -> memref<40x64xi32, #tpu.memory_space<hbm>>
        %dma_start3A_1015 = tpu.memref_slice %arg11[%dma_start3A_1008] : memref<4x!tpu.dma_semaphore, #tpu.memory_space<semaphore_mem>> -> memref<1x!tpu.dma_semaphore, #tpu.memory_space<semaphore_mem>>
        %dma_start3A_1016 = tpu.memref_squeeze %dma_start3A_1015 : memref<1x!tpu.dma_semaphore, #tpu.memory_space<semaphore_mem>> -> memref<!tpu.dma_semaphore, #tpu.memory_space<semaphore_mem>>
        %dma_start3A_1017 = arith.constant 0 : i32
        %dma_start3A_1018 = arith.constant 0 : i32
        %dma_start3A_1019 = tpu.memref_slice %arg9[%dma_start3A_1007, %dma_start3A_1017, %dma_start3A_1018] : memref<4x40x64xi32, #tpu.memory_space<vmem>> -> memref<1x40x64xi32, #tpu.memory_space<vmem>>
        %dma_start3A_1020 = tpu.memref_squeeze %dma_start3A_1019 : memref<1x40x64xi32, #tpu.memory_space<vmem>> -> memref<40x64xi32, #tpu.memory_space<vmem>>
        %dma_start3A_1021 = arith.constant 0 : i32
        %dma_start3A_1022 = tpu.memref_slice %arg4[%add3A_980, %dma_start3A_1021] : memref<320000x64xi32, #tpu.memory_space<hbm>> -> memref<40x64xi32, #tpu.memory_space<hbm>>
        tpu.enqueue_dma source(%dma_start3A_1022 : memref<40x64xi32, #tpu.memory_space<hbm>>) target(%dma_start3A_1020 : memref<40x64xi32, #tpu.memory_space<vmem>>) target_semaphore(%dma_start3A_1016 : memref<!tpu.dma_semaphore, #tpu.memory_space<semaphore_mem>>)
      } else {
      }
      %dma_wait3A_954 = arith.constant 3 : i32
      %dma_wait3A_955 = arith.constant 3 : i32
      %dma_wait3A_956 = arith.constant 3 : i32
      %dma_wait3A_957 = arith.constant 0 : i32
      %dma_wait3A_958 = arith.constant 0 : i32
      %dma_wait3A_959 = tpu.memref_slice %arg8[%dma_wait3A_954, %dma_wait3A_957, %dma_wait3A_958] : memref<4x40x128xf32, #tpu.memory_space<vmem>> -> memref<1x40x128xf32, #tpu.memory_space<vmem>>
      %dma_wait3A_960 = tpu.memref_squeeze %dma_wait3A_959 : memref<1x40x128xf32, #tpu.memory_space<vmem>> -> memref<40x128xf32, #tpu.memory_space<vmem>>
      %dma_wait3A_961 = arith.constant 0 : i32
      %dma_wait3A_962 = tpu.memref_slice %arg7[%dma_wait3A_955, %dma_wait3A_961] : memref<4x40xi32, #tpu.memory_space<vmem>> -> memref<1x40xi32, #tpu.memory_space<vmem>>
      %dma_wait3A_963 = tpu.memref_squeeze %dma_wait3A_962 : memref<1x40xi32, #tpu.memory_space<vmem>> -> memref<40xi32, #tpu.memory_space<vmem>>
      %dma_wait3A_964 = arith.constant 0 : i32
      %dma_wait3A_965 = arith.constant 0 : i32
      %dma_wait3A_966 = tpu.memref_slice %arg10[%dma_wait3A_964, %dma_wait3A_965] : memref<10112x128xf32, #tpu.memory_space<vmem_shared>> -> memref<10112x128xf32, #tpu.memory_space<vmem_shared>>
      %dma_wait3A_967 = tpu.memref_slice %arg13[%dma_wait3A_956] : memref<4x!tpu.dma_semaphore, #tpu.memory_space<semaphore_mem>> -> memref<1x!tpu.dma_semaphore, #tpu.memory_space<semaphore_mem>>
      %dma_wait3A_968 = tpu.memref_squeeze %dma_wait3A_967 : memref<1x!tpu.dma_semaphore, #tpu.memory_space<semaphore_mem>> -> memref<!tpu.dma_semaphore, #tpu.memory_space<semaphore_mem>>
      tpu.wait_indirect_dma semaphore(%dma_wait3A_968 : memref<!tpu.dma_semaphore, #tpu.memory_space<semaphore_mem>>) src(%dma_wait3A_960 : memref<40x128xf32, #tpu.memory_space<vmem>>) dst(%dma_wait3A_966 : memref<10112x128xf32, #tpu.memory_space<vmem_shared>>)
      %lt3A_969 = arith.constant 61 : i32
      %lt3A_970 = arith.cmpi slt, %scan3A_500, %lt3A_969 : i32
      %convert_element_type3A_971 = arith.extui %lt3A_970 : i1 to i32
      %cond3A_972 = arith.constant 0 : i32
      %cond3A_973 = arith.cmpi ne, %convert_element_type3A_971, %cond3A_972 : i32
      scf.if %cond3A_973 {
        %add3A_974 = arith.constant 4 : i32
        %add3A_975 = arith.addi %mul3A_502, %add3A_974 : i32
        %add3A_976 = arith.constant 3 : i32
        %add3A_977 = arith.addi %add3A_975, %add3A_976 : i32
        %mul3A_978 = arith.constant 40 : i32
        %mul3A_979 = arith.muli %add3A_977, %mul3A_978 : i32
        %add3A_980 = arith.addi %mul3A_2, %mul3A_979 : i32
        %add3A_981 = arith.constant 320000 : i32
        %add3A_982 = arith.addi %add3A_981, %add3A_980 : i32
        %dma_start3A_983 = arith.constant 3 : i32
        %dma_start3A_984 = arith.constant 3 : i32
        %dma_start3A_985 = arith.constant 0 : i32
        %dma_start3A_986 = tpu.memref_slice %arg6[%dma_start3A_983, %dma_start3A_985] : memref<4x40xi32, #tpu.memory_space<vmem>> -> memref<1x40xi32, #tpu.memory_space<vmem>>
        %dma_start3A_987 = tpu.memref_squeeze %dma_start3A_986 : memref<1x40xi32, #tpu.memory_space<vmem>> -> memref<40xi32, #tpu.memory_space<vmem>>
        %dma_start3A_988 = tpu.memref_slice %arg3[%add3A_980] : memref<640000xi32, #tpu.memory_space<hbm>> -> memref<40xi32, #tpu.memory_space<hbm>>
        %dma_start3A_989 = tpu.memref_slice %arg11[%dma_start3A_984] : memref<4x!tpu.dma_semaphore, #tpu.memory_space<semaphore_mem>> -> memref<1x!tpu.dma_semaphore, #tpu.memory_space<semaphore_mem>>
        %dma_start3A_990 = tpu.memref_squeeze %dma_start3A_989 : memref<1x!tpu.dma_semaphore, #tpu.memory_space<semaphore_mem>> -> memref<!tpu.dma_semaphore, #tpu.memory_space<semaphore_mem>>
        %dma_start3A_991 = arith.constant 0 : i32
        %dma_start3A_992 = tpu.memref_slice %arg6[%dma_start3A_983, %dma_start3A_991] : memref<4x40xi32, #tpu.memory_space<vmem>> -> memref<1x40xi32, #tpu.memory_space<vmem>>
        %dma_start3A_993 = tpu.memref_squeeze %dma_start3A_992 : memref<1x40xi32, #tpu.memory_space<vmem>> -> memref<40xi32, #tpu.memory_space<vmem>>
        %dma_start3A_994 = tpu.memref_slice %arg3[%add3A_980] : memref<640000xi32, #tpu.memory_space<hbm>> -> memref<40xi32, #tpu.memory_space<hbm>>
        tpu.enqueue_dma source(%dma_start3A_994 : memref<40xi32, #tpu.memory_space<hbm>>) target(%dma_start3A_993 : memref<40xi32, #tpu.memory_space<vmem>>) target_semaphore(%dma_start3A_990 : memref<!tpu.dma_semaphore, #tpu.memory_space<semaphore_mem>>)
        %dma_start3A_995 = arith.constant 3 : i32
        %dma_start3A_996 = arith.constant 3 : i32
        %dma_start3A_997 = arith.constant 0 : i32
        %dma_start3A_998 = tpu.memref_slice %arg7[%dma_start3A_995, %dma_start3A_997] : memref<4x40xi32, #tpu.memory_space<vmem>> -> memref<1x40xi32, #tpu.memory_space<vmem>>
        %dma_start3A_999 = tpu.memref_squeeze %dma_start3A_998 : memref<1x40xi32, #tpu.memory_space<vmem>> -> memref<40xi32, #tpu.memory_space<vmem>>
        %dma_start3A_1000 = tpu.memref_slice %arg3[%add3A_982] : memref<640000xi32, #tpu.memory_space<hbm>> -> memref<40xi32, #tpu.memory_space<hbm>>
        %dma_start3A_1001 = tpu.memref_slice %arg11[%dma_start3A_996] : memref<4x!tpu.dma_semaphore, #tpu.memory_space<semaphore_mem>> -> memref<1x!tpu.dma_semaphore, #tpu.memory_space<semaphore_mem>>
        %dma_start3A_1002 = tpu.memref_squeeze %dma_start3A_1001 : memref<1x!tpu.dma_semaphore, #tpu.memory_space<semaphore_mem>> -> memref<!tpu.dma_semaphore, #tpu.memory_space<semaphore_mem>>
        %dma_start3A_1003 = arith.constant 0 : i32
        %dma_start3A_1004 = tpu.memref_slice %arg7[%dma_start3A_995, %dma_start3A_1003] : memref<4x40xi32, #tpu.memory_space<vmem>> -> memref<1x40xi32, #tpu.memory_space<vmem>>
        %dma_start3A_1005 = tpu.memref_squeeze %dma_start3A_1004 : memref<1x40xi32, #tpu.memory_space<vmem>> -> memref<40xi32, #tpu.memory_space<vmem>>
        %dma_start3A_1006 = tpu.memref_slice %arg3[%add3A_982] : memref<640000xi32, #tpu.memory_space<hbm>> -> memref<40xi32, #tpu.memory_space<hbm>>
        tpu.enqueue_dma source(%dma_start3A_1006 : memref<40xi32, #tpu.memory_space<hbm>>) target(%dma_start3A_1005 : memref<40xi32, #tpu.memory_space<vmem>>) target_semaphore(%dma_start3A_1002 : memref<!tpu.dma_semaphore, #tpu.memory_space<semaphore_mem>>)
        %dma_start3A_1007 = arith.constant 3 : i32
        %dma_start3A_1008 = arith.constant 3 : i32
        %dma_start3A_1009 = arith.constant 0 : i32
        %dma_start3A_1010 = arith.constant 0 : i32
        %dma_start3A_1011 = tpu.memref_slice %arg9[%dma_start3A_1007, %dma_start3A_1009, %dma_start3A_1010] : memref<4x40x64xi32, #tpu.memory_space<vmem>> -> memref<1x40x64xi32, #tpu.memory_space<vmem>>
        %dma_start3A_1012 = tpu.memref_squeeze %dma_start3A_1011 : memref<1x40x64xi32, #tpu.memory_space<vmem>> -> memref<40x64xi32, #tpu.memory_space<vmem>>
        %dma_start3A_1013 = arith.constant 0 : i32
        %dma_start3A_1014 = tpu.memref_slice %arg4[%add3A_980, %dma_start3A_1013] : memref<320000x64xi32, #tpu.memory_space<hbm>> -> memref<40x64xi32, #tpu.memory_space<hbm>>
        %dma_start3A_1015 = tpu.memref_slice %arg11[%dma_start3A_1008] : memref<4x!tpu.dma_semaphore, #tpu.memory_space<semaphore_mem>> -> memref<1x!tpu.dma_semaphore, #tpu.memory_space<semaphore_mem>>
        %dma_start3A_1016 = tpu.memref_squeeze %dma_start3A_1015 : memref<1x!tpu.dma_semaphore, #tpu.memory_space<semaphore_mem>> -> memref<!tpu.dma_semaphore, #tpu.memory_space<semaphore_mem>>
        %dma_start3A_1017 = arith.constant 0 : i32
        %dma_start3A_1018 = arith.constant 0 : i32
        %dma_start3A_1019 = tpu.memref_slice %arg9[%dma_start3A_1007, %dma_start3A_1017, %dma_start3A_1018] : memref<4x40x64xi32, #tpu.memory_space<vmem>> -> memref<1x40x64xi32, #tpu.memory_space<vmem>>
        %dma_start3A_1020 = tpu.memref_squeeze %dma_start3A_1019 : memref<1x40x64xi32, #tpu.memory_space<vmem>> -> memref<40x64xi32, #tpu.memory_space<vmem>>
        %dma_start3A_1021 = arith.constant 0 : i32
        %dma_start3A_1022 = tpu.memref_slice %arg4[%add3A_980, %dma_start3A_1021] : memref<320000x64xi32, #tpu.memory_space<hbm>> -> memref<40x64xi32, #tpu.memory_space<hbm>>
        tpu.enqueue_dma source(%dma_start3A_1022 : memref<40x64xi32, #tpu.memory_space<hbm>>) target(%dma_start3A_1020 : memref<40x64xi32, #tpu.memory_space<vmem>>) target_semaphore(%dma_start3A_1016 : memref<!tpu.dma_semaphore, #tpu.memory_space<semaphore_mem>>)
      } else {
      }
    }
    %scan3A_238 = arith.constant 62 : i32
    %add3A_239 = arith.constant 9920 : i32
    %add3A_240 = arith.addi %mul3A_2, %add3A_239 : i32
    %add3A_241 = arith.constant 320000 : i32
    %add3A_242 = arith.addi %add3A_241, %add3A_240 : i32
    %dma_start3A_243 = arith.constant 0 : i32
    %dma_start3A_244 = arith.constant 0 : i32
    %dma_start3A_245 = arith.constant 0 : i32
    %dma_start3A_246 = tpu.memref_slice %arg6[%dma_start3A_243, %dma_start3A_245] : memref<4x40xi32, #tpu.memory_space<vmem>> -> memref<1x40xi32, #tpu.memory_space<vmem>>
    %dma_start3A_247 = tpu.memref_squeeze %dma_start3A_246 : memref<1x40xi32, #tpu.memory_space<vmem>> -> memref<40xi32, #tpu.memory_space<vmem>>
    %dma_start3A_248 = tpu.memref_slice %arg3[%add3A_240] : memref<640000xi32, #tpu.memory_space<hbm>> -> memref<40xi32, #tpu.memory_space<hbm>>
    %dma_start3A_249 = tpu.memref_slice %arg11[%dma_start3A_244] : memref<4x!tpu.dma_semaphore, #tpu.memory_space<semaphore_mem>> -> memref<1x!tpu.dma_semaphore, #tpu.memory_space<semaphore_mem>>
    %dma_start3A_250 = tpu.memref_squeeze %dma_start3A_249 : memref<1x!tpu.dma_semaphore, #tpu.memory_space<semaphore_mem>> -> memref<!tpu.dma_semaphore, #tpu.memory_space<semaphore_mem>>
    %dma_start3A_251 = arith.constant 0 : i32
    %dma_start3A_252 = tpu.memref_slice %arg6[%dma_start3A_243, %dma_start3A_251] : memref<4x40xi32, #tpu.memory_space<vmem>> -> memref<1x40xi32, #tpu.memory_space<vmem>>
    %dma_start3A_253 = tpu.memref_squeeze %dma_start3A_252 : memref<1x40xi32, #tpu.memory_space<vmem>> -> memref<40xi32, #tpu.memory_space<vmem>>
    %dma_start3A_254 = tpu.memref_slice %arg3[%add3A_240] : memref<640000xi32, #tpu.memory_space<hbm>> -> memref<40xi32, #tpu.memory_space<hbm>>
    tpu.enqueue_dma source(%dma_start3A_254 : memref<40xi32, #tpu.memory_space<hbm>>) target(%dma_start3A_253 : memref<40xi32, #tpu.memory_space<vmem>>) target_semaphore(%dma_start3A_250 : memref<!tpu.dma_semaphore, #tpu.memory_space<semaphore_mem>>)
    %dma_start3A_255 = arith.constant 0 : i32
    %dma_start3A_256 = arith.constant 0 : i32
    %dma_start3A_257 = arith.constant 0 : i32
    %dma_start3A_258 = tpu.memref_slice %arg7[%dma_start3A_255, %dma_start3A_257] : memref<4x40xi32, #tpu.memory_space<vmem>> -> memref<1x40xi32, #tpu.memory_space<vmem>>
    %dma_start3A_259 = tpu.memref_squeeze %dma_start3A_258 : memref<1x40xi32, #tpu.memory_space<vmem>> -> memref<40xi32, #tpu.memory_space<vmem>>
    %dma_start3A_260 = tpu.memref_slice %arg3[%add3A_242] : memref<640000xi32, #tpu.memory_space<hbm>> -> memref<40xi32, #tpu.memory_space<hbm>>
    %dma_start3A_261 = tpu.memref_slice %arg11[%dma_start3A_256] : memref<4x!tpu.dma_semaphore, #tpu.memory_space<semaphore_mem>> -> memref<1x!tpu.dma_semaphore, #tpu.memory_space<semaphore_mem>>
    %dma_start3A_262 = tpu.memref_squeeze %dma_start3A_261 : memref<1x!tpu.dma_semaphore, #tpu.memory_space<semaphore_mem>> -> memref<!tpu.dma_semaphore, #tpu.memory_space<semaphore_mem>>
    %dma_start3A_263 = arith.constant 0 : i32
    %dma_start3A_264 = tpu.memref_slice %arg7[%dma_start3A_255, %dma_start3A_263] : memref<4x40xi32, #tpu.memory_space<vmem>> -> memref<1x40xi32, #tpu.memory_space<vmem>>
    %dma_start3A_265 = tpu.memref_squeeze %dma_start3A_264 : memref<1x40xi32, #tpu.memory_space<vmem>> -> memref<40xi32, #tpu.memory_space<vmem>>
    %dma_start3A_266 = tpu.memref_slice %arg3[%add3A_242] : memref<640000xi32, #tpu.memory_space<hbm>> -> memref<40xi32, #tpu.memory_space<hbm>>
    tpu.enqueue_dma source(%dma_start3A_266 : memref<40xi32, #tpu.memory_space<hbm>>) target(%dma_start3A_265 : memref<40xi32, #tpu.memory_space<vmem>>) target_semaphore(%dma_start3A_262 : memref<!tpu.dma_semaphore, #tpu.memory_space<semaphore_mem>>)
    %dma_start3A_267 = arith.constant 0 : i32
    %dma_start3A_268 = arith.constant 0 : i32
    %dma_start3A_269 = arith.constant 0 : i32
    %dma_start3A_270 = arith.constant 0 : i32
    %dma_start3A_271 = tpu.memref_slice %arg9[%dma_start3A_267, %dma_start3A_269, %dma_start3A_270] : memref<4x40x64xi32, #tpu.memory_space<vmem>> -> memref<1x40x64xi32, #tpu.memory_space<vmem>>
    %dma_start3A_272 = tpu.memref_squeeze %dma_start3A_271 : memref<1x40x64xi32, #tpu.memory_space<vmem>> -> memref<40x64xi32, #tpu.memory_space<vmem>>
    %dma_start3A_273 = arith.constant 0 : i32
    %dma_start3A_274 = tpu.memref_slice %arg4[%add3A_240, %dma_start3A_273] : memref<320000x64xi32, #tpu.memory_space<hbm>> -> memref<40x64xi32, #tpu.memory_space<hbm>>
    %dma_start3A_275 = tpu.memref_slice %arg11[%dma_start3A_268] : memref<4x!tpu.dma_semaphore, #tpu.memory_space<semaphore_mem>> -> memref<1x!tpu.dma_semaphore, #tpu.memory_space<semaphore_mem>>
    %dma_start3A_276 = tpu.memref_squeeze %dma_start3A_275 : memref<1x!tpu.dma_semaphore, #tpu.memory_space<semaphore_mem>> -> memref<!tpu.dma_semaphore, #tpu.memory_space<semaphore_mem>>
    %dma_start3A_277 = arith.constant 0 : i32
    %dma_start3A_278 = arith.constant 0 : i32
    %dma_start3A_279 = tpu.memref_slice %arg9[%dma_start3A_267, %dma_start3A_277, %dma_start3A_278] : memref<4x40x64xi32, #tpu.memory_space<vmem>> -> memref<1x40x64xi32, #tpu.memory_space<vmem>>
    %dma_start3A_280 = tpu.memref_squeeze %dma_start3A_279 : memref<1x40x64xi32, #tpu.memory_space<vmem>> -> memref<40x64xi32, #tpu.memory_space<vmem>>
    %dma_start3A_281 = arith.constant 0 : i32
    %dma_start3A_282 = tpu.memref_slice %arg4[%add3A_240, %dma_start3A_281] : memref<320000x64xi32, #tpu.memory_space<hbm>> -> memref<40x64xi32, #tpu.memory_space<hbm>>
    tpu.enqueue_dma source(%dma_start3A_282 : memref<40x64xi32, #tpu.memory_space<hbm>>) target(%dma_start3A_280 : memref<40x64xi32, #tpu.memory_space<vmem>>) target_semaphore(%dma_start3A_276 : memref<!tpu.dma_semaphore, #tpu.memory_space<semaphore_mem>>)
    %add3A_283 = arith.constant 9920 : i32
    %add3A_284 = arith.addi %mul3A_2, %add3A_283 : i32
    %add3A_285 = arith.constant 320000 : i32
    %add3A_286 = arith.addi %add3A_285, %add3A_284 : i32
    %dma_wait3A = arith.constant 0 : i32
    %dma_wait3A_287 = arith.constant 0 : i32
    %dma_wait3A_288 = arith.constant 0 : i32
    %dma_wait3A_289 = tpu.memref_slice %arg6[%dma_wait3A, %dma_wait3A_288] : memref<4x40xi32, #tpu.memory_space<vmem>> -> memref<1x40xi32, #tpu.memory_space<vmem>>
    %dma_wait3A_290 = tpu.memref_squeeze %dma_wait3A_289 : memref<1x40xi32, #tpu.memory_space<vmem>> -> memref<40xi32, #tpu.memory_space<vmem>>
    %dma_wait3A_291 = tpu.memref_slice %arg3[%add3A_284] : memref<640000xi32, #tpu.memory_space<hbm>> -> memref<40xi32, #tpu.memory_space<hbm>>
    %dma_wait3A_292 = tpu.memref_slice %arg11[%dma_wait3A_287] : memref<4x!tpu.dma_semaphore, #tpu.memory_space<semaphore_mem>> -> memref<1x!tpu.dma_semaphore, #tpu.memory_space<semaphore_mem>>
    %dma_wait3A_293 = tpu.memref_squeeze %dma_wait3A_292 : memref<1x!tpu.dma_semaphore, #tpu.memory_space<semaphore_mem>> -> memref<!tpu.dma_semaphore, #tpu.memory_space<semaphore_mem>>
    %dma_wait3A_294 = arith.constant 0 : i32
    %dma_wait3A_295 = tpu.memref_slice %arg6[%dma_wait3A, %dma_wait3A_294] : memref<4x40xi32, #tpu.memory_space<vmem>> -> memref<1x40xi32, #tpu.memory_space<vmem>>
    %dma_wait3A_296 = tpu.memref_squeeze %dma_wait3A_295 : memref<1x40xi32, #tpu.memory_space<vmem>> -> memref<40xi32, #tpu.memory_space<vmem>>
    %dma_wait3A_297 = tpu.memref_slice %arg3[%add3A_284] : memref<640000xi32, #tpu.memory_space<hbm>> -> memref<40xi32, #tpu.memory_space<hbm>>
    tpu.wait_dma2 semaphore(%dma_wait3A_293 : memref<!tpu.dma_semaphore, #tpu.memory_space<semaphore_mem>>) src(%dma_wait3A_297 : memref<40xi32, #tpu.memory_space<hbm>>) dst(%dma_wait3A_296 : memref<40xi32, #tpu.memory_space<vmem>>)
    %dma_wait3A_298 = arith.constant 0 : i32
    %dma_wait3A_299 = arith.constant 0 : i32
    %dma_wait3A_300 = arith.constant 0 : i32
    %dma_wait3A_301 = tpu.memref_slice %arg7[%dma_wait3A_298, %dma_wait3A_300] : memref<4x40xi32, #tpu.memory_space<vmem>> -> memref<1x40xi32, #tpu.memory_space<vmem>>
    %dma_wait3A_302 = tpu.memref_squeeze %dma_wait3A_301 : memref<1x40xi32, #tpu.memory_space<vmem>> -> memref<40xi32, #tpu.memory_space<vmem>>
    %dma_wait3A_303 = tpu.memref_slice %arg3[%add3A_286] : memref<640000xi32, #tpu.memory_space<hbm>> -> memref<40xi32, #tpu.memory_space<hbm>>
    %dma_wait3A_304 = tpu.memref_slice %arg11[%dma_wait3A_299] : memref<4x!tpu.dma_semaphore, #tpu.memory_space<semaphore_mem>> -> memref<1x!tpu.dma_semaphore, #tpu.memory_space<semaphore_mem>>
    %dma_wait3A_305 = tpu.memref_squeeze %dma_wait3A_304 : memref<1x!tpu.dma_semaphore, #tpu.memory_space<semaphore_mem>> -> memref<!tpu.dma_semaphore, #tpu.memory_space<semaphore_mem>>
    %dma_wait3A_306 = arith.constant 0 : i32
    %dma_wait3A_307 = tpu.memref_slice %arg7[%dma_wait3A_298, %dma_wait3A_306] : memref<4x40xi32, #tpu.memory_space<vmem>> -> memref<1x40xi32, #tpu.memory_space<vmem>>
    %dma_wait3A_308 = tpu.memref_squeeze %dma_wait3A_307 : memref<1x40xi32, #tpu.memory_space<vmem>> -> memref<40xi32, #tpu.memory_space<vmem>>
    %dma_wait3A_309 = tpu.memref_slice %arg3[%add3A_286] : memref<640000xi32, #tpu.memory_space<hbm>> -> memref<40xi32, #tpu.memory_space<hbm>>
    tpu.wait_dma2 semaphore(%dma_wait3A_305 : memref<!tpu.dma_semaphore, #tpu.memory_space<semaphore_mem>>) src(%dma_wait3A_309 : memref<40xi32, #tpu.memory_space<hbm>>) dst(%dma_wait3A_308 : memref<40xi32, #tpu.memory_space<vmem>>)
    %dma_wait3A_310 = arith.constant 0 : i32
    %dma_wait3A_311 = arith.constant 0 : i32
    %dma_wait3A_312 = arith.constant 0 : i32
    %dma_wait3A_313 = arith.constant 0 : i32
    %dma_wait3A_314 = tpu.memref_slice %arg9[%dma_wait3A_310, %dma_wait3A_312, %dma_wait3A_313] : memref<4x40x64xi32, #tpu.memory_space<vmem>> -> memref<1x40x64xi32, #tpu.memory_space<vmem>>
    %dma_wait3A_315 = tpu.memref_squeeze %dma_wait3A_314 : memref<1x40x64xi32, #tpu.memory_space<vmem>> -> memref<40x64xi32, #tpu.memory_space<vmem>>
    %dma_wait3A_316 = arith.constant 0 : i32
    %dma_wait3A_317 = tpu.memref_slice %arg4[%add3A_284, %dma_wait3A_316] : memref<320000x64xi32, #tpu.memory_space<hbm>> -> memref<40x64xi32, #tpu.memory_space<hbm>>
    %dma_wait3A_318 = tpu.memref_slice %arg11[%dma_wait3A_311] : memref<4x!tpu.dma_semaphore, #tpu.memory_space<semaphore_mem>> -> memref<1x!tpu.dma_semaphore, #tpu.memory_space<semaphore_mem>>
    %dma_wait3A_319 = tpu.memref_squeeze %dma_wait3A_318 : memref<1x!tpu.dma_semaphore, #tpu.memory_space<semaphore_mem>> -> memref<!tpu.dma_semaphore, #tpu.memory_space<semaphore_mem>>
    %dma_wait3A_320 = arith.constant 0 : i32
    %dma_wait3A_321 = arith.constant 0 : i32
    %dma_wait3A_322 = tpu.memref_slice %arg9[%dma_wait3A_310, %dma_wait3A_320, %dma_wait3A_321] : memref<4x40x64xi32, #tpu.memory_space<vmem>> -> memref<1x40x64xi32, #tpu.memory_space<vmem>>
    %dma_wait3A_323 = tpu.memref_squeeze %dma_wait3A_322 : memref<1x40x64xi32, #tpu.memory_space<vmem>> -> memref<40x64xi32, #tpu.memory_space<vmem>>
    %dma_wait3A_324 = arith.constant 0 : i32
    %dma_wait3A_325 = tpu.memref_slice %arg4[%add3A_284, %dma_wait3A_324] : memref<320000x64xi32, #tpu.memory_space<hbm>> -> memref<40x64xi32, #tpu.memory_space<hbm>>
    tpu.wait_dma2 semaphore(%dma_wait3A_319 : memref<!tpu.dma_semaphore, #tpu.memory_space<semaphore_mem>>) src(%dma_wait3A_325 : memref<40x64xi32, #tpu.memory_space<hbm>>) dst(%dma_wait3A_323 : memref<40x64xi32, #tpu.memory_space<vmem>>)
    %dma_start3A_326 = arith.constant 0 : i32
    %dma_start3A_327 = arith.constant 0 : i32
    %dma_start3A_328 = arith.constant 0 : i32
    %dma_start3A_329 = arith.constant 0 : i32
    %dma_start3A_330 = arith.constant 0 : i32
    %dma_start3A_331 = tpu.memref_slice %arg8[%dma_start3A_327, %dma_start3A_329, %dma_start3A_330] : memref<4x40x128xf32, #tpu.memory_space<vmem>> -> memref<1x40x128xf32, #tpu.memory_space<vmem>>
    %dma_start3A_332 = tpu.memref_squeeze %dma_start3A_331 : memref<1x40x128xf32, #tpu.memory_space<vmem>> -> memref<40x128xf32, #tpu.memory_space<vmem>>
    %dma_start3A_333 = arith.constant 0 : i32
    %dma_start3A_334 = tpu.memref_slice %arg6[%dma_start3A_326, %dma_start3A_333] : memref<4x40xi32, #tpu.memory_space<vmem>> -> memref<1x40xi32, #tpu.memory_space<vmem>>
    %dma_start3A_335 = tpu.memref_squeeze %dma_start3A_334 : memref<1x40xi32, #tpu.memory_space<vmem>> -> memref<40xi32, #tpu.memory_space<vmem>>
    %dma_start3A_336 = arith.constant 0 : i32
    %dma_start3A_337 = arith.constant 0 : i32
    %dma_start3A_338 = tpu.memref_slice %arg2[%dma_start3A_336, %dma_start3A_337] : memref<10000x128xf32, #tpu.memory_space<hbm>> -> memref<10000x128xf32, #tpu.memory_space<hbm>>
    %dma_start3A_339 = tpu.memref_slice %arg12[%dma_start3A_328] : memref<4x!tpu.dma_semaphore, #tpu.memory_space<semaphore_mem>> -> memref<1x!tpu.dma_semaphore, #tpu.memory_space<semaphore_mem>>
    %dma_start3A_340 = tpu.memref_squeeze %dma_start3A_339 : memref<1x!tpu.dma_semaphore, #tpu.memory_space<semaphore_mem>> -> memref<!tpu.dma_semaphore, #tpu.memory_space<semaphore_mem>>
    tpu.enqueue_indirect_dma source(%dma_start3A_338 : memref<10000x128xf32, #tpu.memory_space<hbm>>) target(%dma_start3A_332 : memref<40x128xf32, #tpu.memory_space<vmem>>) offsets(%dma_start3A_335 : memref<40xi32, #tpu.memory_space<vmem>>) semaphore(%dma_start3A_340 : memref<!tpu.dma_semaphore, #tpu.memory_space<semaphore_mem>>)
    %dma_wait3A_341 = arith.constant 0 : i32
    %dma_wait3A_342 = arith.constant 0 : i32
    %dma_wait3A_343 = arith.constant 0 : i32
    %dma_wait3A_344 = arith.constant 0 : i32
    %dma_wait3A_345 = arith.constant 0 : i32
    %dma_wait3A_346 = tpu.memref_slice %arg8[%dma_wait3A_342, %dma_wait3A_344, %dma_wait3A_345] : memref<4x40x128xf32, #tpu.memory_space<vmem>> -> memref<1x40x128xf32, #tpu.memory_space<vmem>>
    %dma_wait3A_347 = tpu.memref_squeeze %dma_wait3A_346 : memref<1x40x128xf32, #tpu.memory_space<vmem>> -> memref<40x128xf32, #tpu.memory_space<vmem>>
    %dma_wait3A_348 = arith.constant 0 : i32
    %dma_wait3A_349 = tpu.memref_slice %arg6[%dma_wait3A_341, %dma_wait3A_348] : memref<4x40xi32, #tpu.memory_space<vmem>> -> memref<1x40xi32, #tpu.memory_space<vmem>>
    %dma_wait3A_350 = tpu.memref_squeeze %dma_wait3A_349 : memref<1x40xi32, #tpu.memory_space<vmem>> -> memref<40xi32, #tpu.memory_space<vmem>>
    %dma_wait3A_351 = arith.constant 0 : i32
    %dma_wait3A_352 = arith.constant 0 : i32
    %dma_wait3A_353 = tpu.memref_slice %arg2[%dma_wait3A_351, %dma_wait3A_352] : memref<10000x128xf32, #tpu.memory_space<hbm>> -> memref<10000x128xf32, #tpu.memory_space<hbm>>
    %dma_wait3A_354 = tpu.memref_slice %arg12[%dma_wait3A_343] : memref<4x!tpu.dma_semaphore, #tpu.memory_space<semaphore_mem>> -> memref<1x!tpu.dma_semaphore, #tpu.memory_space<semaphore_mem>>
    %dma_wait3A_355 = tpu.memref_squeeze %dma_wait3A_354 : memref<1x!tpu.dma_semaphore, #tpu.memory_space<semaphore_mem>> -> memref<!tpu.dma_semaphore, #tpu.memory_space<semaphore_mem>>
    tpu.wait_indirect_dma semaphore(%dma_wait3A_355 : memref<!tpu.dma_semaphore, #tpu.memory_space<semaphore_mem>>) src(%dma_wait3A_353 : memref<10000x128xf32, #tpu.memory_space<hbm>>) dst(%dma_wait3A_347 : memref<40x128xf32, #tpu.memory_space<vmem>>)
    %scan3A_356 = arith.constant 0 : i32
    %scan3A_357 = arith.constant 0 : i32
    %scan3A_358 = arith.constant 40 : i32
    %scan3A_359 = arith.addi %scan3A_357, %scan3A_358 : i32
    %scan3A_360 = arith.constant 1 : i32
    scf.for %scan3A_500 = %scan3A_357 to %scan3A_359 step %scan3A_360  : i32 {
      %get3A = arith.constant 0 : i32
      %get3A_501 = arith.index_cast %get3A : i32 to index
      %get3A_502 = arith.index_cast %scan3A_500 : i32 to index
      %get3A_503 = arith.constant 0 : index
      %get3A_504 = tpu.vector_load %arg9[%get3A_501, %get3A_502, %get3A_503] {strides = array<i32>} : memref<4x40x64xi32, #tpu.memory_space<vmem>>, vector<1x1x16xi32>,
      %get3A_505 = vector.shape_cast %get3A_504 : vector<1x1x16xi32> to vector<16xi32>
      %get3A_506 = arith.constant 0 : i32
      %get3A_507 = arith.index_cast %get3A_506 : i32 to index
      %get3A_508 = arith.index_cast %scan3A_500 : i32 to index
      %get3A_509 = arith.constant 0 : index
      %get3A_510 = tpu.vector_load %arg8[%get3A_507, %get3A_508, %get3A_509] {strides = array<i32>} : memref<4x40x128xf32, #tpu.memory_space<vmem>>, vector<1x1x16xf32>,
      %get3A_511 = vector.shape_cast %get3A_510 : vector<1x1x16xf32> to vector<16xf32>
      %shift_left3A = arith.constant 16 : i32
      %shift_left3A_512 = vector.broadcast %shift_left3A : i32 to vector<16xi32>
      %shift_left3A_513 = arith.shli %get3A_505, %shift_left3A_512 : vector<16xi32>
      %bitcast_convert_type3A = tpu.bitcast %shift_left3A_513 : vector<16xi32> -> vector<16xf32>
      %add3A_514 = arith.addf %get3A_511, %bitcast_convert_type3A : vector<16xf32>
      %get3A_515 = arith.constant 0 : i32
      %get3A_516 = arith.index_cast %get3A_515 : i32 to index
      %get3A_517 = arith.index_cast %scan3A_500 : i32 to index
      %get3A_518 = arith.constant 16 : index
      %get3A_519 = tpu.vector_load %arg8[%get3A_516, %get3A_517, %get3A_518] {strides = array<i32>} : memref<4x40x128xf32, #tpu.memory_space<vmem>>, vector<1x1x16xf32>,
      %get3A_520 = vector.shape_cast %get3A_519 : vector<1x1x16xf32> to vector<16xf32>
      %and3A = arith.constant -65536 : i32
      %and3A_521 = vector.broadcast %and3A : i32 to vector<16xi32>
      %and3A_522 = arith.andi %get3A_505, %and3A_521 : vector<16xi32>
      %bitcast_convert_type3A_523 = tpu.bitcast %and3A_522 : vector<16xi32> -> vector<16xf32>
      %add3A_524 = arith.addf %get3A_520, %bitcast_convert_type3A_523 : vector<16xf32>
      %max3A = arith.constant 0.000000e+00 : f32
      %max3A_525 = vector.broadcast %max3A : f32 to vector<16xf32>
      %max3A_526 = arith.maximumf %add3A_514, %max3A_525 : vector<16xf32>
      %swap3A = arith.constant 0 : i32
      %swap3A_527 = arith.index_cast %swap3A : i32 to index
      %swap3A_528 = arith.index_cast %scan3A_500 : i32 to index
      %swap3A_529 = arith.constant 0 : index
      %swap3A_530 = tpu.vector_load %arg8[%swap3A_527, %swap3A_528, %swap3A_529] {strides = array<i32>} : memref<4x40x128xf32, #tpu.memory_space<vmem>>, vector<1x1x16xf32>,
      %swap3A_531 = vector.shape_cast %swap3A_530 : vector<1x1x16xf32> to vector<16xf32>
      %swap3A_532 = vector.shape_cast %max3A_526 : vector<16xf32> to vector<1x1x16xf32>
      tpu.vector_store %arg8[%swap3A_527, %swap3A_528, %swap3A_529], %swap3A_532 {strides = array<i32>} : memref<4x40x128xf32, #tpu.memory_space<vmem>>, vector<1x1x16xf32>,
      %max3A_533 = arith.constant 0.000000e+00 : f32
      %max3A_534 = vector.broadcast %max3A_533 : f32 to vector<16xf32>
      %max3A_535 = arith.maximumf %add3A_524, %max3A_534 : vector<16xf32>
      %swap3A_536 = arith.constant 0 : i32
      %swap3A_537 = arith.index_cast %swap3A_536 : i32 to index
      %swap3A_538 = arith.index_cast %scan3A_500 : i32 to index
      %swap3A_539 = arith.constant 16 : index
      %swap3A_540 = tpu.vector_load %arg8[%swap3A_537, %swap3A_538, %swap3A_539] {strides = array<i32>} : memref<4x40x128xf32, #tpu.memory_space<vmem>>, vector<1x1x16xf32>,
      %swap3A_541 = vector.shape_cast %swap3A_540 : vector<1x1x16xf32> to vector<16xf32>
      %swap3A_542 = vector.shape_cast %max3A_535 : vector<16xf32> to vector<1x1x16xf32>
      tpu.vector_store %arg8[%swap3A_537, %swap3A_538, %swap3A_539], %swap3A_542 {strides = array<i32>} : memref<4x40x128xf32, #tpu.memory_space<vmem>>, vector<1x1x16xf32>,
      %get3A_543 = arith.constant 0 : i32
      %get3A_544 = arith.index_cast %get3A_543 : i32 to index
      %get3A_545 = arith.index_cast %scan3A_500 : i32 to index
      %get3A_546 = arith.constant 16 : index
      %get3A_547 = tpu.vector_load %arg9[%get3A_544, %get3A_545, %get3A_546] {strides = array<i32>} : memref<4x40x64xi32, #tpu.memory_space<vmem>>, vector<1x1x16xi32>,
      %get3A_548 = vector.shape_cast %get3A_547 : vector<1x1x16xi32> to vector<16xi32>
      %get3A_549 = arith.constant 0 : i32
      %get3A_550 = arith.index_cast %get3A_549 : i32 to index
      %get3A_551 = arith.index_cast %scan3A_500 : i32 to index
      %get3A_552 = arith.constant 32 : index
      %get3A_553 = tpu.vector_load %arg8[%get3A_550, %get3A_551, %get3A_552] {strides = array<i32>} : memref<4x40x128xf32, #tpu.memory_space<vmem>>, vector<1x1x16xf32>,
      %get3A_554 = vector.shape_cast %get3A_553 : vector<1x1x16xf32> to vector<16xf32>
      %shift_left3A_555 = arith.constant 16 : i32
      %shift_left3A_556 = vector.broadcast %shift_left3A_555 : i32 to vector<16xi32>
      %shift_left3A_557 = arith.shli %get3A_548, %shift_left3A_556 : vector<16xi32>
      %bitcast_convert_type3A_558 = tpu.bitcast %shift_left3A_557 : vector<16xi32> -> vector<16xf32>
      %add3A_559 = arith.addf %get3A_554, %bitcast_convert_type3A_558 : vector<16xf32>
      %get3A_560 = arith.constant 0 : i32
      %get3A_561 = arith.index_cast %get3A_560 : i32 to index
      %get3A_562 = arith.index_cast %scan3A_500 : i32 to index
      %get3A_563 = arith.constant 48 : index
      %get3A_564 = tpu.vector_load %arg8[%get3A_561, %get3A_562, %get3A_563] {strides = array<i32>} : memref<4x40x128xf32, #tpu.memory_space<vmem>>, vector<1x1x16xf32>,
      %get3A_565 = vector.shape_cast %get3A_564 : vector<1x1x16xf32> to vector<16xf32>
      %and3A_566 = arith.constant -65536 : i32
      %and3A_567 = vector.broadcast %and3A_566 : i32 to vector<16xi32>
      %and3A_568 = arith.andi %get3A_548, %and3A_567 : vector<16xi32>
      %bitcast_convert_type3A_569 = tpu.bitcast %and3A_568 : vector<16xi32> -> vector<16xf32>
      %add3A_570 = arith.addf %get3A_565, %bitcast_convert_type3A_569 : vector<16xf32>
      %max3A_571 = arith.constant 0.000000e+00 : f32
      %max3A_572 = vector.broadcast %max3A_571 : f32 to vector<16xf32>
      %max3A_573 = arith.maximumf %add3A_559, %max3A_572 : vector<16xf32>
      %swap3A_574 = arith.constant 0 : i32
      %swap3A_575 = arith.index_cast %swap3A_574 : i32 to index
      %swap3A_576 = arith.index_cast %scan3A_500 : i32 to index
      %swap3A_577 = arith.constant 32 : index
      %swap3A_578 = tpu.vector_load %arg8[%swap3A_575, %swap3A_576, %swap3A_577] {strides = array<i32>} : memref<4x40x128xf32, #tpu.memory_space<vmem>>, vector<1x1x16xf32>,
      %swap3A_579 = vector.shape_cast %swap3A_578 : vector<1x1x16xf32> to vector<16xf32>
      %swap3A_580 = vector.shape_cast %max3A_573 : vector<16xf32> to vector<1x1x16xf32>
      tpu.vector_store %arg8[%swap3A_575, %swap3A_576, %swap3A_577], %swap3A_580 {strides = array<i32>} : memref<4x40x128xf32, #tpu.memory_space<vmem>>, vector<1x1x16xf32>,
      %max3A_581 = arith.constant 0.000000e+00 : f32
      %max3A_582 = vector.broadcast %max3A_581 : f32 to vector<16xf32>
      %max3A_583 = arith.maximumf %add3A_570, %max3A_582 : vector<16xf32>
      %swap3A_584 = arith.constant 0 : i32
      %swap3A_585 = arith.index_cast %swap3A_584 : i32 to index
      %swap3A_586 = arith.index_cast %scan3A_500 : i32 to index
      %swap3A_587 = arith.constant 48 : index
      %swap3A_588 = tpu.vector_load %arg8[%swap3A_585, %swap3A_586, %swap3A_587] {strides = array<i32>} : memref<4x40x128xf32, #tpu.memory_space<vmem>>, vector<1x1x16xf32>,
      %swap3A_589 = vector.shape_cast %swap3A_588 : vector<1x1x16xf32> to vector<16xf32>
      %swap3A_590 = vector.shape_cast %max3A_583 : vector<16xf32> to vector<1x1x16xf32>
      tpu.vector_store %arg8[%swap3A_585, %swap3A_586, %swap3A_587], %swap3A_590 {strides = array<i32>} : memref<4x40x128xf32, #tpu.memory_space<vmem>>, vector<1x1x16xf32>,
      %get3A_591 = arith.constant 0 : i32
      %get3A_592 = arith.index_cast %get3A_591 : i32 to index
      %get3A_593 = arith.index_cast %scan3A_500 : i32 to index
      %get3A_594 = arith.constant 32 : index
      %get3A_595 = tpu.vector_load %arg9[%get3A_592, %get3A_593, %get3A_594] {strides = array<i32>} : memref<4x40x64xi32, #tpu.memory_space<vmem>>, vector<1x1x16xi32>,
      %get3A_596 = vector.shape_cast %get3A_595 : vector<1x1x16xi32> to vector<16xi32>
      %get3A_597 = arith.constant 0 : i32
      %get3A_598 = arith.index_cast %get3A_597 : i32 to index
      %get3A_599 = arith.index_cast %scan3A_500 : i32 to index
      %get3A_600 = arith.constant 64 : index
      %get3A_601 = tpu.vector_load %arg8[%get3A_598, %get3A_599, %get3A_600] {strides = array<i32>} : memref<4x40x128xf32, #tpu.memory_space<vmem>>, vector<1x1x16xf32>,
      %get3A_602 = vector.shape_cast %get3A_601 : vector<1x1x16xf32> to vector<16xf32>
      %shift_left3A_603 = arith.constant 16 : i32
      %shift_left3A_604 = vector.broadcast %shift_left3A_603 : i32 to vector<16xi32>
      %shift_left3A_605 = arith.shli %get3A_596, %shift_left3A_604 : vector<16xi32>
      %bitcast_convert_type3A_606 = tpu.bitcast %shift_left3A_605 : vector<16xi32> -> vector<16xf32>
      %add3A_607 = arith.addf %get3A_602, %bitcast_convert_type3A_606 : vector<16xf32>
      %get3A_608 = arith.constant 0 : i32
      %get3A_609 = arith.index_cast %get3A_608 : i32 to index
      %get3A_610 = arith.index_cast %scan3A_500 : i32 to index
      %get3A_611 = arith.constant 80 : index
      %get3A_612 = tpu.vector_load %arg8[%get3A_609, %get3A_610, %get3A_611] {strides = array<i32>} : memref<4x40x128xf32, #tpu.memory_space<vmem>>, vector<1x1x16xf32>,
      %get3A_613 = vector.shape_cast %get3A_612 : vector<1x1x16xf32> to vector<16xf32>
      %and3A_614 = arith.constant -65536 : i32
      %and3A_615 = vector.broadcast %and3A_614 : i32 to vector<16xi32>
      %and3A_616 = arith.andi %get3A_596, %and3A_615 : vector<16xi32>
      %bitcast_convert_type3A_617 = tpu.bitcast %and3A_616 : vector<16xi32> -> vector<16xf32>
      %add3A_618 = arith.addf %get3A_613, %bitcast_convert_type3A_617 : vector<16xf32>
      %max3A_619 = arith.constant 0.000000e+00 : f32
      %max3A_620 = vector.broadcast %max3A_619 : f32 to vector<16xf32>
      %max3A_621 = arith.maximumf %add3A_607, %max3A_620 : vector<16xf32>
      %swap3A_622 = arith.constant 0 : i32
      %swap3A_623 = arith.index_cast %swap3A_622 : i32 to index
      %swap3A_624 = arith.index_cast %scan3A_500 : i32 to index
      %swap3A_625 = arith.constant 64 : index
      %swap3A_626 = tpu.vector_load %arg8[%swap3A_623, %swap3A_624, %swap3A_625] {strides = array<i32>} : memref<4x40x128xf32, #tpu.memory_space<vmem>>, vector<1x1x16xf32>,
      %swap3A_627 = vector.shape_cast %swap3A_626 : vector<1x1x16xf32> to vector<16xf32>
      %swap3A_628 = vector.shape_cast %max3A_621 : vector<16xf32> to vector<1x1x16xf32>
      tpu.vector_store %arg8[%swap3A_623, %swap3A_624, %swap3A_625], %swap3A_628 {strides = array<i32>} : memref<4x40x128xf32, #tpu.memory_space<vmem>>, vector<1x1x16xf32>,
      %max3A_629 = arith.constant 0.000000e+00 : f32
      %max3A_630 = vector.broadcast %max3A_629 : f32 to vector<16xf32>
      %max3A_631 = arith.maximumf %add3A_618, %max3A_630 : vector<16xf32>
      %swap3A_632 = arith.constant 0 : i32
      %swap3A_633 = arith.index_cast %swap3A_632 : i32 to index
      %swap3A_634 = arith.index_cast %scan3A_500 : i32 to index
      %swap3A_635 = arith.constant 80 : index
      %swap3A_636 = tpu.vector_load %arg8[%swap3A_633, %swap3A_634, %swap3A_635] {strides = array<i32>} : memref<4x40x128xf32, #tpu.memory_space<vmem>>, vector<1x1x16xf32>,
      %swap3A_637 = vector.shape_cast %swap3A_636 : vector<1x1x16xf32> to vector<16xf32>
      %swap3A_638 = vector.shape_cast %max3A_631 : vector<16xf32> to vector<1x1x16xf32>
      tpu.vector_store %arg8[%swap3A_633, %swap3A_634, %swap3A_635], %swap3A_638 {strides = array<i32>} : memref<4x40x128xf32, #tpu.memory_space<vmem>>, vector<1x1x16xf32>,
      %get3A_639 = arith.constant 0 : i32
      %get3A_640 = arith.index_cast %get3A_639 : i32 to index
      %get3A_641 = arith.index_cast %scan3A_500 : i32 to index
      %get3A_642 = arith.constant 48 : index
      %get3A_643 = tpu.vector_load %arg9[%get3A_640, %get3A_641, %get3A_642] {strides = array<i32>} : memref<4x40x64xi32, #tpu.memory_space<vmem>>, vector<1x1x16xi32>,
      %get3A_644 = vector.shape_cast %get3A_643 : vector<1x1x16xi32> to vector<16xi32>
      %get3A_645 = arith.constant 0 : i32
      %get3A_646 = arith.index_cast %get3A_645 : i32 to index
      %get3A_647 = arith.index_cast %scan3A_500 : i32 to index
      %get3A_648 = arith.constant 96 : index
      %get3A_649 = tpu.vector_load %arg8[%get3A_646, %get3A_647, %get3A_648] {strides = array<i32>} : memref<4x40x128xf32, #tpu.memory_space<vmem>>, vector<1x1x16xf32>,
      %get3A_650 = vector.shape_cast %get3A_649 : vector<1x1x16xf32> to vector<16xf32>
      %shift_left3A_651 = arith.constant 16 : i32
      %shift_left3A_652 = vector.broadcast %shift_left3A_651 : i32 to vector<16xi32>
      %shift_left3A_653 = arith.shli %get3A_644, %shift_left3A_652 : vector<16xi32>
      %bitcast_convert_type3A_654 = tpu.bitcast %shift_left3A_653 : vector<16xi32> -> vector<16xf32>
      %add3A_655 = arith.addf %get3A_650, %bitcast_convert_type3A_654 : vector<16xf32>
      %get3A_656 = arith.constant 0 : i32
      %get3A_657 = arith.index_cast %get3A_656 : i32 to index
      %get3A_658 = arith.index_cast %scan3A_500 : i32 to index
      %get3A_659 = arith.constant 112 : index
      %get3A_660 = tpu.vector_load %arg8[%get3A_657, %get3A_658, %get3A_659] {strides = array<i32>} : memref<4x40x128xf32, #tpu.memory_space<vmem>>, vector<1x1x16xf32>,
      %get3A_661 = vector.shape_cast %get3A_660 : vector<1x1x16xf32> to vector<16xf32>
      %and3A_662 = arith.constant -65536 : i32
      %and3A_663 = vector.broadcast %and3A_662 : i32 to vector<16xi32>
      %and3A_664 = arith.andi %get3A_644, %and3A_663 : vector<16xi32>
      %bitcast_convert_type3A_665 = tpu.bitcast %and3A_664 : vector<16xi32> -> vector<16xf32>
      %add3A_666 = arith.addf %get3A_661, %bitcast_convert_type3A_665 : vector<16xf32>
      %max3A_667 = arith.constant 0.000000e+00 : f32
      %max3A_668 = vector.broadcast %max3A_667 : f32 to vector<16xf32>
      %max3A_669 = arith.maximumf %add3A_655, %max3A_668 : vector<16xf32>
      %swap3A_670 = arith.constant 0 : i32
      %swap3A_671 = arith.index_cast %swap3A_670 : i32 to index
      %swap3A_672 = arith.index_cast %scan3A_500 : i32 to index
      %swap3A_673 = arith.constant 96 : index
      %swap3A_674 = tpu.vector_load %arg8[%swap3A_671, %swap3A_672, %swap3A_673] {strides = array<i32>} : memref<4x40x128xf32, #tpu.memory_space<vmem>>, vector<1x1x16xf32>,
      %swap3A_675 = vector.shape_cast %swap3A_674 : vector<1x1x16xf32> to vector<16xf32>
      %swap3A_676 = vector.shape_cast %max3A_669 : vector<16xf32> to vector<1x1x16xf32>
      tpu.vector_store %arg8[%swap3A_671, %swap3A_672, %swap3A_673], %swap3A_676 {strides = array<i32>} : memref<4x40x128xf32, #tpu.memory_space<vmem>>, vector<1x1x16xf32>,
      %max3A_677 = arith.constant 0.000000e+00 : f32
      %max3A_678 = vector.broadcast %max3A_677 : f32 to vector<16xf32>
      %max3A_679 = arith.maximumf %add3A_666, %max3A_678 : vector<16xf32>
      %swap3A_680 = arith.constant 0 : i32
      %swap3A_681 = arith.index_cast %swap3A_680 : i32 to index
      %swap3A_682 = arith.index_cast %scan3A_500 : i32 to index
      %swap3A_683 = arith.constant 112 : index
      %swap3A_684 = tpu.vector_load %arg8[%swap3A_681, %swap3A_682, %swap3A_683] {strides = array<i32>} : memref<4x40x128xf32, #tpu.memory_space<vmem>>, vector<1x1x16xf32>,
      %swap3A_685 = vector.shape_cast %swap3A_684 : vector<1x1x16xf32> to vector<16xf32>
      %swap3A_686 = vector.shape_cast %max3A_679 : vector<16xf32> to vector<1x1x16xf32>
      tpu.vector_store %arg8[%swap3A_681, %swap3A_682, %swap3A_683], %swap3A_686 {strides = array<i32>} : memref<4x40x128xf32, #tpu.memory_space<vmem>>, vector<1x1x16xf32>,
    }
    %scan3A_361 = arith.constant 40 : i32
    %run_scoped3A_362 = arith.constant 0 : i32
    %run_scoped3A_363 = arith.constant 0 : i32
    "tpu.region"() ({
      %run_scoped3A_500 = tpu.sem_alloc : memref<!tpu.dma_semaphore, #tpu.memory_space<semaphore_mem>>
      %dma_start3A_501 = arith.constant 0 : i32
      %dma_start3A_502 = arith.constant 0 : i32
      %dma_start3A_503 = tpu.memref_slice %arg8[%run_scoped3A_362, %dma_start3A_501, %dma_start3A_502] : memref<4x40x128xf32, #tpu.memory_space<vmem>> -> memref<1x40x128xf32, #tpu.memory_space<vmem>>
      %dma_start3A_504 = tpu.memref_squeeze %dma_start3A_503 : memref<1x40x128xf32, #tpu.memory_space<vmem>> -> memref<40x128xf32, #tpu.memory_space<vmem>>
      %dma_start3A_505 = arith.constant 0 : i32
      %dma_start3A_506 = tpu.memref_slice %arg7[%run_scoped3A_363, %dma_start3A_505] : memref<4x40xi32, #tpu.memory_space<vmem>> -> memref<1x40xi32, #tpu.memory_space<vmem>>
      %dma_start3A_507 = tpu.memref_squeeze %dma_start3A_506 : memref<1x40xi32, #tpu.memory_space<vmem>> -> memref<40xi32, #tpu.memory_space<vmem>>
      %dma_start3A_508 = arith.constant 0 : i32
      %dma_start3A_509 = arith.constant 0 : i32
      %dma_start3A_510 = tpu.memref_slice %arg10[%dma_start3A_508, %dma_start3A_509] : memref<10112x128xf32, #tpu.memory_space<vmem_shared>> -> memref<10112x128xf32, #tpu.memory_space<vmem_shared>>
      tpu.enqueue_indirect_dma source(%dma_start3A_504 : memref<40x128xf32, #tpu.memory_space<vmem>>) target(%dma_start3A_510 : memref<10112x128xf32, #tpu.memory_space<vmem_shared>>) offsets(%dma_start3A_507 : memref<40xi32, #tpu.memory_space<vmem>>) semaphore(%run_scoped3A_500 : memref<!tpu.dma_semaphore, #tpu.memory_space<semaphore_mem>>) {add = true}
      %dma_wait3A_511 = arith.constant 0 : i32
      %dma_wait3A_512 = arith.constant 0 : i32
      %dma_wait3A_513 = tpu.memref_slice %arg8[%run_scoped3A_362, %dma_wait3A_511, %dma_wait3A_512] : memref<4x40x128xf32, #tpu.memory_space<vmem>> -> memref<1x40x128xf32, #tpu.memory_space<vmem>>
      %dma_wait3A_514 = tpu.memref_squeeze %dma_wait3A_513 : memref<1x40x128xf32, #tpu.memory_space<vmem>> -> memref<40x128xf32, #tpu.memory_space<vmem>>
      %dma_wait3A_515 = arith.constant 0 : i32
      %dma_wait3A_516 = tpu.memref_slice %arg7[%run_scoped3A_363, %dma_wait3A_515] : memref<4x40xi32, #tpu.memory_space<vmem>> -> memref<1x40xi32, #tpu.memory_space<vmem>>
      %dma_wait3A_517 = tpu.memref_squeeze %dma_wait3A_516 : memref<1x40xi32, #tpu.memory_space<vmem>> -> memref<40xi32, #tpu.memory_space<vmem>>
      %dma_wait3A_518 = arith.constant 0 : i32
      %dma_wait3A_519 = arith.constant 0 : i32
      %dma_wait3A_520 = tpu.memref_slice %arg10[%dma_wait3A_518, %dma_wait3A_519] : memref<10112x128xf32, #tpu.memory_space<vmem_shared>> -> memref<10112x128xf32, #tpu.memory_space<vmem_shared>>
      tpu.wait_indirect_dma semaphore(%run_scoped3A_500 : memref<!tpu.dma_semaphore, #tpu.memory_space<semaphore_mem>>) src(%dma_wait3A_514 : memref<40x128xf32, #tpu.memory_space<vmem>>) dst(%dma_wait3A_520 : memref<10112x128xf32, #tpu.memory_space<vmem_shared>>)
      tpu.yield
    }) : () -> ()
    %add3A_364 = arith.constant 9960 : i32
    %add3A_365 = arith.addi %mul3A_2, %add3A_364 : i32
    %add3A_366 = arith.constant 320000 : i32
    %add3A_367 = arith.addi %add3A_366, %add3A_365 : i32
    %dma_start3A_368 = arith.constant 1 : i32
    %dma_start3A_369 = arith.constant 1 : i32
    %dma_start3A_370 = arith.constant 0 : i32
    %dma_start3A_371 = tpu.memref_slice %arg6[%dma_start3A_368, %dma_start3A_370] : memref<4x40xi32, #tpu.memory_space<vmem>> -> memref<1x40xi32, #tpu.memory_space<vmem>>
    %dma_start3A_372 = tpu.memref_squeeze %dma_start3A_371 : memref<1x40xi32, #tpu.memory_space<vmem>> -> memref<40xi32, #tpu.memory_space<vmem>>
    %dma_start3A_373 = tpu.memref_slice %arg3[%add3A_365] : memref<640000xi32, #tpu.memory_space<hbm>> -> memref<40xi32, #tpu.memory_space<hbm>>
    %dma_start3A_374 = tpu.memref_slice %arg11[%dma_start3A_369] : memref<4x!tpu.dma_semaphore, #tpu.memory_space<semaphore_mem>> -> memref<1x!tpu.dma_semaphore, #tpu.memory_space<semaphore_mem>>
    %dma_start3A_375 = tpu.memref_squeeze %dma_start3A_374 : memref<1x!tpu.dma_semaphore, #tpu.memory_space<semaphore_mem>> -> memref<!tpu.dma_semaphore, #tpu.memory_space<semaphore_mem>>
    %dma_start3A_376 = arith.constant 0 : i32
    %dma_start3A_377 = tpu.memref_slice %arg6[%dma_start3A_368, %dma_start3A_376] : memref<4x40xi32, #tpu.memory_space<vmem>> -> memref<1x40xi32, #tpu.memory_space<vmem>>
    %dma_start3A_378 = tpu.memref_squeeze %dma_start3A_377 : memref<1x40xi32, #tpu.memory_space<vmem>> -> memref<40xi32, #tpu.memory_space<vmem>>
    %dma_start3A_379 = tpu.memref_slice %arg3[%add3A_365] : memref<640000xi32, #tpu.memory_space<hbm>> -> memref<40xi32, #tpu.memory_space<hbm>>
    tpu.enqueue_dma source(%dma_start3A_379 : memref<40xi32, #tpu.memory_space<hbm>>) target(%dma_start3A_378 : memref<40xi32, #tpu.memory_space<vmem>>) target_semaphore(%dma_start3A_375 : memref<!tpu.dma_semaphore, #tpu.memory_space<semaphore_mem>>)
    %dma_start3A_380 = arith.constant 1 : i32
    %dma_start3A_381 = arith.constant 1 : i32
    %dma_start3A_382 = arith.constant 0 : i32
    %dma_start3A_383 = tpu.memref_slice %arg7[%dma_start3A_380, %dma_start3A_382] : memref<4x40xi32, #tpu.memory_space<vmem>> -> memref<1x40xi32, #tpu.memory_space<vmem>>
    %dma_start3A_384 = tpu.memref_squeeze %dma_start3A_383 : memref<1x40xi32, #tpu.memory_space<vmem>> -> memref<40xi32, #tpu.memory_space<vmem>>
    %dma_start3A_385 = tpu.memref_slice %arg3[%add3A_367] : memref<640000xi32, #tpu.memory_space<hbm>> -> memref<40xi32, #tpu.memory_space<hbm>>
    %dma_start3A_386 = tpu.memref_slice %arg11[%dma_start3A_381] : memref<4x!tpu.dma_semaphore, #tpu.memory_space<semaphore_mem>> -> memref<1x!tpu.dma_semaphore, #tpu.memory_space<semaphore_mem>>
    %dma_start3A_387 = tpu.memref_squeeze %dma_start3A_386 : memref<1x!tpu.dma_semaphore, #tpu.memory_space<semaphore_mem>> -> memref<!tpu.dma_semaphore, #tpu.memory_space<semaphore_mem>>
    %dma_start3A_388 = arith.constant 0 : i32
    %dma_start3A_389 = tpu.memref_slice %arg7[%dma_start3A_380, %dma_start3A_388] : memref<4x40xi32, #tpu.memory_space<vmem>> -> memref<1x40xi32, #tpu.memory_space<vmem>>
    %dma_start3A_390 = tpu.memref_squeeze %dma_start3A_389 : memref<1x40xi32, #tpu.memory_space<vmem>> -> memref<40xi32, #tpu.memory_space<vmem>>
    %dma_start3A_391 = tpu.memref_slice %arg3[%add3A_367] : memref<640000xi32, #tpu.memory_space<hbm>> -> memref<40xi32, #tpu.memory_space<hbm>>
    tpu.enqueue_dma source(%dma_start3A_391 : memref<40xi32, #tpu.memory_space<hbm>>) target(%dma_start3A_390 : memref<40xi32, #tpu.memory_space<vmem>>) target_semaphore(%dma_start3A_387 : memref<!tpu.dma_semaphore, #tpu.memory_space<semaphore_mem>>)
    %dma_start3A_392 = arith.constant 1 : i32
    %dma_start3A_393 = arith.constant 1 : i32
    %dma_start3A_394 = arith.constant 0 : i32
    %dma_start3A_395 = arith.constant 0 : i32
    %dma_start3A_396 = tpu.memref_slice %arg9[%dma_start3A_392, %dma_start3A_394, %dma_start3A_395] : memref<4x40x64xi32, #tpu.memory_space<vmem>> -> memref<1x40x64xi32, #tpu.memory_space<vmem>>
    %dma_start3A_397 = tpu.memref_squeeze %dma_start3A_396 : memref<1x40x64xi32, #tpu.memory_space<vmem>> -> memref<40x64xi32, #tpu.memory_space<vmem>>
    %dma_start3A_398 = arith.constant 0 : i32
    %dma_start3A_399 = tpu.memref_slice %arg4[%add3A_365, %dma_start3A_398] : memref<320000x64xi32, #tpu.memory_space<hbm>> -> memref<40x64xi32, #tpu.memory_space<hbm>>
    %dma_start3A_400 = tpu.memref_slice %arg11[%dma_start3A_393] : memref<4x!tpu.dma_semaphore, #tpu.memory_space<semaphore_mem>> -> memref<1x!tpu.dma_semaphore, #tpu.memory_space<semaphore_mem>>
    %dma_start3A_401 = tpu.memref_squeeze %dma_start3A_400 : memref<1x!tpu.dma_semaphore, #tpu.memory_space<semaphore_mem>> -> memref<!tpu.dma_semaphore, #tpu.memory_space<semaphore_mem>>
    %dma_start3A_402 = arith.constant 0 : i32
    %dma_start3A_403 = arith.constant 0 : i32
    %dma_start3A_404 = tpu.memref_slice %arg9[%dma_start3A_392, %dma_start3A_402, %dma_start3A_403] : memref<4x40x64xi32, #tpu.memory_space<vmem>> -> memref<1x40x64xi32, #tpu.memory_space<vmem>>
    %dma_start3A_405 = tpu.memref_squeeze %dma_start3A_404 : memref<1x40x64xi32, #tpu.memory_space<vmem>> -> memref<40x64xi32, #tpu.memory_space<vmem>>
    %dma_start3A_406 = arith.constant 0 : i32
    %dma_start3A_407 = tpu.memref_slice %arg4[%add3A_365, %dma_start3A_406] : memref<320000x64xi32, #tpu.memory_space<hbm>> -> memref<40x64xi32, #tpu.memory_space<hbm>>
    tpu.enqueue_dma source(%dma_start3A_407 : memref<40x64xi32, #tpu.memory_space<hbm>>) target(%dma_start3A_405 : memref<40x64xi32, #tpu.memory_space<vmem>>) target_semaphore(%dma_start3A_401 : memref<!tpu.dma_semaphore, #tpu.memory_space<semaphore_mem>>)
    %add3A_408 = arith.constant 9960 : i32
    %add3A_409 = arith.addi %mul3A_2, %add3A_408 : i32
    %add3A_410 = arith.constant 320000 : i32
    %add3A_411 = arith.addi %add3A_410, %add3A_409 : i32
    %dma_wait3A_412 = arith.constant 1 : i32
    %dma_wait3A_413 = arith.constant 1 : i32
    %dma_wait3A_414 = arith.constant 0 : i32
    %dma_wait3A_415 = tpu.memref_slice %arg6[%dma_wait3A_412, %dma_wait3A_414] : memref<4x40xi32, #tpu.memory_space<vmem>> -> memref<1x40xi32, #tpu.memory_space<vmem>>
    %dma_wait3A_416 = tpu.memref_squeeze %dma_wait3A_415 : memref<1x40xi32, #tpu.memory_space<vmem>> -> memref<40xi32, #tpu.memory_space<vmem>>
    %dma_wait3A_417 = tpu.memref_slice %arg3[%add3A_409] : memref<640000xi32, #tpu.memory_space<hbm>> -> memref<40xi32, #tpu.memory_space<hbm>>
    %dma_wait3A_418 = tpu.memref_slice %arg11[%dma_wait3A_413] : memref<4x!tpu.dma_semaphore, #tpu.memory_space<semaphore_mem>> -> memref<1x!tpu.dma_semaphore, #tpu.memory_space<semaphore_mem>>
    %dma_wait3A_419 = tpu.memref_squeeze %dma_wait3A_418 : memref<1x!tpu.dma_semaphore, #tpu.memory_space<semaphore_mem>> -> memref<!tpu.dma_semaphore, #tpu.memory_space<semaphore_mem>>
    %dma_wait3A_420 = arith.constant 0 : i32
    %dma_wait3A_421 = tpu.memref_slice %arg6[%dma_wait3A_412, %dma_wait3A_420] : memref<4x40xi32, #tpu.memory_space<vmem>> -> memref<1x40xi32, #tpu.memory_space<vmem>>
    %dma_wait3A_422 = tpu.memref_squeeze %dma_wait3A_421 : memref<1x40xi32, #tpu.memory_space<vmem>> -> memref<40xi32, #tpu.memory_space<vmem>>
    %dma_wait3A_423 = tpu.memref_slice %arg3[%add3A_409] : memref<640000xi32, #tpu.memory_space<hbm>> -> memref<40xi32, #tpu.memory_space<hbm>>
    tpu.wait_dma2 semaphore(%dma_wait3A_419 : memref<!tpu.dma_semaphore, #tpu.memory_space<semaphore_mem>>) src(%dma_wait3A_423 : memref<40xi32, #tpu.memory_space<hbm>>) dst(%dma_wait3A_422 : memref<40xi32, #tpu.memory_space<vmem>>)
    %dma_wait3A_424 = arith.constant 1 : i32
    %dma_wait3A_425 = arith.constant 1 : i32
    %dma_wait3A_426 = arith.constant 0 : i32
    %dma_wait3A_427 = tpu.memref_slice %arg7[%dma_wait3A_424, %dma_wait3A_426] : memref<4x40xi32, #tpu.memory_space<vmem>> -> memref<1x40xi32, #tpu.memory_space<vmem>>
    %dma_wait3A_428 = tpu.memref_squeeze %dma_wait3A_427 : memref<1x40xi32, #tpu.memory_space<vmem>> -> memref<40xi32, #tpu.memory_space<vmem>>
    %dma_wait3A_429 = tpu.memref_slice %arg3[%add3A_411] : memref<640000xi32, #tpu.memory_space<hbm>> -> memref<40xi32, #tpu.memory_space<hbm>>
    %dma_wait3A_430 = tpu.memref_slice %arg11[%dma_wait3A_425] : memref<4x!tpu.dma_semaphore, #tpu.memory_space<semaphore_mem>> -> memref<1x!tpu.dma_semaphore, #tpu.memory_space<semaphore_mem>>
    %dma_wait3A_431 = tpu.memref_squeeze %dma_wait3A_430 : memref<1x!tpu.dma_semaphore, #tpu.memory_space<semaphore_mem>> -> memref<!tpu.dma_semaphore, #tpu.memory_space<semaphore_mem>>
    %dma_wait3A_432 = arith.constant 0 : i32
    %dma_wait3A_433 = tpu.memref_slice %arg7[%dma_wait3A_424, %dma_wait3A_432] : memref<4x40xi32, #tpu.memory_space<vmem>> -> memref<1x40xi32, #tpu.memory_space<vmem>>
    %dma_wait3A_434 = tpu.memref_squeeze %dma_wait3A_433 : memref<1x40xi32, #tpu.memory_space<vmem>> -> memref<40xi32, #tpu.memory_space<vmem>>
    %dma_wait3A_435 = tpu.memref_slice %arg3[%add3A_411] : memref<640000xi32, #tpu.memory_space<hbm>> -> memref<40xi32, #tpu.memory_space<hbm>>
    tpu.wait_dma2 semaphore(%dma_wait3A_431 : memref<!tpu.dma_semaphore, #tpu.memory_space<semaphore_mem>>) src(%dma_wait3A_435 : memref<40xi32, #tpu.memory_space<hbm>>) dst(%dma_wait3A_434 : memref<40xi32, #tpu.memory_space<vmem>>)
    %dma_wait3A_436 = arith.constant 1 : i32
    %dma_wait3A_437 = arith.constant 1 : i32
    %dma_wait3A_438 = arith.constant 0 : i32
    %dma_wait3A_439 = arith.constant 0 : i32
    %dma_wait3A_440 = tpu.memref_slice %arg9[%dma_wait3A_436, %dma_wait3A_438, %dma_wait3A_439] : memref<4x40x64xi32, #tpu.memory_space<vmem>> -> memref<1x40x64xi32, #tpu.memory_space<vmem>>
    %dma_wait3A_441 = tpu.memref_squeeze %dma_wait3A_440 : memref<1x40x64xi32, #tpu.memory_space<vmem>> -> memref<40x64xi32, #tpu.memory_space<vmem>>
    %dma_wait3A_442 = arith.constant 0 : i32
    %dma_wait3A_443 = tpu.memref_slice %arg4[%add3A_409, %dma_wait3A_442] : memref<320000x64xi32, #tpu.memory_space<hbm>> -> memref<40x64xi32, #tpu.memory_space<hbm>>
    %dma_wait3A_444 = tpu.memref_slice %arg11[%dma_wait3A_437] : memref<4x!tpu.dma_semaphore, #tpu.memory_space<semaphore_mem>> -> memref<1x!tpu.dma_semaphore, #tpu.memory_space<semaphore_mem>>
    %dma_wait3A_445 = tpu.memref_squeeze %dma_wait3A_444 : memref<1x!tpu.dma_semaphore, #tpu.memory_space<semaphore_mem>> -> memref<!tpu.dma_semaphore, #tpu.memory_space<semaphore_mem>>
    %dma_wait3A_446 = arith.constant 0 : i32
    %dma_wait3A_447 = arith.constant 0 : i32
    %dma_wait3A_448 = tpu.memref_slice %arg9[%dma_wait3A_436, %dma_wait3A_446, %dma_wait3A_447] : memref<4x40x64xi32, #tpu.memory_space<vmem>> -> memref<1x40x64xi32, #tpu.memory_space<vmem>>
    %dma_wait3A_449 = tpu.memref_squeeze %dma_wait3A_448 : memref<1x40x64xi32, #tpu.memory_space<vmem>> -> memref<40x64xi32, #tpu.memory_space<vmem>>
    %dma_wait3A_450 = arith.constant 0 : i32
    %dma_wait3A_451 = tpu.memref_slice %arg4[%add3A_409, %dma_wait3A_450] : memref<320000x64xi32, #tpu.memory_space<hbm>> -> memref<40x64xi32, #tpu.memory_space<hbm>>
    tpu.wait_dma2 semaphore(%dma_wait3A_445 : memref<!tpu.dma_semaphore, #tpu.memory_space<semaphore_mem>>) src(%dma_wait3A_451 : memref<40x64xi32, #tpu.memory_space<hbm>>) dst(%dma_wait3A_449 : memref<40x64xi32, #tpu.memory_space<vmem>>)
    %dma_start3A_452 = arith.constant 1 : i32
    %dma_start3A_453 = arith.constant 1 : i32
    %dma_start3A_454 = arith.constant 1 : i32
    %dma_start3A_455 = arith.constant 0 : i32
    %dma_start3A_456 = arith.constant 0 : i32
    %dma_start3A_457 = tpu.memref_slice %arg8[%dma_start3A_453, %dma_start3A_455, %dma_start3A_456] : memref<4x40x128xf32, #tpu.memory_space<vmem>> -> memref<1x40x128xf32, #tpu.memory_space<vmem>>
    %dma_start3A_458 = tpu.memref_squeeze %dma_start3A_457 : memref<1x40x128xf32, #tpu.memory_space<vmem>> -> memref<40x128xf32, #tpu.memory_space<vmem>>
    %dma_start3A_459 = arith.constant 0 : i32
    %dma_start3A_460 = tpu.memref_slice %arg6[%dma_start3A_452, %dma_start3A_459] : memref<4x40xi32, #tpu.memory_space<vmem>> -> memref<1x40xi32, #tpu.memory_space<vmem>>
    %dma_start3A_461 = tpu.memref_squeeze %dma_start3A_460 : memref<1x40xi32, #tpu.memory_space<vmem>> -> memref<40xi32, #tpu.memory_space<vmem>>
    %dma_start3A_462 = arith.constant 0 : i32
    %dma_start3A_463 = arith.constant 0 : i32
    %dma_start3A_464 = tpu.memref_slice %arg2[%dma_start3A_462, %dma_start3A_463] : memref<10000x128xf32, #tpu.memory_space<hbm>> -> memref<10000x128xf32, #tpu.memory_space<hbm>>
    %dma_start3A_465 = tpu.memref_slice %arg12[%dma_start3A_454] : memref<4x!tpu.dma_semaphore, #tpu.memory_space<semaphore_mem>> -> memref<1x!tpu.dma_semaphore, #tpu.memory_space<semaphore_mem>>
    %dma_start3A_466 = tpu.memref_squeeze %dma_start3A_465 : memref<1x!tpu.dma_semaphore, #tpu.memory_space<semaphore_mem>> -> memref<!tpu.dma_semaphore, #tpu.memory_space<semaphore_mem>>
    tpu.enqueue_indirect_dma source(%dma_start3A_464 : memref<10000x128xf32, #tpu.memory_space<hbm>>) target(%dma_start3A_458 : memref<40x128xf32, #tpu.memory_space<vmem>>) offsets(%dma_start3A_461 : memref<40xi32, #tpu.memory_space<vmem>>) semaphore(%dma_start3A_466 : memref<!tpu.dma_semaphore, #tpu.memory_space<semaphore_mem>>)
    %dma_wait3A_467 = arith.constant 1 : i32
    %dma_wait3A_468 = arith.constant 1 : i32
    %dma_wait3A_469 = arith.constant 1 : i32
    %dma_wait3A_470 = arith.constant 0 : i32
    %dma_wait3A_471 = arith.constant 0 : i32
    %dma_wait3A_472 = tpu.memref_slice %arg8[%dma_wait3A_468, %dma_wait3A_470, %dma_wait3A_471] : memref<4x40x128xf32, #tpu.memory_space<vmem>> -> memref<1x40x128xf32, #tpu.memory_space<vmem>>
    %dma_wait3A_473 = tpu.memref_squeeze %dma_wait3A_472 : memref<1x40x128xf32, #tpu.memory_space<vmem>> -> memref<40x128xf32, #tpu.memory_space<vmem>>
    %dma_wait3A_474 = arith.constant 0 : i32
    %dma_wait3A_475 = tpu.memref_slice %arg6[%dma_wait3A_467, %dma_wait3A_474] : memref<4x40xi32, #tpu.memory_space<vmem>> -> memref<1x40xi32, #tpu.memory_space<vmem>>
    %dma_wait3A_476 = tpu.memref_squeeze %dma_wait3A_475 : memref<1x40xi32, #tpu.memory_space<vmem>> -> memref<40xi32, #tpu.memory_space<vmem>>
    %dma_wait3A_477 = arith.constant 0 : i32
    %dma_wait3A_478 = arith.constant 0 : i32
    %dma_wait3A_479 = tpu.memref_slice %arg2[%dma_wait3A_477, %dma_wait3A_478] : memref<10000x128xf32, #tpu.memory_space<hbm>> -> memref<10000x128xf32, #tpu.memory_space<hbm>>
    %dma_wait3A_480 = tpu.memref_slice %arg12[%dma_wait3A_469] : memref<4x!tpu.dma_semaphore, #tpu.memory_space<semaphore_mem>> -> memref<1x!tpu.dma_semaphore, #tpu.memory_space<semaphore_mem>>
    %dma_wait3A_481 = tpu.memref_squeeze %dma_wait3A_480 : memref<1x!tpu.dma_semaphore, #tpu.memory_space<semaphore_mem>> -> memref<!tpu.dma_semaphore, #tpu.memory_space<semaphore_mem>>
    tpu.wait_indirect_dma semaphore(%dma_wait3A_481 : memref<!tpu.dma_semaphore, #tpu.memory_space<semaphore_mem>>) src(%dma_wait3A_479 : memref<10000x128xf32, #tpu.memory_space<hbm>>) dst(%dma_wait3A_473 : memref<40x128xf32, #tpu.memory_space<vmem>>)
    %scan3A_482 = arith.constant 0 : i32
    %scan3A_483 = arith.constant 0 : i32
    %scan3A_484 = arith.constant 40 : i32
    %scan3A_485 = arith.addi %scan3A_483, %scan3A_484 : i32
    %scan3A_486 = arith.constant 1 : i32
    scf.for %scan3A_500 = %scan3A_483 to %scan3A_485 step %scan3A_486  : i32 {
      %get3A = arith.constant 1 : i32
      %get3A_501 = arith.index_cast %get3A : i32 to index
      %get3A_502 = arith.index_cast %scan3A_500 : i32 to index
      %get3A_503 = arith.constant 0 : index
      %get3A_504 = tpu.vector_load %arg9[%get3A_501, %get3A_502, %get3A_503] {strides = array<i32>} : memref<4x40x64xi32, #tpu.memory_space<vmem>>, vector<1x1x16xi32>,
      %get3A_505 = vector.shape_cast %get3A_504 : vector<1x1x16xi32> to vector<16xi32>
      %get3A_506 = arith.constant 1 : i32
      %get3A_507 = arith.index_cast %get3A_506 : i32 to index
      %get3A_508 = arith.index_cast %scan3A_500 : i32 to index
      %get3A_509 = arith.constant 0 : index
      %get3A_510 = tpu.vector_load %arg8[%get3A_507, %get3A_508, %get3A_509] {strides = array<i32>} : memref<4x40x128xf32, #tpu.memory_space<vmem>>, vector<1x1x16xf32>,
      %get3A_511 = vector.shape_cast %get3A_510 : vector<1x1x16xf32> to vector<16xf32>
      %shift_left3A = arith.constant 16 : i32
      %shift_left3A_512 = vector.broadcast %shift_left3A : i32 to vector<16xi32>
      %shift_left3A_513 = arith.shli %get3A_505, %shift_left3A_512 : vector<16xi32>
      %bitcast_convert_type3A = tpu.bitcast %shift_left3A_513 : vector<16xi32> -> vector<16xf32>
      %add3A_514 = arith.addf %get3A_511, %bitcast_convert_type3A : vector<16xf32>
      %get3A_515 = arith.constant 1 : i32
      %get3A_516 = arith.index_cast %get3A_515 : i32 to index
      %get3A_517 = arith.index_cast %scan3A_500 : i32 to index
      %get3A_518 = arith.constant 16 : index
      %get3A_519 = tpu.vector_load %arg8[%get3A_516, %get3A_517, %get3A_518] {strides = array<i32>} : memref<4x40x128xf32, #tpu.memory_space<vmem>>, vector<1x1x16xf32>,
      %get3A_520 = vector.shape_cast %get3A_519 : vector<1x1x16xf32> to vector<16xf32>
      %and3A = arith.constant -65536 : i32
      %and3A_521 = vector.broadcast %and3A : i32 to vector<16xi32>
      %and3A_522 = arith.andi %get3A_505, %and3A_521 : vector<16xi32>
      %bitcast_convert_type3A_523 = tpu.bitcast %and3A_522 : vector<16xi32> -> vector<16xf32>
      %add3A_524 = arith.addf %get3A_520, %bitcast_convert_type3A_523 : vector<16xf32>
      %max3A = arith.constant 0.000000e+00 : f32
      %max3A_525 = vector.broadcast %max3A : f32 to vector<16xf32>
      %max3A_526 = arith.maximumf %add3A_514, %max3A_525 : vector<16xf32>
      %swap3A = arith.constant 1 : i32
      %swap3A_527 = arith.index_cast %swap3A : i32 to index
      %swap3A_528 = arith.index_cast %scan3A_500 : i32 to index
      %swap3A_529 = arith.constant 0 : index
      %swap3A_530 = tpu.vector_load %arg8[%swap3A_527, %swap3A_528, %swap3A_529] {strides = array<i32>} : memref<4x40x128xf32, #tpu.memory_space<vmem>>, vector<1x1x16xf32>,
      %swap3A_531 = vector.shape_cast %swap3A_530 : vector<1x1x16xf32> to vector<16xf32>
      %swap3A_532 = vector.shape_cast %max3A_526 : vector<16xf32> to vector<1x1x16xf32>
      tpu.vector_store %arg8[%swap3A_527, %swap3A_528, %swap3A_529], %swap3A_532 {strides = array<i32>} : memref<4x40x128xf32, #tpu.memory_space<vmem>>, vector<1x1x16xf32>,
      %max3A_533 = arith.constant 0.000000e+00 : f32
      %max3A_534 = vector.broadcast %max3A_533 : f32 to vector<16xf32>
      %max3A_535 = arith.maximumf %add3A_524, %max3A_534 : vector<16xf32>
      %swap3A_536 = arith.constant 1 : i32
      %swap3A_537 = arith.index_cast %swap3A_536 : i32 to index
      %swap3A_538 = arith.index_cast %scan3A_500 : i32 to index
      %swap3A_539 = arith.constant 16 : index
      %swap3A_540 = tpu.vector_load %arg8[%swap3A_537, %swap3A_538, %swap3A_539] {strides = array<i32>} : memref<4x40x128xf32, #tpu.memory_space<vmem>>, vector<1x1x16xf32>,
      %swap3A_541 = vector.shape_cast %swap3A_540 : vector<1x1x16xf32> to vector<16xf32>
      %swap3A_542 = vector.shape_cast %max3A_535 : vector<16xf32> to vector<1x1x16xf32>
      tpu.vector_store %arg8[%swap3A_537, %swap3A_538, %swap3A_539], %swap3A_542 {strides = array<i32>} : memref<4x40x128xf32, #tpu.memory_space<vmem>>, vector<1x1x16xf32>,
      %get3A_543 = arith.constant 1 : i32
      %get3A_544 = arith.index_cast %get3A_543 : i32 to index
      %get3A_545 = arith.index_cast %scan3A_500 : i32 to index
      %get3A_546 = arith.constant 16 : index
      %get3A_547 = tpu.vector_load %arg9[%get3A_544, %get3A_545, %get3A_546] {strides = array<i32>} : memref<4x40x64xi32, #tpu.memory_space<vmem>>, vector<1x1x16xi32>,
      %get3A_548 = vector.shape_cast %get3A_547 : vector<1x1x16xi32> to vector<16xi32>
      %get3A_549 = arith.constant 1 : i32
      %get3A_550 = arith.index_cast %get3A_549 : i32 to index
      %get3A_551 = arith.index_cast %scan3A_500 : i32 to index
      %get3A_552 = arith.constant 32 : index
      %get3A_553 = tpu.vector_load %arg8[%get3A_550, %get3A_551, %get3A_552] {strides = array<i32>} : memref<4x40x128xf32, #tpu.memory_space<vmem>>, vector<1x1x16xf32>,
      %get3A_554 = vector.shape_cast %get3A_553 : vector<1x1x16xf32> to vector<16xf32>
      %shift_left3A_555 = arith.constant 16 : i32
      %shift_left3A_556 = vector.broadcast %shift_left3A_555 : i32 to vector<16xi32>
      %shift_left3A_557 = arith.shli %get3A_548, %shift_left3A_556 : vector<16xi32>
      %bitcast_convert_type3A_558 = tpu.bitcast %shift_left3A_557 : vector<16xi32> -> vector<16xf32>
      %add3A_559 = arith.addf %get3A_554, %bitcast_convert_type3A_558 : vector<16xf32>
      %get3A_560 = arith.constant 1 : i32
      %get3A_561 = arith.index_cast %get3A_560 : i32 to index
      %get3A_562 = arith.index_cast %scan3A_500 : i32 to index
      %get3A_563 = arith.constant 48 : index
      %get3A_564 = tpu.vector_load %arg8[%get3A_561, %get3A_562, %get3A_563] {strides = array<i32>} : memref<4x40x128xf32, #tpu.memory_space<vmem>>, vector<1x1x16xf32>,
      %get3A_565 = vector.shape_cast %get3A_564 : vector<1x1x16xf32> to vector<16xf32>
      %and3A_566 = arith.constant -65536 : i32
      %and3A_567 = vector.broadcast %and3A_566 : i32 to vector<16xi32>
      %and3A_568 = arith.andi %get3A_548, %and3A_567 : vector<16xi32>
      %bitcast_convert_type3A_569 = tpu.bitcast %and3A_568 : vector<16xi32> -> vector<16xf32>
      %add3A_570 = arith.addf %get3A_565, %bitcast_convert_type3A_569 : vector<16xf32>
      %max3A_571 = arith.constant 0.000000e+00 : f32
      %max3A_572 = vector.broadcast %max3A_571 : f32 to vector<16xf32>
      %max3A_573 = arith.maximumf %add3A_559, %max3A_572 : vector<16xf32>
      %swap3A_574 = arith.constant 1 : i32
      %swap3A_575 = arith.index_cast %swap3A_574 : i32 to index
      %swap3A_576 = arith.index_cast %scan3A_500 : i32 to index
      %swap3A_577 = arith.constant 32 : index
      %swap3A_578 = tpu.vector_load %arg8[%swap3A_575, %swap3A_576, %swap3A_577] {strides = array<i32>} : memref<4x40x128xf32, #tpu.memory_space<vmem>>, vector<1x1x16xf32>,
      %swap3A_579 = vector.shape_cast %swap3A_578 : vector<1x1x16xf32> to vector<16xf32>
      %swap3A_580 = vector.shape_cast %max3A_573 : vector<16xf32> to vector<1x1x16xf32>
      tpu.vector_store %arg8[%swap3A_575, %swap3A_576, %swap3A_577], %swap3A_580 {strides = array<i32>} : memref<4x40x128xf32, #tpu.memory_space<vmem>>, vector<1x1x16xf32>,
      %max3A_581 = arith.constant 0.000000e+00 : f32
      %max3A_582 = vector.broadcast %max3A_581 : f32 to vector<16xf32>
      %max3A_583 = arith.maximumf %add3A_570, %max3A_582 : vector<16xf32>
      %swap3A_584 = arith.constant 1 : i32
      %swap3A_585 = arith.index_cast %swap3A_584 : i32 to index
      %swap3A_586 = arith.index_cast %scan3A_500 : i32 to index
      %swap3A_587 = arith.constant 48 : index
      %swap3A_588 = tpu.vector_load %arg8[%swap3A_585, %swap3A_586, %swap3A_587] {strides = array<i32>} : memref<4x40x128xf32, #tpu.memory_space<vmem>>, vector<1x1x16xf32>,
      %swap3A_589 = vector.shape_cast %swap3A_588 : vector<1x1x16xf32> to vector<16xf32>
      %swap3A_590 = vector.shape_cast %max3A_583 : vector<16xf32> to vector<1x1x16xf32>
      tpu.vector_store %arg8[%swap3A_585, %swap3A_586, %swap3A_587], %swap3A_590 {strides = array<i32>} : memref<4x40x128xf32, #tpu.memory_space<vmem>>, vector<1x1x16xf32>,
      %get3A_591 = arith.constant 1 : i32
      %get3A_592 = arith.index_cast %get3A_591 : i32 to index
      %get3A_593 = arith.index_cast %scan3A_500 : i32 to index
      %get3A_594 = arith.constant 32 : index
      %get3A_595 = tpu.vector_load %arg9[%get3A_592, %get3A_593, %get3A_594] {strides = array<i32>} : memref<4x40x64xi32, #tpu.memory_space<vmem>>, vector<1x1x16xi32>,
      %get3A_596 = vector.shape_cast %get3A_595 : vector<1x1x16xi32> to vector<16xi32>
      %get3A_597 = arith.constant 1 : i32
      %get3A_598 = arith.index_cast %get3A_597 : i32 to index
      %get3A_599 = arith.index_cast %scan3A_500 : i32 to index
      %get3A_600 = arith.constant 64 : index
      %get3A_601 = tpu.vector_load %arg8[%get3A_598, %get3A_599, %get3A_600] {strides = array<i32>} : memref<4x40x128xf32, #tpu.memory_space<vmem>>, vector<1x1x16xf32>,
      %get3A_602 = vector.shape_cast %get3A_601 : vector<1x1x16xf32> to vector<16xf32>
      %shift_left3A_603 = arith.constant 16 : i32
      %shift_left3A_604 = vector.broadcast %shift_left3A_603 : i32 to vector<16xi32>
      %shift_left3A_605 = arith.shli %get3A_596, %shift_left3A_604 : vector<16xi32>
      %bitcast_convert_type3A_606 = tpu.bitcast %shift_left3A_605 : vector<16xi32> -> vector<16xf32>
      %add3A_607 = arith.addf %get3A_602, %bitcast_convert_type3A_606 : vector<16xf32>
      %get3A_608 = arith.constant 1 : i32
      %get3A_609 = arith.index_cast %get3A_608 : i32 to index
      %get3A_610 = arith.index_cast %scan3A_500 : i32 to index
      %get3A_611 = arith.constant 80 : index
      %get3A_612 = tpu.vector_load %arg8[%get3A_609, %get3A_610, %get3A_611] {strides = array<i32>} : memref<4x40x128xf32, #tpu.memory_space<vmem>>, vector<1x1x16xf32>,
      %get3A_613 = vector.shape_cast %get3A_612 : vector<1x1x16xf32> to vector<16xf32>
      %and3A_614 = arith.constant -65536 : i32
      %and3A_615 = vector.broadcast %and3A_614 : i32 to vector<16xi32>
      %and3A_616 = arith.andi %get3A_596, %and3A_615 : vector<16xi32>
      %bitcast_convert_type3A_617 = tpu.bitcast %and3A_616 : vector<16xi32> -> vector<16xf32>
      %add3A_618 = arith.addf %get3A_613, %bitcast_convert_type3A_617 : vector<16xf32>
      %max3A_619 = arith.constant 0.000000e+00 : f32
      %max3A_620 = vector.broadcast %max3A_619 : f32 to vector<16xf32>
      %max3A_621 = arith.maximumf %add3A_607, %max3A_620 : vector<16xf32>
      %swap3A_622 = arith.constant 1 : i32
      %swap3A_623 = arith.index_cast %swap3A_622 : i32 to index
      %swap3A_624 = arith.index_cast %scan3A_500 : i32 to index
      %swap3A_625 = arith.constant 64 : index
      %swap3A_626 = tpu.vector_load %arg8[%swap3A_623, %swap3A_624, %swap3A_625] {strides = array<i32>} : memref<4x40x128xf32, #tpu.memory_space<vmem>>, vector<1x1x16xf32>,
      %swap3A_627 = vector.shape_cast %swap3A_626 : vector<1x1x16xf32> to vector<16xf32>
      %swap3A_628 = vector.shape_cast %max3A_621 : vector<16xf32> to vector<1x1x16xf32>
      tpu.vector_store %arg8[%swap3A_623, %swap3A_624, %swap3A_625], %swap3A_628 {strides = array<i32>} : memref<4x40x128xf32, #tpu.memory_space<vmem>>, vector<1x1x16xf32>,
      %max3A_629 = arith.constant 0.000000e+00 : f32
      %max3A_630 = vector.broadcast %max3A_629 : f32 to vector<16xf32>
      %max3A_631 = arith.maximumf %add3A_618, %max3A_630 : vector<16xf32>
      %swap3A_632 = arith.constant 1 : i32
      %swap3A_633 = arith.index_cast %swap3A_632 : i32 to index
      %swap3A_634 = arith.index_cast %scan3A_500 : i32 to index
      %swap3A_635 = arith.constant 80 : index
      %swap3A_636 = tpu.vector_load %arg8[%swap3A_633, %swap3A_634, %swap3A_635] {strides = array<i32>} : memref<4x40x128xf32, #tpu.memory_space<vmem>>, vector<1x1x16xf32>,
      %swap3A_637 = vector.shape_cast %swap3A_636 : vector<1x1x16xf32> to vector<16xf32>
      %swap3A_638 = vector.shape_cast %max3A_631 : vector<16xf32> to vector<1x1x16xf32>
      tpu.vector_store %arg8[%swap3A_633, %swap3A_634, %swap3A_635], %swap3A_638 {strides = array<i32>} : memref<4x40x128xf32, #tpu.memory_space<vmem>>, vector<1x1x16xf32>,
      %get3A_639 = arith.constant 1 : i32
      %get3A_640 = arith.index_cast %get3A_639 : i32 to index
      %get3A_641 = arith.index_cast %scan3A_500 : i32 to index
      %get3A_642 = arith.constant 48 : index
      %get3A_643 = tpu.vector_load %arg9[%get3A_640, %get3A_641, %get3A_642] {strides = array<i32>} : memref<4x40x64xi32, #tpu.memory_space<vmem>>, vector<1x1x16xi32>,
      %get3A_644 = vector.shape_cast %get3A_643 : vector<1x1x16xi32> to vector<16xi32>
      %get3A_645 = arith.constant 1 : i32
      %get3A_646 = arith.index_cast %get3A_645 : i32 to index
      %get3A_647 = arith.index_cast %scan3A_500 : i32 to index
      %get3A_648 = arith.constant 96 : index
      %get3A_649 = tpu.vector_load %arg8[%get3A_646, %get3A_647, %get3A_648] {strides = array<i32>} : memref<4x40x128xf32, #tpu.memory_space<vmem>>, vector<1x1x16xf32>,
      %get3A_650 = vector.shape_cast %get3A_649 : vector<1x1x16xf32> to vector<16xf32>
      %shift_left3A_651 = arith.constant 16 : i32
      %shift_left3A_652 = vector.broadcast %shift_left3A_651 : i32 to vector<16xi32>
      %shift_left3A_653 = arith.shli %get3A_644, %shift_left3A_652 : vector<16xi32>
      %bitcast_convert_type3A_654 = tpu.bitcast %shift_left3A_653 : vector<16xi32> -> vector<16xf32>
      %add3A_655 = arith.addf %get3A_650, %bitcast_convert_type3A_654 : vector<16xf32>
      %get3A_656 = arith.constant 1 : i32
      %get3A_657 = arith.index_cast %get3A_656 : i32 to index
      %get3A_658 = arith.index_cast %scan3A_500 : i32 to index
      %get3A_659 = arith.constant 112 : index
      %get3A_660 = tpu.vector_load %arg8[%get3A_657, %get3A_658, %get3A_659] {strides = array<i32>} : memref<4x40x128xf32, #tpu.memory_space<vmem>>, vector<1x1x16xf32>,
      %get3A_661 = vector.shape_cast %get3A_660 : vector<1x1x16xf32> to vector<16xf32>
      %and3A_662 = arith.constant -65536 : i32
      %and3A_663 = vector.broadcast %and3A_662 : i32 to vector<16xi32>
      %and3A_664 = arith.andi %get3A_644, %and3A_663 : vector<16xi32>
      %bitcast_convert_type3A_665 = tpu.bitcast %and3A_664 : vector<16xi32> -> vector<16xf32>
      %add3A_666 = arith.addf %get3A_661, %bitcast_convert_type3A_665 : vector<16xf32>
      %max3A_667 = arith.constant 0.000000e+00 : f32
      %max3A_668 = vector.broadcast %max3A_667 : f32 to vector<16xf32>
      %max3A_669 = arith.maximumf %add3A_655, %max3A_668 : vector<16xf32>
      %swap3A_670 = arith.constant 1 : i32
      %swap3A_671 = arith.index_cast %swap3A_670 : i32 to index
      %swap3A_672 = arith.index_cast %scan3A_500 : i32 to index
      %swap3A_673 = arith.constant 96 : index
      %swap3A_674 = tpu.vector_load %arg8[%swap3A_671, %swap3A_672, %swap3A_673] {strides = array<i32>} : memref<4x40x128xf32, #tpu.memory_space<vmem>>, vector<1x1x16xf32>,
      %swap3A_675 = vector.shape_cast %swap3A_674 : vector<1x1x16xf32> to vector<16xf32>
      %swap3A_676 = vector.shape_cast %max3A_669 : vector<16xf32> to vector<1x1x16xf32>
      tpu.vector_store %arg8[%swap3A_671, %swap3A_672, %swap3A_673], %swap3A_676 {strides = array<i32>} : memref<4x40x128xf32, #tpu.memory_space<vmem>>, vector<1x1x16xf32>,
      %max3A_677 = arith.constant 0.000000e+00 : f32
      %max3A_678 = vector.broadcast %max3A_677 : f32 to vector<16xf32>
      %max3A_679 = arith.maximumf %add3A_666, %max3A_678 : vector<16xf32>
      %swap3A_680 = arith.constant 1 : i32
      %swap3A_681 = arith.index_cast %swap3A_680 : i32 to index
      %swap3A_682 = arith.index_cast %scan3A_500 : i32 to index
      %swap3A_683 = arith.constant 112 : index
      %swap3A_684 = tpu.vector_load %arg8[%swap3A_681, %swap3A_682, %swap3A_683] {strides = array<i32>} : memref<4x40x128xf32, #tpu.memory_space<vmem>>, vector<1x1x16xf32>,
      %swap3A_685 = vector.shape_cast %swap3A_684 : vector<1x1x16xf32> to vector<16xf32>
      %swap3A_686 = vector.shape_cast %max3A_679 : vector<16xf32> to vector<1x1x16xf32>
      tpu.vector_store %arg8[%swap3A_681, %swap3A_682, %swap3A_683], %swap3A_686 {strides = array<i32>} : memref<4x40x128xf32, #tpu.memory_space<vmem>>, vector<1x1x16xf32>,
    }
    %scan3A_487 = arith.constant 40 : i32
    %run_scoped3A_488 = arith.constant 1 : i32
    %run_scoped3A_489 = arith.constant 1 : i32
    "tpu.region"() ({
      %run_scoped3A_500 = tpu.sem_alloc : memref<!tpu.dma_semaphore, #tpu.memory_space<semaphore_mem>>
      %dma_start3A_501 = arith.constant 0 : i32
      %dma_start3A_502 = arith.constant 0 : i32
      %dma_start3A_503 = tpu.memref_slice %arg8[%run_scoped3A_488, %dma_start3A_501, %dma_start3A_502] : memref<4x40x128xf32, #tpu.memory_space<vmem>> -> memref<1x40x128xf32, #tpu.memory_space<vmem>>
      %dma_start3A_504 = tpu.memref_squeeze %dma_start3A_503 : memref<1x40x128xf32, #tpu.memory_space<vmem>> -> memref<40x128xf32, #tpu.memory_space<vmem>>
      %dma_start3A_505 = arith.constant 0 : i32
      %dma_start3A_506 = tpu.memref_slice %arg7[%run_scoped3A_489, %dma_start3A_505] : memref<4x40xi32, #tpu.memory_space<vmem>> -> memref<1x40xi32, #tpu.memory_space<vmem>>
      %dma_start3A_507 = tpu.memref_squeeze %dma_start3A_506 : memref<1x40xi32, #tpu.memory_space<vmem>> -> memref<40xi32, #tpu.memory_space<vmem>>
      %dma_start3A_508 = arith.constant 0 : i32
      %dma_start3A_509 = arith.constant 0 : i32
      %dma_start3A_510 = tpu.memref_slice %arg10[%dma_start3A_508, %dma_start3A_509] : memref<10112x128xf32, #tpu.memory_space<vmem_shared>> -> memref<10112x128xf32, #tpu.memory_space<vmem_shared>>
      tpu.enqueue_indirect_dma source(%dma_start3A_504 : memref<40x128xf32, #tpu.memory_space<vmem>>) target(%dma_start3A_510 : memref<10112x128xf32, #tpu.memory_space<vmem_shared>>) offsets(%dma_start3A_507 : memref<40xi32, #tpu.memory_space<vmem>>) semaphore(%run_scoped3A_500 : memref<!tpu.dma_semaphore, #tpu.memory_space<semaphore_mem>>) {add = true}
      %dma_wait3A_511 = arith.constant 0 : i32
      %dma_wait3A_512 = arith.constant 0 : i32
      %dma_wait3A_513 = tpu.memref_slice %arg8[%run_scoped3A_488, %dma_wait3A_511, %dma_wait3A_512] : memref<4x40x128xf32, #tpu.memory_space<vmem>> -> memref<1x40x128xf32, #tpu.memory_space<vmem>>
      %dma_wait3A_514 = tpu.memref_squeeze %dma_wait3A_513 : memref<1x40x128xf32, #tpu.memory_space<vmem>> -> memref<40x128xf32, #tpu.memory_space<vmem>>
      %dma_wait3A_515 = arith.constant 0 : i32
      %dma_wait3A_516 = tpu.memref_slice %arg7[%run_scoped3A_489, %dma_wait3A_515] : memref<4x40xi32, #tpu.memory_space<vmem>> -> memref<1x40xi32, #tpu.memory_space<vmem>>
      %dma_wait3A_517 = tpu.memref_squeeze %dma_wait3A_516 : memref<1x40xi32, #tpu.memory_space<vmem>> -> memref<40xi32, #tpu.memory_space<vmem>>
      %dma_wait3A_518 = arith.constant 0 : i32
      %dma_wait3A_519 = arith.constant 0 : i32
      %dma_wait3A_520 = tpu.memref_slice %arg10[%dma_wait3A_518, %dma_wait3A_519] : memref<10112x128xf32, #tpu.memory_space<vmem_shared>> -> memref<10112x128xf32, #tpu.memory_space<vmem_shared>>
      tpu.wait_indirect_dma semaphore(%run_scoped3A_500 : memref<!tpu.dma_semaphore, #tpu.memory_space<semaphore_mem>>) src(%dma_wait3A_514 : memref<40x128xf32, #tpu.memory_space<vmem>>) dst(%dma_wait3A_520 : memref<10112x128xf32, #tpu.memory_space<vmem_shared>>)
      tpu.yield
    }) : () -> ()
    %barrier3A_490 = arith.constant 0 : index
    tpu.barrier barrier_id(%barrier3A_490)
    %mul3A_491 = arith.constant 10000 : i32
    %mul3A_492 = arith.muli %arg0, %mul3A_491 : i32
    %mul3A_493 = arith.constant 624 : i32
    %mul3A_494 = arith.muli %arg1, %mul3A_493 : i32
    %add3A_495 = arith.addi %mul3A_492, %mul3A_494 : i32
    %mul3A_496 = arith.constant 624 : i32
    %mul3A_497 = arith.muli %arg1, %mul3A_496 : i32
    "tpu.region"() ({
      %run_scoped3A_500 = tpu.sem_alloc : memref<!tpu.dma_semaphore, #tpu.memory_space<semaphore_mem>>
      %dma_start3A_501 = arith.constant 0 : i32
      %dma_start3A_502 = tpu.memref_slice %arg5[%add3A_495, %dma_start3A_501] : memref<20000x128xf32, #tpu.memory_space<hbm>> -> memref<624x128xf32, #tpu.memory_space<hbm>>
      %dma_start3A_503 = arith.constant 0 : i32
      %dma_start3A_504 = tpu.memref_slice %arg10[%mul3A_497, %dma_start3A_503] : memref<10112x128xf32, #tpu.memory_space<vmem_shared>> -> memref<624x128xf32, #tpu.memory_space<vmem_shared>>
      tpu.enqueue_dma source(%dma_start3A_504 : memref<624x128xf32, #tpu.memory_space<vmem_shared>>) target(%dma_start3A_502 : memref<624x128xf32, #tpu.memory_space<hbm>>) target_semaphore(%run_scoped3A_500 : memref<!tpu.dma_semaphore, #tpu.memory_space<semaphore_mem>>)
      %dma_wait3A_505 = arith.constant 0 : i32
      %dma_wait3A_506 = tpu.memref_slice %arg5[%add3A_495, %dma_wait3A_505] : memref<20000x128xf32, #tpu.memory_space<hbm>> -> memref<624x128xf32, #tpu.memory_space<hbm>>
      %dma_wait3A_507 = arith.constant 0 : i32
      %dma_wait3A_508 = tpu.memref_slice %arg10[%mul3A_497, %dma_wait3A_507] : memref<10112x128xf32, #tpu.memory_space<vmem_shared>> -> memref<624x128xf32, #tpu.memory_space<vmem_shared>>
      tpu.wait_dma2 semaphore(%run_scoped3A_500 : memref<!tpu.dma_semaphore, #tpu.memory_space<semaphore_mem>>) src(%dma_wait3A_508 : memref<624x128xf32, #tpu.memory_space<vmem_shared>>) dst(%dma_wait3A_506 : memref<624x128xf32, #tpu.memory_space<hbm>>)
      tpu.yield
    }) : () -> ()
    %eq3A = arith.constant 0 : i32
    %eq3A_498 = arith.cmpi eq, %arg1, %eq3A : i32
    %convert_element_type3A = arith.extui %eq3A_498 : i1 to i32
    %cond3A = arith.constant 0 : i32
    %cond3A_499 = arith.cmpi ne, %convert_element_type3A, %cond3A : i32
    scf.if %cond3A_499 {
      %mul3A_500 = arith.constant 10000 : i32
      %mul3A_501 = arith.muli %arg0, %mul3A_500 : i32
      %add3A_502 = arith.constant 9984 : i32
      %add3A_503 = arith.addi %mul3A_501, %add3A_502 : i32
      "tpu.region"() ({
        %run_scoped3A_504 = tpu.sem_alloc : memref<!tpu.dma_semaphore, #tpu.memory_space<semaphore_mem>>
        %dma_start3A_505 = arith.constant 0 : i32
        %dma_start3A_506 = tpu.memref_slice %arg5[%add3A_503, %dma_start3A_505] : memref<20000x128xf32, #tpu.memory_space<hbm>> -> memref<16x128xf32, #tpu.memory_space<hbm>>
        %dma_start3A_507 = arith.constant 9984 : i32
        %dma_start3A_508 = arith.constant 0 : i32
        %dma_start3A_509 = tpu.memref_slice %arg10[%dma_start3A_507, %dma_start3A_508] : memref<10112x128xf32, #tpu.memory_space<vmem_shared>> -> memref<16x128xf32, #tpu.memory_space<vmem_shared>>
        tpu.enqueue_dma source(%dma_start3A_509 : memref<16x128xf32, #tpu.memory_space<vmem_shared>>) target(%dma_start3A_506 : memref<16x128xf32, #tpu.memory_space<hbm>>) target_semaphore(%run_scoped3A_504 : memref<!tpu.dma_semaphore, #tpu.memory_space<semaphore_mem>>)
        %dma_wait3A_510 = arith.constant 0 : i32
        %dma_wait3A_511 = tpu.memref_slice %arg5[%add3A_503, %dma_wait3A_510] : memref<20000x128xf32, #tpu.memory_space<hbm>> -> memref<16x128xf32, #tpu.memory_space<hbm>>
        %dma_wait3A_512 = arith.constant 9984 : i32
        %dma_wait3A_513 = arith.constant 0 : i32
        %dma_wait3A_514 = tpu.memref_slice %arg10[%dma_wait3A_512, %dma_wait3A_513] : memref<10112x128xf32, #tpu.memory_space<vmem_shared>> -> memref<16x128xf32, #tpu.memory_space<vmem_shared>>
        tpu.wait_dma2 semaphore(%run_scoped3A_504 : memref<!tpu.dma_semaphore, #tpu.memory_space<semaphore_mem>>) src(%dma_wait3A_514 : memref<16x128xf32, #tpu.memory_space<vmem_shared>>) dst(%dma_wait3A_511 : memref<16x128xf32, #tpu.memory_space<hbm>>)
        tpu.yield
      }) : () -> ()
    } else {
    }
    return
  }
}

module attributes {stable_mosaic.version = 14 : i64} {
  func.func @_mlp_body(%arg0: i32, %arg1: memref<2000x128xf32, #tpu.memory_space<vmem>>, %arg2: memref<2x2000x128xf32, #tpu.memory_space<vmem>>, %arg3: memref<1x1xf32, #tpu.memory_space<smem>>, %arg4: memref<128x256xf32, #tpu.memory_space<vmem>>, %arg5: memref<1x256xf32, #tpu.memory_space<vmem>>, %arg6: memref<256x128xf32, #tpu.memory_space<vmem>>, %arg7: memref<1x128xf32, #tpu.memory_space<vmem>>, %arg8: memref<2000x128xf32, #tpu.memory_space<vmem>>) attributes {dimension_semantics = [#tpu.dimension_semantics<arbitrary>], iteration_bounds = array<i64: 5>, scalar_prefetch = 0 : i64, scratch_operands = 0 : i64, tpu.core_type = #tpu.core_type<tc>, window_params = [{transform_indices = @transform_0, window_bounds = array<i64: 2000, 128>}, {transform_indices = @transform_1, window_bounds = array<i64: 2, 2000, 128>}, {transform_indices = @transform_2, window_bounds = array<i64: 1, 1>}, {pipeline_mode = #tpu.pipeline_mode<synchronous>, transform_indices = @transform_3, window_bounds = array<i64: 128, 256>}, {pipeline_mode = #tpu.pipeline_mode<synchronous>, transform_indices = @transform_4, window_bounds = array<i64: 1, 256>}, {pipeline_mode = #tpu.pipeline_mode<synchronous>, transform_indices = @transform_5, window_bounds = array<i64: 256, 128>}, {pipeline_mode = #tpu.pipeline_mode<synchronous>, transform_indices = @transform_6, window_bounds = array<i64: 1, 128>}, {transform_indices = @transform_7, window_bounds = array<i64: 2000, 128>}]} {
    %get3A = arith.constant 0 : index
    %get3A_0 = arith.constant 0 : index
    %get3A_1 = memref.load %arg3[%get3A, %get3A_0] : memref<1x1xf32, #tpu.memory_space<smem>>
    %add3A = arith.constant 1.000000e+00 : f32
    %add3A_2 = arith.addf %add3A, %get3A_1 : f32
    %get3A_3 = arith.constant 0 : index
    %get3A_4 = arith.constant 0 : index
    %get3A_5 = vector.load %arg1[%get3A_3, %get3A_4] : memref<2000x128xf32, #tpu.memory_space<vmem>>, vector<2000x128xf32>
    %mul3A = vector.broadcast %add3A_2 : f32 to vector<2000x128xf32>
    %mul3A_6 = arith.mulf %get3A_5, %mul3A : vector<2000x128xf32>
    %get3A_7 = arith.constant 0 : index
    %get3A_8 = arith.constant 0 : index
    %get3A_9 = arith.constant 0 : index
    %get3A_10 = vector.load %arg2[%get3A_7, %get3A_8, %get3A_9] : memref<2x2000x128xf32, #tpu.memory_space<vmem>>, vector<1x2000x128xf32>
    %get3A_11 = vector.shape_cast %get3A_10 : vector<1x2000x128xf32> to vector<2000x128xf32>
    %add3A_12 = arith.addf %mul3A_6, %get3A_11 : vector<2000x128xf32>
    %get3A_13 = arith.constant 1 : index
    %get3A_14 = arith.constant 0 : index
    %get3A_15 = arith.constant 0 : index
    %get3A_16 = vector.load %arg2[%get3A_13, %get3A_14, %get3A_15] : memref<2x2000x128xf32, #tpu.memory_space<vmem>>, vector<1x2000x128xf32>
    %get3A_17 = vector.shape_cast %get3A_16 : vector<1x2000x128xf32> to vector<2000x128xf32>
    %add3A_18 = arith.addf %add3A_12, %get3A_17 : vector<2000x128xf32>
    %get3A_19 = arith.constant 0 : index
    %get3A_20 = arith.constant 0 : index
    %get3A_21 = vector.load %arg4[%get3A_19, %get3A_20] : memref<128x256xf32, #tpu.memory_space<vmem>>, vector<128x256xf32>
    %dot_general3A = arith.constant dense<0.000000e+00> : vector<2000x256xf32>
    %dot_general3A_22 = tpu.matmul %add3A_18, %get3A_21, %dot_general3A {dimension_numbers = #tpu.dot_dimension_numbers<[1], [0], [0], [1], [0, 0, 1, 1], [], []>, transpose_lhs_hint = false} : vector<2000x128xf32>, vector<128x256xf32>, vector<2000x256xf32> -> vector<2000x256xf32>
    %get3A_23 = arith.constant 0 : index
    %get3A_24 = arith.constant 0 : index
    %get3A_25 = vector.load %arg5[%get3A_23, %get3A_24] : memref<1x256xf32, #tpu.memory_space<vmem>>, vector<1x256xf32>
    %add3A_26 = vector.broadcast %get3A_25 : vector<1x256xf32> to vector<2000x256xf32>
    %add3A_27 = arith.addf %dot_general3A_22, %add3A_26 : vector<2000x256xf32>
    %max3A = arith.constant 0.000000e+00 : f32
    %max3A_28 = vector.broadcast %max3A : f32 to vector<2000x256xf32>
    %max3A_29 = arith.maximumf %add3A_27, %max3A_28 : vector<2000x256xf32>
    %get3A_30 = arith.constant 0 : index
    %get3A_31 = arith.constant 0 : index
    %get3A_32 = vector.load %arg6[%get3A_30, %get3A_31] : memref<256x128xf32, #tpu.memory_space<vmem>>, vector<256x128xf32>
    %dot_general3A_33 = arith.constant dense<0.000000e+00> : vector<2000x128xf32>
    %dot_general3A_34 = tpu.matmul %max3A_29, %get3A_32, %dot_general3A_33 {dimension_numbers = #tpu.dot_dimension_numbers<[1], [0], [0], [1], [0, 0, 1, 1], [], []>, transpose_lhs_hint = false} : vector<2000x256xf32>, vector<256x128xf32>, vector<2000x128xf32> -> vector<2000x128xf32>
    %get3A_35 = arith.constant 0 : index
    %get3A_36 = arith.constant 0 : index
    %get3A_37 = vector.load %arg7[%get3A_35, %get3A_36] : memref<1x128xf32, #tpu.memory_space<vmem>>, vector<1x128xf32>
    %add3A_38 = vector.broadcast %get3A_37 : vector<1x128xf32> to vector<2000x128xf32>
    %add3A_39 = arith.addf %dot_general3A_34, %add3A_38 : vector<2000x128xf32>
    %swap3A = arith.constant 0 : index
    %swap3A_40 = arith.constant 0 : index
    %swap3A_41 = vector.load %arg8[%swap3A, %swap3A_40] : memref<2000x128xf32, #tpu.memory_space<vmem>>, vector<2000x128xf32>
    tpu.vector_store %arg8[%swap3A, %swap3A_40], %add3A_39 {strides = array<i32>} : memref<2000x128xf32, #tpu.memory_space<vmem>>, vector<2000x128xf32>,
    return
  }
  func.func @transform_0(%arg0: i32) -> (i32, i32) {
    %c0_i32 = arith.constant 0 : i32
    %c0_i32_0 = arith.constant 0 : i32
    return %arg0, %c0_i32 : i32, i32
  }
  func.func @transform_1(%arg0: i32) -> (i32, i32, i32) {
    %c0_i32 = arith.constant 0 : i32
    %c0_i32_0 = arith.constant 0 : i32
    %c0_i32_1 = arith.constant 0 : i32
    return %c0_i32, %arg0, %c0_i32_0 : i32, i32, i32
  }
  func.func @transform_2(%arg0: i32) -> (i32, i32) {
    %c0_i32 = arith.constant 0 : i32
    %c0_i32_0 = arith.constant 0 : i32
    %c0_i32_1 = arith.constant 0 : i32
    return %c0_i32, %c0_i32_0 : i32, i32
  }
  func.func @transform_3(%arg0: i32) -> (i32, i32) {
    %c0_i32 = arith.constant 0 : i32
    %c0_i32_0 = arith.constant 0 : i32
    %c0_i32_1 = arith.constant 0 : i32
    return %c0_i32, %c0_i32_0 : i32, i32
  }
  func.func @transform_4(%arg0: i32) -> (i32, i32) {
    %c0_i32 = arith.constant 0 : i32
    %c0_i32_0 = arith.constant 0 : i32
    %c0_i32_1 = arith.constant 0 : i32
    return %c0_i32, %c0_i32_0 : i32, i32
  }
  func.func @transform_5(%arg0: i32) -> (i32, i32) {
    %c0_i32 = arith.constant 0 : i32
    %c0_i32_0 = arith.constant 0 : i32
    %c0_i32_1 = arith.constant 0 : i32
    return %c0_i32, %c0_i32_0 : i32, i32
  }
  func.func @transform_6(%arg0: i32) -> (i32, i32) {
    %c0_i32 = arith.constant 0 : i32
    %c0_i32_0 = arith.constant 0 : i32
    %c0_i32_1 = arith.constant 0 : i32
    return %c0_i32, %c0_i32_0 : i32, i32
  }
  func.func @transform_7(%arg0: i32) -> (i32, i32) {
    %c0_i32 = arith.constant 0 : i32
    %c0_i32_0 = arith.constant 0 : i32
    return %arg0, %c0_i32 : i32, i32
  }
}

module attributes {stable_mosaic.version = 14 : i64} {
  func.func @_eproj_body(%arg0: i32, %arg1: memref<8000x16xf32, #tpu.memory_space<vmem>>, %arg2: memref<16x128xf32, #tpu.memory_space<vmem>>, %arg3: memref<1x128xf32, #tpu.memory_space<vmem>>, %arg4: memref<8000x64xi32, #tpu.memory_space<vmem>>) attributes {dimension_semantics = [#tpu.dimension_semantics<arbitrary>], iteration_bounds = array<i64: 40>, scalar_prefetch = 0 : i64, scratch_operands = 0 : i64, tpu.core_type = #tpu.core_type<tc>, window_params = [{transform_indices = @transform_0, window_bounds = array<i64: 8000, 16>}, {pipeline_mode = #tpu.pipeline_mode<synchronous>, transform_indices = @transform_1, window_bounds = array<i64: 16, 128>}, {pipeline_mode = #tpu.pipeline_mode<synchronous>, transform_indices = @transform_2, window_bounds = array<i64: 1, 128>}, {transform_indices = @transform_3, window_bounds = array<i64: 8000, 64>}]} {
    %get3A = arith.constant 0 : index
    %get3A_0 = arith.constant 0 : index
    %get3A_1 = vector.load %arg1[%get3A, %get3A_0] : memref<8000x16xf32, #tpu.memory_space<vmem>>, vector<8000x16xf32>
    %get3A_2 = arith.constant 0 : index
    %get3A_3 = arith.constant 0 : index
    %get3A_4 = vector.load %arg2[%get3A_2, %get3A_3] : memref<16x128xf32, #tpu.memory_space<vmem>>, vector<16x128xf32>
    %dot_general3A = arith.constant dense<0.000000e+00> : vector<8000x128xf32>
    %dot_general3A_5 = tpu.matmul %get3A_1, %get3A_4, %dot_general3A {dimension_numbers = #tpu.dot_dimension_numbers<[1], [0], [0], [1], [0, 0, 1, 1], [], []>, transpose_lhs_hint = false} : vector<8000x16xf32>, vector<16x128xf32>, vector<8000x128xf32> -> vector<8000x128xf32>
    %get3A_6 = arith.constant 0 : index
    %get3A_7 = arith.constant 0 : index
    %get3A_8 = vector.load %arg3[%get3A_6, %get3A_7] : memref<1x128xf32, #tpu.memory_space<vmem>>, vector<1x128xf32>
    %add3A = vector.broadcast %get3A_8 : vector<1x128xf32> to vector<8000x128xf32>
    %add3A_9 = arith.addf %dot_general3A_5, %add3A : vector<8000x128xf32>
    %convert_element_type3A = arith.truncf %add3A_9 : vector<8000x128xf32> to vector<8000x128xbf16>
    %convert_element_type3A_10 = arith.extf %convert_element_type3A : vector<8000x128xbf16> to vector<8000x128xf32>
    %slice3A = vector.extract_strided_slice %convert_element_type3A_10 {offsets = [0, 0], sizes = [8000, 64], strides = [1, 1]} : vector<8000x128xf32> to vector<8000x64xf32>
    %bitcast_convert_type3A = tpu.bitcast %slice3A : vector<8000x64xf32> -> vector<8000x64xi32>
    %slice3A_11 = vector.extract_strided_slice %convert_element_type3A_10 {offsets = [0, 64], sizes = [8000, 64], strides = [1, 1]} : vector<8000x128xf32> to vector<8000x64xf32>
    %bitcast_convert_type3A_12 = tpu.bitcast %slice3A_11 : vector<8000x64xf32> -> vector<8000x64xi32>
    %shift_right_logical3A = arith.constant 16 : i32
    %shift_right_logical3A_13 = vector.broadcast %shift_right_logical3A : i32 to vector<8000x64xi32>
    %shift_right_logical3A_14 = arith.shrui %bitcast_convert_type3A, %shift_right_logical3A_13 : vector<8000x64xi32>
    %or3A = arith.ori %shift_right_logical3A_14, %bitcast_convert_type3A_12 : vector<8000x64xi32>
    %swap3A = arith.constant 0 : index
    %swap3A_15 = arith.constant 0 : index
    %swap3A_16 = vector.load %arg4[%swap3A, %swap3A_15] : memref<8000x64xi32, #tpu.memory_space<vmem>>, vector<8000x64xi32>
    tpu.vector_store %arg4[%swap3A, %swap3A_15], %or3A {strides = array<i32>} : memref<8000x64xi32, #tpu.memory_space<vmem>>, vector<8000x64xi32>,
    return
  }
  func.func @transform_0(%arg0: i32) -> (i32, i32) {
    %c0_i32 = arith.constant 0 : i32
    %c0_i32_0 = arith.constant 0 : i32
    return %arg0, %c0_i32 : i32, i32
  }
  func.func @transform_1(%arg0: i32) -> (i32, i32) {
    %c0_i32 = arith.constant 0 : i32
    %c0_i32_0 = arith.constant 0 : i32
    %c0_i32_1 = arith.constant 0 : i32
    return %c0_i32, %c0_i32_0 : i32, i32
  }
  func.func @transform_2(%arg0: i32) -> (i32, i32) {
    %c0_i32 = arith.constant 0 : i32
    %c0_i32_0 = arith.constant 0 : i32
    %c0_i32_1 = arith.constant 0 : i32
    return %c0_i32, %c0_i32_0 : i32, i32
  }
  func.func @transform_3(%arg0: i32) -> (i32, i32) {
    %c0_i32 = arith.constant 0 : i32
    %c0_i32_0 = arith.constant 0 : i32
    return %arg0, %c0_i32 : i32, i32
  }
}

</mosaic_0001>

<sc_bundles>
// kernel: kernel.5.cloned.1.call-start
scs
__scs_entry_jumppad:
0x0: {  	(pc) =	sbr.rel $0x88, $3  }
0x1: {  	(tag) =	ssettag $0x0;
	lr =	simm.s32 $0x1  }
0x2: {  	[smem:$0x3F97] =	sst lr;
	_ =	strace $0xD0000000  }
0x3: {  	_ = 	snop  }
0x4: {  	_ = 	snop  }
0x5: {  	_ = 	snop  }
0x6: {  	_ = 	snop  }
0x7: {  	_ = 	snop  }
__scs_overlays_trampoline_lowered:
0x8: {  	[smem:$0x3FA6] =	sst s0  }
0x9: {  	[smem:$0x3FA7] =	sst s1  }
0xa: {  	[smem:$0x3FA8] =	sst s2  }
0xb: {  	[smem:$0x3FA9] =	sst s3  }
0xc: {  	[smem:$0x3FAA] =	sst s4  }
0xd: {  	[smem:$0x3FAB] =	sst s5  }
0xe: {  	[smem:$0x3FAC] =	sst s6  }
0xf: {  	[smem:$0x3FAD] =	sst s7  }
0x10: {  	[smem:$0x3FAE] =	sst s8  }
0x11: {  	[smem:$0x3FAF] =	sst s9;
	s0 =	simm.s32 @!p0 $0x0  }
0x12: {  	s1 =	sld [smem:$0x3F95];
	s0 =	simm.s32 @p0 $0x1  }
0x13: {  	[smem:$0x3FB0] =	sst s0;
	s0 =	simm.s32 @!p1 $0x0  }
0x14: {  	s2 =	sld [smem:$0x3F94];
	s0 =	simm.s32 @p1 $0x1  }
0x15: {  	[smem:$0x3FB1] =	sst s0;
	s0 =	simm.s32 @!p2 $0x0  }
0x16: {  	s3 =	sld [smem:$0x3FDB];
	s0 =	simm.s32 @p2 $0x1  }
0x17: {  	s4 =	simm.s32 $0x1BF5;
	[smem:$0x3FB3] =	sst s0  }
0x18: {  	s0 =	sld [smem:$0x3F96];
	_ =	swait.ge [sflag:s4], $0x0  }
0x19: {  	s7 =	sld [smem:$0x3F97]  }
0x1a: {  	s8 =	sadd.s32 $0xFFFFE003, lr  }
0x1b: {  	s9 =	sadd.s32 $0xFFFFFEF7, lr;
	s5 =	simm.s32 $0xFFFFFFFF;
	p2 =	slt.u32 s8, $0xFFFFF086  }
0x1c: {  	p1 =	slt.u32 s9, $0xF7A;
	s5 =	simm.s32 @!p2 $0x0  }
0x1d: {  	s5 =	simm.s32 @p1 $0x1;
	p0 =	seq.s32 s7, s2  }
0x1e: {  	s7 =	smul.u32 @!p0 $0xF7A, s2;
	p2 =	seq.s32 @!p0 s5, $0x0  }
0x1f: {  	s9 =	smul.u32 $0xF7A, s1;
	s8 =	simm.s32 @!p0 $0x1BF5;
	p2 =	por !p2, p0  }
0x20: {  	[sflag:s8] =	ssyncset.s32 @!p0 $0xFFFFF086;
	s6 =	sadd.s32 @!p0 s3, s7;
	s7 =	simm.s32 @!p0 $0x108  }
0x21: {  	s3 =	sadd.s32 s3, s9;
	s6 =	sadd.s32 @!p0 $0x88, s6;
	s7 =	simm.s32 @p2 $0x1082  }
0x22: {  	[simem:s7], [sflag:s8] =	dma.local @!p0 [hbm:s6], $0xF7A  }
0x23: {  	s9 =	sor.u32 $0xD0000000, s2;
	s6 =	simm.s32 $0x108;
	_ =	swait.ge @!p0 [sflag:s8], $0x0  }
0x24: {  	s3 =	sadd.s32 $0x88, s3;
	s6 =	simm.s32 @!p1 $0x1082;
	[sflag:s4] =	ssyncset.s32 $0xFFFFF086  }
0x25: {  	[simem:s6], [sflag:s4] =	dma.local [hbm:s3], $0xF7A  }
0x26: {  	[smem:$0x3F97] =	sst s1;
	(tag) =	ssettag s2;
	_ =	strace s9  }
0x27: {  	s1 =	sld [smem:$0x3FA7]  }
0x28: {  	s2 =	sld [smem:$0x3FA8]  }
0x29: {  	s4 =	sld [smem:$0x3FAA]  }
0x2a: {  	p0 =	seq.s32 s5, $0x0;
	s5 =	sld [smem:$0x3FAB]  }
0x2b: {  	s6 =	sld [smem:$0x3FAC]  }
0x2c: {  	s7 =	sld [smem:$0x3FAD]  }
0x2d: {  	s3 =	simm.s32 $0x108;
	s8 =	sld [smem:$0x3FAE]  }
0x2e: {  	s3 =	simm.s32 @!p0 $0x1082;
	s9 =	sld [smem:$0x3FAF]  }
0x2f: {  	lr =	sadd.s32 s0, s3;
	s0 =	sld [smem:$0x3FA6]  }
0x30: {  	s3 =	sld [smem:$0x3FA9]  }
0x31: {  	[smem:$0x3FB2] =	sst s10  }
0x32: {  	s10 =	sld [smem:$0x3FB0];
	_ =	sdelay $0x3  }
0x33: {  	p0 =	seq.s32 s10, $0x1;
	s10 =	sld [smem:$0x3FB2];
	_ =	sdelay $0x3  }
0x34: {  	[smem:$0x3FB2] =	sst s10  }
0x35: {  	s10 =	sld [smem:$0x3FB1];
	_ =	sdelay $0x3  }
0x36: {  	p1 =	seq.s32 s10, $0x1;
	s10 =	sld [smem:$0x3FB2];
	_ =	sdelay $0x3  }
0x37: {  	[smem:$0x3FB2] =	sst s10  }
0x38: {  	s10 =	sld [smem:$0x3FB3]  }
0x39: {  	_ = 	snop;
	(pc) =	sbr.ind lr, $3  }
0x3a: {  	_ = 	snop  }
0x3b: {  	_ = 	snop  }
0x3c: {  	p2 =	seq.s32 s10, $0x1;
	s10 =	sld [smem:$0x3FB2]  }
0x3d: {  	_ =	shalt  }
0x3e: {  	_ =	shalt  }
0x3f: {  	_ =	shalt  }
0x40: {  	_ =	shalt  }
0x41: {  	_ =	shalt  }
0x42: {  	_ =	shalt  }
0x43: {  	_ =	shalt  }
0x44: {  	_ =	shalt  }
0x45: {  	_ =	shalt  }
0x46: {  	_ =	shalt  }
0x47: {  	_ =	shalt  }
0x48: {  	_ =	shalt  }
0x49: {  	_ =	shalt  }
0x4a: {  	_ =	shalt  }
0x4b: {  	_ =	shalt  }
0x4c: {  	_ =	shalt  }
0x4d: {  	_ =	shalt  }
0x4e: {  	_ =	shalt  }
0x4f: {  	_ =	shalt  }
0x50: {  	_ =	shalt  }
0x51: {  	_ =	shalt  }
0x52: {  	_ =	shalt  }
0x53: {  	_ =	shalt  }
0x54: {  	_ =	shalt  }
0x55: {  	_ =	shalt  }
0x56: {  	_ =	shalt  }
0x57: {  	_ =	shalt  }
0x58: {  	_ =	shalt  }
0x59: {  	_ =	shalt  }
0x5a: {  	_ =	shalt  }
0x5b: {  	_ =	shalt  }
0x5c: {  	_ =	shalt  }
0x5d: {  	_ =	shalt  }
0x5e: {  	_ =	shalt  }
0x5f: {  	_ =	shalt  }
0x60: {  	_ =	shalt  }
0x61: {  	_ =	shalt  }
0x62: {  	_ =	shalt  }
0x63: {  	_ =	shalt  }
0x64: {  	_ =	shalt  }
0x65: {  	_ =	shalt  }
0x66: {  	_ =	shalt  }
0x67: {  	_ =	shalt  }
0x68: {  	_ =	shalt  }
0x69: {  	_ =	shalt  }
0x6a: {  	_ =	shalt  }
0x6b: {  	_ =	shalt  }
0x6c: {  	_ =	shalt  }
0x6d: {  	_ =	shalt  }
0x6e: {  	_ =	shalt  }
0x6f: {  	_ =	shalt  }
0x70: {  	_ =	shalt  }
0x71: {  	_ =	shalt  }
0x72: {  	_ =	shalt  }
0x73: {  	_ =	shalt  }
0x74: {  	_ =	shalt  }
0x75: {  	_ =	shalt  }
0x76: {  	_ =	shalt  }
0x77: {  	_ =	shalt  }
0x78: {  	_ =	shalt  }
0x79: {  	_ =	shalt  }
0x7a: {  	_ =	shalt  }
0x7b: {  	_ =	shalt  }
0x7c: {  	_ =	shalt  }
0x7d: {  	_ =	shalt  }
0x7e: {  	_ =	shalt  }
0x7f: {  	_ =	shalt  }
0x80: {  	_ =	shalt  }
0x81: {  	_ =	shalt  }
0x82: {  	_ =	shalt  }
0x83: {  	_ =	shalt  }
0x84: {  	_ =	shalt  }
0x85: {  	_ =	shalt  }
0x86: {  	_ =	shalt  }
0x87: {  	_ =	shalt  }
.Lfunc_end0:
.L_simem_size_0:
called_computation_lowered:
.L_overlay_start_0:
0x88: {  	s2 =	sld [smem:$0x3FD9]  }
0x89: {  	s3 =	sld [smem:$0x3FFE];
	_ =	sdelay $0x1  }
0x8a: {  	s1 =	srdreg.scid  }
0x8b: {  	s0 =	sand.u32 $0x1, s1  }
0x8c: {  	s17 =	sshll.u32 s0, $0xA;
	s2 =	sadd.s32 s3, s2  }
0x8d: {  	s2 =	sadd.s32 s2, s17  }
0x8e: {  	[smem:$0x3FBE] =	sst s2  }
0x8f: {  	_ = 	snop  }
0x90: {  	s2 =	sld [smem:$0x3FC9]  }
0x91: {  	s18 =	sld [smem:$0x3FD0];
	(tm) =	ssettm $0x1  }
0x92: {  	s4 =	sld [smem:$0x3FFB];
	_ =	sdelay $0x3  }
0x93: {  	_ =	strace s4  }
0x94: {  	s4 =	sld [smem:$0x3FFC];
	_ =	sdelay $0x3  }
0x95: {  	_ =	strace s4  }
0x96: {  	s4 =	sld [smem:$0x3FFD];
	_ =	sdelay $0x3  }
0x97: {  	_ =	strace s4  }
0x98: {  	_ =	strace $0x8FFFFFFF  }
0x99: {  	s19 =	sld [smem:$0x3FDB];
	_ =	sdelay $0x1  }
0x9a: {  	s5 =	simm.s32 $_scs_section_size  }
0x9b: {  	s6 =	simm.s32 $_size__tile_overlayer_lowered;
	s7 =	simm.s32 $_tile_overlayer_lowered  }
0x9c: {  	s22 =	simm.s32 $0x1BFF;
	s21 =	sshll.u32 s7, $0x1;
	s4 =	sadd.s32 s5, s19  }
0x9d: {  	s8 =	simm.s32 $0x0;
	s20 =	sshll.u32 s6, $0x1;
	s6 =	sadd.s32 s21, s4  }
0x9e: {  	[timem:s8], [sflag:s22] =	dma.local [hbm:s6], s20  }
0x9f: {  	_ =	swait.ge [sflag:s22], s20  }
0xa0: {  	s5 =	ssub.s32 $0x0, s20;
	[sflag:s22] =	ssyncset.done $0x0  }
0xa1: {  	[sflag:s22] =	ssyncadd.s32 s5;
	_ =	sdelay $0x1  }
0xa2: {  	s23 =	simm.s32 $0x1B8B  }
0xa3: {  	_ =	swait.ge [sflag:s23], $0x1  }
0xa4: {  	[sflag:s23] =	ssyncset.done $0x0  }
0xa5: {  	s25 =	simm.s32 $0x1B8E;
	s24 =	sld [smem:$0x3FFE];
	[sflag:s23] =	ssyncadd.s32 $0xFFFFFFFF  }
0xa6: {  	s26 =	simm.s32 $execute0_lowered;
	[smem:$0x3FD2] =	sst s25  }
0xa7: {  	s6 =	sshll.u32 s26, $0x1;
	_ =	strace $0x80000046;
	[dreg:$0x1] =	wrdreg $0xFFFFFFFF  }
0xa8: {  	s28 =	simm.s32 $_size_execute0_lowered;
	s4 =	sadd.s32 s4, s6;
	[dreg:$0x0] =	wrdreg $0x0  }
0xa9: {  	s6 =	sshll.u32 s28, $0x1;
	[dreg:$0x2] =	wrdreg s4  }
0xaa: {  	[dreg:$0x3] =	wrdreg s6  }
0xab: {  	[dreg:$0x4] =	wrdreg $0xC0  }
0xac: {  	_ =	task [dreg:s8], $0x5FFFF  }
0xad: {  	[dreg:$0x1] =	wrdreg $0xFFFFFFFF  }
0xae: {  	[dreg:$0x0] =	wrdreg $0x60  }
0xaf: {  	[dreg:$0x2] =	wrdreg s2  }
0xb0: {  	[dreg:$0x3] =	wrdreg s18  }
0xb1: {  	[dreg:$0x4] =	wrdreg s24  }
0xb2: {  	[dreg:$0x5] =	wrdreg $0xA4000  }
0xb3: {  	[dreg:$0x6] =	wrdreg $0x9  }
0xb4: {  	_ =	task.clear_ibuf [dreg:s8], $0x7FFFF;
	_ =	strace $0x90000046  }
0xb5: {  	s29 =	simm.s32 $0x9;
	_ =	strace $0x80000048  }
0xb6: {  	_ =	swait.ge [sflag:s29], $0x1  }
0xb7: {  	[sflag:s29] =	ssyncadd.s32 $0xFFFFFFFF  }
0xb8: {  	_ =	strace $0x90000048  }
0xb9: {  	_ =	sfence  }
0xba: {  	s30 =	sld [smem:$0x0];
	_ =	sdelay $0x2  }
0xbb: {  	s31 =	sshll.u32 s1, $0xD;
	s1 =	sshrl.u32 s1, $0x2  }
0xbc: {  	s3 =	sand.u32 $0x4000, s31;
	s1 =	sadd.s32 s1, s30  }
0xbd: {  	s0 =	sor.u32 s3, s0;
	s1 =	sshll.u32 s1, $0x11  }
0xbe: {  	s0 =	sor.u32 s1, s0  }
0xbf: {  	s0 =	sadd.s32 $0x8F2B, s0  }
0xc0: {  	[sflag:s0] =	ssyncadd.remote.s32 $0x1  }
0xc1: {  	_ =	sfence.sel $0xFFFF  }
0xc2: {  	[dreg:$0x0] =	wrdreg $0xFFFFFFFF;
	(pc) =	sbr.abs _section_cstart, $3  }
0xc3: {  	[dreg:$0x1] =	wrdreg $0xFFFFFFFF  }
0xc4: {  	_ =	task.clear_ibuf [dreg:s8], $0x2FFFF;
	_ =	strace $0x9FFFFFFF  }
0xc5: {  	(tm) =	ssettm $0x7FFFFFFF  }
tec
execute0_lowered:
.L_overlay_start_1:
0x0: {  	(tag) =	ssettag $0x1  }
0x1: {  	s0 =	rddreg [dreg:$0x0]  }
0x2: {  	s1 =	rddreg [dreg:$0x1]  }
0x3: {  	s4 =	rddreg [dreg:$0x2]  }
0x4: {  	s2 =	srdreg.scid;
	s3 =	rddreg [dreg:$0x3]  }
0x5: {  	s13 =	stileid.u32;
	s5 =	simm.s32 $0x0;
	s31 =	simm.s32 $0x400  }
0x6: {  	s29 =	simm.s32 $0x180;
	s28 =	simm.s32 $0x3;
	s30 =	simm.s32 $0x4  }
0x7: {  	s2 =	sand.u32 $0x1, s2;
	[smem:$0x7FF] =	sst s5;
	s11 =	smul.u32 $0x4F000, s13  }
0x8: {  	p0 =	sne.s32 s13, $0x0;
	s6 =	sshll.u32 s2, $0x4;
	s23 =	smul.u32 $0x27100, s2  }
0x9: {  	s8 =	ssub.s32 $0x2, s2;
	_ =	strace $0x80000047;
	s2 =	smul.u32 $0x138800, s2  }
0xa: {  	s7 =	sor.u32 s13, s6;
	s10 =	sshrl.u32 s8, $0x1;
	s6 =	sadd.s32 $0x4E3400, s4  }
0xb: {  	s4 =	sadd.s32 $0x1400, s4;
	s24 =	sshrl.u32 s11, $0x2;
	s9 =	smul.u32 $0x2710, s7  }
0xc: {  	s7 =	smul.u32 $0x27100, s7;
	s14 =	sadd.s32 s24, s3;
	s2 =	sshrl.u32 s2, $0x3  }
0xd: {  	s8 =	ssub.s32 s8, s10;
	s2 =	sadd.s32 s4, s2;
	[dreg:$0x5] =	wrdreg s14  }
0xe: {  	s25 =	sshrl.u32 s9, $0x3;
	s26 =	sadd.s32 $0x28, s9;
	s7 =	sadd.s32 s6, s7  }
0xf: {  	s2 =	sadd.s32 $0x27000, s2;
	s15 =	sadd.s32 s1, s25;
	[dreg:$0x7] =	wrdreg s7  }
0x10: {  	s16 =	sshrl.u32 s26, $0x3;
	s25 =	sadd.s32 $0xA0, s9;
	[dreg:$0x1a] =	wrdreg s2  }
0x11: {  	s10 =	sshll.u32 s26, $0x4;
	s26 =	sadd.s32 $0xC8, s9;
	[dreg:$0x10] =	wrdreg s25  }
0x12: {  	s12 =	sadd.s32 $0x4E228, s9;
	s18 =	sadd.s32 $0x50, s9;
	[dreg:$0x11] =	wrdreg s26  }
0x13: {  	s7 =	sshrl.u32 s12, $0x3;
	s11 =	sadd.s32 s1, s16;
	[dreg:$0x6] =	wrdreg s15  }
0x14: {  	s20 =	sadd.s32 $0x78, s9;
	s7 =	sadd.s32 s1, s7;
	[dreg:$0x8] =	wrdreg s11  }
0x15: {  	s19 =	sshrl.u32 s18, $0x3;
	s17 =	sadd.s32 s6, s10;
	[dreg:$0x9] =	wrdreg s7  }
0x16: {  	s22 =	sadd.s32 $0x4E278, s9;
	s10 =	sadd.s32 s1, s19;
	[dreg:$0xa] =	wrdreg s17  }
0x17: {  	s21 =	sshrl.u32 s20, $0x3;
	s19 =	sadd.s32 $0xF0, s9;
	[dreg:$0xb] =	wrdreg s10  }
0x18: {  	s2 =	sadd.s32 $0x138000, s3;
	s26 =	smax.u32 s8, $0x1;
	[dreg:$0x15] =	wrdreg s19  }
0x19: {  	s12 =	smul.u32 $0x2700, s13;
	s2 =	sshrl.u32 @!p0 s2, $0x3;
	[dreg:$0x1b] =	wrdreg s26  }
0x1a: {  	s8 =	sadd.s32 $0x2800, s14;
	s7 =	sshll.u32 s18, $0x4;
	[dreg:$0x1d] =	wrdreg s2  }
0x1b: {  	s10 =	sshrl.u32 s22, $0x3;
	s22 =	sadd.s32 $0x118, s9;
	[dreg:$0x1f] =	wrdreg s8  }
0x1c: {  	s11 =	sshll.u32 s20, $0x4;
	s19 =	sadd.s32 $0xDC00, s14;
	[dreg:$0x16] =	wrdreg s22  }
0x1d: {  	s18 =	sadd.s32 $0x26E8, s9;
	s26 =	sadd.s32 $0xA118, s15;
	[smem:$0x7F6] =	sst s19  }
0x1e: {  	s2 =	simm.s32 $0xA;
	s7 =	sadd.s32 s6, s7;
	[smem:$0x7FD] =	sst s26  }
0x1f: {  	s8 =	simm.s32 $0x0;
	s10 =	sadd.s32 s1, s10;
	[dreg:$0xc] =	wrdreg s7  }
0x20: {  	s24 =	sadd.s32 s6, s11;
	s11 =	sadd.s32 $0x26C0, s9;
	[dreg:$0xe] =	wrdreg s10  }
0x21: {  	s20 =	sshrl.u32 s18, $0x3;
	s22 =	sadd.s32 $0x11800, s14;
	[dreg:$0xf] =	wrdreg s24  }
0x22: {  	s9 =	sadd.s32 $0x508E8, s9;
	s7 =	sadd.s32 s1, s21;
	[smem:$0x7F9] =	sst s22  }
0x23: {  	s16 =	sshll.u32 s11, $0x4;
	s10 =	sadd.s32 $0x5000, s14;
	[dreg:$0xd] =	wrdreg s7  }
0x24: {  	s21 =	smul.u32 $0x4E000, s13;
	s13 =	sadd.s32 $0x8C00, s14;
	[smem:$0x7EF] =	sst s10  }
0x25: {  	s7 =	sadd.s32 s12, s23;
	s17 =	sadd.s32 s6, s16;
	[smem:$0x7F2] =	sst s13  }
0x26: {  	s23 =	sshrl.u32 s9, $0x3;
	s9 =	sadd.s32 $0x3C00, s14;
	[dreg:$0x14] =	wrdreg s17  }
0x27: {  	s12 =	sshrl.u32 s11, $0x3;
	s11 =	sadd.s32 $0x6400, s14;
	[smem:$0x7EE] =	sst s9  }
0x28: {  	s26 =	simm.s32 $0x1800;
	s16 =	sadd.s32 $0xA000, s14;
	[smem:$0x7F0] =	sst s11  }
0x29: {  	s19 =	simm.s32 $0xC;
	s7 =	sadd.s32 s4, s7;
	[smem:$0x7F3] =	sst s16  }
0x2a: {  	s22 =	simm.s32 $0x28;
	s4 =	sadd.s32 s1, s12;
	[dreg:$0x12] =	wrdreg s7  }
0x2b: {  	s10 =	simm.s32 $0x80;
	s12 =	sadd.s32 $0x7800, s14;
	[dreg:$0x13] =	wrdreg s4  }
0x2c: {  	s24 =	sshrl.u32 s21, $0x2;
	s17 =	sadd.s32 $0xB400, s14;
	[smem:$0x7F1] =	sst s12  }
0x2d: {  	s21 =	sadd.s32 $0x10400, s14;
	s11 =	simm.s32 $0x280;
	[smem:$0x7F4] =	sst s17  }
0x2e: {  	s16 =	simm.s32 $0x100;
	s7 =	sadd.s32 s1, s20;
	[smem:$0x7F8] =	sst s21  }
0x2f: {  	s4 =	sshll.u32 s18, $0x4;
	s18 =	sadd.s32 $0xC800, s14;
	[dreg:$0x17] =	wrdreg s7  }
0x30: {  	s9 =	simm.s32 $0x8;
	s20 =	sadd.s32 $0xF000, s14;
	[smem:$0x7F5] =	sst s18  }
0x31: {  	s25 =	sadd.s32 s24, s3;
	s24 =	sadd.s32 $0x9C40, s15;
	[smem:$0x7F7] =	sst s20  }
0x32: {  	s17 =	simm.s32 $0x300;
	s7 =	sadd.s32 s1, s23;
	[smem:$0x7FB] =	sst s24  }
0x33: {  	s21 =	simm.s32 $0x1;
	s4 =	sadd.s32 s6, s4;
	[dreg:$0x18] =	wrdreg s7  }
0x34: {  	s12 =	simm.s32 $0x9;
	s23 =	sadd.s32 $0x12C00, s14;
	[dreg:$0x19] =	wrdreg s4  }
0x35: {  	s24 =	simm.s32 $0x380;
	s4 =	sshrl.u32 s25, $0x3;
	[smem:$0x7FA] =	sst s23  }
0x36: {  	s20 =	simm.s32 $0x7;
	s7 =	sadd.s32 $0x1400, s14;
	[dreg:$0x1c] =	wrdreg s4  }
0x37: {  	s18 =	simm.s32 $0xB;
	s25 =	sadd.s32 $0x9C4A, s15;
	[dreg:$0x1e] =	wrdreg s7  }
0x38: {  	s23 =	simm.s32 $0xD;
	s15 =	simm.s32 $0x6;
	[smem:$0x7FC] =	sst s25  }
0x39: {  	v0 =	vimm.f32 $0.0e+00;
	s4 =	simm.s32 $0x200;
	s25 =	simm.s32 $0x2;
	s7 =	simm.s32 $0x5  }
.LBB2_1:
0x3a: {  	[smem:$0x7ED] =	sst s8;
	s13 =	simm.s32 $0x0;
	s14 =	simm.s32 $0x200  }
.LBB2_2:
0x3b: {  	p1 =	sne.s32 s14, $0x4E00;
	[tilespmem:s13+$0x470] =	vst v0  }
0x3c: {  	[tilespmem:s13+$0x400] =	vst v0  }
0x3d: {  	[tilespmem:s13+$0x410] =	vst v0  }
.Ltmp0:
0x3e: {  	[tilespmem:s13+$0x420] =	vst v0;
	(pc) =	sbr.rel @p1 .LBB2_2-.Ltmp0, $4  }
0x3f: {  	[tilespmem:s13+$0x430] =	vst v0  }
0x40: {  	[tilespmem:s13+$0x440] =	vst v0  }
0x41: {  	[tilespmem:s13+$0x450] =	vst v0  }
0x42: {  	[tilespmem:s13+$0x460] =	vst v0;
	s13 =	sshra.s32 s14, $0x2;
	s14 =	sadd.s32 $0x200, s14  }
0x43: {  	[tilespmem:s13+$0x470] =	vst v0  }
0x44: {  	[tilespmem:s13+$0x400] =	vst v0  }
0x45: {  	[tilespmem:s13+$0x410] =	vst v0  }
0x46: {  	[tilespmem:s13+$0x420] =	vst v0  }
0x47: {  	[tilespmem:s13+$0x430] =	vst v0  }
0x48: {  	[tilespmem:s13+$0x440] =	vst v0  }
0x49: {  	[tilespmem:s13+$0x450] =	vst v0  }
0x4a: {  	[tilespmem:s13+$0x460] =	vst v0;
	s8 =	rddreg [dreg:$0x5]  }
0x4b: {  	[spmem:s8] =	stream.linear.scatter [tilespmem:s31], [sflag:$0xD], $0x1400, $0x38;
	[tilespmem:$0x1E000] =	vst v63  }
0x4c: {  	_ =	swait.ge [sflag:s23], $0x1400  }
0x4d: {  	[sflag:s23] =	ssyncset.done $0x0  }
0x4e: {  	s14 =	rddreg [dreg:$0x1e];
	[sflag:s23] =	ssyncadd.s32 $0xFFFFEC00  }
0x4f: {  	[spmem:s14] =	stream.linear.scatter [tilespmem:s31], [sflag:$0xD], $0x1400, $0x38;
	[tilespmem:$0x1E000] =	vst v63  }
0x50: {  	_ =	swait.ge [sflag:s23], $0x1400  }
0x51: {  	[sflag:s23] =	ssyncset.done $0x0  }
0x52: {  	s8 =	rddreg [dreg:$0x1f];
	[sflag:s23] =	ssyncadd.s32 $0xFFFFEC00  }
0x53: {  	[spmem:s8] =	stream.linear.scatter [tilespmem:s31], [sflag:$0xD], $0x1400, $0x38;
	[tilespmem:$0x1E000] =	vst v63  }
0x54: {  	_ =	swait.ge [sflag:s23], $0x1400  }
0x55: {  	s14 =	sld [smem:$0x7EE]  }
0x56: {  	[sflag:s23] =	ssyncset.done $0x0  }
0x57: {  	[sflag:s23] =	ssyncadd.s32 $0xFFFFEC00  }
0x58: {  	[spmem:s14] =	stream.linear.scatter [tilespmem:s31], [sflag:$0xD], $0x1400, $0x38;
	[tilespmem:$0x1E000] =	vst v63  }
0x59: {  	_ =	swait.ge [sflag:s23], $0x1400  }
0x5a: {  	s8 =	sld [smem:$0x7EF]  }
0x5b: {  	[sflag:s23] =	ssyncset.done $0x0  }
0x5c: {  	[sflag:s23] =	ssyncadd.s32 $0xFFFFEC00  }
0x5d: {  	[spmem:s8] =	stream.linear.scatter [tilespmem:s31], [sflag:$0xD], $0x1400, $0x38;
	[tilespmem:$0x1E000] =	vst v63  }
0x5e: {  	_ =	swait.ge [sflag:s23], $0x1400  }
0x5f: {  	s14 =	sld [smem:$0x7F0]  }
0x60: {  	[sflag:s23] =	ssyncset.done $0x0  }
0x61: {  	[sflag:s23] =	ssyncadd.s32 $0xFFFFEC00  }
0x62: {  	[spmem:s14] =	stream.linear.scatter [tilespmem:s31], [sflag:$0xD], $0x1400, $0x38;
	[tilespmem:$0x1E000] =	vst v63  }
0x63: {  	_ =	swait.ge [sflag:s23], $0x1400  }
0x64: {  	s8 =	sld [smem:$0x7F1]  }
0x65: {  	[sflag:s23] =	ssyncset.done $0x0  }
0x66: {  	[sflag:s23] =	ssyncadd.s32 $0xFFFFEC00  }
0x67: {  	[spmem:s8] =	stream.linear.scatter [tilespmem:s31], [sflag:$0xD], $0x1400, $0x38;
	[tilespmem:$0x1E000] =	vst v63  }
0x68: {  	_ =	swait.ge [sflag:s23], $0x1400  }
0x69: {  	s14 =	sld [smem:$0x7F2]  }
0x6a: {  	[sflag:s23] =	ssyncset.done $0x0  }
0x6b: {  	[sflag:s23] =	ssyncadd.s32 $0xFFFFEC00  }
0x6c: {  	[spmem:s14] =	stream.linear.scatter [tilespmem:s31], [sflag:$0xD], $0x1400, $0x38;
	[tilespmem:$0x1E000] =	vst v63  }
0x6d: {  	_ =	swait.ge [sflag:s23], $0x1400  }
0x6e: {  	s8 =	sld [smem:$0x7F3]  }
0x6f: {  	[sflag:s23] =	ssyncset.done $0x0  }
0x70: {  	[sflag:s23] =	ssyncadd.s32 $0xFFFFEC00  }
0x71: {  	[spmem:s8] =	stream.linear.scatter [tilespmem:s31], [sflag:$0xD], $0x1400, $0x38;
	[tilespmem:$0x1E000] =	vst v63  }
0x72: {  	_ =	swait.ge [sflag:s23], $0x1400  }
0x73: {  	s14 =	sld [smem:$0x7F4]  }
0x74: {  	[sflag:s23] =	ssyncset.done $0x0  }
0x75: {  	[sflag:s23] =	ssyncadd.s32 $0xFFFFEC00  }
0x76: {  	[spmem:s14] =	stream.linear.scatter [tilespmem:s31], [sflag:$0xD], $0x1400, $0x38;
	[tilespmem:$0x1E000] =	vst v63  }
0x77: {  	_ =	swait.ge [sflag:s23], $0x1400  }
0x78: {  	s8 =	sld [smem:$0x7F5]  }
0x79: {  	[sflag:s23] =	ssyncset.done $0x0  }
0x7a: {  	[sflag:s23] =	ssyncadd.s32 $0xFFFFEC00  }
0x7b: {  	[spmem:s8] =	stream.linear.scatter [tilespmem:s31], [sflag:$0xD], $0x1400, $0x38;
	[tilespmem:$0x1E000] =	vst v63  }
0x7c: {  	_ =	swait.ge [sflag:s23], $0x1400  }
0x7d: {  	s14 =	sld [smem:$0x7F6]  }
0x7e: {  	[sflag:s23] =	ssyncset.done $0x0  }
0x7f: {  	[sflag:s23] =	ssyncadd.s32 $0xFFFFEC00  }
0x80: {  	[spmem:s14] =	stream.linear.scatter [tilespmem:s31], [sflag:$0xD], $0x1400, $0x38;
	[tilespmem:$0x1E000] =	vst v63  }
0x81: {  	_ =	swait.ge [sflag:s23], $0x1400  }
0x82: {  	s8 =	sld [smem:$0x7F7]  }
0x83: {  	[sflag:s23] =	ssyncset.done $0x0  }
0x84: {  	[sflag:s23] =	ssyncadd.s32 $0xFFFFEC00  }
0x85: {  	[spmem:s8] =	stream.linear.scatter [tilespmem:s31], [sflag:$0xD], $0x1400, $0x38;
	[tilespmem:$0x1E000] =	vst v63  }
0x86: {  	_ =	swait.ge [sflag:s23], $0x1400  }
0x87: {  	s14 =	sld [smem:$0x7F8]  }
0x88: {  	[sflag:s23] =	ssyncset.done $0x0  }
0x89: {  	[sflag:s23] =	ssyncadd.s32 $0xFFFFEC00  }
0x8a: {  	[spmem:s14] =	stream.linear.scatter [tilespmem:s31], [sflag:$0xD], $0x1400, $0x38;
	[tilespmem:$0x1E000] =	vst v63  }
0x8b: {  	_ =	swait.ge [sflag:s23], $0x1400  }
0x8c: {  	s8 =	sld [smem:$0x7F9]  }
0x8d: {  	[sflag:s23] =	ssyncset.done $0x0  }
0x8e: {  	[sflag:s23] =	ssyncadd.s32 $0xFFFFEC00  }
0x8f: {  	[spmem:s8] =	stream.linear.scatter [tilespmem:s31], [sflag:$0xD], $0x1400, $0x38;
	[tilespmem:$0x1E000] =	vst v63  }
0x90: {  	_ =	swait.ge [sflag:s23], $0x1400  }
0x91: {  	s14 =	sld [smem:$0x7FA]  }
0x92: {  	[sflag:s23] =	ssyncset.done $0x0  }
0x93: {  	[sflag:s23] =	ssyncadd.s32 $0xFFFFEC00  }
0x94: {  	[spmem:s14] =	stream.linear.scatter [tilespmem:s31], [sflag:$0xD], $0x1000, $0x38;
	[tilespmem:$0x1E000] =	vst v63  }
0x95: {  	_ =	swait.ge [sflag:s23], $0x1000  }
0x96: {  	[sflag:s23] =	ssyncset.done $0x0  }
0x97: {  	[sflag:s23] =	ssyncadd.s32 $0xFFFFF000  }
0x98: {  	[bflag:$0x0] =	sbarrier.arrive $0xFFFF  }
0x99: {  	s8 =	rddreg [dreg:$0x6]  }
0x9a: {  	s23 =	simm.s32 $0x0;
	s14 =	sld [smem:$0x7FB]  }
0x9b: {  	[tilespmem:s23], [sflag:$0x1] =	stream.linear.gather [hbm4b:s8+s23], $0x28, $0x38;
	[tilespmem:$0x1E000] =	vst v63  }
0x9c: {  	_ = 	snop  }
0x9d: {  	[tilespmem:s4], [sflag:$0x1] =	stream.linear.gather [hbm4b:s14+s23], $0x28, $0x38;
	[tilespmem:$0x1E000] =	vst v63  }
0x9e: {  	s8 =	rddreg [dreg:$0x7];
	s14 =	simm.s32 $0x5400  }
0x9f: {  	[tilespmem:s14], [sflag:$0x1] =	stream.linear.gather [hbm4b:s8+s23], $0x1400, $0x38;
	[tilespmem:$0x1E000] =	vst v63  }
0xa0: {  	s14 =	rddreg [dreg:$0x8]  }
0xa1: {  	[tilespmem:s10], [sflag:$0x2] =	stream.linear.gather [hbm4b:s14+s23], $0x28, $0x38;
	[tilespmem:$0x1E000] =	vst v63  }
0xa2: {  	s8 =	rddreg [dreg:$0x9]  }
0xa3: {  	[tilespmem:s11], [sflag:$0x2] =	stream.linear.gather [hbm4b:s8+s23], $0x28, $0x38;
	[tilespmem:$0x1E000] =	vst v63  }
0xa4: {  	s14 =	rddreg [dreg:$0xa];
	s8 =	simm.s32 $0x6800  }
0xa5: {  	[tilespmem:s8], [sflag:$0x2] =	stream.linear.gather [hbm4b:s14+s23], $0x1400, $0x38;
	[tilespmem:$0x1E000] =	vst v63  }
0xa6: {  	s14 =	rddreg [dreg:$0xb]  }
0xa7: {  	s8 =	sld [smem:$0x7FC]  }
0xa8: {  	[tilespmem:s16], [sflag:$0x3] =	stream.linear.gather [hbm4b:s14+s23], $0x28, $0x38;
	[tilespmem:$0x1E000] =	vst v63  }
0xa9: {  	_ = 	snop  }
0xaa: {  	[tilespmem:s17], [sflag:$0x3] =	stream.linear.gather [hbm4b:s8+s23], $0x28, $0x38;
	[tilespmem:$0x1E000] =	vst v63  }
0xab: {  	s14 =	rddreg [dreg:$0xc];
	s8 =	simm.s32 $0x7C00  }
0xac: {  	[tilespmem:s8], [sflag:$0x3] =	stream.linear.gather [hbm4b:s14+s23], $0x1400, $0x38;
	[tilespmem:$0x1E000] =	vst v63  }
0xad: {  	s8 =	rddreg [dreg:$0xd]  }
0xae: {  	[tilespmem:s29], [sflag:$0x4] =	stream.linear.gather [hbm4b:s8+s23], $0x28, $0x38;
	[tilespmem:$0x1E000] =	vst v63  }
0xaf: {  	s14 =	rddreg [dreg:$0xe]  }
0xb0: {  	[tilespmem:s24], [sflag:$0x4] =	stream.linear.gather [hbm4b:s14+s23], $0x28, $0x38;
	[tilespmem:$0x1E000] =	vst v63  }
0xb1: {  	s8 =	simm.s32 $0x9000;
	s24 =	rddreg [dreg:$0xf]  }
0xb2: {  	[tilespmem:s8], [sflag:$0x4] =	stream.linear.gather [hbm4b:s24+s23], $0x1400, $0x38;
	[tilespmem:$0x1E000] =	vst v63  }
0xb3: {  	s24 =	simm.s32 $0x0  }
.LBB2_4:
0xb4: {  	_ =	swait.ge [sflag:s21], $0x28  }
0xb5: {  	[sflag:s21] =	ssyncset.done $0x0  }
0xb6: {  	[sflag:s21] =	ssyncadd.s32 $0xFFFFFFD8  }
0xb7: {  	_ =	swait.ge [sflag:s21], $0x28  }
0xb8: {  	[sflag:s21] =	ssyncset.done $0x0  }
0xb9: {  	[sflag:s21] =	ssyncadd.s32 $0xFFFFFFD8  }
0xba: {  	_ =	swait.ge [sflag:s21], $0x1400  }
0xbb: {  	[sflag:s21] =	ssyncset.done $0x0  }
0xbc: {  	[sflag:s21] =	ssyncadd.s32 $0xFFFFEC00  }
0xbd: {  	[tilespmem:s31], [sflag:$0x5] =	stream.indirect.gather [hbm4b:s0+s22], $0x80, s23, s22, $0xb8;
	[tilespmem:$0x1E000] =	vst v63  }
0xbe: {  	_ =	swait.ge [sflag:s25], $0x28  }
0xbf: {  	[sflag:s25] =	ssyncset.done $0x0  }
0xc0: {  	[sflag:s25] =	ssyncadd.s32 $0xFFFFFFD8  }
0xc1: {  	_ =	swait.ge [sflag:s25], $0x28  }
0xc2: {  	[sflag:s25] =	ssyncset.done $0x0  }
0xc3: {  	[sflag:s25] =	ssyncadd.s32 $0xFFFFFFD8  }
0xc4: {  	_ =	swait.ge [sflag:s25], $0x1400  }
0xc5: {  	[sflag:s25] =	ssyncset.done $0x0  }
0xc6: {  	[sflag:s25] =	ssyncadd.s32 $0xFFFFEC00  }
0xc7: {  	[tilespmem:s26], [sflag:$0x6] =	stream.indirect.gather [hbm4b:s0+s22], $0x80, s10, s22, $0xb8;
	[tilespmem:$0x1E000] =	vst v63  }
0xc8: {  	_ =	swait.ge [sflag:s28], $0x28  }
0xc9: {  	[sflag:s28] =	ssyncset.done $0x0  }
0xca: {  	[sflag:s28] =	ssyncadd.s32 $0xFFFFFFD8  }
0xcb: {  	_ =	swait.ge [sflag:s28], $0x28  }
0xcc: {  	[sflag:s28] =	ssyncset.done $0x0  }
0xcd: {  	[sflag:s28] =	ssyncadd.s32 $0xFFFFFFD8  }
0xce: {  	_ =	swait.ge [sflag:s28], $0x1400  }
0xcf: {  	[sflag:s28] =	ssyncset.done $0x0  }
0xd0: {  	s8 =	simm.s32 $0x2C00;
	[sflag:s28] =	ssyncadd.s32 $0xFFFFEC00  }
0xd1: {  	[tilespmem:s8], [sflag:$0x7] =	stream.indirect.gather [hbm4b:s0+s22], $0x80, s16, s22, $0xb8;
	[tilespmem:$0x1E000] =	vst v63  }
0xd2: {  	_ =	swait.ge [sflag:s30], $0x28  }
0xd3: {  	[sflag:s30] =	ssyncset.done $0x0  }
0xd4: {  	[sflag:s30] =	ssyncadd.s32 $0xFFFFFFD8  }
0xd5: {  	_ =	swait.ge [sflag:s30], $0x28  }
0xd6: {  	[sflag:s30] =	ssyncset.done $0x0  }
0xd7: {  	[sflag:s30] =	ssyncadd.s32 $0xFFFFFFD8  }
0xd8: {  	_ =	swait.ge [sflag:s30], $0x1400  }
0xd9: {  	[sflag:s30] =	ssyncset.done $0x0  }
0xda: {  	s16 =	simm.s32 $0x4000;
	[sflag:s30] =	ssyncadd.s32 $0xFFFFEC00  }
0xdb: {  	[tilespmem:s16], [sflag:$0x8] =	stream.indirect.gather [hbm4b:s0+s22], $0x80, s29, s22, $0xb8;
	[tilespmem:$0x1E000] =	vst v63  }
0xdc: {  	_ =	swait.ge [sflag:s7], $0x1400  }
0xdd: {  	[sflag:s7] =	ssyncset.done $0x0  }
0xde: {  	s13 =	simm.s32 $0x0;
	[sflag:s7] =	ssyncadd.s32 $0xFFFFEC00  }
0xdf: {  	v4 =	vld [tilespmem:s13+$0x5400]  }
0xe0: {  	v3 =	vld [tilespmem:s13+$0x5410]  }
0xe1: {  	v2 =	vld [tilespmem:s13+$0x5420]  }
0xe2: {  	v1 =	vld [tilespmem:s13+$0x5430]  }
0xe3: {  	v9 =	vld [tilespmem:s13+$0x400]  }
0xe4: {  	v8 =	vld [tilespmem:s13+$0x410]  }
0xe5: {  	v7 =	vld [tilespmem:s13+$0x420]  }
0xe6: {  	v6 =	vld [tilespmem:s13+$0x430]  }
0xe7: {  	v5 =	vld [tilespmem:s13+$0x440];
	v10 =	vshll.u32 v4, $0x10  }
0xe8: {  	s14 =	simm.s32 $0x200;
	v9 =	vadd.f32 v10, v9;
	v10 =	vand.u32 $0xFFFF0000, v4;
	v4 =	vld [tilespmem:s13+$0x450]  }
.LBB2_5:
0xe9: {  	p1 =	sne.s32 s14, $0x4E00;
	v8 =	vadd.f32 v10, v8;
	v10 =	vshll.u32 v3, $0x10;
	v11 =	vld [tilespmem:s13+$0x460]  }
0xea: {  	s16 =	sshra.s32 s14, $0x2;
	v3 =	vand.u32 $0xFFFF0000, v3;
	v9 =	vmax.f32 v9, $0.0e+00;
	v7 =	vadd.f32 v10, v7;
	v10 =	vld [tilespmem:s13+$0x470]  }
0xeb: {  	v12 =	vld [tilespmem:s16+$0x5400];
	[tilespmem:s13+$0x400] =	vst v9;
	v8 =	vmax.f32 v8, $0.0e+00;
	v6 =	vadd.f32 v3, v6;
	v9 =	vshll.u32 v2, $0x10  }
0xec: {  	v3 =	vld [tilespmem:s16+$0x5410];
	[tilespmem:s13+$0x410] =	vst v8;
	v7 =	vmax.f32 v7, $0.0e+00;
	v5 =	vadd.f32 v9, v5;
	v8 =	vand.u32 $0xFFFF0000, v2  }
0xed: {  	v2 =	vld [tilespmem:s16+$0x5420];
	[tilespmem:s13+$0x420] =	vst v7;
	v6 =	vmax.f32 v6, $0.0e+00;
	v4 =	vadd.f32 v8, v4;
	v7 =	vshll.u32 v1, $0x10  }
0xee: {  	[tilespmem:s13+$0x430] =	vst v6;
	v5 =	vmax.f32 v5, $0.0e+00;
	v6 =	vadd.f32 v7, v11;
	v7 =	vand.u32 $0xFFFF0000, v1;
	v1 =	vld [tilespmem:s16+$0x5430]  }
0xef: {  	v9 =	vld [tilespmem:s16+$0x400];
	[tilespmem:s13+$0x440] =	vst v5;
	v4 =	vmax.f32 v4, $0.0e+00;
	v5 =	vadd.f32 v7, v10  }
.Ltmp1:
0xf0: {  	v8 =	vld [tilespmem:s16+$0x410];
	[tilespmem:s13+$0x450] =	vst v4;
	v4 =	vmax.f32 v6, $0.0e+00;
	(pc) =	sbr.rel @p1 .LBB2_5-.Ltmp1, $4  }
0xf1: {  	v7 =	vld [tilespmem:s16+$0x420];
	[tilespmem:s13+$0x460] =	vst v4;
	v4 =	vmax.f32 v5, $0.0e+00  }
0xf2: {  	v6 =	vld [tilespmem:s16+$0x430];
	[tilespmem:s13+$0x470] =	vst v4;
	s13 =	smov.u32 s16  }
0xf3: {  	v4 =	vshll.u32 v12, $0x10;
	v5 =	vld [tilespmem:s13+$0x440]  }
0xf4: {  	s14 =	sadd.s32 $0x200, s14;
	v10 =	vand.u32 $0xFFFF0000, v12;
	v9 =	vadd.f32 v4, v9;
	v4 =	vld [tilespmem:s13+$0x450]  }
0xf5: {  	v8 =	vadd.f32 v10, v8;
	v10 =	vshll.u32 v3, $0x10;
	v11 =	vld [tilespmem:s13+$0x460]  }
0xf6: {  	v3 =	vand.u32 $0xFFFF0000, v3;
	v9 =	vmax.f32 v9, $0.0e+00;
	v7 =	vadd.f32 v10, v7;
	v10 =	vld [tilespmem:s13+$0x470]  }
0xf7: {  	[tilespmem:s13+$0x400] =	vst v9;
	v8 =	vmax.f32 v8, $0.0e+00;
	v3 =	vadd.f32 v3, v6;
	v6 =	vshll.u32 v2, $0x10  }
0xf8: {  	v2 =	vand.u32 $0xFFFF0000, v2;
	[tilespmem:s13+$0x410] =	vst v8;
	v7 =	vmax.f32 v7, $0.0e+00;
	v5 =	vadd.f32 v6, v5  }
0xf9: {  	[tilespmem:s13+$0x420] =	vst v7;
	v3 =	vmax.f32 v3, $0.0e+00;
	v2 =	vadd.f32 v2, v4;
	v4 =	vshll.u32 v1, $0x10  }
0xfa: {  	v1 =	vand.u32 $0xFFFF0000, v1;
	[tilespmem:s13+$0x430] =	vst v3;
	v3 =	vmax.f32 v5, $0.0e+00;
	v4 =	vadd.f32 v4, v11  }
0xfb: {  	[tilespmem:s13+$0x440] =	vst v3;
	v2 =	vmax.f32 v2, $0.0e+00;
	v1 =	vadd.f32 v1, v10  }
0xfc: {  	[tilespmem:s13+$0x450] =	vst v2;
	v2 =	vmax.f32 v4, $0.0e+00  }
0xfd: {  	[tilespmem:s13+$0x460] =	vst v2;
	v1 =	vmax.f32 v1, $0.0e+00  }
0xfe: {  	[tilespmem:s13+$0x470] =	vst v1  }
0xff: {  	[spmem:s3] =	stream.indirect.scatter.add.f32 [tilespmem:s31], [sflag:$0x9], $0x80, s4, s22, $0xb8;
	[tilespmem:$0x1E000] =	vst v63  }
0x100: {  	_ =	swait.ge [sflag:s15], $0x1400  }
0x101: {  	[sflag:s15] =	ssyncset.done $0x0  }
0x102: {  	s13 =	simm.s32 $0x0;
	[sflag:s15] =	ssyncadd.s32 $0xFFFFEC00  }
0x103: {  	v4 =	vld [tilespmem:s13+$0x6800]  }
0x104: {  	v3 =	vld [tilespmem:s13+$0x6810]  }
0x105: {  	v2 =	vld [tilespmem:s13+$0x6820]  }
0x106: {  	v1 =	vld [tilespmem:s13+$0x6830]  }
0x107: {  	v9 =	vld [tilespmem:s13+$0x1800]  }
0x108: {  	v8 =	vld [tilespmem:s13+$0x1810]  }
0x109: {  	v7 =	vld [tilespmem:s13+$0x1820]  }
0x10a: {  	v6 =	vld [tilespmem:s13+$0x1830]  }
0x10b: {  	v5 =	vld [tilespmem:s13+$0x1840];
	v10 =	vshll.u32 v4, $0x10  }
0x10c: {  	s14 =	simm.s32 $0x200;
	v9 =	vadd.f32 v10, v9;
	v10 =	vand.u32 $0xFFFF0000, v4;
	v4 =	vld [tilespmem:s13+$0x1850]  }
.LBB2_7:
0x10d: {  	p1 =	sne.s32 s14, $0x4E00;
	v8 =	vadd.f32 v10, v8;
	v10 =	vshll.u32 v3, $0x10;
	v11 =	vld [tilespmem:s13+$0x1860]  }
0x10e: {  	s16 =	sshra.s32 s14, $0x2;
	v3 =	vand.u32 $0xFFFF0000, v3;
	v9 =	vmax.f32 v9, $0.0e+00;
	v7 =	vadd.f32 v10, v7;
	v10 =	vld [tilespmem:s13+$0x1870]  }
0x10f: {  	v12 =	vld [tilespmem:s16+$0x6800];
	[tilespmem:s13+$0x1800] =	vst v9;
	v8 =	vmax.f32 v8, $0.0e+00;
	v6 =	vadd.f32 v3, v6;
	v9 =	vshll.u32 v2, $0x10  }
0x110: {  	v3 =	vld [tilespmem:s16+$0x6810];
	[tilespmem:s13+$0x1810] =	vst v8;
	v7 =	vmax.f32 v7, $0.0e+00;
	v5 =	vadd.f32 v9, v5;
	v8 =	vand.u32 $0xFFFF0000, v2  }
0x111: {  	v2 =	vld [tilespmem:s16+$0x6820];
	[tilespmem:s13+$0x1820] =	vst v7;
	v6 =	vmax.f32 v6, $0.0e+00;
	v4 =	vadd.f32 v8, v4;
	v7 =	vshll.u32 v1, $0x10  }
0x112: {  	[tilespmem:s13+$0x1830] =	vst v6;
	v5 =	vmax.f32 v5, $0.0e+00;
	v6 =	vadd.f32 v7, v11;
	v7 =	vand.u32 $0xFFFF0000, v1;
	v1 =	vld [tilespmem:s16+$0x6830]  }
0x113: {  	v9 =	vld [tilespmem:s16+$0x1800];
	[tilespmem:s13+$0x1840] =	vst v5;
	v4 =	vmax.f32 v4, $0.0e+00;
	v5 =	vadd.f32 v7, v10  }
.Ltmp2:
0x114: {  	v8 =	vld [tilespmem:s16+$0x1810];
	[tilespmem:s13+$0x1850] =	vst v4;
	v4 =	vmax.f32 v6, $0.0e+00;
	(pc) =	sbr.rel @p1 .LBB2_7-.Ltmp2, $4  }
0x115: {  	v7 =	vld [tilespmem:s16+$0x1820];
	[tilespmem:s13+$0x1860] =	vst v4;
	v4 =	vmax.f32 v5, $0.0e+00  }
0x116: {  	v6 =	vld [tilespmem:s16+$0x1830];
	[tilespmem:s13+$0x1870] =	vst v4;
	s13 =	smov.u32 s16  }
0x117: {  	v4 =	vshll.u32 v12, $0x10;
	v5 =	vld [tilespmem:s13+$0x1840]  }
0x118: {  	s14 =	sadd.s32 $0x200, s14;
	v10 =	vand.u32 $0xFFFF0000, v12;
	v9 =	vadd.f32 v4, v9;
	v4 =	vld [tilespmem:s13+$0x1850]  }
0x119: {  	v8 =	vadd.f32 v10, v8;
	v10 =	vshll.u32 v3, $0x10;
	v11 =	vld [tilespmem:s13+$0x1860]  }
0x11a: {  	v3 =	vand.u32 $0xFFFF0000, v3;
	v9 =	vmax.f32 v9, $0.0e+00;
	v7 =	vadd.f32 v10, v7;
	v10 =	vld [tilespmem:s13+$0x1870]  }
0x11b: {  	[tilespmem:s13+$0x1800] =	vst v9;
	v8 =	vmax.f32 v8, $0.0e+00;
	v3 =	vadd.f32 v3, v6;
	v6 =	vshll.u32 v2, $0x10  }
0x11c: {  	v2 =	vand.u32 $0xFFFF0000, v2;
	[tilespmem:s13+$0x1810] =	vst v8;
	v7 =	vmax.f32 v7, $0.0e+00;
	v5 =	vadd.f32 v6, v5  }
0x11d: {  	[tilespmem:s13+$0x1820] =	vst v7;
	v3 =	vmax.f32 v3, $0.0e+00;
	v2 =	vadd.f32 v2, v4;
	v4 =	vshll.u32 v1, $0x10  }
0x11e: {  	v1 =	vand.u32 $0xFFFF0000, v1;
	[tilespmem:s13+$0x1830] =	vst v3;
	v3 =	vmax.f32 v5, $0.0e+00;
	v4 =	vadd.f32 v4, v11  }
0x11f: {  	[tilespmem:s13+$0x1840] =	vst v3;
	v2 =	vmax.f32 v2, $0.0e+00;
	v1 =	vadd.f32 v1, v10  }
0x120: {  	[tilespmem:s13+$0x1850] =	vst v2;
	v2 =	vmax.f32 v4, $0.0e+00  }
0x121: {  	[tilespmem:s13+$0x1860] =	vst v2;
	v1 =	vmax.f32 v1, $0.0e+00  }
0x122: {  	[tilespmem:s13+$0x1870] =	vst v1  }
0x123: {  	[spmem:s3] =	stream.indirect.scatter.add.f32 [tilespmem:s26], [sflag:$0xA], $0x80, s11, s22, $0xb8;
	[tilespmem:$0x1E000] =	vst v63  }
0x124: {  	_ =	swait.ge [sflag:s20], $0x1400  }
0x125: {  	[sflag:s20] =	ssyncset.done $0x0  }
0x126: {  	s13 =	simm.s32 $0x0;
	[sflag:s20] =	ssyncadd.s32 $0xFFFFEC00  }
0x127: {  	v4 =	vld [tilespmem:s13+$0x7C00]  }
0x128: {  	v3 =	vld [tilespmem:s13+$0x7C10]  }
0x129: {  	v2 =	vld [tilespmem:s13+$0x7C20]  }
0x12a: {  	v1 =	vld [tilespmem:s13+$0x7C30]  }
0x12b: {  	v9 =	vld [tilespmem:s13+$0x2C00]  }
0x12c: {  	v8 =	vld [tilespmem:s13+$0x2C10]  }
0x12d: {  	v7 =	vld [tilespmem:s13+$0x2C20]  }
0x12e: {  	v6 =	vld [tilespmem:s13+$0x2C30]  }
0x12f: {  	v5 =	vld [tilespmem:s13+$0x2C40];
	v10 =	vshll.u32 v4, $0x10  }
0x130: {  	s14 =	simm.s32 $0x200;
	v9 =	vadd.f32 v10, v9;
	v10 =	vand.u32 $0xFFFF0000, v4;
	v4 =	vld [tilespmem:s13+$0x2C50]  }
.LBB2_9:
0x131: {  	p1 =	sne.s32 s14, $0x4E00;
	v8 =	vadd.f32 v10, v8;
	v10 =	vshll.u32 v3, $0x10;
	v11 =	vld [tilespmem:s13+$0x2C60]  }
0x132: {  	s16 =	sshra.s32 s14, $0x2;
	v3 =	vand.u32 $0xFFFF0000, v3;
	v9 =	vmax.f32 v9, $0.0e+00;
	v7 =	vadd.f32 v10, v7;
	v10 =	vld [tilespmem:s13+$0x2C70]  }
0x133: {  	v12 =	vld [tilespmem:s16+$0x7C00];
	[tilespmem:s13+$0x2C00] =	vst v9;
	v8 =	vmax.f32 v8, $0.0e+00;
	v6 =	vadd.f32 v3, v6;
	v9 =	vshll.u32 v2, $0x10  }
0x134: {  	v3 =	vld [tilespmem:s16+$0x7C10];
	[tilespmem:s13+$0x2C10] =	vst v8;
	v7 =	vmax.f32 v7, $0.0e+00;
	v5 =	vadd.f32 v9, v5;
	v8 =	vand.u32 $0xFFFF0000, v2  }
0x135: {  	v2 =	vld [tilespmem:s16+$0x7C20];
	[tilespmem:s13+$0x2C20] =	vst v7;
	v6 =	vmax.f32 v6, $0.0e+00;
	v4 =	vadd.f32 v8, v4;
	v7 =	vshll.u32 v1, $0x10  }
0x136: {  	[tilespmem:s13+$0x2C30] =	vst v6;
	v5 =	vmax.f32 v5, $0.0e+00;
	v6 =	vadd.f32 v7, v11;
	v7 =	vand.u32 $0xFFFF0000, v1;
	v1 =	vld [tilespmem:s16+$0x7C30]  }
0x137: {  	v9 =	vld [tilespmem:s16+$0x2C00];
	[tilespmem:s13+$0x2C40] =	vst v5;
	v4 =	vmax.f32 v4, $0.0e+00;
	v5 =	vadd.f32 v7, v10  }
.Ltmp3:
0x138: {  	v8 =	vld [tilespmem:s16+$0x2C10];
	[tilespmem:s13+$0x2C50] =	vst v4;
	v4 =	vmax.f32 v6, $0.0e+00;
	(pc) =	sbr.rel @p1 .LBB2_9-.Ltmp3, $4  }
0x139: {  	v7 =	vld [tilespmem:s16+$0x2C20];
	[tilespmem:s13+$0x2C60] =	vst v4;
	v4 =	vmax.f32 v5, $0.0e+00  }
0x13a: {  	v6 =	vld [tilespmem:s16+$0x2C30];
	[tilespmem:s13+$0x2C70] =	vst v4;
	s13 =	smov.u32 s16  }
0x13b: {  	v4 =	vshll.u32 v12, $0x10;
	v5 =	vld [tilespmem:s13+$0x2C40]  }
0x13c: {  	s14 =	sadd.s32 $0x200, s14;
	v10 =	vand.u32 $0xFFFF0000, v12;
	v9 =	vadd.f32 v4, v9;
	v4 =	vld [tilespmem:s13+$0x2C50]  }
0x13d: {  	v8 =	vadd.f32 v10, v8;
	v10 =	vshll.u32 v3, $0x10;
	v11 =	vld [tilespmem:s13+$0x2C60]  }
0x13e: {  	v3 =	vand.u32 $0xFFFF0000, v3;
	v9 =	vmax.f32 v9, $0.0e+00;
	v7 =	vadd.f32 v10, v7;
	v10 =	vld [tilespmem:s13+$0x2C70]  }
0x13f: {  	[tilespmem:s13+$0x2C00] =	vst v9;
	v8 =	vmax.f32 v8, $0.0e+00;
	v3 =	vadd.f32 v3, v6;
	v6 =	vshll.u32 v2, $0x10  }
0x140: {  	v2 =	vand.u32 $0xFFFF0000, v2;
	[tilespmem:s13+$0x2C10] =	vst v8;
	v7 =	vmax.f32 v7, $0.0e+00;
	v5 =	vadd.f32 v6, v5  }
0x141: {  	[tilespmem:s13+$0x2C20] =	vst v7;
	v3 =	vmax.f32 v3, $0.0e+00;
	v2 =	vadd.f32 v2, v4;
	v4 =	vshll.u32 v1, $0x10  }
0x142: {  	v1 =	vand.u32 $0xFFFF0000, v1;
	[tilespmem:s13+$0x2C30] =	vst v3;
	v3 =	vmax.f32 v5, $0.0e+00;
	v4 =	vadd.f32 v4, v11  }
0x143: {  	[tilespmem:s13+$0x2C40] =	vst v3;
	v2 =	vmax.f32 v2, $0.0e+00;
	v1 =	vadd.f32 v1, v10  }
0x144: {  	[tilespmem:s13+$0x2C50] =	vst v2;
	v2 =	vmax.f32 v4, $0.0e+00  }
0x145: {  	[tilespmem:s13+$0x2C60] =	vst v2;
	v1 =	vmax.f32 v1, $0.0e+00  }
0x146: {  	s8 =	simm.s32 $0x2C00;
	[tilespmem:s13+$0x2C70] =	vst v1  }
0x147: {  	[spmem:s3] =	stream.indirect.scatter.add.f32 [tilespmem:s8], [sflag:$0xB], $0x80, s17, s22, $0xb8;
	[tilespmem:$0x1E000] =	vst v63  }
0x148: {  	_ =	swait.ge [sflag:s9], $0x1400  }
0x149: {  	[sflag:s9] =	ssyncset.done $0x0  }
0x14a: {  	s13 =	simm.s32 $0x0;
	[sflag:s9] =	ssyncadd.s32 $0xFFFFEC00  }
0x14b: {  	v4 =	vld [tilespmem:s13+$0x9000]  }
0x14c: {  	v3 =	vld [tilespmem:s13+$0x9010]  }
0x14d: {  	v2 =	vld [tilespmem:s13+$0x9020]  }
0x14e: {  	v1 =	vld [tilespmem:s13+$0x9030]  }
0x14f: {  	v9 =	vld [tilespmem:s13+$0x4000]  }
0x150: {  	v8 =	vld [tilespmem:s13+$0x4010]  }
0x151: {  	v7 =	vld [tilespmem:s13+$0x4020]  }
0x152: {  	v6 =	vld [tilespmem:s13+$0x4030]  }
0x153: {  	v5 =	vld [tilespmem:s13+$0x4040];
	v10 =	vshll.u32 v4, $0x10  }
0x154: {  	s14 =	simm.s32 $0x200;
	v9 =	vadd.f32 v10, v9;
	v10 =	vand.u32 $0xFFFF0000, v4;
	v4 =	vld [tilespmem:s13+$0x4050]  }
.LBB2_11:
0x155: {  	p1 =	sne.s32 s14, $0x4E00;
	v8 =	vadd.f32 v10, v8;
	v10 =	vshll.u32 v3, $0x10;
	v11 =	vld [tilespmem:s13+$0x4060]  }
0x156: {  	s16 =	sshra.s32 s14, $0x2;
	v3 =	vand.u32 $0xFFFF0000, v3;
	v9 =	vmax.f32 v9, $0.0e+00;
	v7 =	vadd.f32 v10, v7;
	v10 =	vld [tilespmem:s13+$0x4070]  }
0x157: {  	v12 =	vld [tilespmem:s16+$0x9000];
	[tilespmem:s13+$0x4000] =	vst v9;
	v8 =	vmax.f32 v8, $0.0e+00;
	v6 =	vadd.f32 v3, v6;
	v9 =	vshll.u32 v2, $0x10  }
0x158: {  	v3 =	vld [tilespmem:s16+$0x9010];
	[tilespmem:s13+$0x4010] =	vst v8;
	v7 =	vmax.f32 v7, $0.0e+00;
	v5 =	vadd.f32 v9, v5;
	v8 =	vand.u32 $0xFFFF0000, v2  }
0x159: {  	v2 =	vld [tilespmem:s16+$0x9020];
	[tilespmem:s13+$0x4020] =	vst v7;
	v6 =	vmax.f32 v6, $0.0e+00;
	v4 =	vadd.f32 v8, v4;
	v7 =	vshll.u32 v1, $0x10  }
0x15a: {  	[tilespmem:s13+$0x4030] =	vst v6;
	v5 =	vmax.f32 v5, $0.0e+00;
	v6 =	vadd.f32 v7, v11;
	v7 =	vand.u32 $0xFFFF0000, v1;
	v1 =	vld [tilespmem:s16+$0x9030]  }
0x15b: {  	v9 =	vld [tilespmem:s16+$0x4000];
	[tilespmem:s13+$0x4040] =	vst v5;
	v4 =	vmax.f32 v4, $0.0e+00;
	v5 =	vadd.f32 v7, v10  }
.Ltmp4:
0x15c: {  	v8 =	vld [tilespmem:s16+$0x4010];
	[tilespmem:s13+$0x4050] =	vst v4;
	v4 =	vmax.f32 v6, $0.0e+00;
	(pc) =	sbr.rel @p1 .LBB2_11-.Ltmp4, $4  }
0x15d: {  	v7 =	vld [tilespmem:s16+$0x4020];
	[tilespmem:s13+$0x4060] =	vst v4;
	v4 =	vmax.f32 v5, $0.0e+00  }
0x15e: {  	v6 =	vld [tilespmem:s16+$0x4030];
	[tilespmem:s13+$0x4070] =	vst v4;
	s13 =	smov.u32 s16  }
0x15f: {  	v4 =	vshll.u32 v12, $0x10;
	v5 =	vld [tilespmem:s13+$0x4040]  }
0x160: {  	s14 =	sadd.s32 $0x200, s14;
	v10 =	vand.u32 $0xFFFF0000, v12;
	v9 =	vadd.f32 v4, v9;
	v4 =	vld [tilespmem:s13+$0x4050]  }
0x161: {  	v8 =	vadd.f32 v10, v8;
	v60 =	vshll.u32 v3, $0x10;
	v11 =	vld [tilespmem:s13+$0x4060]  }
0x162: {  	v3 =	vand.u32 $0xFFFF0000, v3;
	v61 =	vld [tilespmem:s13+$0x4070];
	v9 =	vmax.f32 v9, $0.0e+00;
	v7 =	vadd.f32 v60, v7  }
0x163: {  	v62 =	vshll.u32 v2, $0x10;
	[tilespmem:s13+$0x4000] =	vst v9;
	v8 =	vmax.f32 v8, $0.0e+00;
	v3 =	vadd.f32 v3, v6  }
0x164: {  	v2 =	vand.u32 $0xFFFF0000, v2;
	[tilespmem:s13+$0x4010] =	vst v8;
	v7 =	vmax.f32 v7, $0.0e+00;
	v5 =	vadd.f32 v62, v5  }
0x165: {  	v63 =	vshll.u32 v1, $0x10;
	[tilespmem:s13+$0x4020] =	vst v7;
	v3 =	vmax.f32 v3, $0.0e+00;
	v2 =	vadd.f32 v2, v4  }
0x166: {  	v1 =	vand.u32 $0xFFFF0000, v1;
	[tilespmem:s13+$0x4030] =	vst v3;
	v3 =	vmax.f32 v5, $0.0e+00;
	v4 =	vadd.f32 v63, v11  }
0x167: {  	v1 =	vadd.f32 v1, v61;
	[tilespmem:s13+$0x4040] =	vst v3;
	v2 =	vmax.f32 v2, $0.0e+00  }
0x168: {  	[tilespmem:s13+$0x4050] =	vst v2;
	v2 =	vmax.f32 v4, $0.0e+00  }
0x169: {  	p1 =	seq.s32 s24, $0x3D;
	v1 =	vmax.f32 v1, $0.0e+00;
	[tilespmem:s13+$0x4060] =	vst v2  }
.Ltmp5:
0x16a: {  	s8 =	simm.s32 $0x380;
	s16 =	simm.s32 $0x4000;
	[tilespmem:s13+$0x4070] =	vst v1;
	(pc) =	sbr.rel @p1 .LBB2_14-.Ltmp5, $4  }
0x16b: {  	[spmem:s3] =	stream.indirect.scatter.add.f32 [tilespmem:s16], [sflag:$0xC], $0x80, s8, s22, $0xb8;
	[tilespmem:$0x1E000] =	vst v63  }
0x16c: {  	_ =	swait.ge [sflag:s12], $0x1400  }
0x16d: {  	[sflag:s12] =	ssyncset.done $0x0  }
0x16e: {  	[sflag:s12] =	ssyncadd.s32 $0xFFFFEC00  }
0x16f: {  	s13 =	smul.u32 $0xA0, s24  }
0x170: {  	s14 =	rddreg [dreg:$0x10]  }
0x171: {  	s14 =	sadd.s32 s13, s14  }
0x172: {  	s16 =	sshrl.u32 s14, $0x3  }
0x173: {  	s16 =	sadd.s32 s1, s16  }
0x174: {  	[tilespmem:s5], [sflag:$0x1] =	stream.linear.gather [hbm4b:s16+s5], $0x28, $0x38;
	[tilespmem:$0x1E000] =	vst v63  }
0x175: {  	s14 =	sshll.u32 s14, $0x4;
	s16 =	sadd.s32 $0x9C40, s16  }
0x176: {  	[tilespmem:s4], [sflag:$0x1] =	stream.linear.gather [hbm4b:s16+s5], $0x28, $0x38;
	[tilespmem:$0x1E000] =	vst v63  }
0x177: {  	s17 =	simm.s32 $0x5400;
	s14 =	sadd.s32 s6, s14  }
0x178: {  	[tilespmem:s17], [sflag:$0x1] =	stream.linear.gather [hbm4b:s14+s5], $0x1400, $0x38;
	[tilespmem:$0x1E000] =	vst v63  }
0x179: {  	_ =	swait.ge [sflag:s2], $0x1400  }
0x17a: {  	s16 =	rddreg [dreg:$0x11]  }
0x17b: {  	s14 =	sadd.s32 s13, s16  }
0x17c: {  	[sflag:s2] =	ssyncset.done $0x0;
	s17 =	sshrl.u32 s14, $0x3  }
0x17d: {  	[sflag:s2] =	ssyncadd.s32 $0xFFFFEC00;
	s16 =	sadd.s32 s1, s17  }
0x17e: {  	[tilespmem:s10], [sflag:$0x2] =	stream.linear.gather [hbm4b:s16+s5], $0x28, $0x38;
	[tilespmem:$0x1E000] =	vst v63  }
0x17f: {  	s14 =	sshll.u32 s14, $0x4;
	s16 =	sadd.s32 $0x9C40, s16  }
0x180: {  	[tilespmem:s11], [sflag:$0x2] =	stream.linear.gather [hbm4b:s16+s5], $0x28, $0x38;
	[tilespmem:$0x1E000] =	vst v63  }
0x181: {  	s14 =	sadd.s32 s6, s14;
	s17 =	simm.s32 $0x6800  }
0x182: {  	[tilespmem:s17], [sflag:$0x2] =	stream.linear.gather [hbm4b:s14+s5], $0x1400, $0x38;
	[tilespmem:$0x1E000] =	vst v63  }
0x183: {  	_ =	swait.ge [sflag:s18], $0x1400  }
0x184: {  	s16 =	rddreg [dreg:$0x15]  }
0x185: {  	s14 =	sadd.s32 s13, s16  }
0x186: {  	[sflag:s18] =	ssyncset.done $0x0;
	s17 =	sshrl.u32 s14, $0x3  }
0x187: {  	[sflag:s18] =	ssyncadd.s32 $0xFFFFEC00;
	s16 =	sadd.s32 s1, s17;
	s17 =	simm.s32 $0x100  }
0x188: {  	[tilespmem:s17], [sflag:$0x3] =	stream.linear.gather [hbm4b:s16+s5], $0x28, $0x38;
	[tilespmem:$0x1E000] =	vst v63  }
0x189: {  	s14 =	sshll.u32 s14, $0x4;
	s17 =	simm.s32 $0x300;
	s16 =	sadd.s32 $0x9C40, s16  }
0x18a: {  	[tilespmem:s17], [sflag:$0x3] =	stream.linear.gather [hbm4b:s16+s5], $0x28, $0x38;
	[tilespmem:$0x1E000] =	vst v63  }
0x18b: {  	s29 =	simm.s32 $0x7C00;
	s14 =	sadd.s32 s6, s14  }
0x18c: {  	[tilespmem:s29], [sflag:$0x3] =	stream.linear.gather [hbm4b:s14+s5], $0x1400, $0x38;
	[tilespmem:$0x1E000] =	vst v63  }
0x18d: {  	_ =	swait.ge [sflag:s19], $0x1400  }
0x18e: {  	s14 =	rddreg [dreg:$0x16]  }
0x18f: {  	s13 =	sadd.s32 s13, s14  }
0x190: {  	[sflag:s19] =	ssyncset.done $0x0;
	s14 =	sshrl.u32 s13, $0x3  }
0x191: {  	s29 =	simm.s32 $0x180;
	[sflag:s19] =	ssyncadd.s32 $0xFFFFEC00;
	s14 =	sadd.s32 s1, s14  }
0x192: {  	[tilespmem:s29], [sflag:$0x4] =	stream.linear.gather [hbm4b:s14+s5], $0x28, $0x38;
	[tilespmem:$0x1E000] =	vst v63  }
.Ltmp6:
0x193: {  	_ = 	snop;
	(pc) =	sbr.rel .LBB2_4-.Ltmp6, $4  }
0x194: {  	s24 =	sadd.s32 $0x1, s24;
	s13 =	sshll.u32 s13, $0x4;
	s14 =	sadd.s32 $0x9C40, s14  }
0x195: {  	[tilespmem:s8], [sflag:$0x4] =	stream.linear.gather [hbm4b:s14+s5], $0x28, $0x38;
	[tilespmem:$0x1E000] =	vst v63  }
0x196: {  	s16 =	simm.s32 $0x100;
	s13 =	sadd.s32 s6, s13;
	s14 =	simm.s32 $0x9000  }
0x197: {  	[tilespmem:s14], [sflag:$0x4] =	stream.linear.gather [hbm4b:s13+s5], $0x1400, $0x38;
	[tilespmem:$0x1E000] =	vst v63  }
.LBB2_14:
0x198: {  	_ =	swait.ge [sflag:s2], $0x1400  }
0x199: {  	[sflag:s2] =	ssyncset.done $0x0  }
0x19a: {  	[sflag:s2] =	ssyncadd.s32 $0xFFFFEC00  }
0x19b: {  	_ =	swait.ge [sflag:s18], $0x1400  }
0x19c: {  	[sflag:s18] =	ssyncset.done $0x0  }
0x19d: {  	[sflag:s18] =	ssyncadd.s32 $0xFFFFEC00  }
0x19e: {  	_ =	swait.ge [sflag:s19], $0x1400  }
0x19f: {  	[sflag:s19] =	ssyncset.done $0x0;
	s14 =	rddreg [dreg:$0x13]  }
0x1a0: {  	s13 =	simm.s32 $0x0;
	s23 =	sld [smem:$0x7FD];
	[sflag:s19] =	ssyncadd.s32 $0xFFFFEC00  }
0x1a1: {  	[tilespmem:s13], [sflag:$0x1] =	stream.linear.gather [hbm4b:s14+s13], $0x28, $0x38;
	[tilespmem:$0x1E000] =	vst v63  }
0x1a2: {  	_ = 	snop  }
0x1a3: {  	[tilespmem:s4], [sflag:$0x1] =	stream.linear.gather [hbm4b:s23+s13], $0x28, $0x38;
	[tilespmem:$0x1E000] =	vst v63  }
0x1a4: {  	s16 =	simm.s32 $0x5400;
	s24 =	rddreg [dreg:$0x14]  }
0x1a5: {  	[tilespmem:s16], [sflag:$0x1] =	stream.linear.gather [hbm4b:s24+s13], $0x1400, $0x38;
	[tilespmem:$0x1E000] =	vst v63  }
0x1a6: {  	_ =	swait.ge [sflag:s21], $0x28  }
0x1a7: {  	[sflag:s21] =	ssyncset.done $0x0  }
0x1a8: {  	[sflag:s21] =	ssyncadd.s32 $0xFFFFFFD8  }
0x1a9: {  	_ =	swait.ge [sflag:s21], $0x28  }
0x1aa: {  	[sflag:s21] =	ssyncset.done $0x0  }
0x1ab: {  	[sflag:s21] =	ssyncadd.s32 $0xFFFFFFD8  }
0x1ac: {  	_ =	swait.ge [sflag:s21], $0x1400  }
0x1ad: {  	[sflag:s21] =	ssyncset.done $0x0  }
0x1ae: {  	[sflag:s21] =	ssyncadd.s32 $0xFFFFEC00  }
0x1af: {  	[tilespmem:s31], [sflag:$0x5] =	stream.indirect.gather [hbm4b:s0+s22], $0x80, s13, s22, $0xb8;
	[tilespmem:$0x1E000] =	vst v63  }
0x1b0: {  	_ =	swait.ge [sflag:s7], $0x1400  }
0x1b1: {  	[sflag:s7] =	ssyncset.done $0x0  }
0x1b2: {  	s13 =	simm.s32 $0x0;
	[sflag:s7] =	ssyncadd.s32 $0xFFFFEC00  }
0x1b3: {  	v4 =	vld [tilespmem:s13+$0x5400]  }
0x1b4: {  	v3 =	vld [tilespmem:s13+$0x5410]  }
0x1b5: {  	v2 =	vld [tilespmem:s13+$0x5420]  }
0x1b6: {  	v1 =	vld [tilespmem:s13+$0x5430]  }
0x1b7: {  	v9 =	vld [tilespmem:s13+$0x400]  }
0x1b8: {  	v8 =	vld [tilespmem:s13+$0x410]  }
0x1b9: {  	v7 =	vld [tilespmem:s13+$0x420]  }
0x1ba: {  	v6 =	vld [tilespmem:s13+$0x430]  }
0x1bb: {  	v5 =	vld [tilespmem:s13+$0x440];
	v10 =	vshll.u32 v4, $0x10  }
0x1bc: {  	s14 =	simm.s32 $0x200;
	v9 =	vadd.f32 v10, v9;
	v10 =	vand.u32 $0xFFFF0000, v4;
	v4 =	vld [tilespmem:s13+$0x450]  }
.LBB2_15:
0x1bd: {  	p1 =	sne.s32 s14, $0x4E00;
	v8 =	vadd.f32 v10, v8;
	v10 =	vshll.u32 v3, $0x10;
	v11 =	vld [tilespmem:s13+$0x460]  }
0x1be: {  	s16 =	sshra.s32 s14, $0x2;
	v3 =	vand.u32 $0xFFFF0000, v3;
	v9 =	vmax.f32 v9, $0.0e+00;
	v7 =	vadd.f32 v10, v7;
	v10 =	vld [tilespmem:s13+$0x470]  }
0x1bf: {  	v12 =	vld [tilespmem:s16+$0x5400];
	[tilespmem:s13+$0x400] =	vst v9;
	v8 =	vmax.f32 v8, $0.0e+00;
	v6 =	vadd.f32 v3, v6;
	v9 =	vshll.u32 v2, $0x10  }
0x1c0: {  	v3 =	vld [tilespmem:s16+$0x5410];
	[tilespmem:s13+$0x410] =	vst v8;
	v7 =	vmax.f32 v7, $0.0e+00;
	v5 =	vadd.f32 v9, v5;
	v8 =	vand.u32 $0xFFFF0000, v2  }
0x1c1: {  	v2 =	vld [tilespmem:s16+$0x5420];
	[tilespmem:s13+$0x420] =	vst v7;
	v6 =	vmax.f32 v6, $0.0e+00;
	v4 =	vadd.f32 v8, v4;
	v7 =	vshll.u32 v1, $0x10  }
0x1c2: {  	[tilespmem:s13+$0x430] =	vst v6;
	v5 =	vmax.f32 v5, $0.0e+00;
	v6 =	vadd.f32 v7, v11;
	v7 =	vand.u32 $0xFFFF0000, v1;
	v1 =	vld [tilespmem:s16+$0x5430]  }
0x1c3: {  	v9 =	vld [tilespmem:s16+$0x400];
	[tilespmem:s13+$0x440] =	vst v5;
	v4 =	vmax.f32 v4, $0.0e+00;
	v5 =	vadd.f32 v7, v10  }
.Ltmp7:
0x1c4: {  	v8 =	vld [tilespmem:s16+$0x410];
	[tilespmem:s13+$0x450] =	vst v4;
	v4 =	vmax.f32 v6, $0.0e+00;
	(pc) =	sbr.rel @p1 .LBB2_15-.Ltmp7, $4  }
0x1c5: {  	v7 =	vld [tilespmem:s16+$0x420];
	[tilespmem:s13+$0x460] =	vst v4;
	v4 =	vmax.f32 v5, $0.0e+00  }
0x1c6: {  	v6 =	vld [tilespmem:s16+$0x430];
	[tilespmem:s13+$0x470] =	vst v4;
	s13 =	smov.u32 s16  }
0x1c7: {  	v4 =	vshll.u32 v12, $0x10;
	v5 =	vld [tilespmem:s13+$0x440]  }
0x1c8: {  	s14 =	sadd.s32 $0x200, s14;
	v10 =	vand.u32 $0xFFFF0000, v12;
	v9 =	vadd.f32 v4, v9;
	v4 =	vld [tilespmem:s13+$0x450]  }
0x1c9: {  	v8 =	vadd.f32 v10, v8;
	v10 =	vshll.u32 v3, $0x10;
	v11 =	vld [tilespmem:s13+$0x460]  }
0x1ca: {  	v3 =	vand.u32 $0xFFFF0000, v3;
	v9 =	vmax.f32 v9, $0.0e+00;
	v7 =	vadd.f32 v10, v7;
	v10 =	vld [tilespmem:s13+$0x470]  }
0x1cb: {  	[tilespmem:s13+$0x400] =	vst v9;
	v8 =	vmax.f32 v8, $0.0e+00;
	v3 =	vadd.f32 v3, v6;
	v6 =	vshll.u32 v2, $0x10  }
0x1cc: {  	v2 =	vand.u32 $0xFFFF0000, v2;
	[tilespmem:s13+$0x410] =	vst v8;
	v7 =	vmax.f32 v7, $0.0e+00;
	v5 =	vadd.f32 v6, v5  }
0x1cd: {  	[tilespmem:s13+$0x420] =	vst v7;
	v3 =	vmax.f32 v3, $0.0e+00;
	v2 =	vadd.f32 v2, v4;
	v4 =	vshll.u32 v1, $0x10  }
0x1ce: {  	v1 =	vand.u32 $0xFFFF0000, v1;
	[tilespmem:s13+$0x430] =	vst v3;
	v3 =	vmax.f32 v5, $0.0e+00;
	v4 =	vadd.f32 v4, v11  }
0x1cf: {  	[tilespmem:s13+$0x440] =	vst v3;
	v2 =	vmax.f32 v2, $0.0e+00;
	v1 =	vadd.f32 v1, v10  }
0x1d0: {  	[tilespmem:s13+$0x450] =	vst v2;
	v2 =	vmax.f32 v4, $0.0e+00  }
0x1d1: {  	[tilespmem:s13+$0x460] =	vst v2;
	v1 =	vmax.f32 v1, $0.0e+00  }
0x1d2: {  	s23 =	simm.s32 $0xD;
	[tilespmem:s13+$0x470] =	vst v1  }
0x1d3: {  	[spmem:s3] =	stream.indirect.scatter.add.f32 [tilespmem:s31], [sflag:$0xD], $0x80, s4, s22, $0xb8;
	[tilespmem:$0x1E000] =	vst v63  }
0x1d4: {  	_ =	swait.ge [sflag:s23], $0x1400  }
0x1d5: {  	[sflag:s23] =	ssyncset.done $0x0  }
0x1d6: {  	s8 =	simm.s32 $0x0;
	s14 =	rddreg [dreg:$0x17];
	[sflag:s23] =	ssyncadd.s32 $0xFFFFEC00  }
0x1d7: {  	[tilespmem:s10], [sflag:$0x2] =	stream.linear.gather [hbm4b:s14+s8], $0x28, $0x38;
	[tilespmem:$0x1E000] =	vst v63  }
0x1d8: {  	s16 =	rddreg [dreg:$0x18]  }
0x1d9: {  	[tilespmem:s11], [sflag:$0x2] =	stream.linear.gather [hbm4b:s16+s8], $0x28, $0x38;
	[tilespmem:$0x1E000] =	vst v63  }
0x1da: {  	s24 =	rddreg [dreg:$0x19];
	s16 =	simm.s32 $0x6800  }
0x1db: {  	[tilespmem:s16], [sflag:$0x2] =	stream.linear.gather [hbm4b:s24+s8], $0x1400, $0x38;
	[tilespmem:$0x1E000] =	vst v63  }
0x1dc: {  	_ =	swait.ge [sflag:s25], $0x28  }
0x1dd: {  	[sflag:s25] =	ssyncset.done $0x0  }
0x1de: {  	[sflag:s25] =	ssyncadd.s32 $0xFFFFFFD8  }
0x1df: {  	_ =	swait.ge [sflag:s25], $0x28  }
0x1e0: {  	[sflag:s25] =	ssyncset.done $0x0  }
0x1e1: {  	[sflag:s25] =	ssyncadd.s32 $0xFFFFFFD8  }
0x1e2: {  	_ =	swait.ge [sflag:s25], $0x1400  }
0x1e3: {  	[sflag:s25] =	ssyncset.done $0x0  }
0x1e4: {  	[sflag:s25] =	ssyncadd.s32 $0xFFFFEC00  }
0x1e5: {  	[tilespmem:s26], [sflag:$0x6] =	stream.indirect.gather [hbm4b:s0+s22], $0x80, s10, s22, $0xb8;
	[tilespmem:$0x1E000] =	vst v63  }
0x1e6: {  	_ =	swait.ge [sflag:s15], $0x1400  }
0x1e7: {  	[sflag:s15] =	ssyncset.done $0x0  }
0x1e8: {  	s13 =	simm.s32 $0x0;
	[sflag:s15] =	ssyncadd.s32 $0xFFFFEC00  }
0x1e9: {  	v4 =	vld [tilespmem:s13+$0x6800]  }
0x1ea: {  	v3 =	vld [tilespmem:s13+$0x6810]  }
0x1eb: {  	v2 =	vld [tilespmem:s13+$0x6820]  }
0x1ec: {  	v1 =	vld [tilespmem:s13+$0x6830]  }
0x1ed: {  	v9 =	vld [tilespmem:s13+$0x1800]  }
0x1ee: {  	v8 =	vld [tilespmem:s13+$0x1810]  }
0x1ef: {  	v7 =	vld [tilespmem:s13+$0x1820]  }
0x1f0: {  	v6 =	vld [tilespmem:s13+$0x1830]  }
0x1f1: {  	v5 =	vld [tilespmem:s13+$0x1840];
	v10 =	vshll.u32 v4, $0x10  }
0x1f2: {  	s14 =	simm.s32 $0x200;
	s24 =	simm.s32 $0x380;
	s8 =	sld [smem:$0x7ED];
	v9 =	vadd.f32 v10, v9;
	v10 =	vand.u32 $0xFFFF0000, v4;
	v4 =	vld [tilespmem:s13+$0x1850]  }
.LBB2_17:
0x1f3: {  	p1 =	sne.s32 s14, $0x4E00;
	v8 =	vadd.f32 v10, v8;
	v10 =	vshll.u32 v3, $0x10;
	v11 =	vld [tilespmem:s13+$0x1860]  }
0x1f4: {  	s16 =	sshra.s32 s14, $0x2;
	v3 =	vand.u32 $0xFFFF0000, v3;
	v9 =	vmax.f32 v9, $0.0e+00;
	v7 =	vadd.f32 v10, v7;
	v10 =	vld [tilespmem:s13+$0x1870]  }
0x1f5: {  	v12 =	vld [tilespmem:s16+$0x6800];
	[tilespmem:s13+$0x1800] =	vst v9;
	v8 =	vmax.f32 v8, $0.0e+00;
	v6 =	vadd.f32 v3, v6;
	v9 =	vshll.u32 v2, $0x10  }
0x1f6: {  	v3 =	vld [tilespmem:s16+$0x6810];
	[tilespmem:s13+$0x1810] =	vst v8;
	v7 =	vmax.f32 v7, $0.0e+00;
	v5 =	vadd.f32 v9, v5;
	v8 =	vand.u32 $0xFFFF0000, v2  }
0x1f7: {  	v2 =	vld [tilespmem:s16+$0x6820];
	[tilespmem:s13+$0x1820] =	vst v7;
	v6 =	vmax.f32 v6, $0.0e+00;
	v4 =	vadd.f32 v8, v4;
	v7 =	vshll.u32 v1, $0x10  }
0x1f8: {  	[tilespmem:s13+$0x1830] =	vst v6;
	v5 =	vmax.f32 v5, $0.0e+00;
	v6 =	vadd.f32 v7, v11;
	v7 =	vand.u32 $0xFFFF0000, v1;
	v1 =	vld [tilespmem:s16+$0x6830]  }
0x1f9: {  	v9 =	vld [tilespmem:s16+$0x1800];
	[tilespmem:s13+$0x1840] =	vst v5;
	v4 =	vmax.f32 v4, $0.0e+00;
	v5 =	vadd.f32 v7, v10  }
.Ltmp8:
0x1fa: {  	v8 =	vld [tilespmem:s16+$0x1810];
	[tilespmem:s13+$0x1850] =	vst v4;
	v4 =	vmax.f32 v6, $0.0e+00;
	(pc) =	sbr.rel @p1 .LBB2_17-.Ltmp8, $4  }
0x1fb: {  	v7 =	vld [tilespmem:s16+$0x1820];
	[tilespmem:s13+$0x1860] =	vst v4;
	v4 =	vmax.f32 v5, $0.0e+00  }
0x1fc: {  	v6 =	vld [tilespmem:s16+$0x1830];
	[tilespmem:s13+$0x1870] =	vst v4;
	s13 =	smov.u32 s16  }
0x1fd: {  	v4 =	vshll.u32 v12, $0x10;
	v5 =	vld [tilespmem:s13+$0x1840]  }
0x1fe: {  	s14 =	sadd.s32 $0x200, s14;
	v10 =	vand.u32 $0xFFFF0000, v12;
	v9 =	vadd.f32 v4, v9;
	v4 =	vld [tilespmem:s13+$0x1850]  }
0x1ff: {  	v8 =	vadd.f32 v10, v8;
	v60 =	vshll.u32 v3, $0x10;
	v11 =	vld [tilespmem:s13+$0x1860]  }
0x200: {  	v3 =	vand.u32 $0xFFFF0000, v3;
	v61 =	vld [tilespmem:s13+$0x1870];
	v9 =	vmax.f32 v9, $0.0e+00;
	v7 =	vadd.f32 v60, v7  }
0x201: {  	v62 =	vshll.u32 v2, $0x10;
	[tilespmem:s13+$0x1800] =	vst v9;
	v8 =	vmax.f32 v8, $0.0e+00;
	v3 =	vadd.f32 v3, v6  }
0x202: {  	v2 =	vand.u32 $0xFFFF0000, v2;
	[tilespmem:s13+$0x1810] =	vst v8;
	v7 =	vmax.f32 v7, $0.0e+00;
	v5 =	vadd.f32 v62, v5  }
0x203: {  	v63 =	vshll.u32 v1, $0x10;
	[tilespmem:s13+$0x1820] =	vst v7;
	v3 =	vmax.f32 v3, $0.0e+00;
	v2 =	vadd.f32 v2, v4  }
0x204: {  	v1 =	vand.u32 $0xFFFF0000, v1;
	[tilespmem:s13+$0x1830] =	vst v3;
	v3 =	vmax.f32 v5, $0.0e+00;
	v4 =	vadd.f32 v63, v11  }
0x205: {  	v1 =	vadd.f32 v1, v61;
	[tilespmem:s13+$0x1840] =	vst v3;
	v2 =	vmax.f32 v2, $0.0e+00  }
0x206: {  	[tilespmem:s13+$0x1850] =	vst v2;
	v2 =	vmax.f32 v4, $0.0e+00  }
0x207: {  	v1 =	vmax.f32 v1, $0.0e+00;
	[tilespmem:s13+$0x1860] =	vst v2  }
0x208: {  	[tilespmem:s13+$0x1870] =	vst v1  }
0x209: {  	[spmem:s3] =	stream.indirect.scatter.add.f32 [tilespmem:s26], [sflag:$0xD], $0x80, s11, s22, $0xb8;
	[tilespmem:$0x1E000] =	vst v63  }
0x20a: {  	_ =	swait.ge [sflag:s23], $0x1400  }
0x20b: {  	[sflag:s23] =	ssyncset.done $0x0  }
0x20c: {  	[sflag:s23] =	ssyncadd.s32 $0xFFFFEC00  }
0x20d: {  	s14 =	stileid.u32;
	[bflag:$0x0] =	sbarrier.arrive $0xFFFF  }
0x20e: {  	s13 =	sshll.u32 s14, $0x6;
	s14 =	rddreg [dreg:$0x12]  }
0x20f: {  	s13 =	sor.u32 $0x1C0D, s13;
	s16 =	rddreg [dreg:$0x1c]  }
0x210: {  	[hbm:s14], [sflag:s13] =	dma.local [spmem:s16], $0x2700  }
0x211: {  	_ =	swait.ge [sflag:s23], $0x2700  }
0x212: {  	[sflag:s23] =	ssyncset.done $0x0;
	s14 =	rddreg [dreg:$0x1a]  }
0x213: {  	s16 =	rddreg [dreg:$0x1d];
	[sflag:s23] =	ssyncadd.s32 $0xFFFFD900  }
0x214: {  	[hbm:s14], [sflag:s13] =	dma.local @!p0 [spmem:s16], $0x100  }
0x215: {  	s13 =	simm.s32 @!p0 $0xD  }
0x216: {  	_ =	swait.ge @!p0 [sflag:s13], $0x100  }
0x217: {  	s8 =	sadd.s32 $0x1, s8;
	s16 =	rddreg [dreg:$0x1b]  }
0x218: {  	p1 =	sne.s32 s8, s16  }
.Ltmp9:
0x219: {  	_ = 	snop;
	(pc) =	sbr.rel @p1 .LBB2_1-.Ltmp9, $3  }
0x21a: {  	_ =	sdelay $0x1  }
0x21b: {  	[sflag:s13] =	ssyncset.done @!p0 $0x0  }
0x21c: {  	[sflag:s13] =	ssyncadd.s32 @!p0 $0xFFFFFF00;
	s16 =	simm.s32 $0x100  }
0x21d: {  	_ =	sfence.sel $0x180000  }
0x21e: {  	[bflag:$0x0] =	sbarrier.arrive $0xFFFF  }
0x21f: {  	_ =	strace $0x90000047  }
0x220: {  	[bflag:$0x2] =	sbarrier.arrive $0xFFFF  }
0x221: {  	s0 =	rddreg [dreg:$0x4]  }
0x222: {  	s0 =	sadd.s32 @!p0 $0x100000, s0  }
0x223: {  	[sflag:s0] =	ssyncadd.tile.s32 @!p0 $0x1;
	_ =	shalt  }
.Lfunc_end2:
_tile_overlayer_lowered:
.L_overlay_start_2:
0x224: {  	(tag) =	ssettag $0x2  }
0x225: {  	s0 =	rddreg [dreg:$0x0];
	s2 =	stileid.u32  }
0x226: {  	s1 =	rddreg [dreg:$0x1];
	p0 =	sne.s32 s2, $0x0  }
0x227: {  	s3 =	rddreg [dreg:$0x2];
	[bflag:$0x3] =	sbarrier.arrive $0xFFFF;
	s2 =	simm.s32 @!p0 $0x1C0D  }
0x228: {  	[timem:s3], [sflag:s2] =	dma.local @!p0 [hbm:s0], s1  }
0x229: {  	s0 =	simm.s32 @!p0 $0xD  }
0x22a: {  	_ =	swait.ge @!p0 [sflag:s0], s1  }
0x22b: {  	s1 =	ssub.s32 @!p0 $0x0, s1;
	[sflag:s0] =	ssyncset.done @!p0 $0x0  }
0x22c: {  	[sflag:s0] =	ssyncadd.s32 @!p0 s1  }
0x22d: {  	[bflag:$0x3] =	sbarrier.arrive $0xFFFF  }
0x22e: {  	_ =	shalt  }

</sc_bundles>
